<compile_context>
chip_gen: v7x
topology: tpu7x:2x2x1
jax: 0.10.2.dev20260603
libtpu: 0.0.44.dev20260713+nightly
codegen_flags: <defaults>
</compile_context>

<pallas_src>
import functools

import jax
import jax.numpy as jnp
from jax import lax
from jax.experimental import pallas as pl
from jax.experimental.pallas import tpu as pltpu
from jax.experimental.pallas import tpu_sc as plsc

N = 10000
N_PAD = 10240
K = 500
NEG_INF = -3.0e38



def _sc_deg(e_pad, n_pad):
    nw = 32
    per_tile = e_pad // nw
    n_chunks = per_tile // 128
    rows_sub = n_pad // 16
    mesh = plsc.VectorSubcoreMesh(core_axis_name="c", subcore_axis_name="s")

    @functools.partial(
        pl.kernel,
        mesh=mesh,
        out_type=jax.ShapeDtypeStruct((2, n_pad, 128), jnp.float32),
        scratch_types=[
            pltpu.VMEM((128,), jnp.int32),
            pltpu.VMEM((128, 128), jnp.float32),
            pltpu.VMEM_SHARED((n_pad, 128), jnp.float32),
        ],
    )
    def k(dst_hbm, zeros_hbm, ones_hbm, out_hbm, dst_v, ones_v, acc_sh):
        cid = lax.axis_index("c")
        sid = lax.axis_index("s")
        wid = cid * 16 + sid
        r0 = sid * rows_sub
        pltpu.sync_copy(zeros_hbm.at[pl.ds(r0, rows_sub)],
                        acc_sh.at[pl.ds(r0, rows_sub)])
        pltpu.sync_copy(ones_hbm, ones_v)
        plsc.subcore_barrier()

        def body(i, c):
            off = wid * per_tile + i * 128
            pltpu.sync_copy(dst_hbm.at[pl.ds(off, 128)], dst_v)
            pltpu.sync_copy(ones_v, acc_sh.at[dst_v], add=True)
            return c

        lax.fori_loop(0, n_chunks, body, 0)
        plsc.subcore_barrier()

        @pl.when(cid == 0)
        def _():
            pltpu.sync_copy(acc_sh.at[pl.ds(r0, rows_sub)],
                            out_hbm.at[0, pl.ds(r0, rows_sub)])

        @pl.when(cid == 1)
        def _():
            pltpu.sync_copy(acc_sh.at[pl.ds(r0, rows_sub)],
                            out_hbm.at[1, pl.ds(r0, rows_sub)])

    return k


def _sc_msg(e_pad, n_pad, ch):
    nw = 32
    per_tile = e_pad // nw
    n_chunks = per_tile // 128
    rows_sub = n_pad // 16
    mesh = plsc.VectorSubcoreMesh(core_axis_name="c", subcore_axis_name="s")

    @functools.partial(
        pl.kernel,
        mesh=mesh,
        out_type=jax.ShapeDtypeStruct((2, n_pad, ch), jnp.float32),
        scratch_types=[
            pltpu.VMEM((128,), jnp.int32),
            pltpu.VMEM((128,), jnp.int32),
            pltpu.VMEM((128, ch), jnp.float32),
            pltpu.VMEM_SHARED((n_pad, ch), jnp.float32),
            pltpu.SemaphoreType.DMA,
        ],
    )
    def k(src_hbm, dst_hbm, h_hbm, zeros_hbm, out_hbm,
          src_v, dst_v, rows_v, acc_sh, sem):
        cid = lax.axis_index("c")
        sid = lax.axis_index("s")
        wid = cid * 16 + sid
        r0 = sid * rows_sub

        pltpu.sync_copy(zeros_hbm.at[pl.ds(r0, rows_sub)],
                        acc_sh.at[pl.ds(r0, rows_sub)])
        plsc.subcore_barrier()

        def body(i, c):
            off = wid * per_tile + i * 128
            pltpu.sync_copy(src_hbm.at[pl.ds(off, 128)], src_v)
            pltpu.sync_copy(dst_hbm.at[pl.ds(off, 128)], dst_v)
            pltpu.async_copy(h_hbm.at[src_v], rows_v, sem).wait()
            pltpu.sync_copy(rows_v, acc_sh.at[dst_v], add=True)
            return c

        lax.fori_loop(0, n_chunks, body, 0)
        plsc.subcore_barrier()

        @pl.when(cid == 0)
        def _():
            pltpu.sync_copy(acc_sh.at[pl.ds(r0, rows_sub)],
                            out_hbm.at[0, pl.ds(r0, rows_sub)])

        @pl.when(cid == 1)
        def _():
            pltpu.sync_copy(acc_sh.at[pl.ds(r0, rows_sub)],
                            out_hbm.at[1, pl.ds(r0, rows_sub)])

    return k



def _dinv_prep(d0, d1):
    n = d0.shape[0]

    def body(a_ref, b_ref, o_ref):
        o_ref[...] = jnp.broadcast_to(
            lax.rsqrt(a_ref[:, 0:1] + b_ref[:, 0:1] + 1.0), o_ref.shape)

    return pl.pallas_call(
        body,
        grid=(n // 1024,),
        in_specs=[pl.BlockSpec((1024, 128), lambda i: (i, 0)),
                  pl.BlockSpec((1024, 128), lambda i: (i, 0))],
        out_specs=pl.BlockSpec((1024, 16), lambda i: (i, 0)),
        out_shape=jax.ShapeDtypeStruct((n, 16), jnp.float32),
    )(d0, d1)


def _mm_first(x, w, dinv2d):
    n, din = x.shape
    dout = w.shape[1]

    def body(x_ref, w_ref, dv_ref, o_ref):
        d = dv_ref[:, 0:1]
        o_ref[...] = d * jnp.dot(x_ref[...], w_ref[...],
                                 preferred_element_type=jnp.float32)

    return pl.pallas_call(
        body,
        grid=(n // 1024,),
        in_specs=[pl.BlockSpec((1024, din), lambda i: (i, 0)),
                  pl.BlockSpec((din, dout), lambda i: (0, 0)),
                  pl.BlockSpec((1024, 16), lambda i: (i, 0))],
        out_specs=pl.BlockSpec((1024, dout), lambda i: (i, 0)),
        out_shape=jax.ShapeDtypeStruct((n, dout), jnp.float32),
    )(x, w, dinv2d)


def _mm_mid(p0, p1, b2d, w, dinv2d):
    n, din = p0.shape
    dout = w.shape[1]

    def body(p0_ref, p1_ref, b_ref, w_ref, dv_ref, o_ref):
        d = dv_ref[:, 0:1]
        u = jnp.maximum(d * (p0_ref[...] + p1_ref[...]) + b_ref[...], 0.0)
        o_ref[...] = d * jnp.dot(u, w_ref[...],
                                 preferred_element_type=jnp.float32)

    return pl.pallas_call(
        body,
        grid=(n // 1024,),
        in_specs=[pl.BlockSpec((1024, din), lambda i: (i, 0)),
                  pl.BlockSpec((1024, din), lambda i: (i, 0)),
                  pl.BlockSpec((1, din), lambda i: (0, 0)),
                  pl.BlockSpec((din, dout), lambda i: (0, 0)),
                  pl.BlockSpec((1024, 16), lambda i: (i, 0))],
        out_specs=pl.BlockSpec((1024, dout), lambda i: (i, 0)),
        out_shape=jax.ShapeDtypeStruct((n, dout), jnp.float32),
    )(p0, p1, b2d, w, dinv2d)


def _sortpool(r0, r1, dinv2d, b2d, real_ch=64):
    n, ch = r0.shape
    nchunk = n // 128

    def body(r0_ref, r1_ref, dv_ref, b_ref, o_ref, z_scr, keys_scr, ranks_scr):
        ident = (lax.broadcasted_iota(jnp.int32, (128, 128), 0)
                 == lax.broadcasted_iota(jnp.int32, (128, 128), 1)
                 ).astype(jnp.float32)
        e_last = (lax.broadcasted_iota(jnp.int32, (1, ch), 1)
                  == (real_ch - 1)).astype(jnp.float32)
        b = b_ref[...]

        def phase_a(it, c):
            sl = pl.ds(it * 128, 128)
            d = dv_ref[sl, 0:1]
            zt = d * (r0_ref[sl, :] + r1_ref[sl, :]) + b
            z_scr[sl, :] = zt
            kr = lax.dot_general(e_last, zt, (((1,), (1,)), ((), ())),
                                 preferred_element_type=jnp.float32, precision=lax.Precision.HIGHEST)
            glob = it * 128 + lax.broadcasted_iota(jnp.int32, (1, 128), 1)
            kr = jnp.where(glob < N, kr, NEG_INF)
            keys_scr[0:1, pl.ds(it * 128, 128)] = kr
            return c

        lax.fori_loop(0, nchunk, phase_a, 0)

        def phase_b(ic, c):
            krow_i = keys_scr[0:1, pl.ds(ic * 128, 128)]
            ki = lax.dot_general(ident, krow_i, (((1,), (1,)), ((), ())),
                                 preferred_element_type=jnp.float32, precision=lax.Precision.HIGHEST)
            iglob = (ic * 128
                     + lax.broadcasted_iota(jnp.int32, (128, 1), 0))

            def inner(jt, cnt):
                kj = keys_scr[0:1, pl.ds(jt * 128, 128)]
                jglob = (jt * 128
                         + lax.broadcasted_iota(jnp.int32, (1, 128), 1))
                gt = kj > ki
                eq = (kj == ki) & (jglob < iglob)
                contrib = jnp.where(gt | eq, 1.0, 0.0)
                return cnt + jnp.sum(contrib, axis=1, keepdims=True)

            cnt = lax.fori_loop(0, nchunk, inner,
                                jnp.zeros((128, 1), jnp.float32))
            rrow = lax.dot_general(cnt, ident, (((0,), (0,)), ((), ())),
                                   preferred_element_type=jnp.float32, precision=lax.Precision.HIGHEST)
            ranks_scr[0:1, pl.ds(ic * 128, 128)] = rrow
            return c

        lax.fori_loop(0, nchunk, phase_b, 0)

        o_ref[...] = jnp.zeros((512, real_ch), jnp.float32)

        def phase_c(jt, c):
            rr = ranks_scr[0:1, pl.ds(jt * 128, 128)]
            zc = z_scr[pl.ds(jt * 128, 128), 0:real_ch]
            for rt in range(4):
                pcol = (rt * 128
                        + lax.broadcasted_iota(jnp.int32, (128, 1), 0)
                        ).astype(jnp.float32)
                sel = jnp.where(rr == pcol, 1.0, 0.0)
                o_ref[rt * 128:(rt + 1) * 128, :] += jnp.dot(
                    sel, zc, preferred_element_type=jnp.float32, precision=lax.Precision.HIGHEST)
            return c

        lax.fori_loop(0, nchunk, phase_c, 0)

    return pl.pallas_call(
        body,
        out_shape=jax.ShapeDtypeStruct((512, real_ch), jnp.float32),
        scratch_shapes=[
            pltpu.VMEM((n, ch), jnp.float32),
            pltpu.VMEM((1, n), jnp.float32),
            pltpu.VMEM((1, n), jnp.float32),
        ],
    )(r0, r1, dinv2d, b2d)


def _mlp(v3d, w0, b0, w1, b1, w2p, b2p):
    nblk, _, kblk = v3d.shape

    def body(v_ref, w0_ref, b0_ref, w1_ref, b1_ref, w2_ref, b2_ref,
             o_ref, acc):
        i = pl.program_id(0)

        @pl.when(i == 0)
        def _():
            acc[...] = jnp.zeros_like(acc)

        v = v_ref[...].reshape(1, kblk)
        acc[...] += jnp.dot(v, w0_ref[...], preferred_element_type=jnp.float32)

        @pl.when(i == nblk - 1)
        def _():
            h0 = jnp.maximum(acc[...] + b0_ref[...], 0.0)
            h1 = jnp.maximum(
                jnp.dot(h0, w1_ref[...], preferred_element_type=jnp.float32)
                + b1_ref[...], 0.0)
            o_ref[...] = jnp.dot(
                h1, w2_ref[...], preferred_element_type=jnp.float32
            ) + b2_ref[...]

    return pl.pallas_call(
        body,
        grid=(nblk,),
        in_specs=[pl.BlockSpec((1, 1, kblk), lambda i: (i, 0, 0)),
                  pl.BlockSpec((kblk, 256), lambda i: (i, 0)),
                  pl.BlockSpec((1, 256), lambda i: (0, 0)),
                  pl.BlockSpec((256, 128), lambda i: (0, 0)),
                  pl.BlockSpec((1, 128), lambda i: (0, 0)),
                  pl.BlockSpec((128, 128), lambda i: (0, 0)),
                  pl.BlockSpec((1, 128), lambda i: (0, 0))],
        out_specs=pl.BlockSpec((1, 128), lambda i: (0, 0)),
        out_shape=jax.ShapeDtypeStruct((1, 128), jnp.float32),
        scratch_shapes=[pltpu.VMEM((1, 256), jnp.float32)],
    )(v3d, w0, b0, w1, b1, w2p, b2p)



def _run_gnn(x, ei, w0, b0, w1, b1, w2, b2):
    e = ei.shape[1]
    e_pad_d = ((e + 4095) // 4096) * 4096
    pad_d = e_pad_d - e
    dst_d = jnp.concatenate([ei[1], jnp.full((pad_d,), N, jnp.int32)])
    loops = jnp.arange(N, dtype=jnp.int32)
    src_all = jnp.concatenate([ei[0], loops])
    dst_all = jnp.concatenate([ei[1], loops])
    order = jnp.argsort(dst_all, stable=True)
    em = e + N
    e_pad = ((em + 4095) // 4096) * 4096
    pad = e_pad - em
    src = jnp.concatenate([src_all[order], jnp.full((pad,), N, jnp.int32)])
    dst = jnp.concatenate([dst_all[order], jnp.full((pad,), N, jnp.int32)])
    x_p = jnp.pad(x, ((0, N_PAD - N), (0, 0)))

    zeros128 = jnp.zeros((N_PAD, 128), jnp.float32)
    ones128 = jnp.ones((128, 128), jnp.float32)

    degp = _sc_deg(e_pad_d, N_PAD)(dst_d, zeros128, ones128)
    dinv2d = _dinv_prep(degp[0], degp[1])

    h0 = _mm_first(x_p, w0, dinv2d)
    p = _sc_msg(e_pad, N_PAD, 128)(src, dst, h0, zeros128)
    h1 = _mm_mid(p[0], p[1], b0.reshape(1, -1), w1, dinv2d)
    q = _sc_msg(e_pad, N_PAD, 128)(src, dst, h1, zeros128)
    w2p = jnp.pad(w2, ((0, 0), (0, 128 - w2.shape[1])))
    h2 = _mm_mid(q[0], q[1], b1.reshape(1, -1), w2p, dinv2d)
    r = _sc_msg(e_pad, N_PAD, 128)(src, dst, h2, zeros128)
    b2p = jnp.pad(b2, (0, 128 - b2.shape[0])).reshape(1, -1)
    pooled = _sortpool(r[0], r[1], dinv2d, b2p, real_ch=b2.shape[0])
    return pooled[:K].reshape(-1)


def kernel(topo_x, topo_edge_index, topo_batch, lc_x, lc_edge_index, lc_batch,
           topo_W0, topo_b0, topo_W1, topo_b1, topo_W2, topo_b2,
           lc_W0, lc_b0, lc_W1, lc_b1, lc_W2, lc_b2,
           ml_W0, ml_b0, ml_W1, ml_b1, ml_W2, ml_b2):
    t = _run_gnn(topo_x, topo_edge_index,
                 topo_W0, topo_b0, topo_W1, topo_b1, topo_W2, topo_b2)
    l = _run_gnn(lc_x, lc_edge_index,
                 lc_W0, lc_b0, lc_W1, lc_b1, lc_W2, lc_b2)
    v = jnp.concatenate([t, l]).reshape(32, 1, 2000)
    w2p = jnp.pad(ml_W2, ((0, 0), (0, 127)))
    b2p = jnp.pad(ml_b2, (0, 127)).reshape(1, 128)
    out = _mlp(v, ml_W0, ml_b0.reshape(1, 256), ml_W1,
               ml_b1.reshape(1, 128), w2p, b2p)
    return out[0, :1]

# --- scband reference (transcript-rebuilt; emitter-appended) ---
"""Pipeline reference for scband-swap-pred-mix-25494925869556 (READ-ONLY COPY).

The authoritative reference and input builder live on the scoring server;
editing this copy changes nothing except your own understanding.
"""

import jax, jax.numpy as jnp
import numpy as np

N_TOPO = 10000; E_TOPO = 320000
N_LC = 10000; E_LC = 160000
D = 128; H1 = 128; H2 = 128; OUT = 64; K = 500
M0 = 2 * K * OUT; M1 = 256; M2 = 128; M3 = 1


def setup_inputs(seed: int = 0) -> dict:
    key = jax.random.key(seed)
    ks = jax.random.split(key, 24)
    def p(i, shape):
        return jax.random.normal(ks[i], shape, jnp.float32) * 0.05
    inp = {
        "topo_x": jax.random.normal(ks[0], (N_TOPO, D), jnp.float32),
        "topo_edge_index": jax.random.randint(ks[1], (2, E_TOPO), 0, N_TOPO, dtype=jnp.int32),
        "topo_batch": jnp.zeros((N_TOPO,), jnp.int32),
        "lc_x": jax.random.normal(ks[2], (N_LC, D), jnp.float32),
        "lc_edge_index": jax.random.randint(ks[3], (2, E_LC), 0, N_LC, dtype=jnp.int32),
        "lc_batch": jnp.zeros((N_LC,), jnp.int32),
        "topo_W0": p(4, (D, H1)), "topo_b0": p(5, (H1,)),
        "topo_W1": p(6, (H1, H2)), "topo_b1": p(7, (H2,)),
        "topo_W2": p(8, (H2, OUT)), "topo_b2": p(9, (OUT,)),
        "lc_W0": p(10, (D, H1)), "lc_b0": p(11, (H1,)),
        "lc_W1": p(12, (H1, H2)), "lc_b1": p(13, (H2,)),
        "lc_W2": p(14, (H2, OUT)), "lc_b2": p(15, (OUT,)),
        "ml_W0": p(16, (M0, M1)), "ml_b0": p(17, (M1,)),
        "ml_W1": p(18, (M1, M2)), "ml_b1": p(19, (M2,)),
        "ml_W2": p(20, (M2, M3)), "ml_b2": p(21, (M3,)),
    }
    return inp


def _gcn(x, ei, W, b):
    # PyG GCNConv: add self-loops, symmetric deg^{-1/2} normalization, linear first, then scatter-add aggregation + bias
    n = x.shape[0]
    loops = jnp.arange(n, dtype=ei.dtype)
    src = jnp.concatenate([ei[0], loops])
    dst = jnp.concatenate([ei[1], loops])
    deg = jnp.zeros((n,), x.dtype).at[dst].add(1.0)
    dinv = jnp.where(deg > 0, jax.lax.rsqrt(deg), 0.0)
    norm = dinv[src] * dinv[dst]
    h = x @ W
    out = jnp.zeros((n, W.shape[1]), x.dtype).at[dst].add(h[src] * norm[:, None])
    return out + b


def _sort_pool(x, k):
    # global_sort_pool, single graph (batch all zeros): sort nodes by last channel descending, take top-k, flatten
    order = jnp.argsort(-x[:, -1])
    return x[order[:k]].reshape(-1)


def _gnn(x, ei, params, k):
    W0, b0, W1, b1, W2, b2 = params
    x = jax.nn.relu(_gcn(x, ei, W0, b0))
    x = jax.nn.relu(_gcn(x, ei, W1, b1))
    x = _gcn(x, ei, W2, b2)
    return _sort_pool(x, k)


def reference(topo_x, topo_edge_index, topo_batch, lc_x, lc_edge_index, lc_batch,
              topo_W0, topo_b0, topo_W1, topo_b1, topo_W2, topo_b2,
              lc_W0, lc_b0, lc_W1, lc_b1, lc_W2, lc_b2,
              ml_W0, ml_b0, ml_W1, ml_b1, ml_W2, ml_b2):
    t = _gnn(topo_x, topo_edge_index, (topo_W0, topo_b0, topo_W1, topo_b1, topo_W2, topo_b2), K)
    l = _gnn(lc_x, lc_edge_index, (lc_W0, lc_b0, lc_W1, lc_b1, lc_W2, lc_b2), K)
    v = jnp.concatenate([t, l])
    v = jax.nn.relu(v @ ml_W0 + ml_b0)
    v = jax.nn.relu(v @ ml_W1 + ml_b1)
    return v @ ml_W2 + ml_b2

if __name__ == "__main__":
    import jax
    _d = setup_inputs()
    print(jax.jit(kernel)(*tuple(_d.values())))

</pallas_src>

<mosaic_0001>
#map = affine_map<(d0, d1) -> (0)>
#map1 = affine_map<(d0, d1) -> (0, 0)>
#map2 = affine_map<(d0, d1) -> (0, 0, 0)>
module attributes {stable_mosaic.version = 14 : i64} {
  func.func @k(%arg0: i32, %arg1: i32, %arg2: memref<323584xi32, #tpu.memory_space<hbm>>, %arg3: memref<10240x128xf32, #tpu.memory_space<hbm>>, %arg4: memref<128x128xf32, #tpu.memory_space<hbm>>, %arg5: memref<2x10240x128xf32, #tpu.memory_space<hbm>>, %arg6: memref<128xi32, #tpu.memory_space<vmem>>, %arg7: memref<128x128xf32, #tpu.memory_space<vmem>>, %arg8: memref<10240x128xf32, #tpu.memory_space<vmem_shared>>) attributes {dimension_semantics = [#tpu.dimension_semantics<core_parallel>, #tpu.dimension_semantics<subcore_parallel>], iteration_bounds = array<i64: 2, 16>, scalar_prefetch = 0 : i64, scratch_operands = 3 : i64, tpu.core_type = #tpu.core_type<sc_vector_subcore>, window_params = [{transform_indices = #map}, {transform_indices = #map1}, {transform_indices = #map1}, {transform_indices = #map2}]} {
    %mul3A = arith.constant 16 : i32
    %mul3A_0 = arith.muli %arg0, %mul3A : i32
    %add3A = arith.addi %mul3A_0, %arg1 : i32
    %mul3A_1 = arith.constant 640 : i32
    %mul3A_2 = arith.muli %arg1, %mul3A_1 : i32
    "tpu.region"() ({
      %run_scoped3A = tpu.sem_alloc : memref<!tpu.dma_semaphore, #tpu.memory_space<semaphore_mem>>
      %dma_start3A = arith.constant 0 : i32
      %dma_start3A_16 = tpu.memref_slice %arg8[%mul3A_2, %dma_start3A] : memref<10240x128xf32, #tpu.memory_space<vmem_shared>> -> memref<640x128xf32, #tpu.memory_space<vmem_shared>>
      %dma_start3A_17 = arith.constant 0 : i32
      %dma_start3A_18 = tpu.memref_slice %arg3[%mul3A_2, %dma_start3A_17] : memref<10240x128xf32, #tpu.memory_space<hbm>> -> memref<640x128xf32, #tpu.memory_space<hbm>>
      tpu.enqueue_dma source(%dma_start3A_18 : memref<640x128xf32, #tpu.memory_space<hbm>>) target(%dma_start3A_16 : memref<640x128xf32, #tpu.memory_space<vmem_shared>>) target_semaphore(%run_scoped3A : memref<!tpu.dma_semaphore, #tpu.memory_space<semaphore_mem>>)
      %dma_wait3A = arith.constant 0 : i32
      %dma_wait3A_19 = tpu.memref_slice %arg8[%mul3A_2, %dma_wait3A] : memref<10240x128xf32, #tpu.memory_space<vmem_shared>> -> memref<640x128xf32, #tpu.memory_space<vmem_shared>>
      %dma_wait3A_20 = arith.constant 0 : i32
      %dma_wait3A_21 = tpu.memref_slice %arg3[%mul3A_2, %dma_wait3A_20] : memref<10240x128xf32, #tpu.memory_space<hbm>> -> memref<640x128xf32, #tpu.memory_space<hbm>>
      tpu.wait_dma2 semaphore(%run_scoped3A : memref<!tpu.dma_semaphore, #tpu.memory_space<semaphore_mem>>) src(%dma_wait3A_21 : memref<640x128xf32, #tpu.memory_space<hbm>>) dst(%dma_wait3A_19 : memref<640x128xf32, #tpu.memory_space<vmem_shared>>)
      tpu.yield
    }) : () -> ()
    "tpu.region"() ({
      %run_scoped3A = tpu.sem_alloc : memref<!tpu.dma_semaphore, #tpu.memory_space<semaphore_mem>>
      tpu.enqueue_dma source(%arg4 : memref<128x128xf32, #tpu.memory_space<hbm>>) target(%arg7 : memref<128x128xf32, #tpu.memory_space<vmem>>) target_semaphore(%run_scoped3A : memref<!tpu.dma_semaphore, #tpu.memory_space<semaphore_mem>>)
      tpu.wait_dma2 semaphore(%run_scoped3A : memref<!tpu.dma_semaphore, #tpu.memory_space<semaphore_mem>>) src(%arg4 : memref<128x128xf32, #tpu.memory_space<hbm>>) dst(%arg7 : memref<128x128xf32, #tpu.memory_space<vmem>>)
      tpu.yield
    }) : () -> ()
    %barrier3A = arith.constant 0 : index
    tpu.barrier barrier_id(%barrier3A)
    %scan3A = arith.constant 0 : i32
    %scan3A_3 = arith.constant 0 : i32
    %scan3A_4 = arith.constant 79 : i32
    %scan3A_5 = arith.addi %scan3A_3, %scan3A_4 : i32
    %scan3A_6 = arith.constant 1 : i32
    scf.for %scan3A_16 = %scan3A_3 to %scan3A_5 step %scan3A_6  : i32 {
      %mul3A_17 = arith.constant 10112 : i32
      %mul3A_18 = arith.muli %add3A, %mul3A_17 : i32
      %mul3A_19 = arith.constant 128 : i32
      %mul3A_20 = arith.muli %scan3A_16, %mul3A_19 : i32
      %add3A_21 = arith.addi %mul3A_18, %mul3A_20 : i32
      "tpu.region"() ({
        %run_scoped3A = tpu.sem_alloc : memref<!tpu.dma_semaphore, #tpu.memory_space<semaphore_mem>>
        %dma_start3A = tpu.memref_slice %arg2[%add3A_21] : memref<323584xi32, #tpu.memory_space<hbm>> -> memref<128xi32, #tpu.memory_space<hbm>>
        %dma_start3A_22 = tpu.memref_slice %arg2[%add3A_21] : memref<323584xi32, #tpu.memory_space<hbm>> -> memref<128xi32, #tpu.memory_space<hbm>>
        tpu.enqueue_dma source(%dma_start3A_22 : memref<128xi32, #tpu.memory_space<hbm>>) target(%arg6 : memref<128xi32, #tpu.memory_space<vmem>>) target_semaphore(%run_scoped3A : memref<!tpu.dma_semaphore, #tpu.memory_space<semaphore_mem>>)
        %dma_wait3A = tpu.memref_slice %arg2[%add3A_21] : memref<323584xi32, #tpu.memory_space<hbm>> -> memref<128xi32, #tpu.memory_space<hbm>>
        %dma_wait3A_23 = tpu.memref_slice %arg2[%add3A_21] : memref<323584xi32, #tpu.memory_space<hbm>> -> memref<128xi32, #tpu.memory_space<hbm>>
        tpu.wait_dma2 semaphore(%run_scoped3A : memref<!tpu.dma_semaphore, #tpu.memory_space<semaphore_mem>>) src(%dma_wait3A_23 : memref<128xi32, #tpu.memory_space<hbm>>) dst(%arg6 : memref<128xi32, #tpu.memory_space<vmem>>)
        tpu.yield
      }) : () -> ()
      "tpu.region"() ({
        %run_scoped3A = tpu.sem_alloc : memref<!tpu.dma_semaphore, #tpu.memory_space<semaphore_mem>>
        %dma_start3A = arith.constant 0 : i32
        %dma_start3A_22 = arith.constant 0 : i32
        %dma_start3A_23 = tpu.memref_slice %arg8[%dma_start3A, %dma_start3A_22] : memref<10240x128xf32, #tpu.memory_space<vmem_shared>> -> memref<10240x128xf32, #tpu.memory_space<vmem_shared>>
        tpu.enqueue_indirect_dma source(%arg7 : memref<128x128xf32, #tpu.memory_space<vmem>>) target(%dma_start3A_23 : memref<10240x128xf32, #tpu.memory_space<vmem_shared>>) offsets(%arg6 : memref<128xi32, #tpu.memory_space<vmem>>) semaphore(%run_scoped3A : memref<!tpu.dma_semaphore, #tpu.memory_space<semaphore_mem>>) {add = true}
        %dma_wait3A = arith.constant 0 : i32
        %dma_wait3A_24 = arith.constant 0 : i32
        %dma_wait3A_25 = tpu.memref_slice %arg8[%dma_wait3A, %dma_wait3A_24] : memref<10240x128xf32, #tpu.memory_space<vmem_shared>> -> memref<10240x128xf32, #tpu.memory_space<vmem_shared>>
        tpu.wait_indirect_dma semaphore(%run_scoped3A : memref<!tpu.dma_semaphore, #tpu.memory_space<semaphore_mem>>) src(%arg7 : memref<128x128xf32, #tpu.memory_space<vmem>>) dst(%dma_wait3A_25 : memref<10240x128xf32, #tpu.memory_space<vmem_shared>>)
        tpu.yield
      }) : () -> ()
    }
    %scan3A_7 = arith.constant 79 : i32
    %barrier3A_8 = arith.constant 0 : index
    tpu.barrier barrier_id(%barrier3A_8)
    %eq3A = arith.constant 0 : i32
    %eq3A_9 = arith.cmpi eq, %arg0, %eq3A : i32
    %convert_element_type3A = arith.extui %eq3A_9 : i1 to i32
    %cond3A = arith.constant 0 : i32
    %cond3A_10 = arith.cmpi ne, %convert_element_type3A, %cond3A : i32
    scf.if %cond3A_10 {
      %run_scoped3A = arith.constant 0 : i32
      "tpu.region"() ({
        %run_scoped3A_16 = tpu.sem_alloc : memref<!tpu.dma_semaphore, #tpu.memory_space<semaphore_mem>>
        %dma_start3A = arith.constant 0 : i32
        %dma_start3A_17 = tpu.memref_slice %arg5[%run_scoped3A, %mul3A_2, %dma_start3A] : memref<2x10240x128xf32, #tpu.memory_space<hbm>> -> memref<1x640x128xf32, #tpu.memory_space<hbm>>
        %dma_start3A_18 = tpu.memref_squeeze %dma_start3A_17 : memref<1x640x128xf32, #tpu.memory_space<hbm>> -> memref<640x128xf32, #tpu.memory_space<hbm>>
        %dma_start3A_19 = arith.constant 0 : i32
        %dma_start3A_20 = tpu.memref_slice %arg8[%mul3A_2, %dma_start3A_19] : memref<10240x128xf32, #tpu.memory_space<vmem_shared>> -> memref<640x128xf32, #tpu.memory_space<vmem_shared>>
        tpu.enqueue_dma source(%dma_start3A_20 : memref<640x128xf32, #tpu.memory_space<vmem_shared>>) target(%dma_start3A_18 : memref<640x128xf32, #tpu.memory_space<hbm>>) target_semaphore(%run_scoped3A_16 : memref<!tpu.dma_semaphore, #tpu.memory_space<semaphore_mem>>)
        %dma_wait3A = arith.constant 0 : i32
        %dma_wait3A_21 = tpu.memref_slice %arg5[%run_scoped3A, %mul3A_2, %dma_wait3A] : memref<2x10240x128xf32, #tpu.memory_space<hbm>> -> memref<1x640x128xf32, #tpu.memory_space<hbm>>
        %dma_wait3A_22 = tpu.memref_squeeze %dma_wait3A_21 : memref<1x640x128xf32, #tpu.memory_space<hbm>> -> memref<640x128xf32, #tpu.memory_space<hbm>>
        %dma_wait3A_23 = arith.constant 0 : i32
        %dma_wait3A_24 = tpu.memref_slice %arg8[%mul3A_2, %dma_wait3A_23] : memref<10240x128xf32, #tpu.memory_space<vmem_shared>> -> memref<640x128xf32, #tpu.memory_space<vmem_shared>>
        tpu.wait_dma2 semaphore(%run_scoped3A_16 : memref<!tpu.dma_semaphore, #tpu.memory_space<semaphore_mem>>) src(%dma_wait3A_24 : memref<640x128xf32, #tpu.memory_space<vmem_shared>>) dst(%dma_wait3A_22 : memref<640x128xf32, #tpu.memory_space<hbm>>)
        tpu.yield
      }) : () -> ()
    } else {
    }
    %eq3A_11 = arith.constant 1 : i32
    %eq3A_12 = arith.cmpi eq, %arg0, %eq3A_11 : i32
    %convert_element_type3A_13 = arith.extui %eq3A_12 : i1 to i32
    %cond3A_14 = arith.constant 0 : i32
    %cond3A_15 = arith.cmpi ne, %convert_element_type3A_13, %cond3A_14 : i32
    scf.if %cond3A_15 {
      %run_scoped3A = arith.constant 1 : i32
      "tpu.region"() ({
        %run_scoped3A_16 = tpu.sem_alloc : memref<!tpu.dma_semaphore, #tpu.memory_space<semaphore_mem>>
        %dma_start3A = arith.constant 0 : i32
        %dma_start3A_17 = tpu.memref_slice %arg5[%run_scoped3A, %mul3A_2, %dma_start3A] : memref<2x10240x128xf32, #tpu.memory_space<hbm>> -> memref<1x640x128xf32, #tpu.memory_space<hbm>>
        %dma_start3A_18 = tpu.memref_squeeze %dma_start3A_17 : memref<1x640x128xf32, #tpu.memory_space<hbm>> -> memref<640x128xf32, #tpu.memory_space<hbm>>
        %dma_start3A_19 = arith.constant 0 : i32
        %dma_start3A_20 = tpu.memref_slice %arg8[%mul3A_2, %dma_start3A_19] : memref<10240x128xf32, #tpu.memory_space<vmem_shared>> -> memref<640x128xf32, #tpu.memory_space<vmem_shared>>
        tpu.enqueue_dma source(%dma_start3A_20 : memref<640x128xf32, #tpu.memory_space<vmem_shared>>) target(%dma_start3A_18 : memref<640x128xf32, #tpu.memory_space<hbm>>) target_semaphore(%run_scoped3A_16 : memref<!tpu.dma_semaphore, #tpu.memory_space<semaphore_mem>>)
        %dma_wait3A = arith.constant 0 : i32
        %dma_wait3A_21 = tpu.memref_slice %arg5[%run_scoped3A, %mul3A_2, %dma_wait3A] : memref<2x10240x128xf32, #tpu.memory_space<hbm>> -> memref<1x640x128xf32, #tpu.memory_space<hbm>>
        %dma_wait3A_22 = tpu.memref_squeeze %dma_wait3A_21 : memref<1x640x128xf32, #tpu.memory_space<hbm>> -> memref<640x128xf32, #tpu.memory_space<hbm>>
        %dma_wait3A_23 = arith.constant 0 : i32
        %dma_wait3A_24 = tpu.memref_slice %arg8[%mul3A_2, %dma_wait3A_23] : memref<10240x128xf32, #tpu.memory_space<vmem_shared>> -> memref<640x128xf32, #tpu.memory_space<vmem_shared>>
        tpu.wait_dma2 semaphore(%run_scoped3A_16 : memref<!tpu.dma_semaphore, #tpu.memory_space<semaphore_mem>>) src(%dma_wait3A_24 : memref<640x128xf32, #tpu.memory_space<vmem_shared>>) dst(%dma_wait3A_22 : memref<640x128xf32, #tpu.memory_space<hbm>>)
        tpu.yield
      }) : () -> ()
    } else {
    }
    return
  }
}

#map = affine_map<(d0, d1) -> (0)>
#map1 = affine_map<(d0, d1) -> (0, 0)>
#map2 = affine_map<(d0, d1) -> (0, 0, 0)>
module attributes {stable_mosaic.version = 14 : i64} {
  func.func @k(%arg0: i32, %arg1: i32, %arg2: memref<163840xi32, #tpu.memory_space<hbm>>, %arg3: memref<10240x128xf32, #tpu.memory_space<hbm>>, %arg4: memref<128x128xf32, #tpu.memory_space<hbm>>, %arg5: memref<2x10240x128xf32, #tpu.memory_space<hbm>>, %arg6: memref<128xi32, #tpu.memory_space<vmem>>, %arg7: memref<128x128xf32, #tpu.memory_space<vmem>>, %arg8: memref<10240x128xf32, #tpu.memory_space<vmem_shared>>) attributes {dimension_semantics = [#tpu.dimension_semantics<core_parallel>, #tpu.dimension_semantics<subcore_parallel>], iteration_bounds = array<i64: 2, 16>, scalar_prefetch = 0 : i64, scratch_operands = 3 : i64, tpu.core_type = #tpu.core_type<sc_vector_subcore>, window_params = [{transform_indices = #map}, {transform_indices = #map1}, {transform_indices = #map1}, {transform_indices = #map2}]} {
    %mul3A = arith.constant 16 : i32
    %mul3A_0 = arith.muli %arg0, %mul3A : i32
    %add3A = arith.addi %mul3A_0, %arg1 : i32
    %mul3A_1 = arith.constant 640 : i32
    %mul3A_2 = arith.muli %arg1, %mul3A_1 : i32
    "tpu.region"() ({
      %run_scoped3A = tpu.sem_alloc : memref<!tpu.dma_semaphore, #tpu.memory_space<semaphore_mem>>
      %dma_start3A = arith.constant 0 : i32
      %dma_start3A_16 = tpu.memref_slice %arg8[%mul3A_2, %dma_start3A] : memref<10240x128xf32, #tpu.memory_space<vmem_shared>> -> memref<640x128xf32, #tpu.memory_space<vmem_shared>>
      %dma_start3A_17 = arith.constant 0 : i32
      %dma_start3A_18 = tpu.memref_slice %arg3[%mul3A_2, %dma_start3A_17] : memref<10240x128xf32, #tpu.memory_space<hbm>> -> memref<640x128xf32, #tpu.memory_space<hbm>>
      tpu.enqueue_dma source(%dma_start3A_18 : memref<640x128xf32, #tpu.memory_space<hbm>>) target(%dma_start3A_16 : memref<640x128xf32, #tpu.memory_space<vmem_shared>>) target_semaphore(%run_scoped3A : memref<!tpu.dma_semaphore, #tpu.memory_space<semaphore_mem>>)
      %dma_wait3A = arith.constant 0 : i32
      %dma_wait3A_19 = tpu.memref_slice %arg8[%mul3A_2, %dma_wait3A] : memref<10240x128xf32, #tpu.memory_space<vmem_shared>> -> memref<640x128xf32, #tpu.memory_space<vmem_shared>>
      %dma_wait3A_20 = arith.constant 0 : i32
      %dma_wait3A_21 = tpu.memref_slice %arg3[%mul3A_2, %dma_wait3A_20] : memref<10240x128xf32, #tpu.memory_space<hbm>> -> memref<640x128xf32, #tpu.memory_space<hbm>>
      tpu.wait_dma2 semaphore(%run_scoped3A : memref<!tpu.dma_semaphore, #tpu.memory_space<semaphore_mem>>) src(%dma_wait3A_21 : memref<640x128xf32, #tpu.memory_space<hbm>>) dst(%dma_wait3A_19 : memref<640x128xf32, #tpu.memory_space<vmem_shared>>)
      tpu.yield
    }) : () -> ()
    "tpu.region"() ({
      %run_scoped3A = tpu.sem_alloc : memref<!tpu.dma_semaphore, #tpu.memory_space<semaphore_mem>>
      tpu.enqueue_dma source(%arg4 : memref<128x128xf32, #tpu.memory_space<hbm>>) target(%arg7 : memref<128x128xf32, #tpu.memory_space<vmem>>) target_semaphore(%run_scoped3A : memref<!tpu.dma_semaphore, #tpu.memory_space<semaphore_mem>>)
      tpu.wait_dma2 semaphore(%run_scoped3A : memref<!tpu.dma_semaphore, #tpu.memory_space<semaphore_mem>>) src(%arg4 : memref<128x128xf32, #tpu.memory_space<hbm>>) dst(%arg7 : memref<128x128xf32, #tpu.memory_space<vmem>>)
      tpu.yield
    }) : () -> ()
    %barrier3A = arith.constant 0 : index
    tpu.barrier barrier_id(%barrier3A)
    %scan3A = arith.constant 0 : i32
    %scan3A_3 = arith.constant 0 : i32
    %scan3A_4 = arith.constant 40 : i32
    %scan3A_5 = arith.addi %scan3A_3, %scan3A_4 : i32
    %scan3A_6 = arith.constant 1 : i32
    scf.for %scan3A_16 = %scan3A_3 to %scan3A_5 step %scan3A_6  : i32 {
      %mul3A_17 = arith.constant 5120 : i32
      %mul3A_18 = arith.muli %add3A, %mul3A_17 : i32
      %mul3A_19 = arith.constant 128 : i32
      %mul3A_20 = arith.muli %scan3A_16, %mul3A_19 : i32
      %add3A_21 = arith.addi %mul3A_18, %mul3A_20 : i32
      "tpu.region"() ({
        %run_scoped3A = tpu.sem_alloc : memref<!tpu.dma_semaphore, #tpu.memory_space<semaphore_mem>>
        %dma_start3A = tpu.memref_slice %arg2[%add3A_21] : memref<163840xi32, #tpu.memory_space<hbm>> -> memref<128xi32, #tpu.memory_space<hbm>>
        %dma_start3A_22 = tpu.memref_slice %arg2[%add3A_21] : memref<163840xi32, #tpu.memory_space<hbm>> -> memref<128xi32, #tpu.memory_space<hbm>>
        tpu.enqueue_dma source(%dma_start3A_22 : memref<128xi32, #tpu.memory_space<hbm>>) target(%arg6 : memref<128xi32, #tpu.memory_space<vmem>>) target_semaphore(%run_scoped3A : memref<!tpu.dma_semaphore, #tpu.memory_space<semaphore_mem>>)
        %dma_wait3A = tpu.memref_slice %arg2[%add3A_21] : memref<163840xi32, #tpu.memory_space<hbm>> -> memref<128xi32, #tpu.memory_space<hbm>>
        %dma_wait3A_23 = tpu.memref_slice %arg2[%add3A_21] : memref<163840xi32, #tpu.memory_space<hbm>> -> memref<128xi32, #tpu.memory_space<hbm>>
        tpu.wait_dma2 semaphore(%run_scoped3A : memref<!tpu.dma_semaphore, #tpu.memory_space<semaphore_mem>>) src(%dma_wait3A_23 : memref<128xi32, #tpu.memory_space<hbm>>) dst(%arg6 : memref<128xi32, #tpu.memory_space<vmem>>)
        tpu.yield
      }) : () -> ()
      "tpu.region"() ({
        %run_scoped3A = tpu.sem_alloc : memref<!tpu.dma_semaphore, #tpu.memory_space<semaphore_mem>>
        %dma_start3A = arith.constant 0 : i32
        %dma_start3A_22 = arith.constant 0 : i32
        %dma_start3A_23 = tpu.memref_slice %arg8[%dma_start3A, %dma_start3A_22] : memref<10240x128xf32, #tpu.memory_space<vmem_shared>> -> memref<10240x128xf32, #tpu.memory_space<vmem_shared>>
        tpu.enqueue_indirect_dma source(%arg7 : memref<128x128xf32, #tpu.memory_space<vmem>>) target(%dma_start3A_23 : memref<10240x128xf32, #tpu.memory_space<vmem_shared>>) offsets(%arg6 : memref<128xi32, #tpu.memory_space<vmem>>) semaphore(%run_scoped3A : memref<!tpu.dma_semaphore, #tpu.memory_space<semaphore_mem>>) {add = true}
        %dma_wait3A = arith.constant 0 : i32
        %dma_wait3A_24 = arith.constant 0 : i32
        %dma_wait3A_25 = tpu.memref_slice %arg8[%dma_wait3A, %dma_wait3A_24] : memref<10240x128xf32, #tpu.memory_space<vmem_shared>> -> memref<10240x128xf32, #tpu.memory_space<vmem_shared>>
        tpu.wait_indirect_dma semaphore(%run_scoped3A : memref<!tpu.dma_semaphore, #tpu.memory_space<semaphore_mem>>) src(%arg7 : memref<128x128xf32, #tpu.memory_space<vmem>>) dst(%dma_wait3A_25 : memref<10240x128xf32, #tpu.memory_space<vmem_shared>>)
        tpu.yield
      }) : () -> ()
    }
    %scan3A_7 = arith.constant 40 : i32
    %barrier3A_8 = arith.constant 0 : index
    tpu.barrier barrier_id(%barrier3A_8)
    %eq3A = arith.constant 0 : i32
    %eq3A_9 = arith.cmpi eq, %arg0, %eq3A : i32
    %convert_element_type3A = arith.extui %eq3A_9 : i1 to i32
    %cond3A = arith.constant 0 : i32
    %cond3A_10 = arith.cmpi ne, %convert_element_type3A, %cond3A : i32
    scf.if %cond3A_10 {
      %run_scoped3A = arith.constant 0 : i32
      "tpu.region"() ({
        %run_scoped3A_16 = tpu.sem_alloc : memref<!tpu.dma_semaphore, #tpu.memory_space<semaphore_mem>>
        %dma_start3A = arith.constant 0 : i32
        %dma_start3A_17 = tpu.memref_slice %arg5[%run_scoped3A, %mul3A_2, %dma_start3A] : memref<2x10240x128xf32, #tpu.memory_space<hbm>> -> memref<1x640x128xf32, #tpu.memory_space<hbm>>
        %dma_start3A_18 = tpu.memref_squeeze %dma_start3A_17 : memref<1x640x128xf32, #tpu.memory_space<hbm>> -> memref<640x128xf32, #tpu.memory_space<hbm>>
        %dma_start3A_19 = arith.constant 0 : i32
        %dma_start3A_20 = tpu.memref_slice %arg8[%mul3A_2, %dma_start3A_19] : memref<10240x128xf32, #tpu.memory_space<vmem_shared>> -> memref<640x128xf32, #tpu.memory_space<vmem_shared>>
        tpu.enqueue_dma source(%dma_start3A_20 : memref<640x128xf32, #tpu.memory_space<vmem_shared>>) target(%dma_start3A_18 : memref<640x128xf32, #tpu.memory_space<hbm>>) target_semaphore(%run_scoped3A_16 : memref<!tpu.dma_semaphore, #tpu.memory_space<semaphore_mem>>)
        %dma_wait3A = arith.constant 0 : i32
        %dma_wait3A_21 = tpu.memref_slice %arg5[%run_scoped3A, %mul3A_2, %dma_wait3A] : memref<2x10240x128xf32, #tpu.memory_space<hbm>> -> memref<1x640x128xf32, #tpu.memory_space<hbm>>
        %dma_wait3A_22 = tpu.memref_squeeze %dma_wait3A_21 : memref<1x640x128xf32, #tpu.memory_space<hbm>> -> memref<640x128xf32, #tpu.memory_space<hbm>>
        %dma_wait3A_23 = arith.constant 0 : i32
        %dma_wait3A_24 = tpu.memref_slice %arg8[%mul3A_2, %dma_wait3A_23] : memref<10240x128xf32, #tpu.memory_space<vmem_shared>> -> memref<640x128xf32, #tpu.memory_space<vmem_shared>>
        tpu.wait_dma2 semaphore(%run_scoped3A_16 : memref<!tpu.dma_semaphore, #tpu.memory_space<semaphore_mem>>) src(%dma_wait3A_24 : memref<640x128xf32, #tpu.memory_space<vmem_shared>>) dst(%dma_wait3A_22 : memref<640x128xf32, #tpu.memory_space<hbm>>)
        tpu.yield
      }) : () -> ()
    } else {
    }
    %eq3A_11 = arith.constant 1 : i32
    %eq3A_12 = arith.cmpi eq, %arg0, %eq3A_11 : i32
    %convert_element_type3A_13 = arith.extui %eq3A_12 : i1 to i32
    %cond3A_14 = arith.constant 0 : i32
    %cond3A_15 = arith.cmpi ne, %convert_element_type3A_13, %cond3A_14 : i32
    scf.if %cond3A_15 {
      %run_scoped3A = arith.constant 1 : i32
      "tpu.region"() ({
        %run_scoped3A_16 = tpu.sem_alloc : memref<!tpu.dma_semaphore, #tpu.memory_space<semaphore_mem>>
        %dma_start3A = arith.constant 0 : i32
        %dma_start3A_17 = tpu.memref_slice %arg5[%run_scoped3A, %mul3A_2, %dma_start3A] : memref<2x10240x128xf32, #tpu.memory_space<hbm>> -> memref<1x640x128xf32, #tpu.memory_space<hbm>>
        %dma_start3A_18 = tpu.memref_squeeze %dma_start3A_17 : memref<1x640x128xf32, #tpu.memory_space<hbm>> -> memref<640x128xf32, #tpu.memory_space<hbm>>
        %dma_start3A_19 = arith.constant 0 : i32
        %dma_start3A_20 = tpu.memref_slice %arg8[%mul3A_2, %dma_start3A_19] : memref<10240x128xf32, #tpu.memory_space<vmem_shared>> -> memref<640x128xf32, #tpu.memory_space<vmem_shared>>
        tpu.enqueue_dma source(%dma_start3A_20 : memref<640x128xf32, #tpu.memory_space<vmem_shared>>) target(%dma_start3A_18 : memref<640x128xf32, #tpu.memory_space<hbm>>) target_semaphore(%run_scoped3A_16 : memref<!tpu.dma_semaphore, #tpu.memory_space<semaphore_mem>>)
        %dma_wait3A = arith.constant 0 : i32
        %dma_wait3A_21 = tpu.memref_slice %arg5[%run_scoped3A, %mul3A_2, %dma_wait3A] : memref<2x10240x128xf32, #tpu.memory_space<hbm>> -> memref<1x640x128xf32, #tpu.memory_space<hbm>>
        %dma_wait3A_22 = tpu.memref_squeeze %dma_wait3A_21 : memref<1x640x128xf32, #tpu.memory_space<hbm>> -> memref<640x128xf32, #tpu.memory_space<hbm>>
        %dma_wait3A_23 = arith.constant 0 : i32
        %dma_wait3A_24 = tpu.memref_slice %arg8[%mul3A_2, %dma_wait3A_23] : memref<10240x128xf32, #tpu.memory_space<vmem_shared>> -> memref<640x128xf32, #tpu.memory_space<vmem_shared>>
        tpu.wait_dma2 semaphore(%run_scoped3A_16 : memref<!tpu.dma_semaphore, #tpu.memory_space<semaphore_mem>>) src(%dma_wait3A_24 : memref<640x128xf32, #tpu.memory_space<vmem_shared>>) dst(%dma_wait3A_22 : memref<640x128xf32, #tpu.memory_space<hbm>>)
        tpu.yield
      }) : () -> ()
    } else {
    }
    return
  }
}

#map = affine_map<(d0, d1) -> (0)>
#map1 = affine_map<(d0, d1) -> (0, 0)>
#map2 = affine_map<(d0, d1) -> (0, 0, 0)>
module attributes {stable_mosaic.version = 14 : i64} {
  func.func @k(%arg0: i32, %arg1: i32, %arg2: memref<331776xi32, #tpu.memory_space<hbm>>, %arg3: memref<331776xi32, #tpu.memory_space<hbm>>, %arg4: memref<10240x128xf32, #tpu.memory_space<hbm>>, %arg5: memref<10240x128xf32, #tpu.memory_space<hbm>>, %arg6: memref<2x10240x128xf32, #tpu.memory_space<hbm>>, %arg7: memref<128xi32, #tpu.memory_space<vmem>>, %arg8: memref<128xi32, #tpu.memory_space<vmem>>, %arg9: memref<128x128xf32, #tpu.memory_space<vmem>>, %arg10: memref<10240x128xf32, #tpu.memory_space<vmem_shared>>, %arg11: memref<!tpu.dma_semaphore, #tpu.memory_space<semaphore_mem>>) attributes {dimension_semantics = [#tpu.dimension_semantics<core_parallel>, #tpu.dimension_semantics<subcore_parallel>], iteration_bounds = array<i64: 2, 16>, scalar_prefetch = 0 : i64, scratch_operands = 5 : i64, tpu.core_type = #tpu.core_type<sc_vector_subcore>, window_params = [{transform_indices = #map}, {transform_indices = #map}, {transform_indices = #map1}, {transform_indices = #map1}, {transform_indices = #map2}]} {
    %mul3A = arith.constant 16 : i32
    %mul3A_0 = arith.muli %arg0, %mul3A : i32
    %add3A = arith.addi %mul3A_0, %arg1 : i32
    %mul3A_1 = arith.constant 640 : i32
    %mul3A_2 = arith.muli %arg1, %mul3A_1 : i32
    "tpu.region"() ({
      %run_scoped3A = tpu.sem_alloc : memref<!tpu.dma_semaphore, #tpu.memory_space<semaphore_mem>>
      %dma_start3A = arith.constant 0 : i32
      %dma_start3A_16 = tpu.memref_slice %arg10[%mul3A_2, %dma_start3A] : memref<10240x128xf32, #tpu.memory_space<vmem_shared>> -> memref<640x128xf32, #tpu.memory_space<vmem_shared>>
      %dma_start3A_17 = arith.constant 0 : i32
      %dma_start3A_18 = tpu.memref_slice %arg5[%mul3A_2, %dma_start3A_17] : memref<10240x128xf32, #tpu.memory_space<hbm>> -> memref<640x128xf32, #tpu.memory_space<hbm>>
      tpu.enqueue_dma source(%dma_start3A_18 : memref<640x128xf32, #tpu.memory_space<hbm>>) target(%dma_start3A_16 : memref<640x128xf32, #tpu.memory_space<vmem_shared>>) target_semaphore(%run_scoped3A : memref<!tpu.dma_semaphore, #tpu.memory_space<semaphore_mem>>)
      %dma_wait3A = arith.constant 0 : i32
      %dma_wait3A_19 = tpu.memref_slice %arg10[%mul3A_2, %dma_wait3A] : memref<10240x128xf32, #tpu.memory_space<vmem_shared>> -> memref<640x128xf32, #tpu.memory_space<vmem_shared>>
      %dma_wait3A_20 = arith.constant 0 : i32
      %dma_wait3A_21 = tpu.memref_slice %arg5[%mul3A_2, %dma_wait3A_20] : memref<10240x128xf32, #tpu.memory_space<hbm>> -> memref<640x128xf32, #tpu.memory_space<hbm>>
      tpu.wait_dma2 semaphore(%run_scoped3A : memref<!tpu.dma_semaphore, #tpu.memory_space<semaphore_mem>>) src(%dma_wait3A_21 : memref<640x128xf32, #tpu.memory_space<hbm>>) dst(%dma_wait3A_19 : memref<640x128xf32, #tpu.memory_space<vmem_shared>>)
      tpu.yield
    }) : () -> ()
    %barrier3A = arith.constant 0 : index
    tpu.barrier barrier_id(%barrier3A)
    %scan3A = arith.constant 0 : i32
    %scan3A_3 = arith.constant 0 : i32
    %scan3A_4 = arith.constant 81 : i32
    %scan3A_5 = arith.addi %scan3A_3, %scan3A_4 : i32
    %scan3A_6 = arith.constant 1 : i32
    scf.for %scan3A_16 = %scan3A_3 to %scan3A_5 step %scan3A_6  : i32 {
      %mul3A_17 = arith.constant 10368 : i32
      %mul3A_18 = arith.muli %add3A, %mul3A_17 : i32
      %mul3A_19 = arith.constant 128 : i32
      %mul3A_20 = arith.muli %scan3A_16, %mul3A_19 : i32
      %add3A_21 = arith.addi %mul3A_18, %mul3A_20 : i32
      "tpu.region"() ({
        %run_scoped3A = tpu.sem_alloc : memref<!tpu.dma_semaphore, #tpu.memory_space<semaphore_mem>>
        %dma_start3A_26 = tpu.memref_slice %arg2[%add3A_21] : memref<331776xi32, #tpu.memory_space<hbm>> -> memref<128xi32, #tpu.memory_space<hbm>>
        %dma_start3A_27 = tpu.memref_slice %arg2[%add3A_21] : memref<331776xi32, #tpu.memory_space<hbm>> -> memref<128xi32, #tpu.memory_space<hbm>>
        tpu.enqueue_dma source(%dma_start3A_27 : memref<128xi32, #tpu.memory_space<hbm>>) target(%arg7 : memref<128xi32, #tpu.memory_space<vmem>>) target_semaphore(%run_scoped3A : memref<!tpu.dma_semaphore, #tpu.memory_space<semaphore_mem>>)
        %dma_wait3A_28 = tpu.memref_slice %arg2[%add3A_21] : memref<331776xi32, #tpu.memory_space<hbm>> -> memref<128xi32, #tpu.memory_space<hbm>>
        %dma_wait3A_29 = tpu.memref_slice %arg2[%add3A_21] : memref<331776xi32, #tpu.memory_space<hbm>> -> memref<128xi32, #tpu.memory_space<hbm>>
        tpu.wait_dma2 semaphore(%run_scoped3A : memref<!tpu.dma_semaphore, #tpu.memory_space<semaphore_mem>>) src(%dma_wait3A_29 : memref<128xi32, #tpu.memory_space<hbm>>) dst(%arg7 : memref<128xi32, #tpu.memory_space<vmem>>)
        tpu.yield
      }) : () -> ()
      "tpu.region"() ({
        %run_scoped3A = tpu.sem_alloc : memref<!tpu.dma_semaphore, #tpu.memory_space<semaphore_mem>>
        %dma_start3A_26 = tpu.memref_slice %arg3[%add3A_21] : memref<331776xi32, #tpu.memory_space<hbm>> -> memref<128xi32, #tpu.memory_space<hbm>>
        %dma_start3A_27 = tpu.memref_slice %arg3[%add3A_21] : memref<331776xi32, #tpu.memory_space<hbm>> -> memref<128xi32, #tpu.memory_space<hbm>>
        tpu.enqueue_dma source(%dma_start3A_27 : memref<128xi32, #tpu.memory_space<hbm>>) target(%arg8 : memref<128xi32, #tpu.memory_space<vmem>>) target_semaphore(%run_scoped3A : memref<!tpu.dma_semaphore, #tpu.memory_space<semaphore_mem>>)
        %dma_wait3A_28 = tpu.memref_slice %arg3[%add3A_21] : memref<331776xi32, #tpu.memory_space<hbm>> -> memref<128xi32, #tpu.memory_space<hbm>>
        %dma_wait3A_29 = tpu.memref_slice %arg3[%add3A_21] : memref<331776xi32, #tpu.memory_space<hbm>> -> memref<128xi32, #tpu.memory_space<hbm>>
        tpu.wait_dma2 semaphore(%run_scoped3A : memref<!tpu.dma_semaphore, #tpu.memory_space<semaphore_mem>>) src(%dma_wait3A_29 : memref<128xi32, #tpu.memory_space<hbm>>) dst(%arg8 : memref<128xi32, #tpu.memory_space<vmem>>)
        tpu.yield
      }) : () -> ()
      %dma_start3A = arith.constant 0 : i32
      %dma_start3A_22 = arith.constant 0 : i32
      %dma_start3A_23 = tpu.memref_slice %arg4[%dma_start3A, %dma_start3A_22] : memref<10240x128xf32, #tpu.memory_space<hbm>> -> memref<10240x128xf32, #tpu.memory_space<hbm>>
      tpu.enqueue_indirect_dma source(%dma_start3A_23 : memref<10240x128xf32, #tpu.memory_space<hbm>>) target(%arg9 : memref<128x128xf32, #tpu.memory_space<vmem>>) offsets(%arg7 : memref<128xi32, #tpu.memory_space<vmem>>) semaphore(%arg11 : memref<!tpu.dma_semaphore, #tpu.memory_space<semaphore_mem>>)
      %dma_wait3A = arith.constant 0 : i32
      %dma_wait3A_24 = arith.constant 0 : i32
      %dma_wait3A_25 = tpu.memref_slice %arg4[%dma_wait3A, %dma_wait3A_24] : memref<10240x128xf32, #tpu.memory_space<hbm>> -> memref<10240x128xf32, #tpu.memory_space<hbm>>
      tpu.wait_indirect_dma semaphore(%arg11 : memref<!tpu.dma_semaphore, #tpu.memory_space<semaphore_mem>>) src(%dma_wait3A_25 : memref<10240x128xf32, #tpu.memory_space<hbm>>) dst(%arg9 : memref<128x128xf32, #tpu.memory_space<vmem>>)
      "tpu.region"() ({
        %run_scoped3A = tpu.sem_alloc : memref<!tpu.dma_semaphore, #tpu.memory_space<semaphore_mem>>
        %dma_start3A_26 = arith.constant 0 : i32
        %dma_start3A_27 = arith.constant 0 : i32
        %dma_start3A_28 = tpu.memref_slice %arg10[%dma_start3A_26, %dma_start3A_27] : memref<10240x128xf32, #tpu.memory_space<vmem_shared>> -> memref<10240x128xf32, #tpu.memory_space<vmem_shared>>
        tpu.enqueue_indirect_dma source(%arg9 : memref<128x128xf32, #tpu.memory_space<vmem>>) target(%dma_start3A_28 : memref<10240x128xf32, #tpu.memory_space<vmem_shared>>) offsets(%arg8 : memref<128xi32, #tpu.memory_space<vmem>>) semaphore(%run_scoped3A : memref<!tpu.dma_semaphore, #tpu.memory_space<semaphore_mem>>) {add = true}
        %dma_wait3A_29 = arith.constant 0 : i32
        %dma_wait3A_30 = arith.constant 0 : i32
        %dma_wait3A_31 = tpu.memref_slice %arg10[%dma_wait3A_29, %dma_wait3A_30] : memref<10240x128xf32, #tpu.memory_space<vmem_shared>> -> memref<10240x128xf32, #tpu.memory_space<vmem_shared>>
        tpu.wait_indirect_dma semaphore(%run_scoped3A : memref<!tpu.dma_semaphore, #tpu.memory_space<semaphore_mem>>) src(%arg9 : memref<128x128xf32, #tpu.memory_space<vmem>>) dst(%dma_wait3A_31 : memref<10240x128xf32, #tpu.memory_space<vmem_shared>>)
        tpu.yield
      }) : () -> ()
    }
    %scan3A_7 = arith.constant 81 : i32
    %barrier3A_8 = arith.constant 0 : index
    tpu.barrier barrier_id(%barrier3A_8)
    %eq3A = arith.constant 0 : i32
    %eq3A_9 = arith.cmpi eq, %arg0, %eq3A : i32
    %convert_element_type3A = arith.extui %eq3A_9 : i1 to i32
    %cond3A = arith.constant 0 : i32
    %cond3A_10 = arith.cmpi ne, %convert_element_type3A, %cond3A : i32
    scf.if %cond3A_10 {
      %run_scoped3A = arith.constant 0 : i32
      "tpu.region"() ({
        %run_scoped3A_16 = tpu.sem_alloc : memref<!tpu.dma_semaphore, #tpu.memory_space<semaphore_mem>>
        %dma_start3A = arith.constant 0 : i32
        %dma_start3A_17 = tpu.memref_slice %arg6[%run_scoped3A, %mul3A_2, %dma_start3A] : memref<2x10240x128xf32, #tpu.memory_space<hbm>> -> memref<1x640x128xf32, #tpu.memory_space<hbm>>
        %dma_start3A_18 = tpu.memref_squeeze %dma_start3A_17 : memref<1x640x128xf32, #tpu.memory_space<hbm>> -> memref<640x128xf32, #tpu.memory_space<hbm>>
        %dma_start3A_19 = arith.constant 0 : i32
        %dma_start3A_20 = tpu.memref_slice %arg10[%mul3A_2, %dma_start3A_19] : memref<10240x128xf32, #tpu.memory_space<vmem_shared>> -> memref<640x128xf32, #tpu.memory_space<vmem_shared>>
        tpu.enqueue_dma source(%dma_start3A_20 : memref<640x128xf32, #tpu.memory_space<vmem_shared>>) target(%dma_start3A_18 : memref<640x128xf32, #tpu.memory_space<hbm>>) target_semaphore(%run_scoped3A_16 : memref<!tpu.dma_semaphore, #tpu.memory_space<semaphore_mem>>)
        %dma_wait3A = arith.constant 0 : i32
        %dma_wait3A_21 = tpu.memref_slice %arg6[%run_scoped3A, %mul3A_2, %dma_wait3A] : memref<2x10240x128xf32, #tpu.memory_space<hbm>> -> memref<1x640x128xf32, #tpu.memory_space<hbm>>
        %dma_wait3A_22 = tpu.memref_squeeze %dma_wait3A_21 : memref<1x640x128xf32, #tpu.memory_space<hbm>> -> memref<640x128xf32, #tpu.memory_space<hbm>>
        %dma_wait3A_23 = arith.constant 0 : i32
        %dma_wait3A_24 = tpu.memref_slice %arg10[%mul3A_2, %dma_wait3A_23] : memref<10240x128xf32, #tpu.memory_space<vmem_shared>> -> memref<640x128xf32, #tpu.memory_space<vmem_shared>>
        tpu.wait_dma2 semaphore(%run_scoped3A_16 : memref<!tpu.dma_semaphore, #tpu.memory_space<semaphore_mem>>) src(%dma_wait3A_24 : memref<640x128xf32, #tpu.memory_space<vmem_shared>>) dst(%dma_wait3A_22 : memref<640x128xf32, #tpu.memory_space<hbm>>)
        tpu.yield
      }) : () -> ()
    } else {
    }
    %eq3A_11 = arith.constant 1 : i32
    %eq3A_12 = arith.cmpi eq, %arg0, %eq3A_11 : i32
    %convert_element_type3A_13 = arith.extui %eq3A_12 : i1 to i32
    %cond3A_14 = arith.constant 0 : i32
    %cond3A_15 = arith.cmpi ne, %convert_element_type3A_13, %cond3A_14 : i32
    scf.if %cond3A_15 {
      %run_scoped3A = arith.constant 1 : i32
      "tpu.region"() ({
        %run_scoped3A_16 = tpu.sem_alloc : memref<!tpu.dma_semaphore, #tpu.memory_space<semaphore_mem>>
        %dma_start3A = arith.constant 0 : i32
        %dma_start3A_17 = tpu.memref_slice %arg6[%run_scoped3A, %mul3A_2, %dma_start3A] : memref<2x10240x128xf32, #tpu.memory_space<hbm>> -> memref<1x640x128xf32, #tpu.memory_space<hbm>>
        %dma_start3A_18 = tpu.memref_squeeze %dma_start3A_17 : memref<1x640x128xf32, #tpu.memory_space<hbm>> -> memref<640x128xf32, #tpu.memory_space<hbm>>
        %dma_start3A_19 = arith.constant 0 : i32
        %dma_start3A_20 = tpu.memref_slice %arg10[%mul3A_2, %dma_start3A_19] : memref<10240x128xf32, #tpu.memory_space<vmem_shared>> -> memref<640x128xf32, #tpu.memory_space<vmem_shared>>
        tpu.enqueue_dma source(%dma_start3A_20 : memref<640x128xf32, #tpu.memory_space<vmem_shared>>) target(%dma_start3A_18 : memref<640x128xf32, #tpu.memory_space<hbm>>) target_semaphore(%run_scoped3A_16 : memref<!tpu.dma_semaphore, #tpu.memory_space<semaphore_mem>>)
        %dma_wait3A = arith.constant 0 : i32
        %dma_wait3A_21 = tpu.memref_slice %arg6[%run_scoped3A, %mul3A_2, %dma_wait3A] : memref<2x10240x128xf32, #tpu.memory_space<hbm>> -> memref<1x640x128xf32, #tpu.memory_space<hbm>>
        %dma_wait3A_22 = tpu.memref_squeeze %dma_wait3A_21 : memref<1x640x128xf32, #tpu.memory_space<hbm>> -> memref<640x128xf32, #tpu.memory_space<hbm>>
        %dma_wait3A_23 = arith.constant 0 : i32
        %dma_wait3A_24 = tpu.memref_slice %arg10[%mul3A_2, %dma_wait3A_23] : memref<10240x128xf32, #tpu.memory_space<vmem_shared>> -> memref<640x128xf32, #tpu.memory_space<vmem_shared>>
        tpu.wait_dma2 semaphore(%run_scoped3A_16 : memref<!tpu.dma_semaphore, #tpu.memory_space<semaphore_mem>>) src(%dma_wait3A_24 : memref<640x128xf32, #tpu.memory_space<vmem_shared>>) dst(%dma_wait3A_22 : memref<640x128xf32, #tpu.memory_space<hbm>>)
        tpu.yield
      }) : () -> ()
    } else {
    }
    return
  }
}

#map = affine_map<(d0, d1) -> (0)>
#map1 = affine_map<(d0, d1) -> (0, 0)>
#map2 = affine_map<(d0, d1) -> (0, 0, 0)>
module attributes {stable_mosaic.version = 14 : i64} {
  func.func @k(%arg0: i32, %arg1: i32, %arg2: memref<172032xi32, #tpu.memory_space<hbm>>, %arg3: memref<172032xi32, #tpu.memory_space<hbm>>, %arg4: memref<10240x128xf32, #tpu.memory_space<hbm>>, %arg5: memref<10240x128xf32, #tpu.memory_space<hbm>>, %arg6: memref<2x10240x128xf32, #tpu.memory_space<hbm>>, %arg7: memref<128xi32, #tpu.memory_space<vmem>>, %arg8: memref<128xi32, #tpu.memory_space<vmem>>, %arg9: memref<128x128xf32, #tpu.memory_space<vmem>>, %arg10: memref<10240x128xf32, #tpu.memory_space<vmem_shared>>, %arg11: memref<!tpu.dma_semaphore, #tpu.memory_space<semaphore_mem>>) attributes {dimension_semantics = [#tpu.dimension_semantics<core_parallel>, #tpu.dimension_semantics<subcore_parallel>], iteration_bounds = array<i64: 2, 16>, scalar_prefetch = 0 : i64, scratch_operands = 5 : i64, tpu.core_type = #tpu.core_type<sc_vector_subcore>, window_params = [{transform_indices = #map}, {transform_indices = #map}, {transform_indices = #map1}, {transform_indices = #map1}, {transform_indices = #map2}]} {
    %mul3A = arith.constant 16 : i32
    %mul3A_0 = arith.muli %arg0, %mul3A : i32
    %add3A = arith.addi %mul3A_0, %arg1 : i32
    %mul3A_1 = arith.constant 640 : i32
    %mul3A_2 = arith.muli %arg1, %mul3A_1 : i32
    "tpu.region"() ({
      %run_scoped3A = tpu.sem_alloc : memref<!tpu.dma_semaphore, #tpu.memory_space<semaphore_mem>>
      %dma_start3A = arith.constant 0 : i32
      %dma_start3A_16 = tpu.memref_slice %arg10[%mul3A_2, %dma_start3A] : memref<10240x128xf32, #tpu.memory_space<vmem_shared>> -> memref<640x128xf32, #tpu.memory_space<vmem_shared>>
      %dma_start3A_17 = arith.constant 0 : i32
      %dma_start3A_18 = tpu.memref_slice %arg5[%mul3A_2, %dma_start3A_17] : memref<10240x128xf32, #tpu.memory_space<hbm>> -> memref<640x128xf32, #tpu.memory_space<hbm>>
      tpu.enqueue_dma source(%dma_start3A_18 : memref<640x128xf32, #tpu.memory_space<hbm>>) target(%dma_start3A_16 : memref<640x128xf32, #tpu.memory_space<vmem_shared>>) target_semaphore(%run_scoped3A : memref<!tpu.dma_semaphore, #tpu.memory_space<semaphore_mem>>)
      %dma_wait3A = arith.constant 0 : i32
      %dma_wait3A_19 = tpu.memref_slice %arg10[%mul3A_2, %dma_wait3A] : memref<10240x128xf32, #tpu.memory_space<vmem_shared>> -> memref<640x128xf32, #tpu.memory_space<vmem_shared>>
      %dma_wait3A_20 = arith.constant 0 : i32
      %dma_wait3A_21 = tpu.memref_slice %arg5[%mul3A_2, %dma_wait3A_20] : memref<10240x128xf32, #tpu.memory_space<hbm>> -> memref<640x128xf32, #tpu.memory_space<hbm>>
      tpu.wait_dma2 semaphore(%run_scoped3A : memref<!tpu.dma_semaphore, #tpu.memory_space<semaphore_mem>>) src(%dma_wait3A_21 : memref<640x128xf32, #tpu.memory_space<hbm>>) dst(%dma_wait3A_19 : memref<640x128xf32, #tpu.memory_space<vmem_shared>>)
      tpu.yield
    }) : () -> ()
    %barrier3A = arith.constant 0 : index
    tpu.barrier barrier_id(%barrier3A)
    %scan3A = arith.constant 0 : i32
    %scan3A_3 = arith.constant 0 : i32
    %scan3A_4 = arith.constant 42 : i32
    %scan3A_5 = arith.addi %scan3A_3, %scan3A_4 : i32
    %scan3A_6 = arith.constant 1 : i32
    scf.for %scan3A_16 = %scan3A_3 to %scan3A_5 step %scan3A_6  : i32 {
      %mul3A_17 = arith.constant 5376 : i32
      %mul3A_18 = arith.muli %add3A, %mul3A_17 : i32
      %mul3A_19 = arith.constant 128 : i32
      %mul3A_20 = arith.muli %scan3A_16, %mul3A_19 : i32
      %add3A_21 = arith.addi %mul3A_18, %mul3A_20 : i32
      "tpu.region"() ({
        %run_scoped3A = tpu.sem_alloc : memref<!tpu.dma_semaphore, #tpu.memory_space<semaphore_mem>>
        %dma_start3A_26 = tpu.memref_slice %arg2[%add3A_21] : memref<172032xi32, #tpu.memory_space<hbm>> -> memref<128xi32, #tpu.memory_space<hbm>>
        %dma_start3A_27 = tpu.memref_slice %arg2[%add3A_21] : memref<172032xi32, #tpu.memory_space<hbm>> -> memref<128xi32, #tpu.memory_space<hbm>>
        tpu.enqueue_dma source(%dma_start3A_27 : memref<128xi32, #tpu.memory_space<hbm>>) target(%arg7 : memref<128xi32, #tpu.memory_space<vmem>>) target_semaphore(%run_scoped3A : memref<!tpu.dma_semaphore, #tpu.memory_space<semaphore_mem>>)
        %dma_wait3A_28 = tpu.memref_slice %arg2[%add3A_21] : memref<172032xi32, #tpu.memory_space<hbm>> -> memref<128xi32, #tpu.memory_space<hbm>>
        %dma_wait3A_29 = tpu.memref_slice %arg2[%add3A_21] : memref<172032xi32, #tpu.memory_space<hbm>> -> memref<128xi32, #tpu.memory_space<hbm>>
        tpu.wait_dma2 semaphore(%run_scoped3A : memref<!tpu.dma_semaphore, #tpu.memory_space<semaphore_mem>>) src(%dma_wait3A_29 : memref<128xi32, #tpu.memory_space<hbm>>) dst(%arg7 : memref<128xi32, #tpu.memory_space<vmem>>)
        tpu.yield
      }) : () -> ()
      "tpu.region"() ({
        %run_scoped3A = tpu.sem_alloc : memref<!tpu.dma_semaphore, #tpu.memory_space<semaphore_mem>>
        %dma_start3A_26 = tpu.memref_slice %arg3[%add3A_21] : memref<172032xi32, #tpu.memory_space<hbm>> -> memref<128xi32, #tpu.memory_space<hbm>>
        %dma_start3A_27 = tpu.memref_slice %arg3[%add3A_21] : memref<172032xi32, #tpu.memory_space<hbm>> -> memref<128xi32, #tpu.memory_space<hbm>>
        tpu.enqueue_dma source(%dma_start3A_27 : memref<128xi32, #tpu.memory_space<hbm>>) target(%arg8 : memref<128xi32, #tpu.memory_space<vmem>>) target_semaphore(%run_scoped3A : memref<!tpu.dma_semaphore, #tpu.memory_space<semaphore_mem>>)
        %dma_wait3A_28 = tpu.memref_slice %arg3[%add3A_21] : memref<172032xi32, #tpu.memory_space<hbm>> -> memref<128xi32, #tpu.memory_space<hbm>>
        %dma_wait3A_29 = tpu.memref_slice %arg3[%add3A_21] : memref<172032xi32, #tpu.memory_space<hbm>> -> memref<128xi32, #tpu.memory_space<hbm>>
        tpu.wait_dma2 semaphore(%run_scoped3A : memref<!tpu.dma_semaphore, #tpu.memory_space<semaphore_mem>>) src(%dma_wait3A_29 : memref<128xi32, #tpu.memory_space<hbm>>) dst(%arg8 : memref<128xi32, #tpu.memory_space<vmem>>)
        tpu.yield
      }) : () -> ()
      %dma_start3A = arith.constant 0 : i32
      %dma_start3A_22 = arith.constant 0 : i32
      %dma_start3A_23 = tpu.memref_slice %arg4[%dma_start3A, %dma_start3A_22] : memref<10240x128xf32, #tpu.memory_space<hbm>> -> memref<10240x128xf32, #tpu.memory_space<hbm>>
      tpu.enqueue_indirect_dma source(%dma_start3A_23 : memref<10240x128xf32, #tpu.memory_space<hbm>>) target(%arg9 : memref<128x128xf32, #tpu.memory_space<vmem>>) offsets(%arg7 : memref<128xi32, #tpu.memory_space<vmem>>) semaphore(%arg11 : memref<!tpu.dma_semaphore, #tpu.memory_space<semaphore_mem>>)
      %dma_wait3A = arith.constant 0 : i32
      %dma_wait3A_24 = arith.constant 0 : i32
      %dma_wait3A_25 = tpu.memref_slice %arg4[%dma_wait3A, %dma_wait3A_24] : memref<10240x128xf32, #tpu.memory_space<hbm>> -> memref<10240x128xf32, #tpu.memory_space<hbm>>
      tpu.wait_indirect_dma semaphore(%arg11 : memref<!tpu.dma_semaphore, #tpu.memory_space<semaphore_mem>>) src(%dma_wait3A_25 : memref<10240x128xf32, #tpu.memory_space<hbm>>) dst(%arg9 : memref<128x128xf32, #tpu.memory_space<vmem>>)
      "tpu.region"() ({
        %run_scoped3A = tpu.sem_alloc : memref<!tpu.dma_semaphore, #tpu.memory_space<semaphore_mem>>
        %dma_start3A_26 = arith.constant 0 : i32
        %dma_start3A_27 = arith.constant 0 : i32
        %dma_start3A_28 = tpu.memref_slice %arg10[%dma_start3A_26, %dma_start3A_27] : memref<10240x128xf32, #tpu.memory_space<vmem_shared>> -> memref<10240x128xf32, #tpu.memory_space<vmem_shared>>
        tpu.enqueue_indirect_dma source(%arg9 : memref<128x128xf32, #tpu.memory_space<vmem>>) target(%dma_start3A_28 : memref<10240x128xf32, #tpu.memory_space<vmem_shared>>) offsets(%arg8 : memref<128xi32, #tpu.memory_space<vmem>>) semaphore(%run_scoped3A : memref<!tpu.dma_semaphore, #tpu.memory_space<semaphore_mem>>) {add = true}
        %dma_wait3A_29 = arith.constant 0 : i32
        %dma_wait3A_30 = arith.constant 0 : i32
        %dma_wait3A_31 = tpu.memref_slice %arg10[%dma_wait3A_29, %dma_wait3A_30] : memref<10240x128xf32, #tpu.memory_space<vmem_shared>> -> memref<10240x128xf32, #tpu.memory_space<vmem_shared>>
        tpu.wait_indirect_dma semaphore(%run_scoped3A : memref<!tpu.dma_semaphore, #tpu.memory_space<semaphore_mem>>) src(%arg9 : memref<128x128xf32, #tpu.memory_space<vmem>>) dst(%dma_wait3A_31 : memref<10240x128xf32, #tpu.memory_space<vmem_shared>>)
        tpu.yield
      }) : () -> ()
    }
    %scan3A_7 = arith.constant 42 : i32
    %barrier3A_8 = arith.constant 0 : index
    tpu.barrier barrier_id(%barrier3A_8)
    %eq3A = arith.constant 0 : i32
    %eq3A_9 = arith.cmpi eq, %arg0, %eq3A : i32
    %convert_element_type3A = arith.extui %eq3A_9 : i1 to i32
    %cond3A = arith.constant 0 : i32
    %cond3A_10 = arith.cmpi ne, %convert_element_type3A, %cond3A : i32
    scf.if %cond3A_10 {
      %run_scoped3A = arith.constant 0 : i32
      "tpu.region"() ({
        %run_scoped3A_16 = tpu.sem_alloc : memref<!tpu.dma_semaphore, #tpu.memory_space<semaphore_mem>>
        %dma_start3A = arith.constant 0 : i32
        %dma_start3A_17 = tpu.memref_slice %arg6[%run_scoped3A, %mul3A_2, %dma_start3A] : memref<2x10240x128xf32, #tpu.memory_space<hbm>> -> memref<1x640x128xf32, #tpu.memory_space<hbm>>
        %dma_start3A_18 = tpu.memref_squeeze %dma_start3A_17 : memref<1x640x128xf32, #tpu.memory_space<hbm>> -> memref<640x128xf32, #tpu.memory_space<hbm>>
        %dma_start3A_19 = arith.constant 0 : i32
        %dma_start3A_20 = tpu.memref_slice %arg10[%mul3A_2, %dma_start3A_19] : memref<10240x128xf32, #tpu.memory_space<vmem_shared>> -> memref<640x128xf32, #tpu.memory_space<vmem_shared>>
        tpu.enqueue_dma source(%dma_start3A_20 : memref<640x128xf32, #tpu.memory_space<vmem_shared>>) target(%dma_start3A_18 : memref<640x128xf32, #tpu.memory_space<hbm>>) target_semaphore(%run_scoped3A_16 : memref<!tpu.dma_semaphore, #tpu.memory_space<semaphore_mem>>)
        %dma_wait3A = arith.constant 0 : i32
        %dma_wait3A_21 = tpu.memref_slice %arg6[%run_scoped3A, %mul3A_2, %dma_wait3A] : memref<2x10240x128xf32, #tpu.memory_space<hbm>> -> memref<1x640x128xf32, #tpu.memory_space<hbm>>
        %dma_wait3A_22 = tpu.memref_squeeze %dma_wait3A_21 : memref<1x640x128xf32, #tpu.memory_space<hbm>> -> memref<640x128xf32, #tpu.memory_space<hbm>>
        %dma_wait3A_23 = arith.constant 0 : i32
        %dma_wait3A_24 = tpu.memref_slice %arg10[%mul3A_2, %dma_wait3A_23] : memref<10240x128xf32, #tpu.memory_space<vmem_shared>> -> memref<640x128xf32, #tpu.memory_space<vmem_shared>>
        tpu.wait_dma2 semaphore(%run_scoped3A_16 : memref<!tpu.dma_semaphore, #tpu.memory_space<semaphore_mem>>) src(%dma_wait3A_24 : memref<640x128xf32, #tpu.memory_space<vmem_shared>>) dst(%dma_wait3A_22 : memref<640x128xf32, #tpu.memory_space<hbm>>)
        tpu.yield
      }) : () -> ()
    } else {
    }
    %eq3A_11 = arith.constant 1 : i32
    %eq3A_12 = arith.cmpi eq, %arg0, %eq3A_11 : i32
    %convert_element_type3A_13 = arith.extui %eq3A_12 : i1 to i32
    %cond3A_14 = arith.constant 0 : i32
    %cond3A_15 = arith.cmpi ne, %convert_element_type3A_13, %cond3A_14 : i32
    scf.if %cond3A_15 {
      %run_scoped3A = arith.constant 1 : i32
      "tpu.region"() ({
        %run_scoped3A_16 = tpu.sem_alloc : memref<!tpu.dma_semaphore, #tpu.memory_space<semaphore_mem>>
        %dma_start3A = arith.constant 0 : i32
        %dma_start3A_17 = tpu.memref_slice %arg6[%run_scoped3A, %mul3A_2, %dma_start3A] : memref<2x10240x128xf32, #tpu.memory_space<hbm>> -> memref<1x640x128xf32, #tpu.memory_space<hbm>>
        %dma_start3A_18 = tpu.memref_squeeze %dma_start3A_17 : memref<1x640x128xf32, #tpu.memory_space<hbm>> -> memref<640x128xf32, #tpu.memory_space<hbm>>
        %dma_start3A_19 = arith.constant 0 : i32
        %dma_start3A_20 = tpu.memref_slice %arg10[%mul3A_2, %dma_start3A_19] : memref<10240x128xf32, #tpu.memory_space<vmem_shared>> -> memref<640x128xf32, #tpu.memory_space<vmem_shared>>
        tpu.enqueue_dma source(%dma_start3A_20 : memref<640x128xf32, #tpu.memory_space<vmem_shared>>) target(%dma_start3A_18 : memref<640x128xf32, #tpu.memory_space<hbm>>) target_semaphore(%run_scoped3A_16 : memref<!tpu.dma_semaphore, #tpu.memory_space<semaphore_mem>>)
        %dma_wait3A = arith.constant 0 : i32
        %dma_wait3A_21 = tpu.memref_slice %arg6[%run_scoped3A, %mul3A_2, %dma_wait3A] : memref<2x10240x128xf32, #tpu.memory_space<hbm>> -> memref<1x640x128xf32, #tpu.memory_space<hbm>>
        %dma_wait3A_22 = tpu.memref_squeeze %dma_wait3A_21 : memref<1x640x128xf32, #tpu.memory_space<hbm>> -> memref<640x128xf32, #tpu.memory_space<hbm>>
        %dma_wait3A_23 = arith.constant 0 : i32
        %dma_wait3A_24 = tpu.memref_slice %arg10[%mul3A_2, %dma_wait3A_23] : memref<10240x128xf32, #tpu.memory_space<vmem_shared>> -> memref<640x128xf32, #tpu.memory_space<vmem_shared>>
        tpu.wait_dma2 semaphore(%run_scoped3A_16 : memref<!tpu.dma_semaphore, #tpu.memory_space<semaphore_mem>>) src(%dma_wait3A_24 : memref<640x128xf32, #tpu.memory_space<vmem_shared>>) dst(%dma_wait3A_22 : memref<640x128xf32, #tpu.memory_space<hbm>>)
        tpu.yield
      }) : () -> ()
    } else {
    }
    return
  }
}

#map = affine_map<(d0, d1) -> (0)>
#map1 = affine_map<(d0, d1) -> (0, 0)>
#map2 = affine_map<(d0, d1) -> (0, 0, 0)>
module attributes {stable_mosaic.version = 14 : i64} {
  func.func @k(%arg0: i32, %arg1: i32, %arg2: memref<331776xi32, #tpu.memory_space<hbm>>, %arg3: memref<331776xi32, #tpu.memory_space<hbm>>, %arg4: memref<10240x128xf32, #tpu.memory_space<hbm>>, %arg5: memref<10240x128xf32, #tpu.memory_space<hbm>>, %arg6: memref<2x10240x128xf32, #tpu.memory_space<hbm>>, %arg7: memref<128xi32, #tpu.memory_space<vmem>>, %arg8: memref<128xi32, #tpu.memory_space<vmem>>, %arg9: memref<128x128xf32, #tpu.memory_space<vmem>>, %arg10: memref<10240x128xf32, #tpu.memory_space<vmem_shared>>, %arg11: memref<!tpu.dma_semaphore, #tpu.memory_space<semaphore_mem>>) attributes {dimension_semantics = [#tpu.dimension_semantics<core_parallel>, #tpu.dimension_semantics<subcore_parallel>], iteration_bounds = array<i64: 2, 16>, scalar_prefetch = 0 : i64, scratch_operands = 5 : i64, tpu.core_type = #tpu.core_type<sc_vector_subcore>, window_params = [{transform_indices = #map}, {transform_indices = #map}, {transform_indices = #map1}, {transform_indices = #map1}, {transform_indices = #map2}]} {
    %mul3A = arith.constant 16 : i32
    %mul3A_0 = arith.muli %arg0, %mul3A : i32
    %add3A = arith.addi %mul3A_0, %arg1 : i32
    %mul3A_1 = arith.constant 640 : i32
    %mul3A_2 = arith.muli %arg1, %mul3A_1 : i32
    "tpu.region"() ({
      %run_scoped3A = tpu.sem_alloc : memref<!tpu.dma_semaphore, #tpu.memory_space<semaphore_mem>>
      %dma_start3A = arith.constant 0 : i32
      %dma_start3A_16 = tpu.memref_slice %arg10[%mul3A_2, %dma_start3A] : memref<10240x128xf32, #tpu.memory_space<vmem_shared>> -> memref<640x128xf32, #tpu.memory_space<vmem_shared>>
      %dma_start3A_17 = arith.constant 0 : i32
      %dma_start3A_18 = tpu.memref_slice %arg5[%mul3A_2, %dma_start3A_17] : memref<10240x128xf32, #tpu.memory_space<hbm>> -> memref<640x128xf32, #tpu.memory_space<hbm>>
      tpu.enqueue_dma source(%dma_start3A_18 : memref<640x128xf32, #tpu.memory_space<hbm>>) target(%dma_start3A_16 : memref<640x128xf32, #tpu.memory_space<vmem_shared>>) target_semaphore(%run_scoped3A : memref<!tpu.dma_semaphore, #tpu.memory_space<semaphore_mem>>)
      %dma_wait3A = arith.constant 0 : i32
      %dma_wait3A_19 = tpu.memref_slice %arg10[%mul3A_2, %dma_wait3A] : memref<10240x128xf32, #tpu.memory_space<vmem_shared>> -> memref<640x128xf32, #tpu.memory_space<vmem_shared>>
      %dma_wait3A_20 = arith.constant 0 : i32
      %dma_wait3A_21 = tpu.memref_slice %arg5[%mul3A_2, %dma_wait3A_20] : memref<10240x128xf32, #tpu.memory_space<hbm>> -> memref<640x128xf32, #tpu.memory_space<hbm>>
      tpu.wait_dma2 semaphore(%run_scoped3A : memref<!tpu.dma_semaphore, #tpu.memory_space<semaphore_mem>>) src(%dma_wait3A_21 : memref<640x128xf32, #tpu.memory_space<hbm>>) dst(%dma_wait3A_19 : memref<640x128xf32, #tpu.memory_space<vmem_shared>>)
      tpu.yield
    }) : () -> ()
    %barrier3A = arith.constant 0 : index
    tpu.barrier barrier_id(%barrier3A)
    %scan3A = arith.constant 0 : i32
    %scan3A_3 = arith.constant 0 : i32
    %scan3A_4 = arith.constant 81 : i32
    %scan3A_5 = arith.addi %scan3A_3, %scan3A_4 : i32
    %scan3A_6 = arith.constant 1 : i32
    scf.for %scan3A_16 = %scan3A_3 to %scan3A_5 step %scan3A_6  : i32 {
      %mul3A_17 = arith.constant 10368 : i32
      %mul3A_18 = arith.muli %add3A, %mul3A_17 : i32
      %mul3A_19 = arith.constant 128 : i32
      %mul3A_20 = arith.muli %scan3A_16, %mul3A_19 : i32
      %add3A_21 = arith.addi %mul3A_18, %mul3A_20 : i32
      "tpu.region"() ({
        %run_scoped3A = tpu.sem_alloc : memref<!tpu.dma_semaphore, #tpu.memory_space<semaphore_mem>>
        %dma_start3A_26 = tpu.memref_slice %arg2[%add3A_21] : memref<331776xi32, #tpu.memory_space<hbm>> -> memref<128xi32, #tpu.memory_space<hbm>>
        %dma_start3A_27 = tpu.memref_slice %arg2[%add3A_21] : memref<331776xi32, #tpu.memory_space<hbm>> -> memref<128xi32, #tpu.memory_space<hbm>>
        tpu.enqueue_dma source(%dma_start3A_27 : memref<128xi32, #tpu.memory_space<hbm>>) target(%arg7 : memref<128xi32, #tpu.memory_space<vmem>>) target_semaphore(%run_scoped3A : memref<!tpu.dma_semaphore, #tpu.memory_space<semaphore_mem>>)
        %dma_wait3A_28 = tpu.memref_slice %arg2[%add3A_21] : memref<331776xi32, #tpu.memory_space<hbm>> -> memref<128xi32, #tpu.memory_space<hbm>>
        %dma_wait3A_29 = tpu.memref_slice %arg2[%add3A_21] : memref<331776xi32, #tpu.memory_space<hbm>> -> memref<128xi32, #tpu.memory_space<hbm>>
        tpu.wait_dma2 semaphore(%run_scoped3A : memref<!tpu.dma_semaphore, #tpu.memory_space<semaphore_mem>>) src(%dma_wait3A_29 : memref<128xi32, #tpu.memory_space<hbm>>) dst(%arg7 : memref<128xi32, #tpu.memory_space<vmem>>)
        tpu.yield
      }) : () -> ()
      "tpu.region"() ({
        %run_scoped3A = tpu.sem_alloc : memref<!tpu.dma_semaphore, #tpu.memory_space<semaphore_mem>>
        %dma_start3A_26 = tpu.memref_slice %arg3[%add3A_21] : memref<331776xi32, #tpu.memory_space<hbm>> -> memref<128xi32, #tpu.memory_space<hbm>>
        %dma_start3A_27 = tpu.memref_slice %arg3[%add3A_21] : memref<331776xi32, #tpu.memory_space<hbm>> -> memref<128xi32, #tpu.memory_space<hbm>>
        tpu.enqueue_dma source(%dma_start3A_27 : memref<128xi32, #tpu.memory_space<hbm>>) target(%arg8 : memref<128xi32, #tpu.memory_space<vmem>>) target_semaphore(%run_scoped3A : memref<!tpu.dma_semaphore, #tpu.memory_space<semaphore_mem>>)
        %dma_wait3A_28 = tpu.memref_slice %arg3[%add3A_21] : memref<331776xi32, #tpu.memory_space<hbm>> -> memref<128xi32, #tpu.memory_space<hbm>>
        %dma_wait3A_29 = tpu.memref_slice %arg3[%add3A_21] : memref<331776xi32, #tpu.memory_space<hbm>> -> memref<128xi32, #tpu.memory_space<hbm>>
        tpu.wait_dma2 semaphore(%run_scoped3A : memref<!tpu.dma_semaphore, #tpu.memory_space<semaphore_mem>>) src(%dma_wait3A_29 : memref<128xi32, #tpu.memory_space<hbm>>) dst(%arg8 : memref<128xi32, #tpu.memory_space<vmem>>)
        tpu.yield
      }) : () -> ()
      %dma_start3A = arith.constant 0 : i32
      %dma_start3A_22 = arith.constant 0 : i32
      %dma_start3A_23 = tpu.memref_slice %arg4[%dma_start3A, %dma_start3A_22] : memref<10240x128xf32, #tpu.memory_space<hbm>> -> memref<10240x128xf32, #tpu.memory_space<hbm>>
      tpu.enqueue_indirect_dma source(%dma_start3A_23 : memref<10240x128xf32, #tpu.memory_space<hbm>>) target(%arg9 : memref<128x128xf32, #tpu.memory_space<vmem>>) offsets(%arg7 : memref<128xi32, #tpu.memory_space<vmem>>) semaphore(%arg11 : memref<!tpu.dma_semaphore, #tpu.memory_space<semaphore_mem>>)
      %dma_wait3A = arith.constant 0 : i32
      %dma_wait3A_24 = arith.constant 0 : i32
      %dma_wait3A_25 = tpu.memref_slice %arg4[%dma_wait3A, %dma_wait3A_24] : memref<10240x128xf32, #tpu.memory_space<hbm>> -> memref<10240x128xf32, #tpu.memory_space<hbm>>
      tpu.wait_indirect_dma semaphore(%arg11 : memref<!tpu.dma_semaphore, #tpu.memory_space<semaphore_mem>>) src(%dma_wait3A_25 : memref<10240x128xf32, #tpu.memory_space<hbm>>) dst(%arg9 : memref<128x128xf32, #tpu.memory_space<vmem>>)
      "tpu.region"() ({
        %run_scoped3A = tpu.sem_alloc : memref<!tpu.dma_semaphore, #tpu.memory_space<semaphore_mem>>
        %dma_start3A_26 = arith.constant 0 : i32
        %dma_start3A_27 = arith.constant 0 : i32
        %dma_start3A_28 = tpu.memref_slice %arg10[%dma_start3A_26, %dma_start3A_27] : memref<10240x128xf32, #tpu.memory_space<vmem_shared>> -> memref<10240x128xf32, #tpu.memory_space<vmem_shared>>
        tpu.enqueue_indirect_dma source(%arg9 : memref<128x128xf32, #tpu.memory_space<vmem>>) target(%dma_start3A_28 : memref<10240x128xf32, #tpu.memory_space<vmem_shared>>) offsets(%arg8 : memref<128xi32, #tpu.memory_space<vmem>>) semaphore(%run_scoped3A : memref<!tpu.dma_semaphore, #tpu.memory_space<semaphore_mem>>) {add = true}
        %dma_wait3A_29 = arith.constant 0 : i32
        %dma_wait3A_30 = arith.constant 0 : i32
        %dma_wait3A_31 = tpu.memref_slice %arg10[%dma_wait3A_29, %dma_wait3A_30] : memref<10240x128xf32, #tpu.memory_space<vmem_shared>> -> memref<10240x128xf32, #tpu.memory_space<vmem_shared>>
        tpu.wait_indirect_dma semaphore(%run_scoped3A : memref<!tpu.dma_semaphore, #tpu.memory_space<semaphore_mem>>) src(%arg9 : memref<128x128xf32, #tpu.memory_space<vmem>>) dst(%dma_wait3A_31 : memref<10240x128xf32, #tpu.memory_space<vmem_shared>>)
        tpu.yield
      }) : () -> ()
    }
    %scan3A_7 = arith.constant 81 : i32
    %barrier3A_8 = arith.constant 0 : index
    tpu.barrier barrier_id(%barrier3A_8)
    %eq3A = arith.constant 0 : i32
    %eq3A_9 = arith.cmpi eq, %arg0, %eq3A : i32
    %convert_element_type3A = arith.extui %eq3A_9 : i1 to i32
    %cond3A = arith.constant 0 : i32
    %cond3A_10 = arith.cmpi ne, %convert_element_type3A, %cond3A : i32
    scf.if %cond3A_10 {
      %run_scoped3A = arith.constant 0 : i32
      "tpu.region"() ({
        %run_scoped3A_16 = tpu.sem_alloc : memref<!tpu.dma_semaphore, #tpu.memory_space<semaphore_mem>>
        %dma_start3A = arith.constant 0 : i32
        %dma_start3A_17 = tpu.memref_slice %arg6[%run_scoped3A, %mul3A_2, %dma_start3A] : memref<2x10240x128xf32, #tpu.memory_space<hbm>> -> memref<1x640x128xf32, #tpu.memory_space<hbm>>
        %dma_start3A_18 = tpu.memref_squeeze %dma_start3A_17 : memref<1x640x128xf32, #tpu.memory_space<hbm>> -> memref<640x128xf32, #tpu.memory_space<hbm>>
        %dma_start3A_19 = arith.constant 0 : i32
        %dma_start3A_20 = tpu.memref_slice %arg10[%mul3A_2, %dma_start3A_19] : memref<10240x128xf32, #tpu.memory_space<vmem_shared>> -> memref<640x128xf32, #tpu.memory_space<vmem_shared>>
        tpu.enqueue_dma source(%dma_start3A_20 : memref<640x128xf32, #tpu.memory_space<vmem_shared>>) target(%dma_start3A_18 : memref<640x128xf32, #tpu.memory_space<hbm>>) target_semaphore(%run_scoped3A_16 : memref<!tpu.dma_semaphore, #tpu.memory_space<semaphore_mem>>)
        %dma_wait3A = arith.constant 0 : i32
        %dma_wait3A_21 = tpu.memref_slice %arg6[%run_scoped3A, %mul3A_2, %dma_wait3A] : memref<2x10240x128xf32, #tpu.memory_space<hbm>> -> memref<1x640x128xf32, #tpu.memory_space<hbm>>
        %dma_wait3A_22 = tpu.memref_squeeze %dma_wait3A_21 : memref<1x640x128xf32, #tpu.memory_space<hbm>> -> memref<640x128xf32, #tpu.memory_space<hbm>>
        %dma_wait3A_23 = arith.constant 0 : i32
        %dma_wait3A_24 = tpu.memref_slice %arg10[%mul3A_2, %dma_wait3A_23] : memref<10240x128xf32, #tpu.memory_space<vmem_shared>> -> memref<640x128xf32, #tpu.memory_space<vmem_shared>>
        tpu.wait_dma2 semaphore(%run_scoped3A_16 : memref<!tpu.dma_semaphore, #tpu.memory_space<semaphore_mem>>) src(%dma_wait3A_24 : memref<640x128xf32, #tpu.memory_space<vmem_shared>>) dst(%dma_wait3A_22 : memref<640x128xf32, #tpu.memory_space<hbm>>)
        tpu.yield
      }) : () -> ()
    } else {
    }
    %eq3A_11 = arith.constant 1 : i32
    %eq3A_12 = arith.cmpi eq, %arg0, %eq3A_11 : i32
    %convert_element_type3A_13 = arith.extui %eq3A_12 : i1 to i32
    %cond3A_14 = arith.constant 0 : i32
    %cond3A_15 = arith.cmpi ne, %convert_element_type3A_13, %cond3A_14 : i32
    scf.if %cond3A_15 {
      %run_scoped3A = arith.constant 1 : i32
      "tpu.region"() ({
        %run_scoped3A_16 = tpu.sem_alloc : memref<!tpu.dma_semaphore, #tpu.memory_space<semaphore_mem>>
        %dma_start3A = arith.constant 0 : i32
        %dma_start3A_17 = tpu.memref_slice %arg6[%run_scoped3A, %mul3A_2, %dma_start3A] : memref<2x10240x128xf32, #tpu.memory_space<hbm>> -> memref<1x640x128xf32, #tpu.memory_space<hbm>>
        %dma_start3A_18 = tpu.memref_squeeze %dma_start3A_17 : memref<1x640x128xf32, #tpu.memory_space<hbm>> -> memref<640x128xf32, #tpu.memory_space<hbm>>
        %dma_start3A_19 = arith.constant 0 : i32
        %dma_start3A_20 = tpu.memref_slice %arg10[%mul3A_2, %dma_start3A_19] : memref<10240x128xf32, #tpu.memory_space<vmem_shared>> -> memref<640x128xf32, #tpu.memory_space<vmem_shared>>
        tpu.enqueue_dma source(%dma_start3A_20 : memref<640x128xf32, #tpu.memory_space<vmem_shared>>) target(%dma_start3A_18 : memref<640x128xf32, #tpu.memory_space<hbm>>) target_semaphore(%run_scoped3A_16 : memref<!tpu.dma_semaphore, #tpu.memory_space<semaphore_mem>>)
        %dma_wait3A = arith.constant 0 : i32
        %dma_wait3A_21 = tpu.memref_slice %arg6[%run_scoped3A, %mul3A_2, %dma_wait3A] : memref<2x10240x128xf32, #tpu.memory_space<hbm>> -> memref<1x640x128xf32, #tpu.memory_space<hbm>>
        %dma_wait3A_22 = tpu.memref_squeeze %dma_wait3A_21 : memref<1x640x128xf32, #tpu.memory_space<hbm>> -> memref<640x128xf32, #tpu.memory_space<hbm>>
        %dma_wait3A_23 = arith.constant 0 : i32
        %dma_wait3A_24 = tpu.memref_slice %arg10[%mul3A_2, %dma_wait3A_23] : memref<10240x128xf32, #tpu.memory_space<vmem_shared>> -> memref<640x128xf32, #tpu.memory_space<vmem_shared>>
        tpu.wait_dma2 semaphore(%run_scoped3A_16 : memref<!tpu.dma_semaphore, #tpu.memory_space<semaphore_mem>>) src(%dma_wait3A_24 : memref<640x128xf32, #tpu.memory_space<vmem_shared>>) dst(%dma_wait3A_22 : memref<640x128xf32, #tpu.memory_space<hbm>>)
        tpu.yield
      }) : () -> ()
    } else {
    }
    return
  }
}

#map = affine_map<(d0, d1) -> (0)>
#map1 = affine_map<(d0, d1) -> (0, 0)>
#map2 = affine_map<(d0, d1) -> (0, 0, 0)>
module attributes {stable_mosaic.version = 14 : i64} {
  func.func @k(%arg0: i32, %arg1: i32, %arg2: memref<172032xi32, #tpu.memory_space<hbm>>, %arg3: memref<172032xi32, #tpu.memory_space<hbm>>, %arg4: memref<10240x128xf32, #tpu.memory_space<hbm>>, %arg5: memref<10240x128xf32, #tpu.memory_space<hbm>>, %arg6: memref<2x10240x128xf32, #tpu.memory_space<hbm>>, %arg7: memref<128xi32, #tpu.memory_space<vmem>>, %arg8: memref<128xi32, #tpu.memory_space<vmem>>, %arg9: memref<128x128xf32, #tpu.memory_space<vmem>>, %arg10: memref<10240x128xf32, #tpu.memory_space<vmem_shared>>, %arg11: memref<!tpu.dma_semaphore, #tpu.memory_space<semaphore_mem>>) attributes {dimension_semantics = [#tpu.dimension_semantics<core_parallel>, #tpu.dimension_semantics<subcore_parallel>], iteration_bounds = array<i64: 2, 16>, scalar_prefetch = 0 : i64, scratch_operands = 5 : i64, tpu.core_type = #tpu.core_type<sc_vector_subcore>, window_params = [{transform_indices = #map}, {transform_indices = #map}, {transform_indices = #map1}, {transform_indices = #map1}, {transform_indices = #map2}]} {
    %mul3A = arith.constant 16 : i32
    %mul3A_0 = arith.muli %arg0, %mul3A : i32
    %add3A = arith.addi %mul3A_0, %arg1 : i32
    %mul3A_1 = arith.constant 640 : i32
    %mul3A_2 = arith.muli %arg1, %mul3A_1 : i32
    "tpu.region"() ({
      %run_scoped3A = tpu.sem_alloc : memref<!tpu.dma_semaphore, #tpu.memory_space<semaphore_mem>>
      %dma_start3A = arith.constant 0 : i32
      %dma_start3A_16 = tpu.memref_slice %arg10[%mul3A_2, %dma_start3A] : memref<10240x128xf32, #tpu.memory_space<vmem_shared>> -> memref<640x128xf32, #tpu.memory_space<vmem_shared>>
      %dma_start3A_17 = arith.constant 0 : i32
      %dma_start3A_18 = tpu.memref_slice %arg5[%mul3A_2, %dma_start3A_17] : memref<10240x128xf32, #tpu.memory_space<hbm>> -> memref<640x128xf32, #tpu.memory_space<hbm>>
      tpu.enqueue_dma source(%dma_start3A_18 : memref<640x128xf32, #tpu.memory_space<hbm>>) target(%dma_start3A_16 : memref<640x128xf32, #tpu.memory_space<vmem_shared>>) target_semaphore(%run_scoped3A : memref<!tpu.dma_semaphore, #tpu.memory_space<semaphore_mem>>)
      %dma_wait3A = arith.constant 0 : i32
      %dma_wait3A_19 = tpu.memref_slice %arg10[%mul3A_2, %dma_wait3A] : memref<10240x128xf32, #tpu.memory_space<vmem_shared>> -> memref<640x128xf32, #tpu.memory_space<vmem_shared>>
      %dma_wait3A_20 = arith.constant 0 : i32
      %dma_wait3A_21 = tpu.memref_slice %arg5[%mul3A_2, %dma_wait3A_20] : memref<10240x128xf32, #tpu.memory_space<hbm>> -> memref<640x128xf32, #tpu.memory_space<hbm>>
      tpu.wait_dma2 semaphore(%run_scoped3A : memref<!tpu.dma_semaphore, #tpu.memory_space<semaphore_mem>>) src(%dma_wait3A_21 : memref<640x128xf32, #tpu.memory_space<hbm>>) dst(%dma_wait3A_19 : memref<640x128xf32, #tpu.memory_space<vmem_shared>>)
      tpu.yield
    }) : () -> ()
    %barrier3A = arith.constant 0 : index
    tpu.barrier barrier_id(%barrier3A)
    %scan3A = arith.constant 0 : i32
    %scan3A_3 = arith.constant 0 : i32
    %scan3A_4 = arith.constant 42 : i32
    %scan3A_5 = arith.addi %scan3A_3, %scan3A_4 : i32
    %scan3A_6 = arith.constant 1 : i32
    scf.for %scan3A_16 = %scan3A_3 to %scan3A_5 step %scan3A_6  : i32 {
      %mul3A_17 = arith.constant 5376 : i32
      %mul3A_18 = arith.muli %add3A, %mul3A_17 : i32
      %mul3A_19 = arith.constant 128 : i32
      %mul3A_20 = arith.muli %scan3A_16, %mul3A_19 : i32
      %add3A_21 = arith.addi %mul3A_18, %mul3A_20 : i32
      "tpu.region"() ({
        %run_scoped3A = tpu.sem_alloc : memref<!tpu.dma_semaphore, #tpu.memory_space<semaphore_mem>>
        %dma_start3A_26 = tpu.memref_slice %arg2[%add3A_21] : memref<172032xi32, #tpu.memory_space<hbm>> -> memref<128xi32, #tpu.memory_space<hbm>>
        %dma_start3A_27 = tpu.memref_slice %arg2[%add3A_21] : memref<172032xi32, #tpu.memory_space<hbm>> -> memref<128xi32, #tpu.memory_space<hbm>>
        tpu.enqueue_dma source(%dma_start3A_27 : memref<128xi32, #tpu.memory_space<hbm>>) target(%arg7 : memref<128xi32, #tpu.memory_space<vmem>>) target_semaphore(%run_scoped3A : memref<!tpu.dma_semaphore, #tpu.memory_space<semaphore_mem>>)
        %dma_wait3A_28 = tpu.memref_slice %arg2[%add3A_21] : memref<172032xi32, #tpu.memory_space<hbm>> -> memref<128xi32, #tpu.memory_space<hbm>>
        %dma_wait3A_29 = tpu.memref_slice %arg2[%add3A_21] : memref<172032xi32, #tpu.memory_space<hbm>> -> memref<128xi32, #tpu.memory_space<hbm>>
        tpu.wait_dma2 semaphore(%run_scoped3A : memref<!tpu.dma_semaphore, #tpu.memory_space<semaphore_mem>>) src(%dma_wait3A_29 : memref<128xi32, #tpu.memory_space<hbm>>) dst(%arg7 : memref<128xi32, #tpu.memory_space<vmem>>)
        tpu.yield
      }) : () -> ()
      "tpu.region"() ({
        %run_scoped3A = tpu.sem_alloc : memref<!tpu.dma_semaphore, #tpu.memory_space<semaphore_mem>>
        %dma_start3A_26 = tpu.memref_slice %arg3[%add3A_21] : memref<172032xi32, #tpu.memory_space<hbm>> -> memref<128xi32, #tpu.memory_space<hbm>>
        %dma_start3A_27 = tpu.memref_slice %arg3[%add3A_21] : memref<172032xi32, #tpu.memory_space<hbm>> -> memref<128xi32, #tpu.memory_space<hbm>>
        tpu.enqueue_dma source(%dma_start3A_27 : memref<128xi32, #tpu.memory_space<hbm>>) target(%arg8 : memref<128xi32, #tpu.memory_space<vmem>>) target_semaphore(%run_scoped3A : memref<!tpu.dma_semaphore, #tpu.memory_space<semaphore_mem>>)
        %dma_wait3A_28 = tpu.memref_slice %arg3[%add3A_21] : memref<172032xi32, #tpu.memory_space<hbm>> -> memref<128xi32, #tpu.memory_space<hbm>>
        %dma_wait3A_29 = tpu.memref_slice %arg3[%add3A_21] : memref<172032xi32, #tpu.memory_space<hbm>> -> memref<128xi32, #tpu.memory_space<hbm>>
        tpu.wait_dma2 semaphore(%run_scoped3A : memref<!tpu.dma_semaphore, #tpu.memory_space<semaphore_mem>>) src(%dma_wait3A_29 : memref<128xi32, #tpu.memory_space<hbm>>) dst(%arg8 : memref<128xi32, #tpu.memory_space<vmem>>)
        tpu.yield
      }) : () -> ()
      %dma_start3A = arith.constant 0 : i32
      %dma_start3A_22 = arith.constant 0 : i32
      %dma_start3A_23 = tpu.memref_slice %arg4[%dma_start3A, %dma_start3A_22] : memref<10240x128xf32, #tpu.memory_space<hbm>> -> memref<10240x128xf32, #tpu.memory_space<hbm>>
      tpu.enqueue_indirect_dma source(%dma_start3A_23 : memref<10240x128xf32, #tpu.memory_space<hbm>>) target(%arg9 : memref<128x128xf32, #tpu.memory_space<vmem>>) offsets(%arg7 : memref<128xi32, #tpu.memory_space<vmem>>) semaphore(%arg11 : memref<!tpu.dma_semaphore, #tpu.memory_space<semaphore_mem>>)
      %dma_wait3A = arith.constant 0 : i32
      %dma_wait3A_24 = arith.constant 0 : i32
      %dma_wait3A_25 = tpu.memref_slice %arg4[%dma_wait3A, %dma_wait3A_24] : memref<10240x128xf32, #tpu.memory_space<hbm>> -> memref<10240x128xf32, #tpu.memory_space<hbm>>
      tpu.wait_indirect_dma semaphore(%arg11 : memref<!tpu.dma_semaphore, #tpu.memory_space<semaphore_mem>>) src(%dma_wait3A_25 : memref<10240x128xf32, #tpu.memory_space<hbm>>) dst(%arg9 : memref<128x128xf32, #tpu.memory_space<vmem>>)
      "tpu.region"() ({
        %run_scoped3A = tpu.sem_alloc : memref<!tpu.dma_semaphore, #tpu.memory_space<semaphore_mem>>
        %dma_start3A_26 = arith.constant 0 : i32
        %dma_start3A_27 = arith.constant 0 : i32
        %dma_start3A_28 = tpu.memref_slice %arg10[%dma_start3A_26, %dma_start3A_27] : memref<10240x128xf32, #tpu.memory_space<vmem_shared>> -> memref<10240x128xf32, #tpu.memory_space<vmem_shared>>
        tpu.enqueue_indirect_dma source(%arg9 : memref<128x128xf32, #tpu.memory_space<vmem>>) target(%dma_start3A_28 : memref<10240x128xf32, #tpu.memory_space<vmem_shared>>) offsets(%arg8 : memref<128xi32, #tpu.memory_space<vmem>>) semaphore(%run_scoped3A : memref<!tpu.dma_semaphore, #tpu.memory_space<semaphore_mem>>) {add = true}
        %dma_wait3A_29 = arith.constant 0 : i32
        %dma_wait3A_30 = arith.constant 0 : i32
        %dma_wait3A_31 = tpu.memref_slice %arg10[%dma_wait3A_29, %dma_wait3A_30] : memref<10240x128xf32, #tpu.memory_space<vmem_shared>> -> memref<10240x128xf32, #tpu.memory_space<vmem_shared>>
        tpu.wait_indirect_dma semaphore(%run_scoped3A : memref<!tpu.dma_semaphore, #tpu.memory_space<semaphore_mem>>) src(%arg9 : memref<128x128xf32, #tpu.memory_space<vmem>>) dst(%dma_wait3A_31 : memref<10240x128xf32, #tpu.memory_space<vmem_shared>>)
        tpu.yield
      }) : () -> ()
    }
    %scan3A_7 = arith.constant 42 : i32
    %barrier3A_8 = arith.constant 0 : index
    tpu.barrier barrier_id(%barrier3A_8)
    %eq3A = arith.constant 0 : i32
    %eq3A_9 = arith.cmpi eq, %arg0, %eq3A : i32
    %convert_element_type3A = arith.extui %eq3A_9 : i1 to i32
    %cond3A = arith.constant 0 : i32
    %cond3A_10 = arith.cmpi ne, %convert_element_type3A, %cond3A : i32
    scf.if %cond3A_10 {
      %run_scoped3A = arith.constant 0 : i32
      "tpu.region"() ({
        %run_scoped3A_16 = tpu.sem_alloc : memref<!tpu.dma_semaphore, #tpu.memory_space<semaphore_mem>>
        %dma_start3A = arith.constant 0 : i32
        %dma_start3A_17 = tpu.memref_slice %arg6[%run_scoped3A, %mul3A_2, %dma_start3A] : memref<2x10240x128xf32, #tpu.memory_space<hbm>> -> memref<1x640x128xf32, #tpu.memory_space<hbm>>
        %dma_start3A_18 = tpu.memref_squeeze %dma_start3A_17 : memref<1x640x128xf32, #tpu.memory_space<hbm>> -> memref<640x128xf32, #tpu.memory_space<hbm>>
        %dma_start3A_19 = arith.constant 0 : i32
        %dma_start3A_20 = tpu.memref_slice %arg10[%mul3A_2, %dma_start3A_19] : memref<10240x128xf32, #tpu.memory_space<vmem_shared>> -> memref<640x128xf32, #tpu.memory_space<vmem_shared>>
        tpu.enqueue_dma source(%dma_start3A_20 : memref<640x128xf32, #tpu.memory_space<vmem_shared>>) target(%dma_start3A_18 : memref<640x128xf32, #tpu.memory_space<hbm>>) target_semaphore(%run_scoped3A_16 : memref<!tpu.dma_semaphore, #tpu.memory_space<semaphore_mem>>)
        %dma_wait3A = arith.constant 0 : i32
        %dma_wait3A_21 = tpu.memref_slice %arg6[%run_scoped3A, %mul3A_2, %dma_wait3A] : memref<2x10240x128xf32, #tpu.memory_space<hbm>> -> memref<1x640x128xf32, #tpu.memory_space<hbm>>
        %dma_wait3A_22 = tpu.memref_squeeze %dma_wait3A_21 : memref<1x640x128xf32, #tpu.memory_space<hbm>> -> memref<640x128xf32, #tpu.memory_space<hbm>>
        %dma_wait3A_23 = arith.constant 0 : i32
        %dma_wait3A_24 = tpu.memref_slice %arg10[%mul3A_2, %dma_wait3A_23] : memref<10240x128xf32, #tpu.memory_space<vmem_shared>> -> memref<640x128xf32, #tpu.memory_space<vmem_shared>>
        tpu.wait_dma2 semaphore(%run_scoped3A_16 : memref<!tpu.dma_semaphore, #tpu.memory_space<semaphore_mem>>) src(%dma_wait3A_24 : memref<640x128xf32, #tpu.memory_space<vmem_shared>>) dst(%dma_wait3A_22 : memref<640x128xf32, #tpu.memory_space<hbm>>)
        tpu.yield
      }) : () -> ()
    } else {
    }
    %eq3A_11 = arith.constant 1 : i32
    %eq3A_12 = arith.cmpi eq, %arg0, %eq3A_11 : i32
    %convert_element_type3A_13 = arith.extui %eq3A_12 : i1 to i32
    %cond3A_14 = arith.constant 0 : i32
    %cond3A_15 = arith.cmpi ne, %convert_element_type3A_13, %cond3A_14 : i32
    scf.if %cond3A_15 {
      %run_scoped3A = arith.constant 1 : i32
      "tpu.region"() ({
        %run_scoped3A_16 = tpu.sem_alloc : memref<!tpu.dma_semaphore, #tpu.memory_space<semaphore_mem>>
        %dma_start3A = arith.constant 0 : i32
        %dma_start3A_17 = tpu.memref_slice %arg6[%run_scoped3A, %mul3A_2, %dma_start3A] : memref<2x10240x128xf32, #tpu.memory_space<hbm>> -> memref<1x640x128xf32, #tpu.memory_space<hbm>>
        %dma_start3A_18 = tpu.memref_squeeze %dma_start3A_17 : memref<1x640x128xf32, #tpu.memory_space<hbm>> -> memref<640x128xf32, #tpu.memory_space<hbm>>
        %dma_start3A_19 = arith.constant 0 : i32
        %dma_start3A_20 = tpu.memref_slice %arg10[%mul3A_2, %dma_start3A_19] : memref<10240x128xf32, #tpu.memory_space<vmem_shared>> -> memref<640x128xf32, #tpu.memory_space<vmem_shared>>
        tpu.enqueue_dma source(%dma_start3A_20 : memref<640x128xf32, #tpu.memory_space<vmem_shared>>) target(%dma_start3A_18 : memref<640x128xf32, #tpu.memory_space<hbm>>) target_semaphore(%run_scoped3A_16 : memref<!tpu.dma_semaphore, #tpu.memory_space<semaphore_mem>>)
        %dma_wait3A = arith.constant 0 : i32
        %dma_wait3A_21 = tpu.memref_slice %arg6[%run_scoped3A, %mul3A_2, %dma_wait3A] : memref<2x10240x128xf32, #tpu.memory_space<hbm>> -> memref<1x640x128xf32, #tpu.memory_space<hbm>>
        %dma_wait3A_22 = tpu.memref_squeeze %dma_wait3A_21 : memref<1x640x128xf32, #tpu.memory_space<hbm>> -> memref<640x128xf32, #tpu.memory_space<hbm>>
        %dma_wait3A_23 = arith.constant 0 : i32
        %dma_wait3A_24 = tpu.memref_slice %arg10[%mul3A_2, %dma_wait3A_23] : memref<10240x128xf32, #tpu.memory_space<vmem_shared>> -> memref<640x128xf32, #tpu.memory_space<vmem_shared>>
        tpu.wait_dma2 semaphore(%run_scoped3A_16 : memref<!tpu.dma_semaphore, #tpu.memory_space<semaphore_mem>>) src(%dma_wait3A_24 : memref<640x128xf32, #tpu.memory_space<vmem_shared>>) dst(%dma_wait3A_22 : memref<640x128xf32, #tpu.memory_space<hbm>>)
        tpu.yield
      }) : () -> ()
    } else {
    }
    return
  }
}

#map = affine_map<(d0, d1) -> (0)>
#map1 = affine_map<(d0, d1) -> (0, 0)>
#map2 = affine_map<(d0, d1) -> (0, 0, 0)>
module attributes {stable_mosaic.version = 14 : i64} {
  func.func @k(%arg0: i32, %arg1: i32, %arg2: memref<331776xi32, #tpu.memory_space<hbm>>, %arg3: memref<331776xi32, #tpu.memory_space<hbm>>, %arg4: memref<10240x128xf32, #tpu.memory_space<hbm>>, %arg5: memref<10240x128xf32, #tpu.memory_space<hbm>>, %arg6: memref<2x10240x128xf32, #tpu.memory_space<hbm>>, %arg7: memref<128xi32, #tpu.memory_space<vmem>>, %arg8: memref<128xi32, #tpu.memory_space<vmem>>, %arg9: memref<128x128xf32, #tpu.memory_space<vmem>>, %arg10: memref<10240x128xf32, #tpu.memory_space<vmem_shared>>, %arg11: memref<!tpu.dma_semaphore, #tpu.memory_space<semaphore_mem>>) attributes {dimension_semantics = [#tpu.dimension_semantics<core_parallel>, #tpu.dimension_semantics<subcore_parallel>], iteration_bounds = array<i64: 2, 16>, scalar_prefetch = 0 : i64, scratch_operands = 5 : i64, tpu.core_type = #tpu.core_type<sc_vector_subcore>, window_params = [{transform_indices = #map}, {transform_indices = #map}, {transform_indices = #map1}, {transform_indices = #map1}, {transform_indices = #map2}]} {
    %mul3A = arith.constant 16 : i32
    %mul3A_0 = arith.muli %arg0, %mul3A : i32
    %add3A = arith.addi %mul3A_0, %arg1 : i32
    %mul3A_1 = arith.constant 640 : i32
    %mul3A_2 = arith.muli %arg1, %mul3A_1 : i32
    "tpu.region"() ({
      %run_scoped3A = tpu.sem_alloc : memref<!tpu.dma_semaphore, #tpu.memory_space<semaphore_mem>>
      %dma_start3A = arith.constant 0 : i32
      %dma_start3A_16 = tpu.memref_slice %arg10[%mul3A_2, %dma_start3A] : memref<10240x128xf32, #tpu.memory_space<vmem_shared>> -> memref<640x128xf32, #tpu.memory_space<vmem_shared>>
      %dma_start3A_17 = arith.constant 0 : i32
      %dma_start3A_18 = tpu.memref_slice %arg5[%mul3A_2, %dma_start3A_17] : memref<10240x128xf32, #tpu.memory_space<hbm>> -> memref<640x128xf32, #tpu.memory_space<hbm>>
      tpu.enqueue_dma source(%dma_start3A_18 : memref<640x128xf32, #tpu.memory_space<hbm>>) target(%dma_start3A_16 : memref<640x128xf32, #tpu.memory_space<vmem_shared>>) target_semaphore(%run_scoped3A : memref<!tpu.dma_semaphore, #tpu.memory_space<semaphore_mem>>)
      %dma_wait3A = arith.constant 0 : i32
      %dma_wait3A_19 = tpu.memref_slice %arg10[%mul3A_2, %dma_wait3A] : memref<10240x128xf32, #tpu.memory_space<vmem_shared>> -> memref<640x128xf32, #tpu.memory_space<vmem_shared>>
      %dma_wait3A_20 = arith.constant 0 : i32
      %dma_wait3A_21 = tpu.memref_slice %arg5[%mul3A_2, %dma_wait3A_20] : memref<10240x128xf32, #tpu.memory_space<hbm>> -> memref<640x128xf32, #tpu.memory_space<hbm>>
      tpu.wait_dma2 semaphore(%run_scoped3A : memref<!tpu.dma_semaphore, #tpu.memory_space<semaphore_mem>>) src(%dma_wait3A_21 : memref<640x128xf32, #tpu.memory_space<hbm>>) dst(%dma_wait3A_19 : memref<640x128xf32, #tpu.memory_space<vmem_shared>>)
      tpu.yield
    }) : () -> ()
    %barrier3A = arith.constant 0 : index
    tpu.barrier barrier_id(%barrier3A)
    %scan3A = arith.constant 0 : i32
    %scan3A_3 = arith.constant 0 : i32
    %scan3A_4 = arith.constant 81 : i32
    %scan3A_5 = arith.addi %scan3A_3, %scan3A_4 : i32
    %scan3A_6 = arith.constant 1 : i32
    scf.for %scan3A_16 = %scan3A_3 to %scan3A_5 step %scan3A_6  : i32 {
      %mul3A_17 = arith.constant 10368 : i32
      %mul3A_18 = arith.muli %add3A, %mul3A_17 : i32
      %mul3A_19 = arith.constant 128 : i32
      %mul3A_20 = arith.muli %scan3A_16, %mul3A_19 : i32
      %add3A_21 = arith.addi %mul3A_18, %mul3A_20 : i32
      "tpu.region"() ({
        %run_scoped3A = tpu.sem_alloc : memref<!tpu.dma_semaphore, #tpu.memory_space<semaphore_mem>>
        %dma_start3A_26 = tpu.memref_slice %arg2[%add3A_21] : memref<331776xi32, #tpu.memory_space<hbm>> -> memref<128xi32, #tpu.memory_space<hbm>>
        %dma_start3A_27 = tpu.memref_slice %arg2[%add3A_21] : memref<331776xi32, #tpu.memory_space<hbm>> -> memref<128xi32, #tpu.memory_space<hbm>>
        tpu.enqueue_dma source(%dma_start3A_27 : memref<128xi32, #tpu.memory_space<hbm>>) target(%arg7 : memref<128xi32, #tpu.memory_space<vmem>>) target_semaphore(%run_scoped3A : memref<!tpu.dma_semaphore, #tpu.memory_space<semaphore_mem>>)
        %dma_wait3A_28 = tpu.memref_slice %arg2[%add3A_21] : memref<331776xi32, #tpu.memory_space<hbm>> -> memref<128xi32, #tpu.memory_space<hbm>>
        %dma_wait3A_29 = tpu.memref_slice %arg2[%add3A_21] : memref<331776xi32, #tpu.memory_space<hbm>> -> memref<128xi32, #tpu.memory_space<hbm>>
        tpu.wait_dma2 semaphore(%run_scoped3A : memref<!tpu.dma_semaphore, #tpu.memory_space<semaphore_mem>>) src(%dma_wait3A_29 : memref<128xi32, #tpu.memory_space<hbm>>) dst(%arg7 : memref<128xi32, #tpu.memory_space<vmem>>)
        tpu.yield
      }) : () -> ()
      "tpu.region"() ({
        %run_scoped3A = tpu.sem_alloc : memref<!tpu.dma_semaphore, #tpu.memory_space<semaphore_mem>>
        %dma_start3A_26 = tpu.memref_slice %arg3[%add3A_21] : memref<331776xi32, #tpu.memory_space<hbm>> -> memref<128xi32, #tpu.memory_space<hbm>>
        %dma_start3A_27 = tpu.memref_slice %arg3[%add3A_21] : memref<331776xi32, #tpu.memory_space<hbm>> -> memref<128xi32, #tpu.memory_space<hbm>>
        tpu.enqueue_dma source(%dma_start3A_27 : memref<128xi32, #tpu.memory_space<hbm>>) target(%arg8 : memref<128xi32, #tpu.memory_space<vmem>>) target_semaphore(%run_scoped3A : memref<!tpu.dma_semaphore, #tpu.memory_space<semaphore_mem>>)
        %dma_wait3A_28 = tpu.memref_slice %arg3[%add3A_21] : memref<331776xi32, #tpu.memory_space<hbm>> -> memref<128xi32, #tpu.memory_space<hbm>>
        %dma_wait3A_29 = tpu.memref_slice %arg3[%add3A_21] : memref<331776xi32, #tpu.memory_space<hbm>> -> memref<128xi32, #tpu.memory_space<hbm>>
        tpu.wait_dma2 semaphore(%run_scoped3A : memref<!tpu.dma_semaphore, #tpu.memory_space<semaphore_mem>>) src(%dma_wait3A_29 : memref<128xi32, #tpu.memory_space<hbm>>) dst(%arg8 : memref<128xi32, #tpu.memory_space<vmem>>)
        tpu.yield
      }) : () -> ()
      %dma_start3A = arith.constant 0 : i32
      %dma_start3A_22 = arith.constant 0 : i32
      %dma_start3A_23 = tpu.memref_slice %arg4[%dma_start3A, %dma_start3A_22] : memref<10240x128xf32, #tpu.memory_space<hbm>> -> memref<10240x128xf32, #tpu.memory_space<hbm>>
      tpu.enqueue_indirect_dma source(%dma_start3A_23 : memref<10240x128xf32, #tpu.memory_space<hbm>>) target(%arg9 : memref<128x128xf32, #tpu.memory_space<vmem>>) offsets(%arg7 : memref<128xi32, #tpu.memory_space<vmem>>) semaphore(%arg11 : memref<!tpu.dma_semaphore, #tpu.memory_space<semaphore_mem>>)
      %dma_wait3A = arith.constant 0 : i32
      %dma_wait3A_24 = arith.constant 0 : i32
      %dma_wait3A_25 = tpu.memref_slice %arg4[%dma_wait3A, %dma_wait3A_24] : memref<10240x128xf32, #tpu.memory_space<hbm>> -> memref<10240x128xf32, #tpu.memory_space<hbm>>
      tpu.wait_indirect_dma semaphore(%arg11 : memref<!tpu.dma_semaphore, #tpu.memory_space<semaphore_mem>>) src(%dma_wait3A_25 : memref<10240x128xf32, #tpu.memory_space<hbm>>) dst(%arg9 : memref<128x128xf32, #tpu.memory_space<vmem>>)
      "tpu.region"() ({
        %run_scoped3A = tpu.sem_alloc : memref<!tpu.dma_semaphore, #tpu.memory_space<semaphore_mem>>
        %dma_start3A_26 = arith.constant 0 : i32
        %dma_start3A_27 = arith.constant 0 : i32
        %dma_start3A_28 = tpu.memref_slice %arg10[%dma_start3A_26, %dma_start3A_27] : memref<10240x128xf32, #tpu.memory_space<vmem_shared>> -> memref<10240x128xf32, #tpu.memory_space<vmem_shared>>
        tpu.enqueue_indirect_dma source(%arg9 : memref<128x128xf32, #tpu.memory_space<vmem>>) target(%dma_start3A_28 : memref<10240x128xf32, #tpu.memory_space<vmem_shared>>) offsets(%arg8 : memref<128xi32, #tpu.memory_space<vmem>>) semaphore(%run_scoped3A : memref<!tpu.dma_semaphore, #tpu.memory_space<semaphore_mem>>) {add = true}
        %dma_wait3A_29 = arith.constant 0 : i32
        %dma_wait3A_30 = arith.constant 0 : i32
        %dma_wait3A_31 = tpu.memref_slice %arg10[%dma_wait3A_29, %dma_wait3A_30] : memref<10240x128xf32, #tpu.memory_space<vmem_shared>> -> memref<10240x128xf32, #tpu.memory_space<vmem_shared>>
        tpu.wait_indirect_dma semaphore(%run_scoped3A : memref<!tpu.dma_semaphore, #tpu.memory_space<semaphore_mem>>) src(%arg9 : memref<128x128xf32, #tpu.memory_space<vmem>>) dst(%dma_wait3A_31 : memref<10240x128xf32, #tpu.memory_space<vmem_shared>>)
        tpu.yield
      }) : () -> ()
    }
    %scan3A_7 = arith.constant 81 : i32
    %barrier3A_8 = arith.constant 0 : index
    tpu.barrier barrier_id(%barrier3A_8)
    %eq3A = arith.constant 0 : i32
    %eq3A_9 = arith.cmpi eq, %arg0, %eq3A : i32
    %convert_element_type3A = arith.extui %eq3A_9 : i1 to i32
    %cond3A = arith.constant 0 : i32
    %cond3A_10 = arith.cmpi ne, %convert_element_type3A, %cond3A : i32
    scf.if %cond3A_10 {
      %run_scoped3A = arith.constant 0 : i32
      "tpu.region"() ({
        %run_scoped3A_16 = tpu.sem_alloc : memref<!tpu.dma_semaphore, #tpu.memory_space<semaphore_mem>>
        %dma_start3A = arith.constant 0 : i32
        %dma_start3A_17 = tpu.memref_slice %arg6[%run_scoped3A, %mul3A_2, %dma_start3A] : memref<2x10240x128xf32, #tpu.memory_space<hbm>> -> memref<1x640x128xf32, #tpu.memory_space<hbm>>
        %dma_start3A_18 = tpu.memref_squeeze %dma_start3A_17 : memref<1x640x128xf32, #tpu.memory_space<hbm>> -> memref<640x128xf32, #tpu.memory_space<hbm>>
        %dma_start3A_19 = arith.constant 0 : i32
        %dma_start3A_20 = tpu.memref_slice %arg10[%mul3A_2, %dma_start3A_19] : memref<10240x128xf32, #tpu.memory_space<vmem_shared>> -> memref<640x128xf32, #tpu.memory_space<vmem_shared>>
        tpu.enqueue_dma source(%dma_start3A_20 : memref<640x128xf32, #tpu.memory_space<vmem_shared>>) target(%dma_start3A_18 : memref<640x128xf32, #tpu.memory_space<hbm>>) target_semaphore(%run_scoped3A_16 : memref<!tpu.dma_semaphore, #tpu.memory_space<semaphore_mem>>)
        %dma_wait3A = arith.constant 0 : i32
        %dma_wait3A_21 = tpu.memref_slice %arg6[%run_scoped3A, %mul3A_2, %dma_wait3A] : memref<2x10240x128xf32, #tpu.memory_space<hbm>> -> memref<1x640x128xf32, #tpu.memory_space<hbm>>
        %dma_wait3A_22 = tpu.memref_squeeze %dma_wait3A_21 : memref<1x640x128xf32, #tpu.memory_space<hbm>> -> memref<640x128xf32, #tpu.memory_space<hbm>>
        %dma_wait3A_23 = arith.constant 0 : i32
        %dma_wait3A_24 = tpu.memref_slice %arg10[%mul3A_2, %dma_wait3A_23] : memref<10240x128xf32, #tpu.memory_space<vmem_shared>> -> memref<640x128xf32, #tpu.memory_space<vmem_shared>>
        tpu.wait_dma2 semaphore(%run_scoped3A_16 : memref<!tpu.dma_semaphore, #tpu.memory_space<semaphore_mem>>) src(%dma_wait3A_24 : memref<640x128xf32, #tpu.memory_space<vmem_shared>>) dst(%dma_wait3A_22 : memref<640x128xf32, #tpu.memory_space<hbm>>)
        tpu.yield
      }) : () -> ()
    } else {
    }
    %eq3A_11 = arith.constant 1 : i32
    %eq3A_12 = arith.cmpi eq, %arg0, %eq3A_11 : i32
    %convert_element_type3A_13 = arith.extui %eq3A_12 : i1 to i32
    %cond3A_14 = arith.constant 0 : i32
    %cond3A_15 = arith.cmpi ne, %convert_element_type3A_13, %cond3A_14 : i32
    scf.if %cond3A_15 {
      %run_scoped3A = arith.constant 1 : i32
      "tpu.region"() ({
        %run_scoped3A_16 = tpu.sem_alloc : memref<!tpu.dma_semaphore, #tpu.memory_space<semaphore_mem>>
        %dma_start3A = arith.constant 0 : i32
        %dma_start3A_17 = tpu.memref_slice %arg6[%run_scoped3A, %mul3A_2, %dma_start3A] : memref<2x10240x128xf32, #tpu.memory_space<hbm>> -> memref<1x640x128xf32, #tpu.memory_space<hbm>>
        %dma_start3A_18 = tpu.memref_squeeze %dma_start3A_17 : memref<1x640x128xf32, #tpu.memory_space<hbm>> -> memref<640x128xf32, #tpu.memory_space<hbm>>
        %dma_start3A_19 = arith.constant 0 : i32
        %dma_start3A_20 = tpu.memref_slice %arg10[%mul3A_2, %dma_start3A_19] : memref<10240x128xf32, #tpu.memory_space<vmem_shared>> -> memref<640x128xf32, #tpu.memory_space<vmem_shared>>
        tpu.enqueue_dma source(%dma_start3A_20 : memref<640x128xf32, #tpu.memory_space<vmem_shared>>) target(%dma_start3A_18 : memref<640x128xf32, #tpu.memory_space<hbm>>) target_semaphore(%run_scoped3A_16 : memref<!tpu.dma_semaphore, #tpu.memory_space<semaphore_mem>>)
        %dma_wait3A = arith.constant 0 : i32
        %dma_wait3A_21 = tpu.memref_slice %arg6[%run_scoped3A, %mul3A_2, %dma_wait3A] : memref<2x10240x128xf32, #tpu.memory_space<hbm>> -> memref<1x640x128xf32, #tpu.memory_space<hbm>>
        %dma_wait3A_22 = tpu.memref_squeeze %dma_wait3A_21 : memref<1x640x128xf32, #tpu.memory_space<hbm>> -> memref<640x128xf32, #tpu.memory_space<hbm>>
        %dma_wait3A_23 = arith.constant 0 : i32
        %dma_wait3A_24 = tpu.memref_slice %arg10[%mul3A_2, %dma_wait3A_23] : memref<10240x128xf32, #tpu.memory_space<vmem_shared>> -> memref<640x128xf32, #tpu.memory_space<vmem_shared>>
        tpu.wait_dma2 semaphore(%run_scoped3A_16 : memref<!tpu.dma_semaphore, #tpu.memory_space<semaphore_mem>>) src(%dma_wait3A_24 : memref<640x128xf32, #tpu.memory_space<vmem_shared>>) dst(%dma_wait3A_22 : memref<640x128xf32, #tpu.memory_space<hbm>>)
        tpu.yield
      }) : () -> ()
    } else {
    }
    return
  }
}

#map = affine_map<(d0, d1) -> (0)>
#map1 = affine_map<(d0, d1) -> (0, 0)>
#map2 = affine_map<(d0, d1) -> (0, 0, 0)>
module attributes {stable_mosaic.version = 14 : i64} {
  func.func @k(%arg0: i32, %arg1: i32, %arg2: memref<172032xi32, #tpu.memory_space<hbm>>, %arg3: memref<172032xi32, #tpu.memory_space<hbm>>, %arg4: memref<10240x128xf32, #tpu.memory_space<hbm>>, %arg5: memref<10240x128xf32, #tpu.memory_space<hbm>>, %arg6: memref<2x10240x128xf32, #tpu.memory_space<hbm>>, %arg7: memref<128xi32, #tpu.memory_space<vmem>>, %arg8: memref<128xi32, #tpu.memory_space<vmem>>, %arg9: memref<128x128xf32, #tpu.memory_space<vmem>>, %arg10: memref<10240x128xf32, #tpu.memory_space<vmem_shared>>, %arg11: memref<!tpu.dma_semaphore, #tpu.memory_space<semaphore_mem>>) attributes {dimension_semantics = [#tpu.dimension_semantics<core_parallel>, #tpu.dimension_semantics<subcore_parallel>], iteration_bounds = array<i64: 2, 16>, scalar_prefetch = 0 : i64, scratch_operands = 5 : i64, tpu.core_type = #tpu.core_type<sc_vector_subcore>, window_params = [{transform_indices = #map}, {transform_indices = #map}, {transform_indices = #map1}, {transform_indices = #map1}, {transform_indices = #map2}]} {
    %mul3A = arith.constant 16 : i32
    %mul3A_0 = arith.muli %arg0, %mul3A : i32
    %add3A = arith.addi %mul3A_0, %arg1 : i32
    %mul3A_1 = arith.constant 640 : i32
    %mul3A_2 = arith.muli %arg1, %mul3A_1 : i32
    "tpu.region"() ({
      %run_scoped3A = tpu.sem_alloc : memref<!tpu.dma_semaphore, #tpu.memory_space<semaphore_mem>>
      %dma_start3A = arith.constant 0 : i32
      %dma_start3A_16 = tpu.memref_slice %arg10[%mul3A_2, %dma_start3A] : memref<10240x128xf32, #tpu.memory_space<vmem_shared>> -> memref<640x128xf32, #tpu.memory_space<vmem_shared>>
      %dma_start3A_17 = arith.constant 0 : i32
      %dma_start3A_18 = tpu.memref_slice %arg5[%mul3A_2, %dma_start3A_17] : memref<10240x128xf32, #tpu.memory_space<hbm>> -> memref<640x128xf32, #tpu.memory_space<hbm>>
      tpu.enqueue_dma source(%dma_start3A_18 : memref<640x128xf32, #tpu.memory_space<hbm>>) target(%dma_start3A_16 : memref<640x128xf32, #tpu.memory_space<vmem_shared>>) target_semaphore(%run_scoped3A : memref<!tpu.dma_semaphore, #tpu.memory_space<semaphore_mem>>)
      %dma_wait3A = arith.constant 0 : i32
      %dma_wait3A_19 = tpu.memref_slice %arg10[%mul3A_2, %dma_wait3A] : memref<10240x128xf32, #tpu.memory_space<vmem_shared>> -> memref<640x128xf32, #tpu.memory_space<vmem_shared>>
      %dma_wait3A_20 = arith.constant 0 : i32
      %dma_wait3A_21 = tpu.memref_slice %arg5[%mul3A_2, %dma_wait3A_20] : memref<10240x128xf32, #tpu.memory_space<hbm>> -> memref<640x128xf32, #tpu.memory_space<hbm>>
      tpu.wait_dma2 semaphore(%run_scoped3A : memref<!tpu.dma_semaphore, #tpu.memory_space<semaphore_mem>>) src(%dma_wait3A_21 : memref<640x128xf32, #tpu.memory_space<hbm>>) dst(%dma_wait3A_19 : memref<640x128xf32, #tpu.memory_space<vmem_shared>>)
      tpu.yield
    }) : () -> ()
    %barrier3A = arith.constant 0 : index
    tpu.barrier barrier_id(%barrier3A)
    %scan3A = arith.constant 0 : i32
    %scan3A_3 = arith.constant 0 : i32
    %scan3A_4 = arith.constant 42 : i32
    %scan3A_5 = arith.addi %scan3A_3, %scan3A_4 : i32
    %scan3A_6 = arith.constant 1 : i32
    scf.for %scan3A_16 = %scan3A_3 to %scan3A_5 step %scan3A_6  : i32 {
      %mul3A_17 = arith.constant 5376 : i32
      %mul3A_18 = arith.muli %add3A, %mul3A_17 : i32
      %mul3A_19 = arith.constant 128 : i32
      %mul3A_20 = arith.muli %scan3A_16, %mul3A_19 : i32
      %add3A_21 = arith.addi %mul3A_18, %mul3A_20 : i32
      "tpu.region"() ({
        %run_scoped3A = tpu.sem_alloc : memref<!tpu.dma_semaphore, #tpu.memory_space<semaphore_mem>>
        %dma_start3A_26 = tpu.memref_slice %arg2[%add3A_21] : memref<172032xi32, #tpu.memory_space<hbm>> -> memref<128xi32, #tpu.memory_space<hbm>>
        %dma_start3A_27 = tpu.memref_slice %arg2[%add3A_21] : memref<172032xi32, #tpu.memory_space<hbm>> -> memref<128xi32, #tpu.memory_space<hbm>>
        tpu.enqueue_dma source(%dma_start3A_27 : memref<128xi32, #tpu.memory_space<hbm>>) target(%arg7 : memref<128xi32, #tpu.memory_space<vmem>>) target_semaphore(%run_scoped3A : memref<!tpu.dma_semaphore, #tpu.memory_space<semaphore_mem>>)
        %dma_wait3A_28 = tpu.memref_slice %arg2[%add3A_21] : memref<172032xi32, #tpu.memory_space<hbm>> -> memref<128xi32, #tpu.memory_space<hbm>>
        %dma_wait3A_29 = tpu.memref_slice %arg2[%add3A_21] : memref<172032xi32, #tpu.memory_space<hbm>> -> memref<128xi32, #tpu.memory_space<hbm>>
        tpu.wait_dma2 semaphore(%run_scoped3A : memref<!tpu.dma_semaphore, #tpu.memory_space<semaphore_mem>>) src(%dma_wait3A_29 : memref<128xi32, #tpu.memory_space<hbm>>) dst(%arg7 : memref<128xi32, #tpu.memory_space<vmem>>)
        tpu.yield
      }) : () -> ()
      "tpu.region"() ({
        %run_scoped3A = tpu.sem_alloc : memref<!tpu.dma_semaphore, #tpu.memory_space<semaphore_mem>>
        %dma_start3A_26 = tpu.memref_slice %arg3[%add3A_21] : memref<172032xi32, #tpu.memory_space<hbm>> -> memref<128xi32, #tpu.memory_space<hbm>>
        %dma_start3A_27 = tpu.memref_slice %arg3[%add3A_21] : memref<172032xi32, #tpu.memory_space<hbm>> -> memref<128xi32, #tpu.memory_space<hbm>>
        tpu.enqueue_dma source(%dma_start3A_27 : memref<128xi32, #tpu.memory_space<hbm>>) target(%arg8 : memref<128xi32, #tpu.memory_space<vmem>>) target_semaphore(%run_scoped3A : memref<!tpu.dma_semaphore, #tpu.memory_space<semaphore_mem>>)
        %dma_wait3A_28 = tpu.memref_slice %arg3[%add3A_21] : memref<172032xi32, #tpu.memory_space<hbm>> -> memref<128xi32, #tpu.memory_space<hbm>>
        %dma_wait3A_29 = tpu.memref_slice %arg3[%add3A_21] : memref<172032xi32, #tpu.memory_space<hbm>> -> memref<128xi32, #tpu.memory_space<hbm>>
        tpu.wait_dma2 semaphore(%run_scoped3A : memref<!tpu.dma_semaphore, #tpu.memory_space<semaphore_mem>>) src(%dma_wait3A_29 : memref<128xi32, #tpu.memory_space<hbm>>) dst(%arg8 : memref<128xi32, #tpu.memory_space<vmem>>)
        tpu.yield
      }) : () -> ()
      %dma_start3A = arith.constant 0 : i32
      %dma_start3A_22 = arith.constant 0 : i32
      %dma_start3A_23 = tpu.memref_slice %arg4[%dma_start3A, %dma_start3A_22] : memref<10240x128xf32, #tpu.memory_space<hbm>> -> memref<10240x128xf32, #tpu.memory_space<hbm>>
      tpu.enqueue_indirect_dma source(%dma_start3A_23 : memref<10240x128xf32, #tpu.memory_space<hbm>>) target(%arg9 : memref<128x128xf32, #tpu.memory_space<vmem>>) offsets(%arg7 : memref<128xi32, #tpu.memory_space<vmem>>) semaphore(%arg11 : memref<!tpu.dma_semaphore, #tpu.memory_space<semaphore_mem>>)
      %dma_wait3A = arith.constant 0 : i32
      %dma_wait3A_24 = arith.constant 0 : i32
      %dma_wait3A_25 = tpu.memref_slice %arg4[%dma_wait3A, %dma_wait3A_24] : memref<10240x128xf32, #tpu.memory_space<hbm>> -> memref<10240x128xf32, #tpu.memory_space<hbm>>
      tpu.wait_indirect_dma semaphore(%arg11 : memref<!tpu.dma_semaphore, #tpu.memory_space<semaphore_mem>>) src(%dma_wait3A_25 : memref<10240x128xf32, #tpu.memory_space<hbm>>) dst(%arg9 : memref<128x128xf32, #tpu.memory_space<vmem>>)
      "tpu.region"() ({
        %run_scoped3A = tpu.sem_alloc : memref<!tpu.dma_semaphore, #tpu.memory_space<semaphore_mem>>
        %dma_start3A_26 = arith.constant 0 : i32
        %dma_start3A_27 = arith.constant 0 : i32
        %dma_start3A_28 = tpu.memref_slice %arg10[%dma_start3A_26, %dma_start3A_27] : memref<10240x128xf32, #tpu.memory_space<vmem_shared>> -> memref<10240x128xf32, #tpu.memory_space<vmem_shared>>
        tpu.enqueue_indirect_dma source(%arg9 : memref<128x128xf32, #tpu.memory_space<vmem>>) target(%dma_start3A_28 : memref<10240x128xf32, #tpu.memory_space<vmem_shared>>) offsets(%arg8 : memref<128xi32, #tpu.memory_space<vmem>>) semaphore(%run_scoped3A : memref<!tpu.dma_semaphore, #tpu.memory_space<semaphore_mem>>) {add = true}
        %dma_wait3A_29 = arith.constant 0 : i32
        %dma_wait3A_30 = arith.constant 0 : i32
        %dma_wait3A_31 = tpu.memref_slice %arg10[%dma_wait3A_29, %dma_wait3A_30] : memref<10240x128xf32, #tpu.memory_space<vmem_shared>> -> memref<10240x128xf32, #tpu.memory_space<vmem_shared>>
        tpu.wait_indirect_dma semaphore(%run_scoped3A : memref<!tpu.dma_semaphore, #tpu.memory_space<semaphore_mem>>) src(%arg9 : memref<128x128xf32, #tpu.memory_space<vmem>>) dst(%dma_wait3A_31 : memref<10240x128xf32, #tpu.memory_space<vmem_shared>>)
        tpu.yield
      }) : () -> ()
    }
    %scan3A_7 = arith.constant 42 : i32
    %barrier3A_8 = arith.constant 0 : index
    tpu.barrier barrier_id(%barrier3A_8)
    %eq3A = arith.constant 0 : i32
    %eq3A_9 = arith.cmpi eq, %arg0, %eq3A : i32
    %convert_element_type3A = arith.extui %eq3A_9 : i1 to i32
    %cond3A = arith.constant 0 : i32
    %cond3A_10 = arith.cmpi ne, %convert_element_type3A, %cond3A : i32
    scf.if %cond3A_10 {
      %run_scoped3A = arith.constant 0 : i32
      "tpu.region"() ({
        %run_scoped3A_16 = tpu.sem_alloc : memref<!tpu.dma_semaphore, #tpu.memory_space<semaphore_mem>>
        %dma_start3A = arith.constant 0 : i32
        %dma_start3A_17 = tpu.memref_slice %arg6[%run_scoped3A, %mul3A_2, %dma_start3A] : memref<2x10240x128xf32, #tpu.memory_space<hbm>> -> memref<1x640x128xf32, #tpu.memory_space<hbm>>
        %dma_start3A_18 = tpu.memref_squeeze %dma_start3A_17 : memref<1x640x128xf32, #tpu.memory_space<hbm>> -> memref<640x128xf32, #tpu.memory_space<hbm>>
        %dma_start3A_19 = arith.constant 0 : i32
        %dma_start3A_20 = tpu.memref_slice %arg10[%mul3A_2, %dma_start3A_19] : memref<10240x128xf32, #tpu.memory_space<vmem_shared>> -> memref<640x128xf32, #tpu.memory_space<vmem_shared>>
        tpu.enqueue_dma source(%dma_start3A_20 : memref<640x128xf32, #tpu.memory_space<vmem_shared>>) target(%dma_start3A_18 : memref<640x128xf32, #tpu.memory_space<hbm>>) target_semaphore(%run_scoped3A_16 : memref<!tpu.dma_semaphore, #tpu.memory_space<semaphore_mem>>)
        %dma_wait3A = arith.constant 0 : i32
        %dma_wait3A_21 = tpu.memref_slice %arg6[%run_scoped3A, %mul3A_2, %dma_wait3A] : memref<2x10240x128xf32, #tpu.memory_space<hbm>> -> memref<1x640x128xf32, #tpu.memory_space<hbm>>
        %dma_wait3A_22 = tpu.memref_squeeze %dma_wait3A_21 : memref<1x640x128xf32, #tpu.memory_space<hbm>> -> memref<640x128xf32, #tpu.memory_space<hbm>>
        %dma_wait3A_23 = arith.constant 0 : i32
        %dma_wait3A_24 = tpu.memref_slice %arg10[%mul3A_2, %dma_wait3A_23] : memref<10240x128xf32, #tpu.memory_space<vmem_shared>> -> memref<640x128xf32, #tpu.memory_space<vmem_shared>>
        tpu.wait_dma2 semaphore(%run_scoped3A_16 : memref<!tpu.dma_semaphore, #tpu.memory_space<semaphore_mem>>) src(%dma_wait3A_24 : memref<640x128xf32, #tpu.memory_space<vmem_shared>>) dst(%dma_wait3A_22 : memref<640x128xf32, #tpu.memory_space<hbm>>)
        tpu.yield
      }) : () -> ()
    } else {
    }
    %eq3A_11 = arith.constant 1 : i32
    %eq3A_12 = arith.cmpi eq, %arg0, %eq3A_11 : i32
    %convert_element_type3A_13 = arith.extui %eq3A_12 : i1 to i32
    %cond3A_14 = arith.constant 0 : i32
    %cond3A_15 = arith.cmpi ne, %convert_element_type3A_13, %cond3A_14 : i32
    scf.if %cond3A_15 {
      %run_scoped3A = arith.constant 1 : i32
      "tpu.region"() ({
        %run_scoped3A_16 = tpu.sem_alloc : memref<!tpu.dma_semaphore, #tpu.memory_space<semaphore_mem>>
        %dma_start3A = arith.constant 0 : i32
        %dma_start3A_17 = tpu.memref_slice %arg6[%run_scoped3A, %mul3A_2, %dma_start3A] : memref<2x10240x128xf32, #tpu.memory_space<hbm>> -> memref<1x640x128xf32, #tpu.memory_space<hbm>>
        %dma_start3A_18 = tpu.memref_squeeze %dma_start3A_17 : memref<1x640x128xf32, #tpu.memory_space<hbm>> -> memref<640x128xf32, #tpu.memory_space<hbm>>
        %dma_start3A_19 = arith.constant 0 : i32
        %dma_start3A_20 = tpu.memref_slice %arg10[%mul3A_2, %dma_start3A_19] : memref<10240x128xf32, #tpu.memory_space<vmem_shared>> -> memref<640x128xf32, #tpu.memory_space<vmem_shared>>
        tpu.enqueue_dma source(%dma_start3A_20 : memref<640x128xf32, #tpu.memory_space<vmem_shared>>) target(%dma_start3A_18 : memref<640x128xf32, #tpu.memory_space<hbm>>) target_semaphore(%run_scoped3A_16 : memref<!tpu.dma_semaphore, #tpu.memory_space<semaphore_mem>>)
        %dma_wait3A = arith.constant 0 : i32
        %dma_wait3A_21 = tpu.memref_slice %arg6[%run_scoped3A, %mul3A_2, %dma_wait3A] : memref<2x10240x128xf32, #tpu.memory_space<hbm>> -> memref<1x640x128xf32, #tpu.memory_space<hbm>>
        %dma_wait3A_22 = tpu.memref_squeeze %dma_wait3A_21 : memref<1x640x128xf32, #tpu.memory_space<hbm>> -> memref<640x128xf32, #tpu.memory_space<hbm>>
        %dma_wait3A_23 = arith.constant 0 : i32
        %dma_wait3A_24 = tpu.memref_slice %arg10[%mul3A_2, %dma_wait3A_23] : memref<10240x128xf32, #tpu.memory_space<vmem_shared>> -> memref<640x128xf32, #tpu.memory_space<vmem_shared>>
        tpu.wait_dma2 semaphore(%run_scoped3A_16 : memref<!tpu.dma_semaphore, #tpu.memory_space<semaphore_mem>>) src(%dma_wait3A_24 : memref<640x128xf32, #tpu.memory_space<vmem_shared>>) dst(%dma_wait3A_22 : memref<640x128xf32, #tpu.memory_space<hbm>>)
        tpu.yield
      }) : () -> ()
    } else {
    }
    return
  }
}

module attributes {stable_mosaic.version = 14 : i64} {
  func.func @body(%arg0: i32, %arg1: memref<1024x128xf32, #tpu.memory_space<vmem>>, %arg2: memref<1024x128xf32, #tpu.memory_space<vmem>>, %arg3: memref<1024x16xf32, #tpu.memory_space<vmem>>) attributes {dimension_semantics = [#tpu.dimension_semantics<arbitrary>], iteration_bounds = array<i64: 10>, scalar_prefetch = 0 : i64, scratch_operands = 0 : i64, tpu.core_type = #tpu.core_type<tc>, window_params = [{transform_indices = @transform_0, window_bounds = array<i64: 1024, 128>}, {transform_indices = @transform_1, window_bounds = array<i64: 1024, 128>}, {transform_indices = @transform_2, window_bounds = array<i64: 1024, 16>}]} {
    %get3A = arith.constant 0 : index
    %get3A_0 = arith.constant 0 : index
    %get3A_1 = vector.load %arg1[%get3A, %get3A_0] : memref<1024x128xf32, #tpu.memory_space<vmem>>, vector<1024x1xf32>
    %get3A_2 = arith.constant 0 : index
    %get3A_3 = arith.constant 0 : index
    %get3A_4 = vector.load %arg2[%get3A_2, %get3A_3] : memref<1024x128xf32, #tpu.memory_space<vmem>>, vector<1024x1xf32>
    %add3A = arith.addf %get3A_1, %get3A_4 : vector<1024x1xf32>
    %add3A_5 = arith.constant 1.000000e+00 : f32
    %add3A_6 = vector.broadcast %add3A_5 : f32 to vector<1024x1xf32>
    %add3A_7 = arith.addf %add3A, %add3A_6 : vector<1024x1xf32>
    %rsqrt3A = math.rsqrt %add3A_7 : vector<1024x1xf32>
    %broadcast_in_dim3A = vector.shape_cast %rsqrt3A : vector<1024x1xf32> to vector<1024x1xf32>
    %broadcast_in_dim3A_8 = vector.broadcast %broadcast_in_dim3A : vector<1024x1xf32> to vector<1024x16xf32>
    %swap3A = arith.constant 0 : index
    %swap3A_9 = arith.constant 0 : index
    %swap3A_10 = vector.load %arg3[%swap3A, %swap3A_9] : memref<1024x16xf32, #tpu.memory_space<vmem>>, vector<1024x16xf32>
    tpu.vector_store %arg3[%swap3A, %swap3A_9], %broadcast_in_dim3A_8 {strides = array<i32>} : memref<1024x16xf32, #tpu.memory_space<vmem>>, vector<1024x16xf32>,
    return
  }
  func.func @transform_0(%arg0: i32) -> (i32, i32) {
    %c0_i32 = arith.constant 0 : i32
    %c0_i32_0 = arith.constant 0 : i32
    return %arg0, %c0_i32 : i32, i32
  }
  func.func @transform_1(%arg0: i32) -> (i32, i32) {
    %c0_i32 = arith.constant 0 : i32
    %c0_i32_0 = arith.constant 0 : i32
    return %arg0, %c0_i32 : i32, i32
  }
  func.func @transform_2(%arg0: i32) -> (i32, i32) {
    %c0_i32 = arith.constant 0 : i32
    %c0_i32_0 = arith.constant 0 : i32
    return %arg0, %c0_i32 : i32, i32
  }
}

module attributes {stable_mosaic.version = 14 : i64} {
  func.func @body(%arg0: i32, %arg1: memref<1024x128xf32, #tpu.memory_space<vmem>>, %arg2: memref<128x128xf32, #tpu.memory_space<vmem>>, %arg3: memref<1024x16xf32, #tpu.memory_space<vmem>>, %arg4: memref<1024x128xf32, #tpu.memory_space<vmem>>) attributes {dimension_semantics = [#tpu.dimension_semantics<arbitrary>], iteration_bounds = array<i64: 10>, scalar_prefetch = 0 : i64, scratch_operands = 0 : i64, tpu.core_type = #tpu.core_type<tc>, window_params = [{transform_indices = @transform_0, window_bounds = array<i64: 1024, 128>}, {pipeline_mode = #tpu.pipeline_mode<synchronous>, transform_indices = @transform_1, window_bounds = array<i64: 128, 128>}, {transform_indices = @transform_2, window_bounds = array<i64: 1024, 16>}, {transform_indices = @transform_3, window_bounds = array<i64: 1024, 128>}]} {
    %get3A = arith.constant 0 : index
    %get3A_0 = arith.constant 0 : index
    %get3A_1 = vector.load %arg3[%get3A, %get3A_0] : memref<1024x16xf32, #tpu.memory_space<vmem>>, vector<1024x1xf32>
    %get3A_2 = arith.constant 0 : index
    %get3A_3 = arith.constant 0 : index
    %get3A_4 = vector.load %arg1[%get3A_2, %get3A_3] : memref<1024x128xf32, #tpu.memory_space<vmem>>, vector<1024x128xf32>
    %get3A_5 = arith.constant 0 : index
    %get3A_6 = arith.constant 0 : index
    %get3A_7 = vector.load %arg2[%get3A_5, %get3A_6] : memref<128x128xf32, #tpu.memory_space<vmem>>, vector<128x128xf32>
    %dot_general3A = arith.constant dense<0.000000e+00> : vector<1024x128xf32>
    %dot_general3A_8 = tpu.matmul %get3A_4, %get3A_7, %dot_general3A {dimension_numbers = #tpu.dot_dimension_numbers<[1], [0], [0], [1], [0, 0, 1, 1], [], []>, transpose_lhs_hint = false} : vector<1024x128xf32>, vector<128x128xf32>, vector<1024x128xf32> -> vector<1024x128xf32>
    %mul3A = vector.broadcast %get3A_1 : vector<1024x1xf32> to vector<1024x128xf32>
    %mul3A_9 = arith.mulf %mul3A, %dot_general3A_8 : vector<1024x128xf32>
    %swap3A = arith.constant 0 : index
    %swap3A_10 = arith.constant 0 : index
    %swap3A_11 = vector.load %arg4[%swap3A, %swap3A_10] : memref<1024x128xf32, #tpu.memory_space<vmem>>, vector<1024x128xf32>
    tpu.vector_store %arg4[%swap3A, %swap3A_10], %mul3A_9 {strides = array<i32>} : memref<1024x128xf32, #tpu.memory_space<vmem>>, vector<1024x128xf32>,
    return
  }
  func.func @transform_0(%arg0: i32) -> (i32, i32) {
    %c0_i32 = arith.constant 0 : i32
    %c0_i32_0 = arith.constant 0 : i32
    return %arg0, %c0_i32 : i32, i32
  }
  func.func @transform_1(%arg0: i32) -> (i32, i32) {
    %c0_i32 = arith.constant 0 : i32
    %c0_i32_0 = arith.constant 0 : i32
    %c0_i32_1 = arith.constant 0 : i32
    return %c0_i32, %c0_i32_0 : i32, i32
  }
  func.func @transform_2(%arg0: i32) -> (i32, i32) {
    %c0_i32 = arith.constant 0 : i32
    %c0_i32_0 = arith.constant 0 : i32
    return %arg0, %c0_i32 : i32, i32
  }
  func.func @transform_3(%arg0: i32) -> (i32, i32) {
    %c0_i32 = arith.constant 0 : i32
    %c0_i32_0 = arith.constant 0 : i32
    return %arg0, %c0_i32 : i32, i32
  }
}

module attributes {stable_mosaic.version = 14 : i64} {
  func.func @body(%arg0: i32, %arg1: memref<1024x128xf32, #tpu.memory_space<vmem>>, %arg2: memref<1024x128xf32, #tpu.memory_space<vmem>>, %arg3: memref<1x128xf32, #tpu.memory_space<vmem>>, %arg4: memref<128x128xf32, #tpu.memory_space<vmem>>, %arg5: memref<1024x16xf32, #tpu.memory_space<vmem>>, %arg6: memref<1024x128xf32, #tpu.memory_space<vmem>>) attributes {dimension_semantics = [#tpu.dimension_semantics<arbitrary>], iteration_bounds = array<i64: 10>, scalar_prefetch = 0 : i64, scratch_operands = 0 : i64, tpu.core_type = #tpu.core_type<tc>, window_params = [{transform_indices = @transform_0, window_bounds = array<i64: 1024, 128>}, {transform_indices = @transform_1, window_bounds = array<i64: 1024, 128>}, {pipeline_mode = #tpu.pipeline_mode<synchronous>, transform_indices = @transform_2, window_bounds = array<i64: 1, 128>}, {pipeline_mode = #tpu.pipeline_mode<synchronous>, transform_indices = @transform_3, window_bounds = array<i64: 128, 128>}, {transform_indices = @transform_4, window_bounds = array<i64: 1024, 16>}, {transform_indices = @transform_5, window_bounds = array<i64: 1024, 128>}]} {
    %get3A = arith.constant 0 : index
    %get3A_0 = arith.constant 0 : index
    %get3A_1 = vector.load %arg5[%get3A, %get3A_0] : memref<1024x16xf32, #tpu.memory_space<vmem>>, vector<1024x1xf32>
    %get3A_2 = arith.constant 0 : index
    %get3A_3 = arith.constant 0 : index
    %get3A_4 = vector.load %arg1[%get3A_2, %get3A_3] : memref<1024x128xf32, #tpu.memory_space<vmem>>, vector<1024x128xf32>
    %get3A_5 = arith.constant 0 : index
    %get3A_6 = arith.constant 0 : index
    %get3A_7 = vector.load %arg2[%get3A_5, %get3A_6] : memref<1024x128xf32, #tpu.memory_space<vmem>>, vector<1024x128xf32>
    %add3A = arith.addf %get3A_4, %get3A_7 : vector<1024x128xf32>
    %mul3A = vector.broadcast %get3A_1 : vector<1024x1xf32> to vector<1024x128xf32>
    %mul3A_8 = arith.mulf %mul3A, %add3A : vector<1024x128xf32>
    %get3A_9 = arith.constant 0 : index
    %get3A_10 = arith.constant 0 : index
    %get3A_11 = vector.load %arg3[%get3A_9, %get3A_10] : memref<1x128xf32, #tpu.memory_space<vmem>>, vector<1x128xf32>
    %add3A_12 = vector.broadcast %get3A_11 : vector<1x128xf32> to vector<1024x128xf32>
    %add3A_13 = arith.addf %mul3A_8, %add3A_12 : vector<1024x128xf32>
    %max3A = arith.constant 0.000000e+00 : f32
    %max3A_14 = vector.broadcast %max3A : f32 to vector<1024x128xf32>
    %max3A_15 = arith.maximumf %add3A_13, %max3A_14 : vector<1024x128xf32>
    %get3A_16 = arith.constant 0 : index
    %get3A_17 = arith.constant 0 : index
    %get3A_18 = vector.load %arg4[%get3A_16, %get3A_17] : memref<128x128xf32, #tpu.memory_space<vmem>>, vector<128x128xf32>
    %dot_general3A = arith.constant dense<0.000000e+00> : vector<1024x128xf32>
    %dot_general3A_19 = tpu.matmul %max3A_15, %get3A_18, %dot_general3A {dimension_numbers = #tpu.dot_dimension_numbers<[1], [0], [0], [1], [0, 0, 1, 1], [], []>, transpose_lhs_hint = false} : vector<1024x128xf32>, vector<128x128xf32>, vector<1024x128xf32> -> vector<1024x128xf32>
    %mul3A_20 = vector.broadcast %get3A_1 : vector<1024x1xf32> to vector<1024x128xf32>
    %mul3A_21 = arith.mulf %mul3A_20, %dot_general3A_19 : vector<1024x128xf32>
    %swap3A = arith.constant 0 : index
    %swap3A_22 = arith.constant 0 : index
    %swap3A_23 = vector.load %arg6[%swap3A, %swap3A_22] : memref<1024x128xf32, #tpu.memory_space<vmem>>, vector<1024x128xf32>
    tpu.vector_store %arg6[%swap3A, %swap3A_22], %mul3A_21 {strides = array<i32>} : memref<1024x128xf32, #tpu.memory_space<vmem>>, vector<1024x128xf32>,
    return
  }
  func.func @transform_0(%arg0: i32) -> (i32, i32) {
    %c0_i32 = arith.constant 0 : i32
    %c0_i32_0 = arith.constant 0 : i32
    return %arg0, %c0_i32 : i32, i32
  }
  func.func @transform_1(%arg0: i32) -> (i32, i32) {
    %c0_i32 = arith.constant 0 : i32
    %c0_i32_0 = arith.constant 0 : i32
    return %arg0, %c0_i32 : i32, i32
  }
  func.func @transform_2(%arg0: i32) -> (i32, i32) {
    %c0_i32 = arith.constant 0 : i32
    %c0_i32_0 = arith.constant 0 : i32
    %c0_i32_1 = arith.constant 0 : i32
    return %c0_i32, %c0_i32_0 : i32, i32
  }
  func.func @transform_3(%arg0: i32) -> (i32, i32) {
    %c0_i32 = arith.constant 0 : i32
    %c0_i32_0 = arith.constant 0 : i32
    %c0_i32_1 = arith.constant 0 : i32
    return %c0_i32, %c0_i32_0 : i32, i32
  }
  func.func @transform_4(%arg0: i32) -> (i32, i32) {
    %c0_i32 = arith.constant 0 : i32
    %c0_i32_0 = arith.constant 0 : i32
    return %arg0, %c0_i32 : i32, i32
  }
  func.func @transform_5(%arg0: i32) -> (i32, i32) {
    %c0_i32 = arith.constant 0 : i32
    %c0_i32_0 = arith.constant 0 : i32
    return %arg0, %c0_i32 : i32, i32
  }
}

module attributes {stable_mosaic.version = 14 : i64} {
  func.func @body(%arg0: memref<10240x128xf32, #tpu.memory_space<vmem>>, %arg1: memref<10240x128xf32, #tpu.memory_space<vmem>>, %arg2: memref<10240x16xf32, #tpu.memory_space<vmem>>, %arg3: memref<1x128xf32, #tpu.memory_space<vmem>>, %arg4: memref<512x64xf32, #tpu.memory_space<vmem>>, %arg5: memref<10240x128xf32, #tpu.memory_space<vmem>>, %arg6: memref<1x10240xf32, #tpu.memory_space<vmem>>, %arg7: memref<1x10240xf32, #tpu.memory_space<vmem>>) attributes {dimension_semantics = [], scalar_prefetch = 0 : i64, scratch_operands = 3 : i64, tpu.core_type = #tpu.core_type<tc>} {
    %iota3A = tpu.iota {dimensions = array<i32: 0>} : vector<128x128xi32>
    %iota3A_0 = tpu.iota {dimensions = array<i32: 1>} : vector<128x128xi32>
    %eq3A = arith.cmpi eq, %iota3A, %iota3A_0 : vector<128x128xi32>
    %convert_element_type3A = arith.extui %eq3A : vector<128x128xi1> to vector<128x128xi32>
    %convert_element_type3A_1 = arith.sitofp %convert_element_type3A : vector<128x128xi32> to vector<128x128xf32>
    %iota3A_2 = tpu.iota {dimensions = array<i32: 1>} : vector<1x128xi32>
    %eq3A_3 = arith.constant 63 : i32
    %eq3A_4 = vector.broadcast %eq3A_3 : i32 to vector<1x128xi32>
    %eq3A_5 = arith.cmpi eq, %iota3A_2, %eq3A_4 : vector<1x128xi32>
    %convert_element_type3A_6 = arith.extui %eq3A_5 : vector<1x128xi1> to vector<1x128xi32>
    %convert_element_type3A_7 = arith.sitofp %convert_element_type3A_6 : vector<1x128xi32> to vector<1x128xf32>
    %get3A = arith.constant 0 : index
    %get3A_8 = arith.constant 0 : index
    %get3A_9 = vector.load %arg3[%get3A, %get3A_8] : memref<1x128xf32, #tpu.memory_space<vmem>>, vector<1x128xf32>
    %scan3A = arith.constant 0 : i32
    %scan3A_10 = arith.constant 80 : i32
    %scan3A_11 = arith.addi %scan3A, %scan3A_10 : i32
    %scan3A_12 = arith.constant 1 : i32
    scf.for %scan3A_27 = %scan3A to %scan3A_11 step %scan3A_12  : i32 {
      %mul3A = arith.constant 128 : i32
      %mul3A_28 = arith.muli %scan3A_27, %mul3A : i32
      %get3A_29 = arith.index_cast %mul3A_28 : i32 to index
      %get3A_30 = arith.constant 0 : index
      %get3A_31 = vector.load %arg2[%get3A_29, %get3A_30] : memref<10240x16xf32, #tpu.memory_space<vmem>>, vector<128x1xf32>
      %get3A_32 = arith.index_cast %mul3A_28 : i32 to index
      %get3A_33 = arith.constant 0 : index
      %get3A_34 = vector.load %arg0[%get3A_32, %get3A_33] : memref<10240x128xf32, #tpu.memory_space<vmem>>, vector<128x128xf32>
      %get3A_35 = arith.index_cast %mul3A_28 : i32 to index
      %get3A_36 = arith.constant 0 : index
      %get3A_37 = vector.load %arg1[%get3A_35, %get3A_36] : memref<10240x128xf32, #tpu.memory_space<vmem>>, vector<128x128xf32>
      %add3A = arith.addf %get3A_34, %get3A_37 : vector<128x128xf32>
      %mul3A_38 = vector.broadcast %get3A_31 : vector<128x1xf32> to vector<128x128xf32>
      %mul3A_39 = arith.mulf %mul3A_38, %add3A : vector<128x128xf32>
      %add3A_40 = vector.broadcast %get3A_9 : vector<1x128xf32> to vector<128x128xf32>
      %add3A_41 = arith.addf %mul3A_39, %add3A_40 : vector<128x128xf32>
      %swap3A_42 = arith.index_cast %mul3A_28 : i32 to index
      %swap3A_43 = arith.constant 0 : index
      %swap3A_44 = vector.load %arg5[%swap3A_42, %swap3A_43] : memref<10240x128xf32, #tpu.memory_space<vmem>>, vector<128x128xf32>
      tpu.vector_store %arg5[%swap3A_42, %swap3A_43], %add3A_41 {strides = array<i32>} : memref<10240x128xf32, #tpu.memory_space<vmem>>, vector<128x128xf32>,
      %dot_general3A = arith.constant dense<0.000000e+00> : vector<1x128xf32>
      %dot_general3A_45 = tpu.matmul %convert_element_type3A_7, %add3A_41, %dot_general3A {dimension_numbers = #tpu.dot_dimension_numbers<[1], [1], [0], [0], [0, 0, 1, 0], [], []>, precision = #tpu.contract_precision<fp32>, transpose_lhs_hint = false} : vector<1x128xf32>, vector<128x128xf32>, vector<1x128xf32> -> vector<1x128xf32>
      %mul3A_46 = arith.constant 128 : i32
      %mul3A_47 = arith.muli %scan3A_27, %mul3A_46 : i32
      %iota3A_48 = tpu.iota {dimensions = array<i32: 1>} : vector<1x128xi32>
      %add3A_49 = vector.broadcast %mul3A_47 : i32 to vector<1x128xi32>
      %add3A_50 = arith.addi %add3A_49, %iota3A_48 : vector<1x128xi32>
      %lt3A = arith.constant 10000 : i32
      %lt3A_51 = vector.broadcast %lt3A : i32 to vector<1x128xi32>
      %lt3A_52 = arith.cmpi slt, %add3A_50, %lt3A_51 : vector<1x128xi32>
      %jit3A = arith.constant -3.000000e+38 : f32
      %broadcast_in_dim3A_53 = vector.broadcast %jit3A : f32 to vector<1x128xf32>
      %select_n3A = arith.select %lt3A_52, %dot_general3A_45, %broadcast_in_dim3A_53 : vector<1x128xi1>, vector<1x128xf32>
      %mul3A_54 = arith.constant 128 : i32
      %mul3A_55 = arith.muli %scan3A_27, %mul3A_54 : i32
      %swap3A_56 = arith.constant 0 : index
      %swap3A_57 = arith.index_cast %mul3A_55 : i32 to index
      %swap3A_58 = vector.load %arg6[%swap3A_56, %swap3A_57] : memref<1x10240xf32, #tpu.memory_space<vmem>>, vector<1x128xf32>
      tpu.vector_store %arg6[%swap3A_56, %swap3A_57], %select_n3A {strides = array<i32>} : memref<1x10240xf32, #tpu.memory_space<vmem>>, vector<1x128xf32>,
    }
    %scan3A_13 = arith.constant 80 : i32
    %scan3A_14 = arith.constant 0 : i32
    %scan3A_15 = arith.constant 80 : i32
    %scan3A_16 = arith.addi %scan3A_14, %scan3A_15 : i32
    %scan3A_17 = arith.constant 1 : i32
    scf.for %scan3A_27 = %scan3A_14 to %scan3A_16 step %scan3A_17  : i32 {
      %mul3A = arith.constant 128 : i32
      %mul3A_28 = arith.muli %scan3A_27, %mul3A : i32
      %get3A_29 = arith.constant 0 : index
      %get3A_30 = arith.index_cast %mul3A_28 : i32 to index
      %get3A_31 = vector.load %arg6[%get3A_29, %get3A_30] : memref<1x10240xf32, #tpu.memory_space<vmem>>, vector<1x128xf32>
      %dot_general3A = arith.constant dense<0.000000e+00> : vector<128x1xf32>
      %dot_general3A_32 = tpu.matmul %convert_element_type3A_1, %get3A_31, %dot_general3A {dimension_numbers = #tpu.dot_dimension_numbers<[1], [1], [0], [0], [0, 0, 1, 0], [], []>, precision = #tpu.contract_precision<fp32>, transpose_lhs_hint = false} : vector<128x128xf32>, vector<1x128xf32>, vector<128x1xf32> -> vector<128x1xf32>
      %mul3A_33 = arith.constant 128 : i32
      %mul3A_34 = arith.muli %scan3A_27, %mul3A_33 : i32
      %iota3A_35 = tpu.iota {dimensions = array<i32: 0>} : vector<128x1xi32>
      %add3A = vector.broadcast %mul3A_34 : i32 to vector<128x1xi32>
      %add3A_36 = arith.addi %add3A, %iota3A_35 : vector<128x1xi32>
      %broadcast_in_dim3A_37 = arith.constant 0.000000e+00 : f32
      %broadcast_in_dim3A_38 = vector.broadcast %broadcast_in_dim3A_37 : f32 to vector<128x1xf32>
      %scan3A_39 = arith.constant 0 : i32
      %scan3A_40 = arith.constant 80 : i32
      %scan3A_41 = arith.addi %scan3A_39, %scan3A_40 : i32
      %scan3A_42 = arith.constant 1 : i32
      %scan3A_43 = scf.for %scan3A_52 = %scan3A_39 to %scan3A_41 step %scan3A_42 iter_args(%scan3A_53 = %broadcast_in_dim3A_38) -> (vector<128x1xf32>)  : i32 {
        %mul3A_54 = arith.constant 128 : i32
        %mul3A_55 = arith.muli %scan3A_52, %mul3A_54 : i32
        %get3A_56 = arith.constant 0 : index
        %get3A_57 = arith.index_cast %mul3A_55 : i32 to index
        %get3A_58 = vector.load %arg6[%get3A_56, %get3A_57] : memref<1x10240xf32, #tpu.memory_space<vmem>>, vector<1x128xf32>
        %mul3A_59 = arith.constant 128 : i32
        %mul3A_60 = arith.muli %scan3A_52, %mul3A_59 : i32
        %iota3A_61 = tpu.iota {dimensions = array<i32: 1>} : vector<1x128xi32>
        %add3A_62 = vector.broadcast %mul3A_60 : i32 to vector<1x128xi32>
        %add3A_63 = arith.addi %add3A_62, %iota3A_61 : vector<1x128xi32>
        %gt3A = vector.broadcast %get3A_58 : vector<1x128xf32> to vector<128x128xf32>
        %gt3A_64 = vector.broadcast %dot_general3A_32 : vector<128x1xf32> to vector<128x128xf32>
        %gt3A_65 = arith.cmpf ogt, %gt3A, %gt3A_64 : vector<128x128xf32>
        %eq3A_66 = vector.broadcast %get3A_58 : vector<1x128xf32> to vector<128x128xf32>
        %eq3A_67 = vector.broadcast %dot_general3A_32 : vector<128x1xf32> to vector<128x128xf32>
        %eq3A_68 = arith.cmpf oeq, %eq3A_66, %eq3A_67 : vector<128x128xf32>
        %lt3A = vector.broadcast %add3A_63 : vector<1x128xi32> to vector<128x128xi32>
        %lt3A_69 = vector.broadcast %add3A_36 : vector<128x1xi32> to vector<128x128xi32>
        %lt3A_70 = arith.cmpi slt, %lt3A, %lt3A_69 : vector<128x128xi32>
        %and3A = arith.andi %eq3A_68, %lt3A_70 : vector<128x128xi1>
        %or3A = arith.ori %gt3A_65, %and3A : vector<128x128xi1>
        %jit3A = arith.constant 1.000000e+00 : f32
        %jit3A_71 = arith.constant 0.000000e+00 : f32
        %broadcast_in_dim3A_72 = vector.broadcast %jit3A : f32 to vector<128x128xf32>
        %broadcast_in_dim3A_73 = vector.broadcast %jit3A_71 : f32 to vector<128x128xf32>
        %select_n3A = arith.select %or3A, %broadcast_in_dim3A_72, %broadcast_in_dim3A_73 : vector<128x128xi1>, vector<128x128xf32>
        %reduce_sum3A = arith.constant dense<0.000000e+00> : vector<128xf32>
        %reduce_sum3A_74 = vector.multi_reduction <add>, %select_n3A, %reduce_sum3A [1] : vector<128x128xf32> to vector<128xf32>
        %broadcast_in_dim3A_75 = vector.shape_cast %reduce_sum3A_74 : vector<128xf32> to vector<128x1xf32>
        %add3A_76 = arith.addf %scan3A_53, %broadcast_in_dim3A_75 : vector<128x1xf32>
        scf.yield %add3A_76 : vector<128x1xf32>
      }
      %scan3A_44 = arith.constant 80 : i32
      %dot_general3A_45 = arith.constant dense<0.000000e+00> : vector<1x128xf32>
      %dot_general3A_46 = tpu.matmul %scan3A_43, %convert_element_type3A_1, %dot_general3A_45 {dimension_numbers = #tpu.dot_dimension_numbers<[0], [0], [1], [1], [0, 1, 1, 1], [], []>, precision = #tpu.contract_precision<fp32>, transpose_lhs_hint = false} : vector<128x1xf32>, vector<128x128xf32>, vector<1x128xf32> -> vector<1x128xf32>
      %mul3A_47 = arith.constant 128 : i32
      %mul3A_48 = arith.muli %scan3A_27, %mul3A_47 : i32
      %swap3A_49 = arith.constant 0 : index
      %swap3A_50 = arith.index_cast %mul3A_48 : i32 to index
      %swap3A_51 = vector.load %arg7[%swap3A_49, %swap3A_50] : memref<1x10240xf32, #tpu.memory_space<vmem>>, vector<1x128xf32>
      tpu.vector_store %arg7[%swap3A_49, %swap3A_50], %dot_general3A_46 {strides = array<i32>} : memref<1x10240xf32, #tpu.memory_space<vmem>>, vector<1x128xf32>,
    }
    %scan3A_18 = arith.constant 80 : i32
    %broadcast_in_dim3A = arith.constant 0.000000e+00 : f32
    %broadcast_in_dim3A_19 = vector.broadcast %broadcast_in_dim3A : f32 to vector<512x64xf32>
    %swap3A = arith.constant 0 : index
    %swap3A_20 = arith.constant 0 : index
    %swap3A_21 = vector.load %arg4[%swap3A, %swap3A_20] : memref<512x64xf32, #tpu.memory_space<vmem>>, vector<512x64xf32>
    tpu.vector_store %arg4[%swap3A, %swap3A_20], %broadcast_in_dim3A_19 {strides = array<i32>} : memref<512x64xf32, #tpu.memory_space<vmem>>, vector<512x64xf32>,
    %scan3A_22 = arith.constant 0 : i32
    %scan3A_23 = arith.constant 80 : i32
    %scan3A_24 = arith.addi %scan3A_22, %scan3A_23 : i32
    %scan3A_25 = arith.constant 1 : i32
    scf.for %scan3A_27 = %scan3A_22 to %scan3A_24 step %scan3A_25  : i32 {
      %mul3A = arith.constant 128 : i32
      %mul3A_28 = arith.muli %scan3A_27, %mul3A : i32
      %get3A_29 = arith.constant 0 : index
      %get3A_30 = arith.index_cast %mul3A_28 : i32 to index
      %get3A_31 = vector.load %arg7[%get3A_29, %get3A_30] : memref<1x10240xf32, #tpu.memory_space<vmem>>, vector<1x128xf32>
      %mul3A_32 = arith.constant 128 : i32
      %mul3A_33 = arith.muli %scan3A_27, %mul3A_32 : i32
      %get3A_34 = arith.index_cast %mul3A_33 : i32 to index
      %get3A_35 = arith.constant 0 : index
      %get3A_36 = vector.load %arg5[%get3A_34, %get3A_35] : memref<10240x128xf32, #tpu.memory_space<vmem>>, vector<128x64xf32>
      %iota3A_37 = tpu.iota {dimensions = array<i32: 0>} : vector<128x1xi32>
      %add3A = arith.constant 0 : i32
      %add3A_38 = vector.broadcast %add3A : i32 to vector<128x1xi32>
      %add3A_39 = arith.addi %add3A_38, %iota3A_37 : vector<128x1xi32>
      %convert_element_type3A_40 = arith.sitofp %add3A_39 : vector<128x1xi32> to vector<128x1xf32>
      %eq3A_41 = vector.broadcast %get3A_31 : vector<1x128xf32> to vector<128x128xf32>
      %eq3A_42 = vector.broadcast %convert_element_type3A_40 : vector<128x1xf32> to vector<128x128xf32>
      %eq3A_43 = arith.cmpf oeq, %eq3A_41, %eq3A_42 : vector<128x128xf32>
      %jit3A = arith.constant 1.000000e+00 : f32
      %jit3A_44 = arith.constant 0.000000e+00 : f32
      %broadcast_in_dim3A_45 = vector.broadcast %jit3A : f32 to vector<128x128xf32>
      %broadcast_in_dim3A_46 = vector.broadcast %jit3A_44 : f32 to vector<128x128xf32>
      %select_n3A = arith.select %eq3A_43, %broadcast_in_dim3A_45, %broadcast_in_dim3A_46 : vector<128x128xi1>, vector<128x128xf32>
      %get3A_47 = arith.constant 0 : index
      %get3A_48 = arith.constant 0 : index
      %get3A_49 = vector.load %arg4[%get3A_47, %get3A_48] : memref<512x64xf32, #tpu.memory_space<vmem>>, vector<128x64xf32>
      %dot_general3A = arith.constant dense<0.000000e+00> : vector<128x64xf32>
      %dot_general3A_50 = tpu.matmul %select_n3A, %get3A_36, %dot_general3A {dimension_numbers = #tpu.dot_dimension_numbers<[1], [0], [0], [1], [0, 0, 1, 1], [], []>, precision = #tpu.contract_precision<fp32>, transpose_lhs_hint = false} : vector<128x128xf32>, vector<128x64xf32>, vector<128x64xf32> -> vector<128x64xf32>
      %add3A_51 = arith.addf %get3A_49, %dot_general3A_50 : vector<128x64xf32>
      %swap3A_52 = arith.constant 0 : index
      %swap3A_53 = arith.constant 0 : index
      %swap3A_54 = vector.load %arg4[%swap3A_52, %swap3A_53] : memref<512x64xf32, #tpu.memory_space<vmem>>, vector<128x64xf32>
      tpu.vector_store %arg4[%swap3A_52, %swap3A_53], %add3A_51 {strides = array<i32>} : memref<512x64xf32, #tpu.memory_space<vmem>>, vector<128x64xf32>,
      %iota3A_55 = tpu.iota {dimensions = array<i32: 0>} : vector<128x1xi32>
      %add3A_56 = arith.constant 128 : i32
      %add3A_57 = vector.broadcast %add3A_56 : i32 to vector<128x1xi32>
      %add3A_58 = arith.addi %add3A_57, %iota3A_55 : vector<128x1xi32>
      %convert_element_type3A_59 = arith.sitofp %add3A_58 : vector<128x1xi32> to vector<128x1xf32>
      %eq3A_60 = vector.broadcast %get3A_31 : vector<1x128xf32> to vector<128x128xf32>
      %eq3A_61 = vector.broadcast %convert_element_type3A_59 : vector<128x1xf32> to vector<128x128xf32>
      %eq3A_62 = arith.cmpf oeq, %eq3A_60, %eq3A_61 : vector<128x128xf32>
      %jit3A_63 = arith.constant 1.000000e+00 : f32
      %jit3A_64 = arith.constant 0.000000e+00 : f32
      %broadcast_in_dim3A_65 = vector.broadcast %jit3A_63 : f32 to vector<128x128xf32>
      %broadcast_in_dim3A_66 = vector.broadcast %jit3A_64 : f32 to vector<128x128xf32>
      %select_n3A_67 = arith.select %eq3A_62, %broadcast_in_dim3A_65, %broadcast_in_dim3A_66 : vector<128x128xi1>, vector<128x128xf32>
      %get3A_68 = arith.constant 128 : index
      %get3A_69 = arith.constant 0 : index
      %get3A_70 = vector.load %arg4[%get3A_68, %get3A_69] : memref<512x64xf32, #tpu.memory_space<vmem>>, vector<128x64xf32>
      %dot_general3A_71 = arith.constant dense<0.000000e+00> : vector<128x64xf32>
      %dot_general3A_72 = tpu.matmul %select_n3A_67, %get3A_36, %dot_general3A_71 {dimension_numbers = #tpu.dot_dimension_numbers<[1], [0], [0], [1], [0, 0, 1, 1], [], []>, precision = #tpu.contract_precision<fp32>, transpose_lhs_hint = false} : vector<128x128xf32>, vector<128x64xf32>, vector<128x64xf32> -> vector<128x64xf32>
      %add3A_73 = arith.addf %get3A_70, %dot_general3A_72 : vector<128x64xf32>
      %swap3A_74 = arith.constant 128 : index
      %swap3A_75 = arith.constant 0 : index
      %swap3A_76 = vector.load %arg4[%swap3A_74, %swap3A_75] : memref<512x64xf32, #tpu.memory_space<vmem>>, vector<128x64xf32>
      tpu.vector_store %arg4[%swap3A_74, %swap3A_75], %add3A_73 {strides = array<i32>} : memref<512x64xf32, #tpu.memory_space<vmem>>, vector<128x64xf32>,
      %iota3A_77 = tpu.iota {dimensions = array<i32: 0>} : vector<128x1xi32>
      %add3A_78 = arith.constant 256 : i32
      %add3A_79 = vector.broadcast %add3A_78 : i32 to vector<128x1xi32>
      %add3A_80 = arith.addi %add3A_79, %iota3A_77 : vector<128x1xi32>
      %convert_element_type3A_81 = arith.sitofp %add3A_80 : vector<128x1xi32> to vector<128x1xf32>
      %eq3A_82 = vector.broadcast %get3A_31 : vector<1x128xf32> to vector<128x128xf32>
      %eq3A_83 = vector.broadcast %convert_element_type3A_81 : vector<128x1xf32> to vector<128x128xf32>
      %eq3A_84 = arith.cmpf oeq, %eq3A_82, %eq3A_83 : vector<128x128xf32>
      %jit3A_85 = arith.constant 1.000000e+00 : f32
      %jit3A_86 = arith.constant 0.000000e+00 : f32
      %broadcast_in_dim3A_87 = vector.broadcast %jit3A_85 : f32 to vector<128x128xf32>
      %broadcast_in_dim3A_88 = vector.broadcast %jit3A_86 : f32 to vector<128x128xf32>
      %select_n3A_89 = arith.select %eq3A_84, %broadcast_in_dim3A_87, %broadcast_in_dim3A_88 : vector<128x128xi1>, vector<128x128xf32>
      %get3A_90 = arith.constant 256 : index
      %get3A_91 = arith.constant 0 : index
      %get3A_92 = vector.load %arg4[%get3A_90, %get3A_91] : memref<512x64xf32, #tpu.memory_space<vmem>>, vector<128x64xf32>
      %dot_general3A_93 = arith.constant dense<0.000000e+00> : vector<128x64xf32>
      %dot_general3A_94 = tpu.matmul %select_n3A_89, %get3A_36, %dot_general3A_93 {dimension_numbers = #tpu.dot_dimension_numbers<[1], [0], [0], [1], [0, 0, 1, 1], [], []>, precision = #tpu.contract_precision<fp32>, transpose_lhs_hint = false} : vector<128x128xf32>, vector<128x64xf32>, vector<128x64xf32> -> vector<128x64xf32>
      %add3A_95 = arith.addf %get3A_92, %dot_general3A_94 : vector<128x64xf32>
      %swap3A_96 = arith.constant 256 : index
      %swap3A_97 = arith.constant 0 : index
      %swap3A_98 = vector.load %arg4[%swap3A_96, %swap3A_97] : memref<512x64xf32, #tpu.memory_space<vmem>>, vector<128x64xf32>
      tpu.vector_store %arg4[%swap3A_96, %swap3A_97], %add3A_95 {strides = array<i32>} : memref<512x64xf32, #tpu.memory_space<vmem>>, vector<128x64xf32>,
      %iota3A_99 = tpu.iota {dimensions = array<i32: 0>} : vector<128x1xi32>
      %add3A_100 = arith.constant 384 : i32
      %add3A_101 = vector.broadcast %add3A_100 : i32 to vector<128x1xi32>
      %add3A_102 = arith.addi %add3A_101, %iota3A_99 : vector<128x1xi32>
      %convert_element_type3A_103 = arith.sitofp %add3A_102 : vector<128x1xi32> to vector<128x1xf32>
      %eq3A_104 = vector.broadcast %get3A_31 : vector<1x128xf32> to vector<128x128xf32>
      %eq3A_105 = vector.broadcast %convert_element_type3A_103 : vector<128x1xf32> to vector<128x128xf32>
      %eq3A_106 = arith.cmpf oeq, %eq3A_104, %eq3A_105 : vector<128x128xf32>
      %jit3A_107 = arith.constant 1.000000e+00 : f32
      %jit3A_108 = arith.constant 0.000000e+00 : f32
      %broadcast_in_dim3A_109 = vector.broadcast %jit3A_107 : f32 to vector<128x128xf32>
      %broadcast_in_dim3A_110 = vector.broadcast %jit3A_108 : f32 to vector<128x128xf32>
      %select_n3A_111 = arith.select %eq3A_106, %broadcast_in_dim3A_109, %broadcast_in_dim3A_110 : vector<128x128xi1>, vector<128x128xf32>
      %get3A_112 = arith.constant 384 : index
      %get3A_113 = arith.constant 0 : index
      %get3A_114 = vector.load %arg4[%get3A_112, %get3A_113] : memref<512x64xf32, #tpu.memory_space<vmem>>, vector<128x64xf32>
      %dot_general3A_115 = arith.constant dense<0.000000e+00> : vector<128x64xf32>
      %dot_general3A_116 = tpu.matmul %select_n3A_111, %get3A_36, %dot_general3A_115 {dimension_numbers = #tpu.dot_dimension_numbers<[1], [0], [0], [1], [0, 0, 1, 1], [], []>, precision = #tpu.contract_precision<fp32>, transpose_lhs_hint = false} : vector<128x128xf32>, vector<128x64xf32>, vector<128x64xf32> -> vector<128x64xf32>
      %add3A_117 = arith.addf %get3A_114, %dot_general3A_116 : vector<128x64xf32>
      %swap3A_118 = arith.constant 384 : index
      %swap3A_119 = arith.constant 0 : index
      %swap3A_120 = vector.load %arg4[%swap3A_118, %swap3A_119] : memref<512x64xf32, #tpu.memory_space<vmem>>, vector<128x64xf32>
      tpu.vector_store %arg4[%swap3A_118, %swap3A_119], %add3A_117 {strides = array<i32>} : memref<512x64xf32, #tpu.memory_space<vmem>>, vector<128x64xf32>,
    }
    %scan3A_26 = arith.constant 80 : i32
    return
  }
}

module attributes {stable_mosaic.version = 14 : i64} {
  func.func @body(%arg0: i32, %arg1: memref<1x1x2000xf32, #tpu.memory_space<vmem>>, %arg2: memref<2000x256xf32, #tpu.memory_space<vmem>>, %arg3: memref<1x256xf32, #tpu.memory_space<vmem>>, %arg4: memref<256x128xf32, #tpu.memory_space<vmem>>, %arg5: memref<1x128xf32, #tpu.memory_space<vmem>>, %arg6: memref<128x128xf32, #tpu.memory_space<vmem>>, %arg7: memref<1x128xf32, #tpu.memory_space<vmem>>, %arg8: memref<1x128xf32, #tpu.memory_space<vmem>>, %arg9: memref<1x256xf32, #tpu.memory_space<vmem>>) attributes {dimension_semantics = [#tpu.dimension_semantics<arbitrary>], iteration_bounds = array<i64: 32>, scalar_prefetch = 0 : i64, scratch_operands = 1 : i64, tpu.core_type = #tpu.core_type<tc>, window_params = [{transform_indices = @transform_0, window_bounds = array<i64: 1, 1, 2000>}, {transform_indices = @transform_1, window_bounds = array<i64: 2000, 256>}, {pipeline_mode = #tpu.pipeline_mode<synchronous>, transform_indices = @transform_2, window_bounds = array<i64: 1, 256>}, {pipeline_mode = #tpu.pipeline_mode<synchronous>, transform_indices = @transform_3, window_bounds = array<i64: 256, 128>}, {pipeline_mode = #tpu.pipeline_mode<synchronous>, transform_indices = @transform_4, window_bounds = array<i64: 1, 128>}, {pipeline_mode = #tpu.pipeline_mode<synchronous>, transform_indices = @transform_5, window_bounds = array<i64: 128, 128>}, {pipeline_mode = #tpu.pipeline_mode<synchronous>, transform_indices = @transform_6, window_bounds = array<i64: 1, 128>}, {pipeline_mode = #tpu.pipeline_mode<synchronous>, transform_indices = @transform_7, window_bounds = array<i64: 1, 128>}]} {
    %eq3A = arith.constant 0 : i32
    %eq3A_0 = arith.cmpi eq, %arg0, %eq3A : i32
    %convert_element_type3A = arith.extui %eq3A_0 : i1 to i32
    %cond3A = arith.constant 0 : i32
    %cond3A_1 = arith.cmpi ne, %convert_element_type3A, %cond3A : i32
    scf.if %cond3A_1 {
      %broadcast_in_dim3A = arith.constant 0.000000e+00 : f32
      %broadcast_in_dim3A_19 = vector.broadcast %broadcast_in_dim3A : f32 to vector<1x256xf32>
      %swap3A_20 = arith.constant 0 : index
      %swap3A_21 = arith.constant 0 : index
      %swap3A_22 = vector.load %arg9[%swap3A_20, %swap3A_21] : memref<1x256xf32, #tpu.memory_space<vmem>>, vector<1x256xf32>
      tpu.vector_store %arg9[%swap3A_20, %swap3A_21], %broadcast_in_dim3A_19 {strides = array<i32>} : memref<1x256xf32, #tpu.memory_space<vmem>>, vector<1x256xf32>,
    } else {
    }
    %get3A = arith.constant 0 : index
    %get3A_2 = arith.constant 0 : index
    %get3A_3 = arith.constant 0 : index
    %get3A_4 = vector.load %arg1[%get3A, %get3A_2, %get3A_3] : memref<1x1x2000xf32, #tpu.memory_space<vmem>>, vector<1x1x2000xf32>
    %reshape3A = vector.shape_cast %get3A_4 : vector<1x1x2000xf32> to vector<1x2000xf32>
    %get3A_5 = arith.constant 0 : index
    %get3A_6 = arith.constant 0 : index
    %get3A_7 = vector.load %arg9[%get3A_5, %get3A_6] : memref<1x256xf32, #tpu.memory_space<vmem>>, vector<1x256xf32>
    %get3A_8 = arith.constant 0 : index
    %get3A_9 = arith.constant 0 : index
    %get3A_10 = vector.load %arg2[%get3A_8, %get3A_9] : memref<2000x256xf32, #tpu.memory_space<vmem>>, vector<2000x256xf32>
    %dot_general3A = arith.constant dense<0.000000e+00> : vector<1x256xf32>
    %dot_general3A_11 = tpu.matmul %reshape3A, %get3A_10, %dot_general3A {dimension_numbers = #tpu.dot_dimension_numbers<[1], [0], [0], [1], [0, 0, 1, 1], [], []>, transpose_lhs_hint = false} : vector<1x2000xf32>, vector<2000x256xf32>, vector<1x256xf32> -> vector<1x256xf32>
    %add3A = arith.addf %get3A_7, %dot_general3A_11 : vector<1x256xf32>
    %swap3A = arith.constant 0 : index
    %swap3A_12 = arith.constant 0 : index
    %swap3A_13 = vector.load %arg9[%swap3A, %swap3A_12] : memref<1x256xf32, #tpu.memory_space<vmem>>, vector<1x256xf32>
    tpu.vector_store %arg9[%swap3A, %swap3A_12], %add3A {strides = array<i32>} : memref<1x256xf32, #tpu.memory_space<vmem>>, vector<1x256xf32>,
    %eq3A_14 = arith.constant 31 : i32
    %eq3A_15 = arith.cmpi eq, %arg0, %eq3A_14 : i32
    %convert_element_type3A_16 = arith.extui %eq3A_15 : i1 to i32
    %cond3A_17 = arith.constant 0 : i32
    %cond3A_18 = arith.cmpi ne, %convert_element_type3A_16, %cond3A_17 : i32
    scf.if %cond3A_18 {
      %get3A_19 = arith.constant 0 : index
      %get3A_20 = arith.constant 0 : index
      %get3A_21 = vector.load %arg9[%get3A_19, %get3A_20] : memref<1x256xf32, #tpu.memory_space<vmem>>, vector<1x256xf32>
      %get3A_22 = arith.constant 0 : index
      %get3A_23 = arith.constant 0 : index
      %get3A_24 = vector.load %arg3[%get3A_22, %get3A_23] : memref<1x256xf32, #tpu.memory_space<vmem>>, vector<1x256xf32>
      %add3A_25 = arith.addf %get3A_21, %get3A_24 : vector<1x256xf32>
      %max3A = arith.constant 0.000000e+00 : f32
      %max3A_26 = vector.broadcast %max3A : f32 to vector<1x256xf32>
      %max3A_27 = arith.maximumf %add3A_25, %max3A_26 : vector<1x256xf32>
      %get3A_28 = arith.constant 0 : index
      %get3A_29 = arith.constant 0 : index
      %get3A_30 = vector.load %arg4[%get3A_28, %get3A_29] : memref<256x128xf32, #tpu.memory_space<vmem>>, vector<256x128xf32>
      %dot_general3A_31 = arith.constant dense<0.000000e+00> : vector<1x128xf32>
      %dot_general3A_32 = tpu.matmul %max3A_27, %get3A_30, %dot_general3A_31 {dimension_numbers = #tpu.dot_dimension_numbers<[1], [0], [0], [1], [0, 0, 1, 1], [], []>, transpose_lhs_hint = false} : vector<1x256xf32>, vector<256x128xf32>, vector<1x128xf32> -> vector<1x128xf32>
      %get3A_33 = arith.constant 0 : index
      %get3A_34 = arith.constant 0 : index
      %get3A_35 = vector.load %arg5[%get3A_33, %get3A_34] : memref<1x128xf32, #tpu.memory_space<vmem>>, vector<1x128xf32>
      %add3A_36 = arith.addf %dot_general3A_32, %get3A_35 : vector<1x128xf32>
      %max3A_37 = arith.constant 0.000000e+00 : f32
      %max3A_38 = vector.broadcast %max3A_37 : f32 to vector<1x128xf32>
      %max3A_39 = arith.maximumf %add3A_36, %max3A_38 : vector<1x128xf32>
      %get3A_40 = arith.constant 0 : index
      %get3A_41 = arith.constant 0 : index
      %get3A_42 = vector.load %arg6[%get3A_40, %get3A_41] : memref<128x128xf32, #tpu.memory_space<vmem>>, vector<128x128xf32>
      %dot_general3A_43 = arith.constant dense<0.000000e+00> : vector<1x128xf32>
      %dot_general3A_44 = tpu.matmul %max3A_39, %get3A_42, %dot_general3A_43 {dimension_numbers = #tpu.dot_dimension_numbers<[1], [0], [0], [1], [0, 0, 1, 1], [], []>, transpose_lhs_hint = false} : vector<1x128xf32>, vector<128x128xf32>, vector<1x128xf32> -> vector<1x128xf32>
      %get3A_45 = arith.constant 0 : index
      %get3A_46 = arith.constant 0 : index
      %get3A_47 = vector.load %arg7[%get3A_45, %get3A_46] : memref<1x128xf32, #tpu.memory_space<vmem>>, vector<1x128xf32>
      %add3A_48 = arith.addf %dot_general3A_44, %get3A_47 : vector<1x128xf32>
      %swap3A_49 = arith.constant 0 : index
      %swap3A_50 = arith.constant 0 : index
      %swap3A_51 = vector.load %arg8[%swap3A_49, %swap3A_50] : memref<1x128xf32, #tpu.memory_space<vmem>>, vector<1x128xf32>
      tpu.vector_store %arg8[%swap3A_49, %swap3A_50], %add3A_48 {strides = array<i32>} : memref<1x128xf32, #tpu.memory_space<vmem>>, vector<1x128xf32>,
    } else {
    }
    return
  }
  func.func @transform_0(%arg0: i32) -> (i32, i32, i32) {
    %c0_i32 = arith.constant 0 : i32
    %c0_i32_0 = arith.constant 0 : i32
    %c0_i32_1 = arith.constant 0 : i32
    return %arg0, %c0_i32, %c0_i32_0 : i32, i32, i32
  }
  func.func @transform_1(%arg0: i32) -> (i32, i32) {
    %c0_i32 = arith.constant 0 : i32
    %c0_i32_0 = arith.constant 0 : i32
    return %arg0, %c0_i32 : i32, i32
  }
  func.func @transform_2(%arg0: i32) -> (i32, i32) {
    %c0_i32 = arith.constant 0 : i32
    %c0_i32_0 = arith.constant 0 : i32
    %c0_i32_1 = arith.constant 0 : i32
    return %c0_i32, %c0_i32_0 : i32, i32
  }
  func.func @transform_3(%arg0: i32) -> (i32, i32) {
    %c0_i32 = arith.constant 0 : i32
    %c0_i32_0 = arith.constant 0 : i32
    %c0_i32_1 = arith.constant 0 : i32
    return %c0_i32, %c0_i32_0 : i32, i32
  }
  func.func @transform_4(%arg0: i32) -> (i32, i32) {
    %c0_i32 = arith.constant 0 : i32
    %c0_i32_0 = arith.constant 0 : i32
    %c0_i32_1 = arith.constant 0 : i32
    return %c0_i32, %c0_i32_0 : i32, i32
  }
  func.func @transform_5(%arg0: i32) -> (i32, i32) {
    %c0_i32 = arith.constant 0 : i32
    %c0_i32_0 = arith.constant 0 : i32
    %c0_i32_1 = arith.constant 0 : i32
    return %c0_i32, %c0_i32_0 : i32, i32
  }
  func.func @transform_6(%arg0: i32) -> (i32, i32) {
    %c0_i32 = arith.constant 0 : i32
    %c0_i32_0 = arith.constant 0 : i32
    %c0_i32_1 = arith.constant 0 : i32
    return %c0_i32, %c0_i32_0 : i32, i32
  }
  func.func @transform_7(%arg0: i32) -> (i32, i32) {
    %c0_i32 = arith.constant 0 : i32
    %c0_i32_0 = arith.constant 0 : i32
    %c0_i32_1 = arith.constant 0 : i32
    return %c0_i32, %c0_i32_0 : i32, i32
  }
}

</mosaic_0001>

<sc_bundles>
// kernel: gather_offload_async_start.1
scs
__scs_entry_jumppad:
0x0: {  	(pc) =	sbr.rel $0x88, $3  }
0x1: {  	(tag) =	ssettag $0x0;
	lr =	simm.s32 $0x1  }
0x2: {  	[smem:$0x3F8B] =	sst lr;
	_ =	strace $0xD0000000  }
0x3: {  	_ = 	snop  }
0x4: {  	_ = 	snop  }
0x5: {  	_ = 	snop  }
0x6: {  	_ = 	snop  }
0x7: {  	_ = 	snop  }
__scs_overlays_trampoline_lowered:
0x8: {  	[smem:$0x3F9A] =	sst s0  }
0x9: {  	[smem:$0x3F9B] =	sst s1  }
0xa: {  	[smem:$0x3F9C] =	sst s2  }
0xb: {  	[smem:$0x3F9D] =	sst s3  }
0xc: {  	[smem:$0x3F9E] =	sst s4  }
0xd: {  	[smem:$0x3F9F] =	sst s5  }
0xe: {  	[smem:$0x3FA0] =	sst s6  }
0xf: {  	[smem:$0x3FA1] =	sst s7  }
0x10: {  	[smem:$0x3FA2] =	sst s8  }
0x11: {  	[smem:$0x3FA3] =	sst s9;
	s0 =	simm.s32 @!p0 $0x0  }
0x12: {  	s1 =	sld [smem:$0x3F89];
	s0 =	simm.s32 @p0 $0x1  }
0x13: {  	[smem:$0x3FA4] =	sst s0;
	s0 =	simm.s32 @!p1 $0x0  }
0x14: {  	s2 =	sld [smem:$0x3F88];
	s0 =	simm.s32 @p1 $0x1  }
0x15: {  	[smem:$0x3FA5] =	sst s0;
	s0 =	simm.s32 @!p2 $0x0  }
0x16: {  	s3 =	sld [smem:$0x3FDB];
	s0 =	simm.s32 @p2 $0x1  }
0x17: {  	s4 =	simm.s32 $0x1BF5;
	[smem:$0x3FA7] =	sst s0  }
0x18: {  	s0 =	sld [smem:$0x3F8A];
	_ =	swait.ge [sflag:s4], $0x0  }
0x19: {  	s7 =	sld [smem:$0x3F8B]  }
0x1a: {  	s8 =	sadd.s32 $0xFFFFE003, lr  }
0x1b: {  	s9 =	sadd.s32 $0xFFFFFEF7, lr;
	s5 =	simm.s32 $0xFFFFFFFF;
	p2 =	slt.u32 s8, $0xFFFFF086  }
0x1c: {  	p1 =	slt.u32 s9, $0xF7A;
	s5 =	simm.s32 @!p2 $0x0  }
0x1d: {  	s5 =	simm.s32 @p1 $0x1;
	p0 =	seq.s32 s7, s2  }
0x1e: {  	s7 =	smul.u32 @!p0 $0xF7A, s2;
	p2 =	seq.s32 @!p0 s5, $0x0  }
0x1f: {  	s9 =	smul.u32 $0xF7A, s1;
	s8 =	simm.s32 @!p0 $0x1BF5;
	p2 =	por !p2, p0  }
0x20: {  	[sflag:s8] =	ssyncset.s32 @!p0 $0xFFFFF086;
	s6 =	sadd.s32 @!p0 s3, s7;
	s7 =	simm.s32 @!p0 $0x108  }
0x21: {  	s3 =	sadd.s32 s3, s9;
	s6 =	sadd.s32 @!p0 $0x88, s6;
	s7 =	simm.s32 @p2 $0x1082  }
0x22: {  	[simem:s7], [sflag:s8] =	dma.local @!p0 [hbm:s6], $0xF7A  }
0x23: {  	s9 =	sor.u32 $0xD0000000, s2;
	s6 =	simm.s32 $0x108;
	_ =	swait.ge @!p0 [sflag:s8], $0x0  }
0x24: {  	s3 =	sadd.s32 $0x88, s3;
	s6 =	simm.s32 @!p1 $0x1082;
	[sflag:s4] =	ssyncset.s32 $0xFFFFF086  }
0x25: {  	[simem:s6], [sflag:s4] =	dma.local [hbm:s3], $0xF7A  }
0x26: {  	[smem:$0x3F8B] =	sst s1;
	(tag) =	ssettag s2;
	_ =	strace s9  }
0x27: {  	s1 =	sld [smem:$0x3F9B]  }
0x28: {  	s2 =	sld [smem:$0x3F9C]  }
0x29: {  	s4 =	sld [smem:$0x3F9E]  }
0x2a: {  	p0 =	seq.s32 s5, $0x0;
	s5 =	sld [smem:$0x3F9F]  }
0x2b: {  	s6 =	sld [smem:$0x3FA0]  }
0x2c: {  	s7 =	sld [smem:$0x3FA1]  }
0x2d: {  	s3 =	simm.s32 $0x108;
	s8 =	sld [smem:$0x3FA2]  }
0x2e: {  	s3 =	simm.s32 @!p0 $0x1082;
	s9 =	sld [smem:$0x3FA3]  }
0x2f: {  	lr =	sadd.s32 s0, s3;
	s0 =	sld [smem:$0x3F9A]  }
0x30: {  	s3 =	sld [smem:$0x3F9D]  }
0x31: {  	[smem:$0x3FA6] =	sst s10  }
0x32: {  	s10 =	sld [smem:$0x3FA4];
	_ =	sdelay $0x3  }
0x33: {  	p0 =	seq.s32 s10, $0x1;
	s10 =	sld [smem:$0x3FA6];
	_ =	sdelay $0x3  }
0x34: {  	[smem:$0x3FA6] =	sst s10  }
0x35: {  	s10 =	sld [smem:$0x3FA5];
	_ =	sdelay $0x3  }
0x36: {  	p1 =	seq.s32 s10, $0x1;
	s10 =	sld [smem:$0x3FA6];
	_ =	sdelay $0x3  }
0x37: {  	[smem:$0x3FA6] =	sst s10  }
0x38: {  	s10 =	sld [smem:$0x3FA7]  }
0x39: {  	_ = 	snop;
	(pc) =	sbr.ind lr, $3  }
0x3a: {  	_ = 	snop  }
0x3b: {  	_ = 	snop  }
0x3c: {  	p2 =	seq.s32 s10, $0x1;
	s10 =	sld [smem:$0x3FA6]  }
0x3d: {  	_ =	shalt  }
0x3e: {  	_ =	shalt  }
0x3f: {  	_ =	shalt  }
0x40: {  	_ =	shalt  }
0x41: {  	_ =	shalt  }
0x42: {  	_ =	shalt  }
0x43: {  	_ =	shalt  }
0x44: {  	_ =	shalt  }
0x45: {  	_ =	shalt  }
0x46: {  	_ =	shalt  }
0x47: {  	_ =	shalt  }
0x48: {  	_ =	shalt  }
0x49: {  	_ =	shalt  }
0x4a: {  	_ =	shalt  }
0x4b: {  	_ =	shalt  }
0x4c: {  	_ =	shalt  }
0x4d: {  	_ =	shalt  }
0x4e: {  	_ =	shalt  }
0x4f: {  	_ =	shalt  }
0x50: {  	_ =	shalt  }
0x51: {  	_ =	shalt  }
0x52: {  	_ =	shalt  }
0x53: {  	_ =	shalt  }
0x54: {  	_ =	shalt  }
0x55: {  	_ =	shalt  }
0x56: {  	_ =	shalt  }
0x57: {  	_ =	shalt  }
0x58: {  	_ =	shalt  }
0x59: {  	_ =	shalt  }
0x5a: {  	_ =	shalt  }
0x5b: {  	_ =	shalt  }
0x5c: {  	_ =	shalt  }
0x5d: {  	_ =	shalt  }
0x5e: {  	_ =	shalt  }
0x5f: {  	_ =	shalt  }
0x60: {  	_ =	shalt  }
0x61: {  	_ =	shalt  }
0x62: {  	_ =	shalt  }
0x63: {  	_ =	shalt  }
0x64: {  	_ =	shalt  }
0x65: {  	_ =	shalt  }
0x66: {  	_ =	shalt  }
0x67: {  	_ =	shalt  }
0x68: {  	_ =	shalt  }
0x69: {  	_ =	shalt  }
0x6a: {  	_ =	shalt  }
0x6b: {  	_ =	shalt  }
0x6c: {  	_ =	shalt  }
0x6d: {  	_ =	shalt  }
0x6e: {  	_ =	shalt  }
0x6f: {  	_ =	shalt  }
0x70: {  	_ =	shalt  }
0x71: {  	_ =	shalt  }
0x72: {  	_ =	shalt  }
0x73: {  	_ =	shalt  }
0x74: {  	_ =	shalt  }
0x75: {  	_ =	shalt  }
0x76: {  	_ =	shalt  }
0x77: {  	_ =	shalt  }
0x78: {  	_ =	shalt  }
0x79: {  	_ =	shalt  }
0x7a: {  	_ =	shalt  }
0x7b: {  	_ =	shalt  }
0x7c: {  	_ =	shalt  }
0x7d: {  	_ =	shalt  }
0x7e: {  	_ =	shalt  }
0x7f: {  	_ =	shalt  }
0x80: {  	_ =	shalt  }
0x81: {  	_ =	shalt  }
0x82: {  	_ =	shalt  }
0x83: {  	_ =	shalt  }
0x84: {  	_ =	shalt  }
0x85: {  	_ =	shalt  }
0x86: {  	_ =	shalt  }
0x87: {  	_ =	shalt  }
.Lfunc_end0:
.L_simem_size_0:
called_computation.1_lowered:
.L_overlay_start_0:
0x88: {  	s0 =	sld [smem:$0x3FD9]  }
0x89: {  	s1 =	sld [smem:$0x3FFE];
	_ =	sdelay $0x3  }
0x8a: {  	s0 =	sadd.s32 s1, s0  }
0x8b: {  	[smem:$0x3FB2] =	sst s0  }
0x8c: {  	_ = 	snop  }
0x8d: {  	(tm) =	ssettm $0x1  }
0x8e: {  	s15 =	sld [smem:$0x3FFB];
	_ =	sdelay $0x3  }
0x8f: {  	_ =	strace s15  }
0x90: {  	s0 =	sld [smem:$0x3FFC];
	_ =	sdelay $0x3  }
0x91: {  	_ =	strace s0  }
0x92: {  	s0 =	sld [smem:$0x3FFD];
	_ =	sdelay $0x3  }
0x93: {  	_ =	strace s0  }
0x94: {  	_ =	strace $0x8FFFFFFF  }
0x95: {  	s16 =	sld [smem:$0x3FDB];
	_ =	sdelay $0x1  }
0x96: {  	s17 =	simm.s32 $_scs_section_size  }
0x97: {  	s2 =	simm.s32 $_size__tile_overlayer_lowered;
	s3 =	simm.s32 $_tile_overlayer_lowered  }
0x98: {  	s20 =	simm.s32 $0x1BFF;
	s19 =	sshll.u32 s3, $0x1;
	s0 =	sadd.s32 s17, s16  }
0x99: {  	s4 =	simm.s32 $0x0;
	s18 =	sshll.u32 s2, $0x1;
	s2 =	sadd.s32 s19, s0  }
0x9a: {  	[timem:s4], [sflag:s20] =	dma.local [hbm:s2], s18  }
0x9b: {  	_ =	swait.ge [sflag:s20], s18  }
0x9c: {  	s1 =	ssub.s32 $0x0, s18;
	[sflag:s20] =	ssyncset.done $0x0  }
0x9d: {  	[sflag:s20] =	ssyncadd.s32 s1;
	_ =	sdelay $0x1  }
0x9e: {  	s21 =	simm.s32 $0x1B8B  }
0x9f: {  	_ =	swait.ge [sflag:s21], $0x1  }
0xa0: {  	[sflag:s21] =	ssyncset.done $0x0  }
0xa1: {  	s23 =	simm.s32 $0x1B8E;
	s22 =	sld [smem:$0x3FFE];
	[sflag:s21] =	ssyncadd.s32 $0xFFFFFFFF  }
0xa2: {  	s24 =	simm.s32 $execute0_lowered;
	[smem:$0x3FD2] =	sst s23  }
0xa3: {  	s2 =	sshll.u32 s24, $0x1;
	_ =	strace $0x80000046;
	[dreg:$0x1] =	wrdreg $0xFFFFFFFF  }
0xa4: {  	s25 =	simm.s32 $_size_execute0_lowered;
	s0 =	sadd.s32 s0, s2;
	[dreg:$0x0] =	wrdreg $0x0  }
0xa5: {  	s2 =	sshll.u32 s25, $0x1;
	[dreg:$0x2] =	wrdreg s0  }
0xa6: {  	[dreg:$0x3] =	wrdreg s2  }
0xa7: {  	[dreg:$0x4] =	wrdreg $0xC0  }
0xa8: {  	_ =	task [dreg:s4], $0x5FFFF  }
0xa9: {  	[dreg:$0x1] =	wrdreg $0xFFFFFFFF  }
0xaa: {  	[dreg:$0x0] =	wrdreg $0x60  }
0xab: {  	[dreg:$0x2] =	wrdreg s22  }
0xac: {  	[dreg:$0x3] =	wrdreg $0xD  }
0xad: {  	_ =	task.clear_ibuf [dreg:s4], $0x4FFFF;
	_ =	strace $0x90000046  }
0xae: {  	s26 =	simm.s32 $0xD;
	_ =	strace $0x80000048  }
0xaf: {  	_ =	swait.ge [sflag:s26], $0x1  }
0xb0: {  	[sflag:s26] =	ssyncadd.s32 $0xFFFFFFFF  }
0xb1: {  	_ =	strace $0x90000048  }
0xb2: {  	_ =	sfence  }
0xb3: {  	s28 =	sld [smem:$0x0];
	_ =	sdelay $0x1  }
0xb4: {  	s29 =	srdreg.scid  }
0xb5: {  	s30 =	sshll.u32 s29, $0xD;
	s31 =	sshrl.u32 s29, $0x2  }
0xb6: {  	s1 =	sand.u32 $0x1, s29;
	s2 =	sand.u32 $0x4000, s30;
	s0 =	sadd.s32 s31, s28  }
0xb7: {  	s1 =	sor.u32 s2, s1;
	s0 =	sshll.u32 s0, $0x11  }
0xb8: {  	s0 =	sor.u32 s0, s1  }
0xb9: {  	s0 =	sadd.s32 $0x8F2B, s0  }
0xba: {  	[sflag:s0] =	ssyncadd.remote.s32 $0x1  }
0xbb: {  	_ =	sfence.sel $0xFFFF  }
0xbc: {  	[dreg:$0x0] =	wrdreg $0xFFFFFFFF;
	(pc) =	sbr.abs _section_cstart, $3  }
0xbd: {  	[dreg:$0x1] =	wrdreg $0xFFFFFFFF  }
0xbe: {  	_ =	task.clear_ibuf [dreg:s4], $0x2FFFF;
	_ =	strace $0x9FFFFFFF  }
0xbf: {  	(tm) =	ssettm $0x7FFFFFFF  }
tec
execute0_lowered:
.L_overlay_start_1:
0x0: {  	(tag) =	ssettag $0x1  }
0x1: {  	s8 =	rddreg [dreg:$0x0]  }
0x2: {  	s0 =	rddreg [dreg:$0x1];
	_ =	strace $0x80000047  }
0x3: {  	s4 =	simm.s32 $0x1;
	s1 =	stileid.u32;
	s7 =	simm.s32 $0x1  }
0x4: {  	s9 =	simm.s32 $0x1;
	s6 =	simm.s32 $0x2;
	s10 =	simm.s32 $0x3  }
0x5: {  	s13 =	simm.s32 $0x0;
	s12 =	simm.s32 $0x0;
	s2 =	sadd.s32 $0x19800, s8  }
.Ltmp0:
0x6: {  	s3 =	sadd.s32 $0x23A00, s8;
	p0 =	slt.u32 s1, $0xA;
	(pc) =	sbr.rel .LBB2_1-.Ltmp0, $4  }
0x7: {  	[sflag:s4] =	ssyncpa.u1 $0x0;
	s7 =	simm.s32 @!p0 $0x0;
	p0 =	sne.s32 s1, $0x9  }
0x8: {  	s5 =	smul.u32 $0x3390, s1;
	[sflag:s6] =	ssyncpa.u1 $0x0;
	s9 =	simm.s32 @!p0 $0x0  }
0x9: {  	s8 =	sadd.s32 $0x2DC00, s8;
	[sflag:s10] =	ssyncpa.u1 $0x0;
	s7 =	sadd.s32 s9, s7  }
0xa: {  	vm0 =	vmmov $0xffff;
	s10 =	simm.s32 $0x0;
	s11 =	smov.u32 s5;
	s9 =	sadd.s32 $0x1, s7  }
.LBB2_4:
0xb: {  	v2 =	vnsel vm1, $0x0, v2  }
0xc: {  	vm1 =	vgt.s32 v0, $0x0;
	v2 =	vmin.u32 v2, $0x5090F  }
0xd: {  	v0 =	vnsel vm1, $0x0, v0  }
0xe: {  	v0 =	vmin.u32 v0, $0x5090F  }
0xf: {  	[tilespmem:s18], [sflag:$0x1] =	stream.indirect_vreg.gather [hbm4b:s2+s10], $0x1, v1, vm0, $0x4038;
	[tilespmem:$0xCE40] =	vst v63  }
0x10: {  	(ifvalue) =	ssetifvalue $0x7FFFFFFF  }
0x11: {  	[tilespmem:s15], [sflag:$0x1] =	stream.indirect_vreg.gather [hbm4b:s2+s10], $0x1, v2, vm0, $0x4038;
	[tilespmem:$0xCE40] =	vst v63  }
0x12: {  	s29 =	sadd.s32 $0x10, s15;
	(ifvalue) =	ssetifvalue $0x7FFFFFFF  }
0x13: {  	[tilespmem:s29], [sflag:$0x1] =	stream.indirect_vreg.gather [hbm4b:s2+s10], $0x1, v0, vm0, $0x4038;
	[tilespmem:$0xCE40] =	vst v63  }
0x14: {  	_ =	swait.ge [sflag:s4], $0x3390  }
0x15: {  	s30 =	sshrl.u32 s13, $0x3;
	[sflag:s4] =	ssyncset.done $0x0  }
0x16: {  	s31 =	sand.u32 $0x7, s13;
	s15 =	sadd.s32 s8, s30;
	[sflag:s4] =	ssyncadd.s32 $0xFFFFCC70  }
0x17: {  	[hbm4b:s15+s31] =	stream.linear.scatter [tilespmem:s14], [sflag:$0x3], $0x3390, $0x38;
	[tilespmem:$0xCE40] =	vst v63  }
.LBB2_5:
0x18: {  	s15 =	sadd.s32 $0x33900, s11  }
0x19: {  	p1 =	sgt.s32 s15, $0x5090F  }
0x1a: {  	s15 =	smov.u32 @p1 s5;
	p1 =	sne.s32 s12, s9  }
.Ltmp1:
0x1b: {  	p0 =	slt.u32 s12, $0x2;
	(pc) =	sbr.rel @!p1 .LBB2_6-.Ltmp1, $4  }
0x1c: {  	s14 =	simm.s32 @!p0 $0x3  }
0x1d: {  	_ =	swait.ge @!p0 [sflag:s14], $0x3390  }
0x1e: {  	s16 =	sadd.s32 $0x1, s12;
	s13 =	smov.u32 s11;
	[sflag:s14] =	ssyncset.done @!p0 $0x0  }
0x1f: {  	s12 =	smov.u32 s16;
	s11 =	smov.u32 s15;
	[sflag:s14] =	ssyncadd.s32 @!p0 $0xFFFFCC70  }
.LBB2_1:
0x20: {  	p0 =	sge.u32 s12, s7  }
0x21: {  	s14 =	sxor.u32 @!p0 $0x1, s12  }
0x22: {  	s14 =	smul.u32 @!p0 $0xCE40, s14  }
0x23: {  	s31 =	sadd.s32 $0xFFFFFFFF, s12;
	s15 =	sshrl.u32 @!p0 s11, $0x3  }
0x24: {  	s16 =	sand.u32 @!p0 $0x7, s11;
	s15 =	sadd.s32 @!p0 s3, s15;
	s14 =	sshra.s32 @!p0 s14, $0x2  }
0x25: {  	[tilespmem:s14], [sflag:$0x2] =	stream.linear.gather @!p0 [hbm4b:s15+s16], $0x3390, $0x38;
	[tilespmem:$0xCE40] =	vst v63  }
0x26: {  	p0 =	sge.u32 s31, s7  }
.Ltmp2:
0x27: {  	_ = 	snop;
	(pc) =	sbr.rel @p0 .LBB2_5-.Ltmp2, $1  }
0x28: {  	_ =	sdelay $0x3  }
0x29: {  	s14 =	sand.u32 $0x1, s12  }
0x2a: {  	_ =	swait.ge [sflag:s6], $0x3390;
	p0 =	seq.s32 s14, $0x1;
	s14 =	simm.s32 $0x3390  }
0x2b: {  	[sflag:s6] =	ssyncset.done $0x0;
	s14 =	simm.s32 @!p0 $0x0  }
0x2c: {  	[sflag:s6] =	ssyncadd.s32 $0xFFFFCC70;
	(ifvalue) =	ssetifvalue $0x7FFFFFFF;
	v0 =	vld.msk [tilespmem:s14+$0x0 ss:$0x1], $0xffff;
	_ =	sdelay $0x4  }
0x2d: {  	s15 =	sadd.s32 $0x10, s14;
	vm1 =	vgt.s32 v0, $0x0  }
0x2e: {  	v2 =	vld.msk [tilespmem:s15+$0x0 ss:$0x1], $0xffff;
	v1 =	vnsel vm1, $0x0, v0  }
0x2f: {  	v1 =	vmin.u32 v1, $0x5090F;
	_ =	sdelay $0x2  }
0x30: {  	s17 =	simm.s32 $0x20;
	s14 =	sadd.s32 $0x6720, s14;
	s16 =	sadd.s32 $0x10, s15  }
0x31: {  	s15 =	sadd.s32 $0x10, s14;
	s18 =	smov.u32 s14;
	v0 =	vld.msk [tilespmem:s16+$0x0 ss:$0x1], $0xffff;
	vm1 =	vgt.s32 v2, $0x0;
	(ifvalue) =	ssetifvalue $0x7FFFFFFF  }
.LBB2_3:
0x32: {  	[tilespmem:s18], [sflag:$0x1] =	stream.indirect_vreg.gather [hbm4b:s2+s10], $0x1, v1, vm0, $0x4038;
	[tilespmem:$0xCE40] =	vst v63  }
0x33: {  	s17 =	sadd.s32 $0x10, s17  }
0x34: {  	v2 =	vnsel vm1, $0x0, v2;
	p0 =	slt.u32 s17, $0x3380  }
.Ltmp3:
0x35: {  	s18 =	smov.u32 s15;
	v1 =	vmin.u32 v2, $0x5090F;
	(pc) =	sbr.rel @p0 .LBB2_3-.Ltmp3, $3  }
0x36: {  	_ =	sdelay $0x1  }
0x37: {  	s16 =	sadd.s32 $0x10, s16  }
0x38: {  	vm1 =	vgt.s32 v0, $0x0;
	s15 =	sadd.s32 $0x10, s15;
	v2 =	vmov v0;
	(ifvalue) =	ssetifvalue $0x7FFFFFFF;
	v0 =	vld.msk [tilespmem:s16+$0x0 ss:$0x1], $0xffff  }
.Ltmp4:
0x39: {  	_ = 	snop;
	(pc) =	sbr.rel .LBB2_4-.Ltmp4, $1  }
0x3a: {  	_ =	sdelay $0x3  }
.LBB2_6:
0x3b: {  	_ =	sfence.sel $0x180000  }
0x3c: {  	s2 =	simm.s32 $0x2;
	[bflag:$0x0] =	sbarrier.arrive $0xFFFF  }
0x3d: {  	s30 =	simm.s32 $0x3;
	[sflag:s2] =	ssyncpa.u1 $0x1  }
0x3e: {  	s31 =	simm.s32 $0x1;
	[sflag:s30] =	ssyncpa.u1 $0x1  }
0x3f: {  	[sflag:s31] =	ssyncpa.u1 $0x1  }
0x40: {  	p0 =	sne.s32 s1, $0x0;
	_ =	strace $0x90000047  }
0x41: {  	s0 =	sadd.s32 @!p0 $0x100000, s0;
	[bflag:$0x2] =	sbarrier.arrive $0xFFFF  }
0x42: {  	[sflag:s0] =	ssyncadd.tile.s32 @!p0 $0x1;
	_ =	shalt  }
.Lfunc_end2:
_tile_overlayer_lowered:
.L_overlay_start_2:
0x43: {  	(tag) =	ssettag $0x2  }
0x44: {  	s0 =	rddreg [dreg:$0x0];
	s2 =	stileid.u32  }
0x45: {  	s1 =	rddreg [dreg:$0x1];
	p0 =	sne.s32 s2, $0x0  }
0x46: {  	s3 =	rddreg [dreg:$0x2];
	[bflag:$0x3] =	sbarrier.arrive $0xFFFF;
	s2 =	simm.s32 @!p0 $0x1C01  }
0x47: {  	[timem:s3], [sflag:s2] =	dma.local @!p0 [hbm:s0], s1  }
0x48: {  	s0 =	simm.s32 @!p0 $0x1  }
0x49: {  	_ =	swait.ge @!p0 [sflag:s0], s1  }
0x4a: {  	s1 =	ssub.s32 @!p0 $0x0, s1;
	[sflag:s0] =	ssyncset.done @!p0 $0x0  }
0x4b: {  	[sflag:s0] =	ssyncadd.s32 @!p0 s1  }
0x4c: {  	[bflag:$0x3] =	sbarrier.arrive $0xFFFF  }
0x4d: {  	_ =	shalt  }

// kernel: gather_offload_async_start.2
scs
__scs_entry_jumppad:
0x0: {  	(pc) =	sbr.rel $0x88, $3  }
0x1: {  	(tag) =	ssettag $0x0;
	lr =	simm.s32 $0x1  }
0x2: {  	[smem:$0x3F8B] =	sst lr;
	_ =	strace $0xD0000000  }
0x3: {  	_ = 	snop  }
0x4: {  	_ = 	snop  }
0x5: {  	_ = 	snop  }
0x6: {  	_ = 	snop  }
0x7: {  	_ = 	snop  }
__scs_overlays_trampoline_lowered:
0x8: {  	[smem:$0x3F9A] =	sst s0  }
0x9: {  	[smem:$0x3F9B] =	sst s1  }
0xa: {  	[smem:$0x3F9C] =	sst s2  }
0xb: {  	[smem:$0x3F9D] =	sst s3  }
0xc: {  	[smem:$0x3F9E] =	sst s4  }
0xd: {  	[smem:$0x3F9F] =	sst s5  }
0xe: {  	[smem:$0x3FA0] =	sst s6  }
0xf: {  	[smem:$0x3FA1] =	sst s7  }
0x10: {  	[smem:$0x3FA2] =	sst s8  }
0x11: {  	[smem:$0x3FA3] =	sst s9;
	s0 =	simm.s32 @!p0 $0x0  }
0x12: {  	s1 =	sld [smem:$0x3F89];
	s0 =	simm.s32 @p0 $0x1  }
0x13: {  	[smem:$0x3FA4] =	sst s0;
	s0 =	simm.s32 @!p1 $0x0  }
0x14: {  	s2 =	sld [smem:$0x3F88];
	s0 =	simm.s32 @p1 $0x1  }
0x15: {  	[smem:$0x3FA5] =	sst s0;
	s0 =	simm.s32 @!p2 $0x0  }
0x16: {  	s3 =	sld [smem:$0x3FDB];
	s0 =	simm.s32 @p2 $0x1  }
0x17: {  	s4 =	simm.s32 $0x1BF5;
	[smem:$0x3FA7] =	sst s0  }
0x18: {  	s0 =	sld [smem:$0x3F8A];
	_ =	swait.ge [sflag:s4], $0x0  }
0x19: {  	s7 =	sld [smem:$0x3F8B]  }
0x1a: {  	s8 =	sadd.s32 $0xFFFFE003, lr  }
0x1b: {  	s9 =	sadd.s32 $0xFFFFFEF7, lr;
	s5 =	simm.s32 $0xFFFFFFFF;
	p2 =	slt.u32 s8, $0xFFFFF086  }
0x1c: {  	p1 =	slt.u32 s9, $0xF7A;
	s5 =	simm.s32 @!p2 $0x0  }
0x1d: {  	s5 =	simm.s32 @p1 $0x1;
	p0 =	seq.s32 s7, s2  }
0x1e: {  	s7 =	smul.u32 @!p0 $0xF7A, s2;
	p2 =	seq.s32 @!p0 s5, $0x0  }
0x1f: {  	s9 =	smul.u32 $0xF7A, s1;
	s8 =	simm.s32 @!p0 $0x1BF5;
	p2 =	por !p2, p0  }
0x20: {  	[sflag:s8] =	ssyncset.s32 @!p0 $0xFFFFF086;
	s6 =	sadd.s32 @!p0 s3, s7;
	s7 =	simm.s32 @!p0 $0x108  }
0x21: {  	s3 =	sadd.s32 s3, s9;
	s6 =	sadd.s32 @!p0 $0x88, s6;
	s7 =	simm.s32 @p2 $0x1082  }
0x22: {  	[simem:s7], [sflag:s8] =	dma.local @!p0 [hbm:s6], $0xF7A  }
0x23: {  	s9 =	sor.u32 $0xD0000000, s2;
	s6 =	simm.s32 $0x108;
	_ =	swait.ge @!p0 [sflag:s8], $0x0  }
0x24: {  	s3 =	sadd.s32 $0x88, s3;
	s6 =	simm.s32 @!p1 $0x1082;
	[sflag:s4] =	ssyncset.s32 $0xFFFFF086  }
0x25: {  	[simem:s6], [sflag:s4] =	dma.local [hbm:s3], $0xF7A  }
0x26: {  	[smem:$0x3F8B] =	sst s1;
	(tag) =	ssettag s2;
	_ =	strace s9  }
0x27: {  	s1 =	sld [smem:$0x3F9B]  }
0x28: {  	s2 =	sld [smem:$0x3F9C]  }
0x29: {  	s4 =	sld [smem:$0x3F9E]  }
0x2a: {  	p0 =	seq.s32 s5, $0x0;
	s5 =	sld [smem:$0x3F9F]  }
0x2b: {  	s6 =	sld [smem:$0x3FA0]  }
0x2c: {  	s7 =	sld [smem:$0x3FA1]  }
0x2d: {  	s3 =	simm.s32 $0x108;
	s8 =	sld [smem:$0x3FA2]  }
0x2e: {  	s3 =	simm.s32 @!p0 $0x1082;
	s9 =	sld [smem:$0x3FA3]  }
0x2f: {  	lr =	sadd.s32 s0, s3;
	s0 =	sld [smem:$0x3F9A]  }
0x30: {  	s3 =	sld [smem:$0x3F9D]  }
0x31: {  	[smem:$0x3FA6] =	sst s10  }
0x32: {  	s10 =	sld [smem:$0x3FA4];
	_ =	sdelay $0x3  }
0x33: {  	p0 =	seq.s32 s10, $0x1;
	s10 =	sld [smem:$0x3FA6];
	_ =	sdelay $0x3  }
0x34: {  	[smem:$0x3FA6] =	sst s10  }
0x35: {  	s10 =	sld [smem:$0x3FA5];
	_ =	sdelay $0x3  }
0x36: {  	p1 =	seq.s32 s10, $0x1;
	s10 =	sld [smem:$0x3FA6];
	_ =	sdelay $0x3  }
0x37: {  	[smem:$0x3FA6] =	sst s10  }
0x38: {  	s10 =	sld [smem:$0x3FA7]  }
0x39: {  	_ = 	snop;
	(pc) =	sbr.ind lr, $3  }
0x3a: {  	_ = 	snop  }
0x3b: {  	_ = 	snop  }
0x3c: {  	p2 =	seq.s32 s10, $0x1;
	s10 =	sld [smem:$0x3FA6]  }
0x3d: {  	_ =	shalt  }
0x3e: {  	_ =	shalt  }
0x3f: {  	_ =	shalt  }
0x40: {  	_ =	shalt  }
0x41: {  	_ =	shalt  }
0x42: {  	_ =	shalt  }
0x43: {  	_ =	shalt  }
0x44: {  	_ =	shalt  }
0x45: {  	_ =	shalt  }
0x46: {  	_ =	shalt  }
0x47: {  	_ =	shalt  }
0x48: {  	_ =	shalt  }
0x49: {  	_ =	shalt  }
0x4a: {  	_ =	shalt  }
0x4b: {  	_ =	shalt  }
0x4c: {  	_ =	shalt  }
0x4d: {  	_ =	shalt  }
0x4e: {  	_ =	shalt  }
0x4f: {  	_ =	shalt  }
0x50: {  	_ =	shalt  }
0x51: {  	_ =	shalt  }
0x52: {  	_ =	shalt  }
0x53: {  	_ =	shalt  }
0x54: {  	_ =	shalt  }
0x55: {  	_ =	shalt  }
0x56: {  	_ =	shalt  }
0x57: {  	_ =	shalt  }
0x58: {  	_ =	shalt  }
0x59: {  	_ =	shalt  }
0x5a: {  	_ =	shalt  }
0x5b: {  	_ =	shalt  }
0x5c: {  	_ =	shalt  }
0x5d: {  	_ =	shalt  }
0x5e: {  	_ =	shalt  }
0x5f: {  	_ =	shalt  }
0x60: {  	_ =	shalt  }
0x61: {  	_ =	shalt  }
0x62: {  	_ =	shalt  }
0x63: {  	_ =	shalt  }
0x64: {  	_ =	shalt  }
0x65: {  	_ =	shalt  }
0x66: {  	_ =	shalt  }
0x67: {  	_ =	shalt  }
0x68: {  	_ =	shalt  }
0x69: {  	_ =	shalt  }
0x6a: {  	_ =	shalt  }
0x6b: {  	_ =	shalt  }
0x6c: {  	_ =	shalt  }
0x6d: {  	_ =	shalt  }
0x6e: {  	_ =	shalt  }
0x6f: {  	_ =	shalt  }
0x70: {  	_ =	shalt  }
0x71: {  	_ =	shalt  }
0x72: {  	_ =	shalt  }
0x73: {  	_ =	shalt  }
0x74: {  	_ =	shalt  }
0x75: {  	_ =	shalt  }
0x76: {  	_ =	shalt  }
0x77: {  	_ =	shalt  }
0x78: {  	_ =	shalt  }
0x79: {  	_ =	shalt  }
0x7a: {  	_ =	shalt  }
0x7b: {  	_ =	shalt  }
0x7c: {  	_ =	shalt  }
0x7d: {  	_ =	shalt  }
0x7e: {  	_ =	shalt  }
0x7f: {  	_ =	shalt  }
0x80: {  	_ =	shalt  }
0x81: {  	_ =	shalt  }
0x82: {  	_ =	shalt  }
0x83: {  	_ =	shalt  }
0x84: {  	_ =	shalt  }
0x85: {  	_ =	shalt  }
0x86: {  	_ =	shalt  }
0x87: {  	_ =	shalt  }
.Lfunc_end0:
.L_simem_size_0:
called_computation.2_lowered:
.L_overlay_start_0:
0x88: {  	s0 =	sld [smem:$0x3FD9]  }
0x89: {  	s1 =	sld [smem:$0x3FFE];
	_ =	sdelay $0x3  }
0x8a: {  	s0 =	sadd.s32 s1, s0  }
0x8b: {  	[smem:$0x3FB2] =	sst s0  }
0x8c: {  	_ = 	snop  }
0x8d: {  	(tm) =	ssettm $0x1  }
0x8e: {  	s15 =	sld [smem:$0x3FFB];
	_ =	sdelay $0x3  }
0x8f: {  	_ =	strace s15  }
0x90: {  	s0 =	sld [smem:$0x3FFC];
	_ =	sdelay $0x3  }
0x91: {  	_ =	strace s0  }
0x92: {  	s0 =	sld [smem:$0x3FFD];
	_ =	sdelay $0x3  }
0x93: {  	_ =	strace s0  }
0x94: {  	_ =	strace $0x8FFFFFFF  }
0x95: {  	s16 =	sld [smem:$0x3FDB];
	_ =	sdelay $0x1  }
0x96: {  	s17 =	simm.s32 $_scs_section_size  }
0x97: {  	s2 =	simm.s32 $_size__tile_overlayer_lowered;
	s3 =	simm.s32 $_tile_overlayer_lowered  }
0x98: {  	s20 =	simm.s32 $0x1BFF;
	s19 =	sshll.u32 s3, $0x1;
	s0 =	sadd.s32 s17, s16  }
0x99: {  	s4 =	simm.s32 $0x0;
	s18 =	sshll.u32 s2, $0x1;
	s2 =	sadd.s32 s19, s0  }
0x9a: {  	[timem:s4], [sflag:s20] =	dma.local [hbm:s2], s18  }
0x9b: {  	_ =	swait.ge [sflag:s20], s18  }
0x9c: {  	s1 =	ssub.s32 $0x0, s18;
	[sflag:s20] =	ssyncset.done $0x0  }
0x9d: {  	[sflag:s20] =	ssyncadd.s32 s1;
	_ =	sdelay $0x1  }
0x9e: {  	s21 =	simm.s32 $0x1B8B  }
0x9f: {  	_ =	swait.ge [sflag:s21], $0x1  }
0xa0: {  	[sflag:s21] =	ssyncset.done $0x0  }
0xa1: {  	s23 =	simm.s32 $0x1B8E;
	s22 =	sld [smem:$0x3FFE];
	[sflag:s21] =	ssyncadd.s32 $0xFFFFFFFF  }
0xa2: {  	s24 =	simm.s32 $execute0_lowered;
	[smem:$0x3FD2] =	sst s23  }
0xa3: {  	s2 =	sshll.u32 s24, $0x1;
	_ =	strace $0x80000052;
	[dreg:$0x1] =	wrdreg $0xFFFFFFFF  }
0xa4: {  	s25 =	simm.s32 $_size_execute0_lowered;
	s0 =	sadd.s32 s0, s2;
	[dreg:$0x0] =	wrdreg $0x0  }
0xa5: {  	s2 =	sshll.u32 s25, $0x1;
	[dreg:$0x2] =	wrdreg s0  }
0xa6: {  	[dreg:$0x3] =	wrdreg s2  }
0xa7: {  	[dreg:$0x4] =	wrdreg $0xC0  }
0xa8: {  	_ =	task [dreg:s4], $0x5FFFF  }
0xa9: {  	[dreg:$0x1] =	wrdreg $0xFFFFFFFF  }
0xaa: {  	[dreg:$0x0] =	wrdreg $0x60  }
0xab: {  	[dreg:$0x2] =	wrdreg s22  }
0xac: {  	[dreg:$0x3] =	wrdreg $0x9  }
0xad: {  	_ =	task.clear_ibuf [dreg:s4], $0x4FFFF;
	_ =	strace $0x90000052  }
0xae: {  	s26 =	simm.s32 $0x9;
	_ =	strace $0x80000054  }
0xaf: {  	_ =	swait.ge [sflag:s26], $0x1  }
0xb0: {  	[sflag:s26] =	ssyncadd.s32 $0xFFFFFFFF  }
0xb1: {  	_ =	strace $0x90000054  }
0xb2: {  	_ =	sfence  }
0xb3: {  	s28 =	sld [smem:$0x0];
	_ =	sdelay $0x1  }
0xb4: {  	s29 =	srdreg.scid  }
0xb5: {  	s30 =	sshll.u32 s29, $0xD;
	s31 =	sshrl.u32 s29, $0x2  }
0xb6: {  	s1 =	sand.u32 $0x1, s29;
	s2 =	sand.u32 $0x4000, s30;
	s0 =	sadd.s32 s31, s28  }
0xb7: {  	s1 =	sor.u32 s2, s1;
	s0 =	sshll.u32 s0, $0x11  }
0xb8: {  	s0 =	sor.u32 s0, s1  }
0xb9: {  	s0 =	sadd.s32 $0x8F2B, s0  }
0xba: {  	[sflag:s0] =	ssyncadd.remote.s32 $0x1  }
0xbb: {  	_ =	sfence.sel $0xFFFF  }
0xbc: {  	[dreg:$0x0] =	wrdreg $0xFFFFFFFF;
	(pc) =	sbr.abs _section_cstart, $3  }
0xbd: {  	[dreg:$0x1] =	wrdreg $0xFFFFFFFF  }
0xbe: {  	_ =	task.clear_ibuf [dreg:s4], $0x2FFFF;
	_ =	strace $0x9FFFFFFF  }
0xbf: {  	(tm) =	ssettm $0x7FFFFFFF  }
tec
execute0_lowered:
.L_overlay_start_1:
0x0: {  	(tag) =	ssettag $0x1  }
0x1: {  	s8 =	rddreg [dreg:$0x0]  }
0x2: {  	s0 =	rddreg [dreg:$0x1];
	_ =	strace $0x80000053  }
0x3: {  	s1 =	stileid.u32;
	s5 =	simm.s32 $0x1;
	s6 =	simm.s32 $0x27100  }
0x4: {  	s9 =	simm.s32 $0x1;
	s10 =	simm.s32 $0x3;
	s13 =	simm.s32 $0x0  }
0x5: {  	s12 =	simm.s32 $0x0;
	s2 =	sadd.s32 $0xBF800, s8;
	s4 =	smul.u32 $0x2710, s1  }
0x6: {  	s3 =	sadd.s32 $0xCA000, s8;
	p0 =	slt.u32 s1, $0x2;
	[sflag:s5] =	ssyncpa.u1 $0x0  }
.Ltmp0:
0x7: {  	s6 =	simm.s32 @!p0 $0x0;
	s7 =	ssub.s32 $0x29810, s4;
	(pc) =	sbr.rel .LBB2_1-.Ltmp0, $4  }
0x8: {  	s9 =	simm.s32 @!p0 $0x0;
	p0 =	sne.s32 s7, s6;
	s7 =	simm.s32 $0x1  }
0x9: {  	s8 =	sadd.s32 $0xD4800, s8;
	s6 =	simm.s32 $0x2;
	s7 =	simm.s32 @!p0 $0x0  }
0xa: {  	s11 =	smov.u32 s4;
	[sflag:s6] =	ssyncpa.u1 $0x0;
	s7 =	sadd.s32 s9, s7  }
0xb: {  	vm0 =	vmmov $0xffff;
	[sflag:s10] =	ssyncpa.u1 $0x0;
	s10 =	simm.s32 $0x0;
	s9 =	sadd.s32 $0x1, s7  }
.LBB2_4:
0xc: {  	v2 =	vnsel vm1, $0x0, v2  }
0xd: {  	vm1 =	vgt.s32 v0, $0x0;
	v2 =	vmin.u32 v2, $0x2980F  }
0xe: {  	v0 =	vnsel vm1, $0x0, v0  }
0xf: {  	v0 =	vmin.u32 v0, $0x2980F  }
0x10: {  	[tilespmem:s18], [sflag:$0x1] =	stream.indirect_vreg.gather [hbm4b:s2+s10], $0x1, v1, vm0, $0x4038;
	[tilespmem:$0x9C40] =	vst v63  }
0x11: {  	(ifvalue) =	ssetifvalue $0x7FFFFFFF  }
0x12: {  	[tilespmem:s15], [sflag:$0x1] =	stream.indirect_vreg.gather [hbm4b:s2+s10], $0x1, v2, vm0, $0x4038;
	[tilespmem:$0x9C40] =	vst v63  }
0x13: {  	s29 =	sadd.s32 $0x10, s15;
	(ifvalue) =	ssetifvalue $0x7FFFFFFF  }
0x14: {  	[tilespmem:s29], [sflag:$0x1] =	stream.indirect_vreg.gather [hbm4b:s2+s10], $0x1, v0, vm0, $0x4038;
	[tilespmem:$0x9C40] =	vst v63  }
0x15: {  	_ =	swait.ge [sflag:s5], $0x2710  }
0x16: {  	s30 =	sshrl.u32 s13, $0x3;
	[sflag:s5] =	ssyncset.done $0x0  }
0x17: {  	s31 =	sand.u32 $0x7, s13;
	s15 =	sadd.s32 s8, s30;
	[sflag:s5] =	ssyncadd.s32 $0xFFFFD8F0  }
0x18: {  	[hbm4b:s15+s31] =	stream.linear.scatter [tilespmem:s14], [sflag:$0x3], $0x2710, $0x38;
	[tilespmem:$0x9C40] =	vst v63  }
.LBB2_5:
0x19: {  	s15 =	sadd.s32 $0x27100, s11  }
0x1a: {  	p1 =	sgt.s32 s15, $0x2980F  }
0x1b: {  	s15 =	smov.u32 @p1 s4;
	p1 =	sne.s32 s12, s9  }
.Ltmp1:
0x1c: {  	p0 =	slt.u32 s12, $0x2;
	(pc) =	sbr.rel @!p1 .LBB2_6-.Ltmp1, $4  }
0x1d: {  	s14 =	simm.s32 @!p0 $0x3  }
0x1e: {  	_ =	swait.ge @!p0 [sflag:s14], $0x2710  }
0x1f: {  	s16 =	sadd.s32 $0x1, s12;
	s13 =	smov.u32 s11;
	[sflag:s14] =	ssyncset.done @!p0 $0x0  }
0x20: {  	s12 =	smov.u32 s16;
	s11 =	smov.u32 s15;
	[sflag:s14] =	ssyncadd.s32 @!p0 $0xFFFFD8F0  }
.LBB2_1:
0x21: {  	p0 =	sge.u32 s12, s7  }
0x22: {  	s14 =	sxor.u32 @!p0 $0x1, s12  }
0x23: {  	s14 =	smul.u32 @!p0 $0x9C40, s14  }
0x24: {  	s31 =	sadd.s32 $0xFFFFFFFF, s12;
	s15 =	sshrl.u32 @!p0 s11, $0x3  }
0x25: {  	s16 =	sand.u32 @!p0 $0x7, s11;
	s15 =	sadd.s32 @!p0 s3, s15;
	s14 =	sshra.s32 @!p0 s14, $0x2  }
0x26: {  	[tilespmem:s14], [sflag:$0x2] =	stream.linear.gather @!p0 [hbm4b:s15+s16], $0x2710, $0x38;
	[tilespmem:$0x9C40] =	vst v63  }
0x27: {  	p0 =	sge.u32 s31, s7  }
.Ltmp2:
0x28: {  	_ = 	snop;
	(pc) =	sbr.rel @p0 .LBB2_5-.Ltmp2, $1  }
0x29: {  	_ =	sdelay $0x3  }
0x2a: {  	s14 =	sand.u32 $0x1, s12  }
0x2b: {  	_ =	swait.ge [sflag:s6], $0x2710;
	p0 =	seq.s32 s14, $0x1;
	s14 =	simm.s32 $0x2710  }
0x2c: {  	[sflag:s6] =	ssyncset.done $0x0;
	s14 =	simm.s32 @!p0 $0x0  }
0x2d: {  	[sflag:s6] =	ssyncadd.s32 $0xFFFFD8F0;
	(ifvalue) =	ssetifvalue $0x7FFFFFFF;
	v0 =	vld.msk [tilespmem:s14+$0x0 ss:$0x1], $0xffff;
	_ =	sdelay $0x4  }
0x2e: {  	s15 =	sadd.s32 $0x10, s14;
	vm1 =	vgt.s32 v0, $0x0  }
0x2f: {  	v2 =	vld.msk [tilespmem:s15+$0x0 ss:$0x1], $0xffff;
	v1 =	vnsel vm1, $0x0, v0  }
0x30: {  	v1 =	vmin.u32 v1, $0x2980F;
	_ =	sdelay $0x2  }
0x31: {  	s17 =	simm.s32 $0x20;
	s14 =	sadd.s32 $0x4E20, s14;
	s16 =	sadd.s32 $0x10, s15  }
0x32: {  	s15 =	sadd.s32 $0x10, s14;
	s18 =	smov.u32 s14;
	v0 =	vld.msk [tilespmem:s16+$0x0 ss:$0x1], $0xffff;
	vm1 =	vgt.s32 v2, $0x0;
	(ifvalue) =	ssetifvalue $0x7FFFFFFF  }
.LBB2_3:
0x33: {  	[tilespmem:s18], [sflag:$0x1] =	stream.indirect_vreg.gather [hbm4b:s2+s10], $0x1, v1, vm0, $0x4038;
	[tilespmem:$0x9C40] =	vst v63  }
0x34: {  	s17 =	sadd.s32 $0x10, s17  }
0x35: {  	v2 =	vnsel vm1, $0x0, v2;
	p0 =	slt.u32 s17, $0x2700  }
.Ltmp3:
0x36: {  	s18 =	smov.u32 s15;
	v1 =	vmin.u32 v2, $0x2980F;
	(pc) =	sbr.rel @p0 .LBB2_3-.Ltmp3, $3  }
0x37: {  	_ =	sdelay $0x1  }
0x38: {  	s16 =	sadd.s32 $0x10, s16  }
0x39: {  	vm1 =	vgt.s32 v0, $0x0;
	s15 =	sadd.s32 $0x10, s15;
	v2 =	vmov v0;
	(ifvalue) =	ssetifvalue $0x7FFFFFFF;
	v0 =	vld.msk [tilespmem:s16+$0x0 ss:$0x1], $0xffff  }
.Ltmp4:
0x3a: {  	_ = 	snop;
	(pc) =	sbr.rel .LBB2_4-.Ltmp4, $1  }
0x3b: {  	_ =	sdelay $0x3  }
.LBB2_6:
0x3c: {  	_ =	sfence.sel $0x180000  }
0x3d: {  	s2 =	simm.s32 $0x2;
	[bflag:$0x0] =	sbarrier.arrive $0xFFFF  }
0x3e: {  	s30 =	simm.s32 $0x3;
	[sflag:s2] =	ssyncpa.u1 $0x1  }
0x3f: {  	s31 =	simm.s32 $0x1;
	[sflag:s30] =	ssyncpa.u1 $0x1  }
0x40: {  	[sflag:s31] =	ssyncpa.u1 $0x1  }
0x41: {  	p0 =	sne.s32 s1, $0x0;
	_ =	strace $0x90000053  }
0x42: {  	s0 =	sadd.s32 @!p0 $0x100000, s0;
	[bflag:$0x2] =	sbarrier.arrive $0xFFFF  }
0x43: {  	[sflag:s0] =	ssyncadd.tile.s32 @!p0 $0x1;
	_ =	shalt  }
.Lfunc_end2:
_tile_overlayer_lowered:
.L_overlay_start_2:
0x44: {  	(tag) =	ssettag $0x2  }
0x45: {  	s0 =	rddreg [dreg:$0x0];
	s2 =	stileid.u32  }
0x46: {  	s1 =	rddreg [dreg:$0x1];
	p0 =	sne.s32 s2, $0x0  }
0x47: {  	s3 =	rddreg [dreg:$0x2];
	[bflag:$0x3] =	sbarrier.arrive $0xFFFF;
	s2 =	simm.s32 @!p0 $0x1C01  }
0x48: {  	[timem:s3], [sflag:s2] =	dma.local @!p0 [hbm:s0], s1  }
0x49: {  	s0 =	simm.s32 @!p0 $0x1  }
0x4a: {  	_ =	swait.ge @!p0 [sflag:s0], s1  }
0x4b: {  	s1 =	ssub.s32 @!p0 $0x0, s1;
	[sflag:s0] =	ssyncset.done @!p0 $0x0  }
0x4c: {  	[sflag:s0] =	ssyncadd.s32 @!p0 s1  }
0x4d: {  	[bflag:$0x3] =	sbarrier.arrive $0xFFFF  }
0x4e: {  	_ =	shalt  }

// kernel: gather_offload_async_start.3
scs
__scs_entry_jumppad:
0x0: {  	(pc) =	sbr.rel $0x88, $3  }
0x1: {  	(tag) =	ssettag $0x0;
	lr =	simm.s32 $0x1  }
0x2: {  	[smem:$0x3F8B] =	sst lr;
	_ =	strace $0xD0000000  }
0x3: {  	_ = 	snop  }
0x4: {  	_ = 	snop  }
0x5: {  	_ = 	snop  }
0x6: {  	_ = 	snop  }
0x7: {  	_ = 	snop  }
__scs_overlays_trampoline_lowered:
0x8: {  	[smem:$0x3F9A] =	sst s0  }
0x9: {  	[smem:$0x3F9B] =	sst s1  }
0xa: {  	[smem:$0x3F9C] =	sst s2  }
0xb: {  	[smem:$0x3F9D] =	sst s3  }
0xc: {  	[smem:$0x3F9E] =	sst s4  }
0xd: {  	[smem:$0x3F9F] =	sst s5  }
0xe: {  	[smem:$0x3FA0] =	sst s6  }
0xf: {  	[smem:$0x3FA1] =	sst s7  }
0x10: {  	[smem:$0x3FA2] =	sst s8  }
0x11: {  	[smem:$0x3FA3] =	sst s9;
	s0 =	simm.s32 @!p0 $0x0  }
0x12: {  	s1 =	sld [smem:$0x3F89];
	s0 =	simm.s32 @p0 $0x1  }
0x13: {  	[smem:$0x3FA4] =	sst s0;
	s0 =	simm.s32 @!p1 $0x0  }
0x14: {  	s2 =	sld [smem:$0x3F88];
	s0 =	simm.s32 @p1 $0x1  }
0x15: {  	[smem:$0x3FA5] =	sst s0;
	s0 =	simm.s32 @!p2 $0x0  }
0x16: {  	s3 =	sld [smem:$0x3FDB];
	s0 =	simm.s32 @p2 $0x1  }
0x17: {  	s4 =	simm.s32 $0x1BF5;
	[smem:$0x3FA7] =	sst s0  }
0x18: {  	s0 =	sld [smem:$0x3F8A];
	_ =	swait.ge [sflag:s4], $0x0  }
0x19: {  	s7 =	sld [smem:$0x3F8B]  }
0x1a: {  	s8 =	sadd.s32 $0xFFFFE003, lr  }
0x1b: {  	s9 =	sadd.s32 $0xFFFFFEF7, lr;
	s5 =	simm.s32 $0xFFFFFFFF;
	p2 =	slt.u32 s8, $0xFFFFF086  }
0x1c: {  	p1 =	slt.u32 s9, $0xF7A;
	s5 =	simm.s32 @!p2 $0x0  }
0x1d: {  	s5 =	simm.s32 @p1 $0x1;
	p0 =	seq.s32 s7, s2  }
0x1e: {  	s7 =	smul.u32 @!p0 $0xF7A, s2;
	p2 =	seq.s32 @!p0 s5, $0x0  }
0x1f: {  	s9 =	smul.u32 $0xF7A, s1;
	s8 =	simm.s32 @!p0 $0x1BF5;
	p2 =	por !p2, p0  }
0x20: {  	[sflag:s8] =	ssyncset.s32 @!p0 $0xFFFFF086;
	s6 =	sadd.s32 @!p0 s3, s7;
	s7 =	simm.s32 @!p0 $0x108  }
0x21: {  	s3 =	sadd.s32 s3, s9;
	s6 =	sadd.s32 @!p0 $0x88, s6;
	s7 =	simm.s32 @p2 $0x1082  }
0x22: {  	[simem:s7], [sflag:s8] =	dma.local @!p0 [hbm:s6], $0xF7A  }
0x23: {  	s9 =	sor.u32 $0xD0000000, s2;
	s6 =	simm.s32 $0x108;
	_ =	swait.ge @!p0 [sflag:s8], $0x0  }
0x24: {  	s3 =	sadd.s32 $0x88, s3;
	s6 =	simm.s32 @!p1 $0x1082;
	[sflag:s4] =	ssyncset.s32 $0xFFFFF086  }
0x25: {  	[simem:s6], [sflag:s4] =	dma.local [hbm:s3], $0xF7A  }
0x26: {  	[smem:$0x3F8B] =	sst s1;
	(tag) =	ssettag s2;
	_ =	strace s9  }
0x27: {  	s1 =	sld [smem:$0x3F9B]  }
0x28: {  	s2 =	sld [smem:$0x3F9C]  }
0x29: {  	s4 =	sld [smem:$0x3F9E]  }
0x2a: {  	p0 =	seq.s32 s5, $0x0;
	s5 =	sld [smem:$0x3F9F]  }
0x2b: {  	s6 =	sld [smem:$0x3FA0]  }
0x2c: {  	s7 =	sld [smem:$0x3FA1]  }
0x2d: {  	s3 =	simm.s32 $0x108;
	s8 =	sld [smem:$0x3FA2]  }
0x2e: {  	s3 =	simm.s32 @!p0 $0x1082;
	s9 =	sld [smem:$0x3FA3]  }
0x2f: {  	lr =	sadd.s32 s0, s3;
	s0 =	sld [smem:$0x3F9A]  }
0x30: {  	s3 =	sld [smem:$0x3F9D]  }
0x31: {  	[smem:$0x3FA6] =	sst s10  }
0x32: {  	s10 =	sld [smem:$0x3FA4];
	_ =	sdelay $0x3  }
0x33: {  	p0 =	seq.s32 s10, $0x1;
	s10 =	sld [smem:$0x3FA6];
	_ =	sdelay $0x3  }
0x34: {  	[smem:$0x3FA6] =	sst s10  }
0x35: {  	s10 =	sld [smem:$0x3FA5];
	_ =	sdelay $0x3  }
0x36: {  	p1 =	seq.s32 s10, $0x1;
	s10 =	sld [smem:$0x3FA6];
	_ =	sdelay $0x3  }
0x37: {  	[smem:$0x3FA6] =	sst s10  }
0x38: {  	s10 =	sld [smem:$0x3FA7]  }
0x39: {  	_ = 	snop;
	(pc) =	sbr.ind lr, $3  }
0x3a: {  	_ = 	snop  }
0x3b: {  	_ = 	snop  }
0x3c: {  	p2 =	seq.s32 s10, $0x1;
	s10 =	sld [smem:$0x3FA6]  }
0x3d: {  	_ =	shalt  }
0x3e: {  	_ =	shalt  }
0x3f: {  	_ =	shalt  }
0x40: {  	_ =	shalt  }
0x41: {  	_ =	shalt  }
0x42: {  	_ =	shalt  }
0x43: {  	_ =	shalt  }
0x44: {  	_ =	shalt  }
0x45: {  	_ =	shalt  }
0x46: {  	_ =	shalt  }
0x47: {  	_ =	shalt  }
0x48: {  	_ =	shalt  }
0x49: {  	_ =	shalt  }
0x4a: {  	_ =	shalt  }
0x4b: {  	_ =	shalt  }
0x4c: {  	_ =	shalt  }
0x4d: {  	_ =	shalt  }
0x4e: {  	_ =	shalt  }
0x4f: {  	_ =	shalt  }
0x50: {  	_ =	shalt  }
0x51: {  	_ =	shalt  }
0x52: {  	_ =	shalt  }
0x53: {  	_ =	shalt  }
0x54: {  	_ =	shalt  }
0x55: {  	_ =	shalt  }
0x56: {  	_ =	shalt  }
0x57: {  	_ =	shalt  }
0x58: {  	_ =	shalt  }
0x59: {  	_ =	shalt  }
0x5a: {  	_ =	shalt  }
0x5b: {  	_ =	shalt  }
0x5c: {  	_ =	shalt  }
0x5d: {  	_ =	shalt  }
0x5e: {  	_ =	shalt  }
0x5f: {  	_ =	shalt  }
0x60: {  	_ =	shalt  }
0x61: {  	_ =	shalt  }
0x62: {  	_ =	shalt  }
0x63: {  	_ =	shalt  }
0x64: {  	_ =	shalt  }
0x65: {  	_ =	shalt  }
0x66: {  	_ =	shalt  }
0x67: {  	_ =	shalt  }
0x68: {  	_ =	shalt  }
0x69: {  	_ =	shalt  }
0x6a: {  	_ =	shalt  }
0x6b: {  	_ =	shalt  }
0x6c: {  	_ =	shalt  }
0x6d: {  	_ =	shalt  }
0x6e: {  	_ =	shalt  }
0x6f: {  	_ =	shalt  }
0x70: {  	_ =	shalt  }
0x71: {  	_ =	shalt  }
0x72: {  	_ =	shalt  }
0x73: {  	_ =	shalt  }
0x74: {  	_ =	shalt  }
0x75: {  	_ =	shalt  }
0x76: {  	_ =	shalt  }
0x77: {  	_ =	shalt  }
0x78: {  	_ =	shalt  }
0x79: {  	_ =	shalt  }
0x7a: {  	_ =	shalt  }
0x7b: {  	_ =	shalt  }
0x7c: {  	_ =	shalt  }
0x7d: {  	_ =	shalt  }
0x7e: {  	_ =	shalt  }
0x7f: {  	_ =	shalt  }
0x80: {  	_ =	shalt  }
0x81: {  	_ =	shalt  }
0x82: {  	_ =	shalt  }
0x83: {  	_ =	shalt  }
0x84: {  	_ =	shalt  }
0x85: {  	_ =	shalt  }
0x86: {  	_ =	shalt  }
0x87: {  	_ =	shalt  }
.Lfunc_end0:
.L_simem_size_0:
called_computation.3_lowered:
.L_overlay_start_0:
0x88: {  	s0 =	sld [smem:$0x3FD9]  }
0x89: {  	s1 =	sld [smem:$0x3FFE];
	_ =	sdelay $0x3  }
0x8a: {  	s0 =	sadd.s32 s1, s0  }
0x8b: {  	[smem:$0x3FB2] =	sst s0  }
0x8c: {  	_ = 	snop  }
0x8d: {  	(tm) =	ssettm $0x1  }
0x8e: {  	s15 =	sld [smem:$0x3FFB];
	_ =	sdelay $0x3  }
0x8f: {  	_ =	strace s15  }
0x90: {  	s0 =	sld [smem:$0x3FFC];
	_ =	sdelay $0x3  }
0x91: {  	_ =	strace s0  }
0x92: {  	s0 =	sld [smem:$0x3FFD];
	_ =	sdelay $0x3  }
0x93: {  	_ =	strace s0  }
0x94: {  	_ =	strace $0x8FFFFFFF  }
0x95: {  	s16 =	sld [smem:$0x3FDB];
	_ =	sdelay $0x1  }
0x96: {  	s17 =	simm.s32 $_scs_section_size  }
0x97: {  	s2 =	simm.s32 $_size__tile_overlayer_lowered;
	s3 =	simm.s32 $_tile_overlayer_lowered  }
0x98: {  	s20 =	simm.s32 $0x1BFF;
	s19 =	sshll.u32 s3, $0x1;
	s0 =	sadd.s32 s17, s16  }
0x99: {  	s4 =	simm.s32 $0x0;
	s18 =	sshll.u32 s2, $0x1;
	s2 =	sadd.s32 s19, s0  }
0x9a: {  	[timem:s4], [sflag:s20] =	dma.local [hbm:s2], s18  }
0x9b: {  	_ =	swait.ge [sflag:s20], s18  }
0x9c: {  	s1 =	ssub.s32 $0x0, s18;
	[sflag:s20] =	ssyncset.done $0x0  }
0x9d: {  	[sflag:s20] =	ssyncadd.s32 s1;
	_ =	sdelay $0x1  }
0x9e: {  	s21 =	simm.s32 $0x1B8B  }
0x9f: {  	_ =	swait.ge [sflag:s21], $0x1  }
0xa0: {  	[sflag:s21] =	ssyncset.done $0x0  }
0xa1: {  	s23 =	simm.s32 $0x1B8E;
	s22 =	sld [smem:$0x3FFE];
	[sflag:s21] =	ssyncadd.s32 $0xFFFFFFFF  }
0xa2: {  	s24 =	simm.s32 $execute0_lowered;
	[smem:$0x3FD2] =	sst s23  }
0xa3: {  	s2 =	sshll.u32 s24, $0x1;
	_ =	strace $0x8000004F;
	[dreg:$0x1] =	wrdreg $0xFFFFFFFF  }
0xa4: {  	s25 =	simm.s32 $_size_execute0_lowered;
	s0 =	sadd.s32 s0, s2;
	[dreg:$0x0] =	wrdreg $0x0  }
0xa5: {  	s2 =	sshll.u32 s25, $0x1;
	[dreg:$0x2] =	wrdreg s0  }
0xa6: {  	[dreg:$0x3] =	wrdreg s2  }
0xa7: {  	[dreg:$0x4] =	wrdreg $0xC0  }
0xa8: {  	_ =	task [dreg:s4], $0x5FFFF  }
0xa9: {  	[dreg:$0x1] =	wrdreg $0xFFFFFFFF  }
0xaa: {  	[dreg:$0x0] =	wrdreg $0x60  }
0xab: {  	[dreg:$0x2] =	wrdreg s22  }
0xac: {  	[dreg:$0x3] =	wrdreg $0xA  }
0xad: {  	_ =	task.clear_ibuf [dreg:s4], $0x4FFFF;
	_ =	strace $0x9000004F  }
0xae: {  	s26 =	simm.s32 $0xA;
	_ =	strace $0x80000051  }
0xaf: {  	_ =	swait.ge [sflag:s26], $0x1  }
0xb0: {  	[sflag:s26] =	ssyncadd.s32 $0xFFFFFFFF  }
0xb1: {  	_ =	strace $0x90000051  }
0xb2: {  	_ =	sfence  }
0xb3: {  	s28 =	sld [smem:$0x0];
	_ =	sdelay $0x1  }
0xb4: {  	s29 =	srdreg.scid  }
0xb5: {  	s30 =	sshll.u32 s29, $0xD;
	s31 =	sshrl.u32 s29, $0x2  }
0xb6: {  	s1 =	sand.u32 $0x1, s29;
	s2 =	sand.u32 $0x4000, s30;
	s0 =	sadd.s32 s31, s28  }
0xb7: {  	s1 =	sor.u32 s2, s1;
	s0 =	sshll.u32 s0, $0x11  }
0xb8: {  	s0 =	sor.u32 s0, s1  }
0xb9: {  	s0 =	sadd.s32 $0x8F2B, s0  }
0xba: {  	[sflag:s0] =	ssyncadd.remote.s32 $0x1  }
0xbb: {  	_ =	sfence.sel $0xFFFF  }
0xbc: {  	[dreg:$0x0] =	wrdreg $0xFFFFFFFF;
	(pc) =	sbr.abs _section_cstart, $3  }
0xbd: {  	[dreg:$0x1] =	wrdreg $0xFFFFFFFF  }
0xbe: {  	_ =	task.clear_ibuf [dreg:s4], $0x2FFFF;
	_ =	strace $0x9FFFFFFF  }
0xbf: {  	(tm) =	ssettm $0x7FFFFFFF  }
tec
execute0_lowered:
.L_overlay_start_1:
0x0: {  	(tag) =	ssettag $0x1  }
0x1: {  	s8 =	rddreg [dreg:$0x0]  }
0x2: {  	s0 =	rddreg [dreg:$0x1];
	_ =	strace $0x80000050  }
0x3: {  	s1 =	stileid.u32;
	s5 =	simm.s32 $0x1;
	s6 =	simm.s32 $0x27100  }
0x4: {  	s9 =	simm.s32 $0x1;
	s10 =	simm.s32 $0x3;
	s13 =	simm.s32 $0x0  }
0x5: {  	s12 =	simm.s32 $0x0;
	s2 =	sadd.s32 $0xC4C00, s8;
	s4 =	smul.u32 $0x2710, s1  }
0x6: {  	s3 =	sadd.s32 $0xCA000, s8;
	p0 =	slt.u32 s1, $0x2;
	[sflag:s5] =	ssyncpa.u1 $0x0  }
.Ltmp0:
0x7: {  	s6 =	simm.s32 @!p0 $0x0;
	s7 =	ssub.s32 $0x29810, s4;
	(pc) =	sbr.rel .LBB2_1-.Ltmp0, $4  }
0x8: {  	s9 =	simm.s32 @!p0 $0x0;
	p0 =	sne.s32 s7, s6;
	s7 =	simm.s32 $0x1  }
0x9: {  	s8 =	sadd.s32 $0xCF400, s8;
	s6 =	simm.s32 $0x2;
	s7 =	simm.s32 @!p0 $0x0  }
0xa: {  	s11 =	smov.u32 s4;
	[sflag:s6] =	ssyncpa.u1 $0x0;
	s7 =	sadd.s32 s9, s7  }
0xb: {  	vm0 =	vmmov $0xffff;
	[sflag:s10] =	ssyncpa.u1 $0x0;
	s10 =	simm.s32 $0x0;
	s9 =	sadd.s32 $0x1, s7  }
.LBB2_4:
0xc: {  	v2 =	vnsel vm1, $0x0, v2  }
0xd: {  	vm1 =	vgt.s32 v0, $0x0;
	v2 =	vmin.u32 v2, $0x2980F  }
0xe: {  	v0 =	vnsel vm1, $0x0, v0  }
0xf: {  	v0 =	vmin.u32 v0, $0x2980F  }
0x10: {  	[tilespmem:s18], [sflag:$0x1] =	stream.indirect_vreg.gather [hbm4b:s2+s10], $0x1, v1, vm0, $0x4038;
	[tilespmem:$0x9C40] =	vst v63  }
0x11: {  	(ifvalue) =	ssetifvalue $0x7FFFFFFF  }
0x12: {  	[tilespmem:s15], [sflag:$0x1] =	stream.indirect_vreg.gather [hbm4b:s2+s10], $0x1, v2, vm0, $0x4038;
	[tilespmem:$0x9C40] =	vst v63  }
0x13: {  	s29 =	sadd.s32 $0x10, s15;
	(ifvalue) =	ssetifvalue $0x7FFFFFFF  }
0x14: {  	[tilespmem:s29], [sflag:$0x1] =	stream.indirect_vreg.gather [hbm4b:s2+s10], $0x1, v0, vm0, $0x4038;
	[tilespmem:$0x9C40] =	vst v63  }
0x15: {  	_ =	swait.ge [sflag:s5], $0x2710  }
0x16: {  	s30 =	sshrl.u32 s13, $0x3;
	[sflag:s5] =	ssyncset.done $0x0  }
0x17: {  	s31 =	sand.u32 $0x7, s13;
	s15 =	sadd.s32 s8, s30;
	[sflag:s5] =	ssyncadd.s32 $0xFFFFD8F0  }
0x18: {  	[hbm4b:s15+s31] =	stream.linear.scatter [tilespmem:s14], [sflag:$0x3], $0x2710, $0x38;
	[tilespmem:$0x9C40] =	vst v63  }
.LBB2_5:
0x19: {  	s15 =	sadd.s32 $0x27100, s11  }
0x1a: {  	p1 =	sgt.s32 s15, $0x2980F  }
0x1b: {  	s15 =	smov.u32 @p1 s4;
	p1 =	sne.s32 s12, s9  }
.Ltmp1:
0x1c: {  	p0 =	slt.u32 s12, $0x2;
	(pc) =	sbr.rel @!p1 .LBB2_6-.Ltmp1, $4  }
0x1d: {  	s14 =	simm.s32 @!p0 $0x3  }
0x1e: {  	_ =	swait.ge @!p0 [sflag:s14], $0x2710  }
0x1f: {  	s16 =	sadd.s32 $0x1, s12;
	s13 =	smov.u32 s11;
	[sflag:s14] =	ssyncset.done @!p0 $0x0  }
0x20: {  	s12 =	smov.u32 s16;
	s11 =	smov.u32 s15;
	[sflag:s14] =	ssyncadd.s32 @!p0 $0xFFFFD8F0  }
.LBB2_1:
0x21: {  	p0 =	sge.u32 s12, s7  }
0x22: {  	s14 =	sxor.u32 @!p0 $0x1, s12  }
0x23: {  	s14 =	smul.u32 @!p0 $0x9C40, s14  }
0x24: {  	s31 =	sadd.s32 $0xFFFFFFFF, s12;
	s15 =	sshrl.u32 @!p0 s11, $0x3  }
0x25: {  	s16 =	sand.u32 @!p0 $0x7, s11;
	s15 =	sadd.s32 @!p0 s3, s15;
	s14 =	sshra.s32 @!p0 s14, $0x2  }
0x26: {  	[tilespmem:s14], [sflag:$0x2] =	stream.linear.gather @!p0 [hbm4b:s15+s16], $0x2710, $0x38;
	[tilespmem:$0x9C40] =	vst v63  }
0x27: {  	p0 =	sge.u32 s31, s7  }
.Ltmp2:
0x28: {  	_ = 	snop;
	(pc) =	sbr.rel @p0 .LBB2_5-.Ltmp2, $1  }
0x29: {  	_ =	sdelay $0x3  }
0x2a: {  	s14 =	sand.u32 $0x1, s12  }
0x2b: {  	_ =	swait.ge [sflag:s6], $0x2710;
	p0 =	seq.s32 s14, $0x1;
	s14 =	simm.s32 $0x2710  }
0x2c: {  	[sflag:s6] =	ssyncset.done $0x0;
	s14 =	simm.s32 @!p0 $0x0  }
0x2d: {  	[sflag:s6] =	ssyncadd.s32 $0xFFFFD8F0;
	(ifvalue) =	ssetifvalue $0x7FFFFFFF;
	v0 =	vld.msk [tilespmem:s14+$0x0 ss:$0x1], $0xffff;
	_ =	sdelay $0x4  }
0x2e: {  	s15 =	sadd.s32 $0x10, s14;
	vm1 =	vgt.s32 v0, $0x0  }
0x2f: {  	v2 =	vld.msk [tilespmem:s15+$0x0 ss:$0x1], $0xffff;
	v1 =	vnsel vm1, $0x0, v0  }
0x30: {  	v1 =	vmin.u32 v1, $0x2980F;
	_ =	sdelay $0x2  }
0x31: {  	s17 =	simm.s32 $0x20;
	s14 =	sadd.s32 $0x4E20, s14;
	s16 =	sadd.s32 $0x10, s15  }
0x32: {  	s15 =	sadd.s32 $0x10, s14;
	s18 =	smov.u32 s14;
	v0 =	vld.msk [tilespmem:s16+$0x0 ss:$0x1], $0xffff;
	vm1 =	vgt.s32 v2, $0x0;
	(ifvalue) =	ssetifvalue $0x7FFFFFFF  }
.LBB2_3:
0x33: {  	[tilespmem:s18], [sflag:$0x1] =	stream.indirect_vreg.gather [hbm4b:s2+s10], $0x1, v1, vm0, $0x4038;
	[tilespmem:$0x9C40] =	vst v63  }
0x34: {  	s17 =	sadd.s32 $0x10, s17  }
0x35: {  	v2 =	vnsel vm1, $0x0, v2;
	p0 =	slt.u32 s17, $0x2700  }
.Ltmp3:
0x36: {  	s18 =	smov.u32 s15;
	v1 =	vmin.u32 v2, $0x2980F;
	(pc) =	sbr.rel @p0 .LBB2_3-.Ltmp3, $3  }
0x37: {  	_ =	sdelay $0x1  }
0x38: {  	s16 =	sadd.s32 $0x10, s16  }
0x39: {  	vm1 =	vgt.s32 v0, $0x0;
	s15 =	sadd.s32 $0x10, s15;
	v2 =	vmov v0;
	(ifvalue) =	ssetifvalue $0x7FFFFFFF;
	v0 =	vld.msk [tilespmem:s16+$0x0 ss:$0x1], $0xffff  }
.Ltmp4:
0x3a: {  	_ = 	snop;
	(pc) =	sbr.rel .LBB2_4-.Ltmp4, $1  }
0x3b: {  	_ =	sdelay $0x3  }
.LBB2_6:
0x3c: {  	_ =	sfence.sel $0x180000  }
0x3d: {  	s2 =	simm.s32 $0x2;
	[bflag:$0x0] =	sbarrier.arrive $0xFFFF  }
0x3e: {  	s30 =	simm.s32 $0x3;
	[sflag:s2] =	ssyncpa.u1 $0x1  }
0x3f: {  	s31 =	simm.s32 $0x1;
	[sflag:s30] =	ssyncpa.u1 $0x1  }
0x40: {  	[sflag:s31] =	ssyncpa.u1 $0x1  }
0x41: {  	p0 =	sne.s32 s1, $0x0;
	_ =	strace $0x90000050  }
0x42: {  	s0 =	sadd.s32 @!p0 $0x100000, s0;
	[bflag:$0x2] =	sbarrier.arrive $0xFFFF  }
0x43: {  	[sflag:s0] =	ssyncadd.tile.s32 @!p0 $0x1;
	_ =	shalt  }
.Lfunc_end2:
_tile_overlayer_lowered:
.L_overlay_start_2:
0x44: {  	(tag) =	ssettag $0x2  }
0x45: {  	s0 =	rddreg [dreg:$0x0];
	s2 =	stileid.u32  }
0x46: {  	s1 =	rddreg [dreg:$0x1];
	p0 =	sne.s32 s2, $0x0  }
0x47: {  	s3 =	rddreg [dreg:$0x2];
	[bflag:$0x3] =	sbarrier.arrive $0xFFFF;
	s2 =	simm.s32 @!p0 $0x1C01  }
0x48: {  	[timem:s3], [sflag:s2] =	dma.local @!p0 [hbm:s0], s1  }
0x49: {  	s0 =	simm.s32 @!p0 $0x1  }
0x4a: {  	_ =	swait.ge @!p0 [sflag:s0], s1  }
0x4b: {  	s1 =	ssub.s32 @!p0 $0x0, s1;
	[sflag:s0] =	ssyncset.done @!p0 $0x0  }
0x4c: {  	[sflag:s0] =	ssyncadd.s32 @!p0 s1  }
0x4d: {  	[bflag:$0x3] =	sbarrier.arrive $0xFFFF  }
0x4e: {  	_ =	shalt  }

// kernel: gather_offload_async_start
scs
__scs_entry_jumppad:
0x0: {  	(pc) =	sbr.rel $0x88, $3  }
0x1: {  	(tag) =	ssettag $0x0;
	lr =	simm.s32 $0x1  }
0x2: {  	[smem:$0x3F8B] =	sst lr;
	_ =	strace $0xD0000000  }
0x3: {  	_ = 	snop  }
0x4: {  	_ = 	snop  }
0x5: {  	_ = 	snop  }
0x6: {  	_ = 	snop  }
0x7: {  	_ = 	snop  }
__scs_overlays_trampoline_lowered:
0x8: {  	[smem:$0x3F9A] =	sst s0  }
0x9: {  	[smem:$0x3F9B] =	sst s1  }
0xa: {  	[smem:$0x3F9C] =	sst s2  }
0xb: {  	[smem:$0x3F9D] =	sst s3  }
0xc: {  	[smem:$0x3F9E] =	sst s4  }
0xd: {  	[smem:$0x3F9F] =	sst s5  }
0xe: {  	[smem:$0x3FA0] =	sst s6  }
0xf: {  	[smem:$0x3FA1] =	sst s7  }
0x10: {  	[smem:$0x3FA2] =	sst s8  }
0x11: {  	[smem:$0x3FA3] =	sst s9;
	s0 =	simm.s32 @!p0 $0x0  }
0x12: {  	s1 =	sld [smem:$0x3F89];
	s0 =	simm.s32 @p0 $0x1  }
0x13: {  	[smem:$0x3FA4] =	sst s0;
	s0 =	simm.s32 @!p1 $0x0  }
0x14: {  	s2 =	sld [smem:$0x3F88];
	s0 =	simm.s32 @p1 $0x1  }
0x15: {  	[smem:$0x3FA5] =	sst s0;
	s0 =	simm.s32 @!p2 $0x0  }
0x16: {  	s3 =	sld [smem:$0x3FDB];
	s0 =	simm.s32 @p2 $0x1  }
0x17: {  	s4 =	simm.s32 $0x1BF5;
	[smem:$0x3FA7] =	sst s0  }
0x18: {  	s0 =	sld [smem:$0x3F8A];
	_ =	swait.ge [sflag:s4], $0x0  }
0x19: {  	s7 =	sld [smem:$0x3F8B]  }
0x1a: {  	s8 =	sadd.s32 $0xFFFFE003, lr  }
0x1b: {  	s9 =	sadd.s32 $0xFFFFFEF7, lr;
	s5 =	simm.s32 $0xFFFFFFFF;
	p2 =	slt.u32 s8, $0xFFFFF086  }
0x1c: {  	p1 =	slt.u32 s9, $0xF7A;
	s5 =	simm.s32 @!p2 $0x0  }
0x1d: {  	s5 =	simm.s32 @p1 $0x1;
	p0 =	seq.s32 s7, s2  }
0x1e: {  	s7 =	smul.u32 @!p0 $0xF7A, s2;
	p2 =	seq.s32 @!p0 s5, $0x0  }
0x1f: {  	s9 =	smul.u32 $0xF7A, s1;
	s8 =	simm.s32 @!p0 $0x1BF5;
	p2 =	por !p2, p0  }
0x20: {  	[sflag:s8] =	ssyncset.s32 @!p0 $0xFFFFF086;
	s6 =	sadd.s32 @!p0 s3, s7;
	s7 =	simm.s32 @!p0 $0x108  }
0x21: {  	s3 =	sadd.s32 s3, s9;
	s6 =	sadd.s32 @!p0 $0x88, s6;
	s7 =	simm.s32 @p2 $0x1082  }
0x22: {  	[simem:s7], [sflag:s8] =	dma.local @!p0 [hbm:s6], $0xF7A  }
0x23: {  	s9 =	sor.u32 $0xD0000000, s2;
	s6 =	simm.s32 $0x108;
	_ =	swait.ge @!p0 [sflag:s8], $0x0  }
0x24: {  	s3 =	sadd.s32 $0x88, s3;
	s6 =	simm.s32 @!p1 $0x1082;
	[sflag:s4] =	ssyncset.s32 $0xFFFFF086  }
0x25: {  	[simem:s6], [sflag:s4] =	dma.local [hbm:s3], $0xF7A  }
0x26: {  	[smem:$0x3F8B] =	sst s1;
	(tag) =	ssettag s2;
	_ =	strace s9  }
0x27: {  	s1 =	sld [smem:$0x3F9B]  }
0x28: {  	s2 =	sld [smem:$0x3F9C]  }
0x29: {  	s4 =	sld [smem:$0x3F9E]  }
0x2a: {  	p0 =	seq.s32 s5, $0x0;
	s5 =	sld [smem:$0x3F9F]  }
0x2b: {  	s6 =	sld [smem:$0x3FA0]  }
0x2c: {  	s7 =	sld [smem:$0x3FA1]  }
0x2d: {  	s3 =	simm.s32 $0x108;
	s8 =	sld [smem:$0x3FA2]  }
0x2e: {  	s3 =	simm.s32 @!p0 $0x1082;
	s9 =	sld [smem:$0x3FA3]  }
0x2f: {  	lr =	sadd.s32 s0, s3;
	s0 =	sld [smem:$0x3F9A]  }
0x30: {  	s3 =	sld [smem:$0x3F9D]  }
0x31: {  	[smem:$0x3FA6] =	sst s10  }
0x32: {  	s10 =	sld [smem:$0x3FA4];
	_ =	sdelay $0x3  }
0x33: {  	p0 =	seq.s32 s10, $0x1;
	s10 =	sld [smem:$0x3FA6];
	_ =	sdelay $0x3  }
0x34: {  	[smem:$0x3FA6] =	sst s10  }
0x35: {  	s10 =	sld [smem:$0x3FA5];
	_ =	sdelay $0x3  }
0x36: {  	p1 =	seq.s32 s10, $0x1;
	s10 =	sld [smem:$0x3FA6];
	_ =	sdelay $0x3  }
0x37: {  	[smem:$0x3FA6] =	sst s10  }
0x38: {  	s10 =	sld [smem:$0x3FA7]  }
0x39: {  	_ = 	snop;
	(pc) =	sbr.ind lr, $3  }
0x3a: {  	_ = 	snop  }
0x3b: {  	_ = 	snop  }
0x3c: {  	p2 =	seq.s32 s10, $0x1;
	s10 =	sld [smem:$0x3FA6]  }
0x3d: {  	_ =	shalt  }
0x3e: {  	_ =	shalt  }
0x3f: {  	_ =	shalt  }
0x40: {  	_ =	shalt  }
0x41: {  	_ =	shalt  }
0x42: {  	_ =	shalt  }
0x43: {  	_ =	shalt  }
0x44: {  	_ =	shalt  }
0x45: {  	_ =	shalt  }
0x46: {  	_ =	shalt  }
0x47: {  	_ =	shalt  }
0x48: {  	_ =	shalt  }
0x49: {  	_ =	shalt  }
0x4a: {  	_ =	shalt  }
0x4b: {  	_ =	shalt  }
0x4c: {  	_ =	shalt  }
0x4d: {  	_ =	shalt  }
0x4e: {  	_ =	shalt  }
0x4f: {  	_ =	shalt  }
0x50: {  	_ =	shalt  }
0x51: {  	_ =	shalt  }
0x52: {  	_ =	shalt  }
0x53: {  	_ =	shalt  }
0x54: {  	_ =	shalt  }
0x55: {  	_ =	shalt  }
0x56: {  	_ =	shalt  }
0x57: {  	_ =	shalt  }
0x58: {  	_ =	shalt  }
0x59: {  	_ =	shalt  }
0x5a: {  	_ =	shalt  }
0x5b: {  	_ =	shalt  }
0x5c: {  	_ =	shalt  }
0x5d: {  	_ =	shalt  }
0x5e: {  	_ =	shalt  }
0x5f: {  	_ =	shalt  }
0x60: {  	_ =	shalt  }
0x61: {  	_ =	shalt  }
0x62: {  	_ =	shalt  }
0x63: {  	_ =	shalt  }
0x64: {  	_ =	shalt  }
0x65: {  	_ =	shalt  }
0x66: {  	_ =	shalt  }
0x67: {  	_ =	shalt  }
0x68: {  	_ =	shalt  }
0x69: {  	_ =	shalt  }
0x6a: {  	_ =	shalt  }
0x6b: {  	_ =	shalt  }
0x6c: {  	_ =	shalt  }
0x6d: {  	_ =	shalt  }
0x6e: {  	_ =	shalt  }
0x6f: {  	_ =	shalt  }
0x70: {  	_ =	shalt  }
0x71: {  	_ =	shalt  }
0x72: {  	_ =	shalt  }
0x73: {  	_ =	shalt  }
0x74: {  	_ =	shalt  }
0x75: {  	_ =	shalt  }
0x76: {  	_ =	shalt  }
0x77: {  	_ =	shalt  }
0x78: {  	_ =	shalt  }
0x79: {  	_ =	shalt  }
0x7a: {  	_ =	shalt  }
0x7b: {  	_ =	shalt  }
0x7c: {  	_ =	shalt  }
0x7d: {  	_ =	shalt  }
0x7e: {  	_ =	shalt  }
0x7f: {  	_ =	shalt  }
0x80: {  	_ =	shalt  }
0x81: {  	_ =	shalt  }
0x82: {  	_ =	shalt  }
0x83: {  	_ =	shalt  }
0x84: {  	_ =	shalt  }
0x85: {  	_ =	shalt  }
0x86: {  	_ =	shalt  }
0x87: {  	_ =	shalt  }
.Lfunc_end0:
.L_simem_size_0:
called_computation_lowered:
.L_overlay_start_0:
0x88: {  	s0 =	sld [smem:$0x3FD9]  }
0x89: {  	s1 =	sld [smem:$0x3FFE];
	_ =	sdelay $0x3  }
0x8a: {  	s0 =	sadd.s32 s1, s0  }
0x8b: {  	[smem:$0x3FB2] =	sst s0  }
0x8c: {  	_ = 	snop  }
0x8d: {  	(tm) =	ssettm $0x1  }
0x8e: {  	s15 =	sld [smem:$0x3FFB];
	_ =	sdelay $0x3  }
0x8f: {  	_ =	strace s15  }
0x90: {  	s0 =	sld [smem:$0x3FFC];
	_ =	sdelay $0x3  }
0x91: {  	_ =	strace s0  }
0x92: {  	s0 =	sld [smem:$0x3FFD];
	_ =	sdelay $0x3  }
0x93: {  	_ =	strace s0  }
0x94: {  	_ =	strace $0x8FFFFFFF  }
0x95: {  	s16 =	sld [smem:$0x3FDB];
	_ =	sdelay $0x1  }
0x96: {  	s17 =	simm.s32 $_scs_section_size  }
0x97: {  	s2 =	simm.s32 $_size__tile_overlayer_lowered;
	s3 =	simm.s32 $_tile_overlayer_lowered  }
0x98: {  	s20 =	simm.s32 $0x1BFF;
	s19 =	sshll.u32 s3, $0x1;
	s0 =	sadd.s32 s17, s16  }
0x99: {  	s4 =	simm.s32 $0x0;
	s18 =	sshll.u32 s2, $0x1;
	s2 =	sadd.s32 s19, s0  }
0x9a: {  	[timem:s4], [sflag:s20] =	dma.local [hbm:s2], s18  }
0x9b: {  	_ =	swait.ge [sflag:s20], s18  }
0x9c: {  	s1 =	ssub.s32 $0x0, s18;
	[sflag:s20] =	ssyncset.done $0x0  }
0x9d: {  	[sflag:s20] =	ssyncadd.s32 s1;
	_ =	sdelay $0x1  }
0x9e: {  	s21 =	simm.s32 $0x1B8B  }
0x9f: {  	_ =	swait.ge [sflag:s21], $0x1  }
0xa0: {  	[sflag:s21] =	ssyncset.done $0x0  }
0xa1: {  	s23 =	simm.s32 $0x1B8E;
	s22 =	sld [smem:$0x3FFE];
	[sflag:s21] =	ssyncadd.s32 $0xFFFFFFFF  }
0xa2: {  	s24 =	simm.s32 $execute0_lowered;
	[smem:$0x3FD2] =	sst s23  }
0xa3: {  	s2 =	sshll.u32 s24, $0x1;
	_ =	strace $0x80000049;
	[dreg:$0x1] =	wrdreg $0xFFFFFFFF  }
0xa4: {  	s25 =	simm.s32 $_size_execute0_lowered;
	s0 =	sadd.s32 s0, s2;
	[dreg:$0x0] =	wrdreg $0x0  }
0xa5: {  	s2 =	sshll.u32 s25, $0x1;
	[dreg:$0x2] =	wrdreg s0  }
0xa6: {  	[dreg:$0x3] =	wrdreg s2  }
0xa7: {  	[dreg:$0x4] =	wrdreg $0xC0  }
0xa8: {  	_ =	task [dreg:s4], $0x5FFFF  }
0xa9: {  	[dreg:$0x1] =	wrdreg $0xFFFFFFFF  }
0xaa: {  	[dreg:$0x0] =	wrdreg $0x60  }
0xab: {  	[dreg:$0x2] =	wrdreg s22  }
0xac: {  	[dreg:$0x3] =	wrdreg $0xC  }
0xad: {  	_ =	task.clear_ibuf [dreg:s4], $0x4FFFF;
	_ =	strace $0x90000049  }
0xae: {  	s26 =	simm.s32 $0xC;
	_ =	strace $0x8000004B  }
0xaf: {  	_ =	swait.ge [sflag:s26], $0x1  }
0xb0: {  	[sflag:s26] =	ssyncadd.s32 $0xFFFFFFFF  }
0xb1: {  	_ =	strace $0x9000004B  }
0xb2: {  	_ =	sfence  }
0xb3: {  	s28 =	sld [smem:$0x0];
	_ =	sdelay $0x1  }
0xb4: {  	s29 =	srdreg.scid  }
0xb5: {  	s30 =	sshll.u32 s29, $0xD;
	s31 =	sshrl.u32 s29, $0x2  }
0xb6: {  	s1 =	sand.u32 $0x1, s29;
	s2 =	sand.u32 $0x4000, s30;
	s0 =	sadd.s32 s31, s28  }
0xb7: {  	s1 =	sor.u32 s2, s1;
	s0 =	sshll.u32 s0, $0x11  }
0xb8: {  	s0 =	sor.u32 s0, s1  }
0xb9: {  	s0 =	sadd.s32 $0x8F2B, s0  }
0xba: {  	[sflag:s0] =	ssyncadd.remote.s32 $0x1  }
0xbb: {  	_ =	sfence.sel $0xFFFF  }
0xbc: {  	[dreg:$0x0] =	wrdreg $0xFFFFFFFF;
	(pc) =	sbr.abs _section_cstart, $3  }
0xbd: {  	[dreg:$0x1] =	wrdreg $0xFFFFFFFF  }
0xbe: {  	_ =	task.clear_ibuf [dreg:s4], $0x2FFFF;
	_ =	strace $0x9FFFFFFF  }
0xbf: {  	(tm) =	ssettm $0x7FFFFFFF  }
tec
execute0_lowered:
.L_overlay_start_1:
0x0: {  	(tag) =	ssettag $0x1  }
0x1: {  	s8 =	rddreg [dreg:$0x0]  }
0x2: {  	s0 =	rddreg [dreg:$0x1];
	_ =	strace $0x8000004A  }
0x3: {  	s4 =	simm.s32 $0x1;
	s1 =	stileid.u32;
	s7 =	simm.s32 $0x1  }
0x4: {  	s9 =	simm.s32 $0x1;
	s6 =	simm.s32 $0x2;
	s10 =	simm.s32 $0x3  }
0x5: {  	s13 =	simm.s32 $0x0;
	s12 =	simm.s32 $0x0;
	s2 =	sadd.s32 $0xF600, s8  }
.Ltmp0:
0x6: {  	s3 =	sadd.s32 $0x23A00, s8;
	p0 =	slt.u32 s1, $0xA;
	(pc) =	sbr.rel .LBB2_1-.Ltmp0, $4  }
0x7: {  	[sflag:s4] =	ssyncpa.u1 $0x0;
	s7 =	simm.s32 @!p0 $0x0;
	p0 =	sne.s32 s1, $0x9  }
0x8: {  	s5 =	smul.u32 $0x3390, s1;
	[sflag:s6] =	ssyncpa.u1 $0x0;
	s9 =	simm.s32 @!p0 $0x0  }
0x9: {  	s8 =	sadd.s32 $0x37E00, s8;
	[sflag:s10] =	ssyncpa.u1 $0x0;
	s7 =	sadd.s32 s9, s7  }
0xa: {  	vm0 =	vmmov $0xffff;
	s10 =	simm.s32 $0x0;
	s11 =	smov.u32 s5;
	s9 =	sadd.s32 $0x1, s7  }
.LBB2_4:
0xb: {  	v2 =	vnsel vm1, $0x0, v2  }
0xc: {  	vm1 =	vgt.s32 v0, $0x0;
	v2 =	vmin.u32 v2, $0x5090F  }
0xd: {  	v0 =	vnsel vm1, $0x0, v0  }
0xe: {  	v0 =	vmin.u32 v0, $0x5090F  }
0xf: {  	[tilespmem:s18], [sflag:$0x1] =	stream.indirect_vreg.gather [hbm4b:s2+s10], $0x1, v1, vm0, $0x4038;
	[tilespmem:$0xCE40] =	vst v63  }
0x10: {  	(ifvalue) =	ssetifvalue $0x7FFFFFFF  }
0x11: {  	[tilespmem:s15], [sflag:$0x1] =	stream.indirect_vreg.gather [hbm4b:s2+s10], $0x1, v2, vm0, $0x4038;
	[tilespmem:$0xCE40] =	vst v63  }
0x12: {  	s29 =	sadd.s32 $0x10, s15;
	(ifvalue) =	ssetifvalue $0x7FFFFFFF  }
0x13: {  	[tilespmem:s29], [sflag:$0x1] =	stream.indirect_vreg.gather [hbm4b:s2+s10], $0x1, v0, vm0, $0x4038;
	[tilespmem:$0xCE40] =	vst v63  }
0x14: {  	_ =	swait.ge [sflag:s4], $0x3390  }
0x15: {  	s30 =	sshrl.u32 s13, $0x3;
	[sflag:s4] =	ssyncset.done $0x0  }
0x16: {  	s31 =	sand.u32 $0x7, s13;
	s15 =	sadd.s32 s8, s30;
	[sflag:s4] =	ssyncadd.s32 $0xFFFFCC70  }
0x17: {  	[hbm4b:s15+s31] =	stream.linear.scatter [tilespmem:s14], [sflag:$0x3], $0x3390, $0x38;
	[tilespmem:$0xCE40] =	vst v63  }
.LBB2_5:
0x18: {  	s15 =	sadd.s32 $0x33900, s11  }
0x19: {  	p1 =	sgt.s32 s15, $0x5090F  }
0x1a: {  	s15 =	smov.u32 @p1 s5;
	p1 =	sne.s32 s12, s9  }
.Ltmp1:
0x1b: {  	p0 =	slt.u32 s12, $0x2;
	(pc) =	sbr.rel @!p1 .LBB2_6-.Ltmp1, $4  }
0x1c: {  	s14 =	simm.s32 @!p0 $0x3  }
0x1d: {  	_ =	swait.ge @!p0 [sflag:s14], $0x3390  }
0x1e: {  	s16 =	sadd.s32 $0x1, s12;
	s13 =	smov.u32 s11;
	[sflag:s14] =	ssyncset.done @!p0 $0x0  }
0x1f: {  	s12 =	smov.u32 s16;
	s11 =	smov.u32 s15;
	[sflag:s14] =	ssyncadd.s32 @!p0 $0xFFFFCC70  }
.LBB2_1:
0x20: {  	p0 =	sge.u32 s12, s7  }
0x21: {  	s14 =	sxor.u32 @!p0 $0x1, s12  }
0x22: {  	s14 =	smul.u32 @!p0 $0xCE40, s14  }
0x23: {  	s31 =	sadd.s32 $0xFFFFFFFF, s12;
	s15 =	sshrl.u32 @!p0 s11, $0x3  }
0x24: {  	s16 =	sand.u32 @!p0 $0x7, s11;
	s15 =	sadd.s32 @!p0 s3, s15;
	s14 =	sshra.s32 @!p0 s14, $0x2  }
0x25: {  	[tilespmem:s14], [sflag:$0x2] =	stream.linear.gather @!p0 [hbm4b:s15+s16], $0x3390, $0x38;
	[tilespmem:$0xCE40] =	vst v63  }
0x26: {  	p0 =	sge.u32 s31, s7  }
.Ltmp2:
0x27: {  	_ = 	snop;
	(pc) =	sbr.rel @p0 .LBB2_5-.Ltmp2, $1  }
0x28: {  	_ =	sdelay $0x3  }
0x29: {  	s14 =	sand.u32 $0x1, s12  }
0x2a: {  	_ =	swait.ge [sflag:s6], $0x3390;
	p0 =	seq.s32 s14, $0x1;
	s14 =	simm.s32 $0x3390  }
0x2b: {  	[sflag:s6] =	ssyncset.done $0x0;
	s14 =	simm.s32 @!p0 $0x0  }
0x2c: {  	[sflag:s6] =	ssyncadd.s32 $0xFFFFCC70;
	(ifvalue) =	ssetifvalue $0x7FFFFFFF;
	v0 =	vld.msk [tilespmem:s14+$0x0 ss:$0x1], $0xffff;
	_ =	sdelay $0x4  }
0x2d: {  	s15 =	sadd.s32 $0x10, s14;
	vm1 =	vgt.s32 v0, $0x0  }
0x2e: {  	v2 =	vld.msk [tilespmem:s15+$0x0 ss:$0x1], $0xffff;
	v1 =	vnsel vm1, $0x0, v0  }
0x2f: {  	v1 =	vmin.u32 v1, $0x5090F;
	_ =	sdelay $0x2  }
0x30: {  	s17 =	simm.s32 $0x20;
	s14 =	sadd.s32 $0x6720, s14;
	s16 =	sadd.s32 $0x10, s15  }
0x31: {  	s15 =	sadd.s32 $0x10, s14;
	s18 =	smov.u32 s14;
	v0 =	vld.msk [tilespmem:s16+$0x0 ss:$0x1], $0xffff;
	vm1 =	vgt.s32 v2, $0x0;
	(ifvalue) =	ssetifvalue $0x7FFFFFFF  }
.LBB2_3:
0x32: {  	[tilespmem:s18], [sflag:$0x1] =	stream.indirect_vreg.gather [hbm4b:s2+s10], $0x1, v1, vm0, $0x4038;
	[tilespmem:$0xCE40] =	vst v63  }
0x33: {  	s17 =	sadd.s32 $0x10, s17  }
0x34: {  	v2 =	vnsel vm1, $0x0, v2;
	p0 =	slt.u32 s17, $0x3380  }
.Ltmp3:
0x35: {  	s18 =	smov.u32 s15;
	v1 =	vmin.u32 v2, $0x5090F;
	(pc) =	sbr.rel @p0 .LBB2_3-.Ltmp3, $3  }
0x36: {  	_ =	sdelay $0x1  }
0x37: {  	s16 =	sadd.s32 $0x10, s16  }
0x38: {  	vm1 =	vgt.s32 v0, $0x0;
	s15 =	sadd.s32 $0x10, s15;
	v2 =	vmov v0;
	(ifvalue) =	ssetifvalue $0x7FFFFFFF;
	v0 =	vld.msk [tilespmem:s16+$0x0 ss:$0x1], $0xffff  }
.Ltmp4:
0x39: {  	_ = 	snop;
	(pc) =	sbr.rel .LBB2_4-.Ltmp4, $1  }
0x3a: {  	_ =	sdelay $0x3  }
.LBB2_6:
0x3b: {  	_ =	sfence.sel $0x180000  }
0x3c: {  	s2 =	simm.s32 $0x2;
	[bflag:$0x0] =	sbarrier.arrive $0xFFFF  }
0x3d: {  	s30 =	simm.s32 $0x3;
	[sflag:s2] =	ssyncpa.u1 $0x1  }
0x3e: {  	s31 =	simm.s32 $0x1;
	[sflag:s30] =	ssyncpa.u1 $0x1  }
0x3f: {  	[sflag:s31] =	ssyncpa.u1 $0x1  }
0x40: {  	p0 =	sne.s32 s1, $0x0;
	_ =	strace $0x9000004A  }
0x41: {  	s0 =	sadd.s32 @!p0 $0x100000, s0;
	[bflag:$0x2] =	sbarrier.arrive $0xFFFF  }
0x42: {  	[sflag:s0] =	ssyncadd.tile.s32 @!p0 $0x1;
	_ =	shalt  }
.Lfunc_end2:
_tile_overlayer_lowered:
.L_overlay_start_2:
0x43: {  	(tag) =	ssettag $0x2  }
0x44: {  	s0 =	rddreg [dreg:$0x0];
	s2 =	stileid.u32  }
0x45: {  	s1 =	rddreg [dreg:$0x1];
	p0 =	sne.s32 s2, $0x0  }
0x46: {  	s3 =	rddreg [dreg:$0x2];
	[bflag:$0x3] =	sbarrier.arrive $0xFFFF;
	s2 =	simm.s32 @!p0 $0x1C01  }
0x47: {  	[timem:s3], [sflag:s2] =	dma.local @!p0 [hbm:s0], s1  }
0x48: {  	s0 =	simm.s32 @!p0 $0x1  }
0x49: {  	_ =	swait.ge @!p0 [sflag:s0], s1  }
0x4a: {  	s1 =	ssub.s32 @!p0 $0x0, s1;
	[sflag:s0] =	ssyncset.done @!p0 $0x0  }
0x4b: {  	[sflag:s0] =	ssyncadd.s32 @!p0 s1  }
0x4c: {  	[bflag:$0x3] =	sbarrier.arrive $0xFFFF  }
0x4d: {  	_ =	shalt  }

// kernel: kernel.21.cloned.1.call-start
scs
__scs_entry_jumppad:
0x0: {  	(pc) =	sbr.rel $0x88, $3  }
0x1: {  	(tag) =	ssettag $0x0;
	lr =	simm.s32 $0x1  }
0x2: {  	[smem:$0x3F8B] =	sst lr;
	_ =	strace $0xD0000000  }
0x3: {  	_ = 	snop  }
0x4: {  	_ = 	snop  }
0x5: {  	_ = 	snop  }
0x6: {  	_ = 	snop  }
0x7: {  	_ = 	snop  }
__scs_overlays_trampoline_lowered:
0x8: {  	[smem:$0x3F9A] =	sst s0  }
0x9: {  	[smem:$0x3F9B] =	sst s1  }
0xa: {  	[smem:$0x3F9C] =	sst s2  }
0xb: {  	[smem:$0x3F9D] =	sst s3  }
0xc: {  	[smem:$0x3F9E] =	sst s4  }
0xd: {  	[smem:$0x3F9F] =	sst s5  }
0xe: {  	[smem:$0x3FA0] =	sst s6  }
0xf: {  	[smem:$0x3FA1] =	sst s7  }
0x10: {  	[smem:$0x3FA2] =	sst s8  }
0x11: {  	[smem:$0x3FA3] =	sst s9;
	s0 =	simm.s32 @!p0 $0x0  }
0x12: {  	s1 =	sld [smem:$0x3F89];
	s0 =	simm.s32 @p0 $0x1  }
0x13: {  	[smem:$0x3FA4] =	sst s0;
	s0 =	simm.s32 @!p1 $0x0  }
0x14: {  	s2 =	sld [smem:$0x3F88];
	s0 =	simm.s32 @p1 $0x1  }
0x15: {  	[smem:$0x3FA5] =	sst s0;
	s0 =	simm.s32 @!p2 $0x0  }
0x16: {  	s3 =	sld [smem:$0x3FDB];
	s0 =	simm.s32 @p2 $0x1  }
0x17: {  	s4 =	simm.s32 $0x1BF5;
	[smem:$0x3FA7] =	sst s0  }
0x18: {  	s0 =	sld [smem:$0x3F8A];
	_ =	swait.ge [sflag:s4], $0x0  }
0x19: {  	s7 =	sld [smem:$0x3F8B]  }
0x1a: {  	s8 =	sadd.s32 $0xFFFFE003, lr  }
0x1b: {  	s9 =	sadd.s32 $0xFFFFFEF7, lr;
	s5 =	simm.s32 $0xFFFFFFFF;
	p2 =	slt.u32 s8, $0xFFFFF086  }
0x1c: {  	p1 =	slt.u32 s9, $0xF7A;
	s5 =	simm.s32 @!p2 $0x0  }
0x1d: {  	s5 =	simm.s32 @p1 $0x1;
	p0 =	seq.s32 s7, s2  }
0x1e: {  	s7 =	smul.u32 @!p0 $0xF7A, s2;
	p2 =	seq.s32 @!p0 s5, $0x0  }
0x1f: {  	s9 =	smul.u32 $0xF7A, s1;
	s8 =	simm.s32 @!p0 $0x1BF5;
	p2 =	por !p2, p0  }
0x20: {  	[sflag:s8] =	ssyncset.s32 @!p0 $0xFFFFF086;
	s6 =	sadd.s32 @!p0 s3, s7;
	s7 =	simm.s32 @!p0 $0x108  }
0x21: {  	s3 =	sadd.s32 s3, s9;
	s6 =	sadd.s32 @!p0 $0x88, s6;
	s7 =	simm.s32 @p2 $0x1082  }
0x22: {  	[simem:s7], [sflag:s8] =	dma.local @!p0 [hbm:s6], $0xF7A  }
0x23: {  	s9 =	sor.u32 $0xD0000000, s2;
	s6 =	simm.s32 $0x108;
	_ =	swait.ge @!p0 [sflag:s8], $0x0  }
0x24: {  	s3 =	sadd.s32 $0x88, s3;
	s6 =	simm.s32 @!p1 $0x1082;
	[sflag:s4] =	ssyncset.s32 $0xFFFFF086  }
0x25: {  	[simem:s6], [sflag:s4] =	dma.local [hbm:s3], $0xF7A  }
0x26: {  	[smem:$0x3F8B] =	sst s1;
	(tag) =	ssettag s2;
	_ =	strace s9  }
0x27: {  	s1 =	sld [smem:$0x3F9B]  }
0x28: {  	s2 =	sld [smem:$0x3F9C]  }
0x29: {  	s4 =	sld [smem:$0x3F9E]  }
0x2a: {  	p0 =	seq.s32 s5, $0x0;
	s5 =	sld [smem:$0x3F9F]  }
0x2b: {  	s6 =	sld [smem:$0x3FA0]  }
0x2c: {  	s7 =	sld [smem:$0x3FA1]  }
0x2d: {  	s3 =	simm.s32 $0x108;
	s8 =	sld [smem:$0x3FA2]  }
0x2e: {  	s3 =	simm.s32 @!p0 $0x1082;
	s9 =	sld [smem:$0x3FA3]  }
0x2f: {  	lr =	sadd.s32 s0, s3;
	s0 =	sld [smem:$0x3F9A]  }
0x30: {  	s3 =	sld [smem:$0x3F9D]  }
0x31: {  	[smem:$0x3FA6] =	sst s10  }
0x32: {  	s10 =	sld [smem:$0x3FA4];
	_ =	sdelay $0x3  }
0x33: {  	p0 =	seq.s32 s10, $0x1;
	s10 =	sld [smem:$0x3FA6];
	_ =	sdelay $0x3  }
0x34: {  	[smem:$0x3FA6] =	sst s10  }
0x35: {  	s10 =	sld [smem:$0x3FA5];
	_ =	sdelay $0x3  }
0x36: {  	p1 =	seq.s32 s10, $0x1;
	s10 =	sld [smem:$0x3FA6];
	_ =	sdelay $0x3  }
0x37: {  	[smem:$0x3FA6] =	sst s10  }
0x38: {  	s10 =	sld [smem:$0x3FA7]  }
0x39: {  	_ = 	snop;
	(pc) =	sbr.ind lr, $3  }
0x3a: {  	_ = 	snop  }
0x3b: {  	_ = 	snop  }
0x3c: {  	p2 =	seq.s32 s10, $0x1;
	s10 =	sld [smem:$0x3FA6]  }
0x3d: {  	_ =	shalt  }
0x3e: {  	_ =	shalt  }
0x3f: {  	_ =	shalt  }
0x40: {  	_ =	shalt  }
0x41: {  	_ =	shalt  }
0x42: {  	_ =	shalt  }
0x43: {  	_ =	shalt  }
0x44: {  	_ =	shalt  }
0x45: {  	_ =	shalt  }
0x46: {  	_ =	shalt  }
0x47: {  	_ =	shalt  }
0x48: {  	_ =	shalt  }
0x49: {  	_ =	shalt  }
0x4a: {  	_ =	shalt  }
0x4b: {  	_ =	shalt  }
0x4c: {  	_ =	shalt  }
0x4d: {  	_ =	shalt  }
0x4e: {  	_ =	shalt  }
0x4f: {  	_ =	shalt  }
0x50: {  	_ =	shalt  }
0x51: {  	_ =	shalt  }
0x52: {  	_ =	shalt  }
0x53: {  	_ =	shalt  }
0x54: {  	_ =	shalt  }
0x55: {  	_ =	shalt  }
0x56: {  	_ =	shalt  }
0x57: {  	_ =	shalt  }
0x58: {  	_ =	shalt  }
0x59: {  	_ =	shalt  }
0x5a: {  	_ =	shalt  }
0x5b: {  	_ =	shalt  }
0x5c: {  	_ =	shalt  }
0x5d: {  	_ =	shalt  }
0x5e: {  	_ =	shalt  }
0x5f: {  	_ =	shalt  }
0x60: {  	_ =	shalt  }
0x61: {  	_ =	shalt  }
0x62: {  	_ =	shalt  }
0x63: {  	_ =	shalt  }
0x64: {  	_ =	shalt  }
0x65: {  	_ =	shalt  }
0x66: {  	_ =	shalt  }
0x67: {  	_ =	shalt  }
0x68: {  	_ =	shalt  }
0x69: {  	_ =	shalt  }
0x6a: {  	_ =	shalt  }
0x6b: {  	_ =	shalt  }
0x6c: {  	_ =	shalt  }
0x6d: {  	_ =	shalt  }
0x6e: {  	_ =	shalt  }
0x6f: {  	_ =	shalt  }
0x70: {  	_ =	shalt  }
0x71: {  	_ =	shalt  }
0x72: {  	_ =	shalt  }
0x73: {  	_ =	shalt  }
0x74: {  	_ =	shalt  }
0x75: {  	_ =	shalt  }
0x76: {  	_ =	shalt  }
0x77: {  	_ =	shalt  }
0x78: {  	_ =	shalt  }
0x79: {  	_ =	shalt  }
0x7a: {  	_ =	shalt  }
0x7b: {  	_ =	shalt  }
0x7c: {  	_ =	shalt  }
0x7d: {  	_ =	shalt  }
0x7e: {  	_ =	shalt  }
0x7f: {  	_ =	shalt  }
0x80: {  	_ =	shalt  }
0x81: {  	_ =	shalt  }
0x82: {  	_ =	shalt  }
0x83: {  	_ =	shalt  }
0x84: {  	_ =	shalt  }
0x85: {  	_ =	shalt  }
0x86: {  	_ =	shalt  }
0x87: {  	_ =	shalt  }
.Lfunc_end0:
.L_simem_size_0:
called_computation.4_lowered:
.L_overlay_start_0:
0x88: {  	s2 =	sld [smem:$0x3FD9]  }
0x89: {  	s3 =	sld [smem:$0x3FFE];
	_ =	sdelay $0x1  }
0x8a: {  	s1 =	srdreg.scid  }
0x8b: {  	s0 =	sand.u32 $0x1, s1  }
0x8c: {  	s17 =	sshll.u32 s0, $0xA;
	s2 =	sadd.s32 s3, s2  }
0x8d: {  	s2 =	sadd.s32 s2, s17  }
0x8e: {  	[smem:$0x3FB2] =	sst s2  }
0x8f: {  	_ = 	snop  }
0x90: {  	(tm) =	ssettm $0x1  }
0x91: {  	s18 =	sld [smem:$0x3FFB];
	_ =	sdelay $0x3  }
0x92: {  	_ =	strace s18  }
0x93: {  	s2 =	sld [smem:$0x3FFC];
	_ =	sdelay $0x3  }
0x94: {  	_ =	strace s2  }
0x95: {  	s2 =	sld [smem:$0x3FFD];
	_ =	sdelay $0x3  }
0x96: {  	_ =	strace s2  }
0x97: {  	_ =	strace $0x8FFFFFFF  }
0x98: {  	s19 =	sld [smem:$0x3FDB];
	_ =	sdelay $0x1  }
0x99: {  	s20 =	simm.s32 $_scs_section_size  }
0x9a: {  	s4 =	simm.s32 $_size__tile_overlayer_lowered;
	s5 =	simm.s32 $_tile_overlayer_lowered  }
0x9b: {  	s6 =	simm.s32 $0x1BFF;
	s21 =	sshll.u32 s5, $0x1;
	s3 =	sadd.s32 s20, s19  }
0x9c: {  	s22 =	simm.s32 $0x0;
	s4 =	sshll.u32 s4, $0x1;
	s5 =	sadd.s32 s21, s3  }
0x9d: {  	[timem:s22], [sflag:s6] =	dma.local [hbm:s5], s4  }
0x9e: {  	_ =	swait.ge [sflag:s6], s4  }
0x9f: {  	s4 =	ssub.s32 $0x0, s4;
	[sflag:s6] =	ssyncset.done $0x0  }
0xa0: {  	[sflag:s6] =	ssyncadd.s32 s4;
	_ =	sdelay $0x1  }
0xa1: {  	s23 =	simm.s32 $0x1B8B  }
0xa2: {  	_ =	swait.ge [sflag:s23], $0x1  }
0xa3: {  	[sflag:s23] =	ssyncset.done $0x0  }
0xa4: {  	[sflag:s23] =	ssyncadd.s32 $0xFFFFFFFF  }
0xa5: {  	s4 =	sld [smem:$0x0]  }
0xa6: {  	s5 =	sand.u32 $0xFFFFFFFE, s1  }
0xa7: {  	p0 =	sne.s32 s1, s5  }
0xa8: {  	s5 =	sshll.u32 @p0 s5, $0xE  }
0xa9: {  	s5 =	sadd.s32 @p0 $0x11B8D, s5;
	s6 =	sshll.u32 @p0 s4, $0x11  }
0xaa: {  	s5 =	sor.u32 @p0 s6, s5  }
0xab: {  	[sflag:s5] =	ssyncadd.remote.s32 @p0 $0x1;
	_ =	sdelay $0x1  }
0xac: {  	s5 =	simm.s32 @p0 $0x1B8D  }
0xad: {  	_ =	swait.eq @p0 [sflag:s5], $0x1  }
0xae: {  	[sflag:s5] =	ssyncadd.s32 @p0 $0xFFFFFFFF  }
0xaf: {  	s6 =	sshll.u32 @!p0 s1, $0xE  }
0xb0: {  	s6 =	sor.u32 @!p0 $0x4000, s6;
	s5 =	simm.s32 @!p0 $0x1B8D  }
0xb1: {  	s4 =	sshll.u32 @!p0 s4, $0x11;
	s6 =	sadd.s32 @!p0 $0x11B8D, s6;
	_ =	swait.eq @!p0 [sflag:s5], $0x1  }
0xb2: {  	s4 =	sor.u32 @!p0 s4, s6;
	[sflag:s5] =	ssyncadd.s32 @!p0 $0xFFFFFFFF  }
0xb3: {  	s25 =	simm.s32 $0x1B8E;
	s24 =	sld [smem:$0x3FFE];
	[sflag:s4] =	ssyncadd.remote.s32 @!p0 $0x1  }
0xb4: {  	s26 =	simm.s32 $execute0_lowered;
	[smem:$0x3FD2] =	sst s25  }
0xb5: {  	s5 =	sshll.u32 s26, $0x1;
	_ =	strace $0x8000004C;
	[dreg:$0x1] =	wrdreg $0xFFFFFFFF  }
0xb6: {  	s28 =	simm.s32 $_size_execute0_lowered;
	s3 =	sadd.s32 s3, s5;
	[dreg:$0x0] =	wrdreg $0x0  }
0xb7: {  	s5 =	sshll.u32 s28, $0x1;
	[dreg:$0x2] =	wrdreg s3  }
0xb8: {  	[dreg:$0x3] =	wrdreg s5  }
0xb9: {  	[dreg:$0x4] =	wrdreg $0xC0  }
0xba: {  	_ =	task [dreg:s22], $0x5FFFF  }
0xbb: {  	[dreg:$0x1] =	wrdreg $0xFFFFFFFF  }
0xbc: {  	[dreg:$0x0] =	wrdreg $0x60  }
0xbd: {  	[dreg:$0x2] =	wrdreg s24  }
0xbe: {  	[dreg:$0x3] =	wrdreg $0x40800  }
0xbf: {  	[dreg:$0x4] =	wrdreg $0xE  }
0xc0: {  	_ =	task.clear_ibuf [dreg:s22], $0x5FFFF;
	_ =	strace $0x9000004C  }
0xc1: {  	s29 =	simm.s32 $0xE;
	_ =	strace $0x8000004E  }
0xc2: {  	_ =	swait.ge [sflag:s29], $0x1  }
0xc3: {  	[sflag:s29] =	ssyncadd.s32 $0xFFFFFFFF  }
0xc4: {  	_ =	strace $0x9000004E  }
0xc5: {  	_ =	sfence  }
0xc6: {  	s30 =	sld [smem:$0x0];
	_ =	sdelay $0x2  }
0xc7: {  	s31 =	sshll.u32 s1, $0xD;
	s1 =	sshrl.u32 s1, $0x2  }
0xc8: {  	s4 =	sand.u32 $0x4000, s31;
	s1 =	sadd.s32 s1, s30  }
0xc9: {  	s0 =	sor.u32 s4, s0;
	s1 =	sshll.u32 s1, $0x11  }
0xca: {  	s0 =	sor.u32 s1, s0  }
0xcb: {  	s0 =	sadd.s32 $0x8F2B, s0  }
0xcc: {  	[sflag:s0] =	ssyncadd.remote.s32 $0x1  }
0xcd: {  	_ =	sfence.sel $0xFFFF  }
0xce: {  	[dreg:$0x0] =	wrdreg $0xFFFFFFFF;
	(pc) =	sbr.abs _section_cstart, $3  }
0xcf: {  	[dreg:$0x1] =	wrdreg $0xFFFFFFFF  }
0xd0: {  	_ =	task.clear_ibuf [dreg:s22], $0x2FFFF;
	_ =	strace $0x9FFFFFFF  }
0xd1: {  	(tm) =	ssettm $0x7FFFFFFF  }
tec
execute0_lowered:
.L_overlay_start_1:
0x0: {  	(tag) =	ssettag $0x1  }
0x1: {  	s5 =	rddreg [dreg:$0x0];
	s0 =	srdreg.scid  }
0x2: {  	s2 =	rddreg [dreg:$0x1];
	s1 =	stileid.u32  }
0x3: {  	s3 =	simm.s32 $0x0;
	s13 =	simm.s32 $0x0;
	s7 =	smul.u32 $0x14000, s1  }
0x4: {  	s4 =	sand.u32 $0x1, s0;
	s0 =	rddreg [dreg:$0x2];
	s10 =	smul.u32 $0x50000, s1  }
0x5: {  	[smem:$0x7FF] =	sst s3;
	s29 =	smul.u32 $0x4F0, s1;
	s30 =	sshll.u32 s1, $0x6  }
0x6: {  	s6 =	smul.u32 $0x4F00, s4;
	_ =	strace $0x8000004D;
	s25 =	ssub.s32 $0x2, s4  }
0x7: {  	p0 =	seq.s32 s4, $0x1;
	s4 =	sadd.s32 $0x6A000, s5;
	s26 =	sshrl.u32 s25, $0x1  }
0x8: {  	s28 =	sshrl.u32 s10, $0x2;
	s8 =	sadd.s32 s6, s5;
	s6 =	sshrl.u32 s7, $0x3  }
0x9: {  	s12 =	sadd.s32 s28, s2;
	s7 =	sadd.s32 s6, s5;
	s9 =	sadd.s32 $0x28000, s6  }
0xa: {  	s31 =	sadd.s32 s29, s8;
	s10 =	sshrl.u32 s12, $0x3;
	s6 =	smov.u32 @p0 s9  }
0xb: {  	s12 =	simm.s32 $0x80;
	s9 =	ssub.s32 s25, s26;
	s11 =	sadd.s32 s6, s5  }
0xc: {  	s5 =	sadd.s32 $0x42000, s7;
	s6 =	sor.u32 $0x1C01, s30;
	s7 =	smax.u32 s9, $0x1  }
0xd: {  	s9 =	sadd.s32 $0x5800, s31;
	s8 =	sadd.s32 $0x6A800, s11;
	s11 =	simm.s32 $0x1  }
.LBB2_1:
0xe: {  	[spmem:s10], [sflag:s6] =	dma.local [hbm:s5], $0x2800  }
0xf: {  	_ =	swait.ge [sflag:s11], $0x2800  }
0x10: {  	[sflag:s11] =	ssyncset.done $0x0  }
0x11: {  	[sflag:s11] =	ssyncadd.s32 $0xFFFFD800  }
0x12: {  	[tilespmem:s12], [sflag:$0x1] =	stream.linear.gather [hbm4b:s4+s3], $0x4000, $0x38;
	[tilespmem:$0x18080] =	vst v63  }
0x13: {  	_ =	swait.ge [sflag:s11], $0x4000  }
0x14: {  	[sflag:s11] =	ssyncset.done $0x0  }
0x15: {  	[sflag:s11] =	ssyncadd.s32 $0xFFFFC000  }
0x16: {  	s14 =	sadd.s32 $0x0, s9;
	[bflag:$0x0] =	sbarrier.arrive $0xFFFF  }
0x17: {  	[tilespmem:s3], [sflag:$0x1] =	stream.linear.gather [hbm4b:s14+s3], $0x80, $0x38;
	[tilespmem:$0x18080] =	vst v63  }
0x18: {  	_ =	swait.ge [sflag:s11], $0x80  }
0x19: {  	[sflag:s11] =	ssyncset.done $0x0  }
0x1a: {  	[sflag:s11] =	ssyncadd.s32 $0xFFFFFF80  }
0x1b: {  	[spmem:s2] =	stream.indirect.scatter.add.f32 [tilespmem:s12], [sflag:$0x1], $0x80, s3, s12, $0xb8;
	[tilespmem:$0x18080] =	vst v63  }
0x1c: {  	_ =	swait.ge [sflag:s11], $0x4000  }
0x1d: {  	s15 =	simm.s32 $0x20;
	s14 =	simm.s32 $0x10;
	[sflag:s11] =	ssyncset.done $0x0  }
.LBB2_2:
0x1e: {  	s16 =	sadd.s32 s14, s9  }
0x1f: {  	[sflag:s11] =	ssyncadd.s32 $0xFFFFC000;
	s14 =	smov.u32 s15;
	s17 =	sadd.s32 $0x10, s15  }
0x20: {  	[tilespmem:s3], [sflag:$0x1] =	stream.linear.gather [hbm4b:s16+s3], $0x80, $0x38;
	[tilespmem:$0x18080] =	vst v63  }
0x21: {  	p0 =	sne.s32 s15, $0x4E0;
	_ =	swait.ge [sflag:s11], $0x80  }
.Ltmp0:
0x22: {  	[sflag:s11] =	ssyncset.done $0x0;
	(pc) =	sbr.rel @p0 .LBB2_2-.Ltmp0, $4  }
0x23: {  	[sflag:s11] =	ssyncadd.s32 $0xFFFFFF80  }
0x24: {  	[spmem:s2] =	stream.indirect.scatter.add.f32 [tilespmem:s12], [sflag:$0x1], $0x80, s3, s12, $0xb8;
	[tilespmem:$0x18080] =	vst v63  }
0x25: {  	_ =	swait.ge [sflag:s11], $0x4000  }
0x26: {  	s15 =	smov.u32 s17;
	[sflag:s11] =	ssyncset.done $0x0  }
0x27: {  	s14 =	sadd.s32 s14, s9;
	[sflag:s11] =	ssyncadd.s32 $0xFFFFC000  }
0x28: {  	[tilespmem:s3], [sflag:$0x1] =	stream.linear.gather [hbm4b:s14+s3], $0x80, $0x38;
	[tilespmem:$0x18080] =	vst v63  }
0x29: {  	_ =	swait.ge [sflag:s11], $0x80  }
0x2a: {  	[sflag:s11] =	ssyncset.done $0x0  }
0x2b: {  	[sflag:s11] =	ssyncadd.s32 $0xFFFFFF80  }
0x2c: {  	[spmem:s2] =	stream.indirect.scatter.add.f32 [tilespmem:s12], [sflag:$0x1], $0x80, s3, s12, $0xb8;
	[tilespmem:$0x18080] =	vst v63  }
0x2d: {  	_ =	swait.ge [sflag:s11], $0x4000  }
0x2e: {  	s13 =	sadd.s32 $0x1, s13;
	[sflag:s11] =	ssyncset.done $0x0  }
0x2f: {  	p0 =	sne.s32 s13, s7;
	[sflag:s11] =	ssyncadd.s32 $0xFFFFC000  }
.Ltmp1:
0x30: {  	[bflag:$0x0] =	sbarrier.arrive $0xFFFF;
	(pc) =	sbr.rel @p0 .LBB2_1-.Ltmp1, $4  }
0x31: {  	[hbm:s8], [sflag:s6] =	dma.local [spmem:s10], $0x2800  }
0x32: {  	_ =	swait.ge [sflag:s11], $0x2800  }
0x33: {  	[sflag:s11] =	ssyncset.done $0x0  }
0x34: {  	[sflag:s11] =	ssyncadd.s32 $0xFFFFD800  }
0x35: {  	_ =	sfence.sel $0x180000  }
0x36: {  	[bflag:$0x0] =	sbarrier.arrive $0xFFFF  }
0x37: {  	p0 =	sne.s32 s1, $0x0;
	_ =	strace $0x9000004D  }
0x38: {  	s0 =	sadd.s32 @!p0 $0x100000, s0;
	[bflag:$0x2] =	sbarrier.arrive $0xFFFF  }
0x39: {  	[sflag:s0] =	ssyncadd.tile.s32 @!p0 $0x1;
	_ =	shalt  }
.Lfunc_end2:
_tile_overlayer_lowered:
.L_overlay_start_2:
0x3a: {  	(tag) =	ssettag $0x2  }
0x3b: {  	s0 =	rddreg [dreg:$0x0];
	s2 =	stileid.u32  }
0x3c: {  	s1 =	rddreg [dreg:$0x1];
	p0 =	sne.s32 s2, $0x0  }
0x3d: {  	s3 =	rddreg [dreg:$0x2];
	[bflag:$0x3] =	sbarrier.arrive $0xFFFF;
	s2 =	simm.s32 @!p0 $0x1C01  }
0x3e: {  	[timem:s3], [sflag:s2] =	dma.local @!p0 [hbm:s0], s1  }
0x3f: {  	s0 =	simm.s32 @!p0 $0x1  }
0x40: {  	_ =	swait.ge @!p0 [sflag:s0], s1  }
0x41: {  	s1 =	ssub.s32 @!p0 $0x0, s1;
	[sflag:s0] =	ssyncset.done @!p0 $0x0  }
0x42: {  	[sflag:s0] =	ssyncadd.s32 @!p0 s1  }
0x43: {  	[bflag:$0x3] =	sbarrier.arrive $0xFFFF  }
0x44: {  	_ =	shalt  }

// kernel: kernel.24.cloned.1.call-start
scs
__scs_entry_jumppad:
0x0: {  	(pc) =	sbr.rel $0x88, $3  }
0x1: {  	(tag) =	ssettag $0x0;
	lr =	simm.s32 $0x1  }
0x2: {  	[smem:$0x3F8B] =	sst lr;
	_ =	strace $0xD0000000  }
0x3: {  	_ = 	snop  }
0x4: {  	_ = 	snop  }
0x5: {  	_ = 	snop  }
0x6: {  	_ = 	snop  }
0x7: {  	_ = 	snop  }
__scs_overlays_trampoline_lowered:
0x8: {  	[smem:$0x3F9A] =	sst s0  }
0x9: {  	[smem:$0x3F9B] =	sst s1  }
0xa: {  	[smem:$0x3F9C] =	sst s2  }
0xb: {  	[smem:$0x3F9D] =	sst s3  }
0xc: {  	[smem:$0x3F9E] =	sst s4  }
0xd: {  	[smem:$0x3F9F] =	sst s5  }
0xe: {  	[smem:$0x3FA0] =	sst s6  }
0xf: {  	[smem:$0x3FA1] =	sst s7  }
0x10: {  	[smem:$0x3FA2] =	sst s8  }
0x11: {  	[smem:$0x3FA3] =	sst s9;
	s0 =	simm.s32 @!p0 $0x0  }
0x12: {  	s1 =	sld [smem:$0x3F89];
	s0 =	simm.s32 @p0 $0x1  }
0x13: {  	[smem:$0x3FA4] =	sst s0;
	s0 =	simm.s32 @!p1 $0x0  }
0x14: {  	s2 =	sld [smem:$0x3F88];
	s0 =	simm.s32 @p1 $0x1  }
0x15: {  	[smem:$0x3FA5] =	sst s0;
	s0 =	simm.s32 @!p2 $0x0  }
0x16: {  	s3 =	sld [smem:$0x3FDB];
	s0 =	simm.s32 @p2 $0x1  }
0x17: {  	s4 =	simm.s32 $0x1BF5;
	[smem:$0x3FA7] =	sst s0  }
0x18: {  	s0 =	sld [smem:$0x3F8A];
	_ =	swait.ge [sflag:s4], $0x0  }
0x19: {  	s7 =	sld [smem:$0x3F8B]  }
0x1a: {  	s8 =	sadd.s32 $0xFFFFE003, lr  }
0x1b: {  	s9 =	sadd.s32 $0xFFFFFEF7, lr;
	s5 =	simm.s32 $0xFFFFFFFF;
	p2 =	slt.u32 s8, $0xFFFFF086  }
0x1c: {  	p1 =	slt.u32 s9, $0xF7A;
	s5 =	simm.s32 @!p2 $0x0  }
0x1d: {  	s5 =	simm.s32 @p1 $0x1;
	p0 =	seq.s32 s7, s2  }
0x1e: {  	s7 =	smul.u32 @!p0 $0xF7A, s2;
	p2 =	seq.s32 @!p0 s5, $0x0  }
0x1f: {  	s9 =	smul.u32 $0xF7A, s1;
	s8 =	simm.s32 @!p0 $0x1BF5;
	p2 =	por !p2, p0  }
0x20: {  	[sflag:s8] =	ssyncset.s32 @!p0 $0xFFFFF086;
	s6 =	sadd.s32 @!p0 s3, s7;
	s7 =	simm.s32 @!p0 $0x108  }
0x21: {  	s3 =	sadd.s32 s3, s9;
	s6 =	sadd.s32 @!p0 $0x88, s6;
	s7 =	simm.s32 @p2 $0x1082  }
0x22: {  	[simem:s7], [sflag:s8] =	dma.local @!p0 [hbm:s6], $0xF7A  }
0x23: {  	s9 =	sor.u32 $0xD0000000, s2;
	s6 =	simm.s32 $0x108;
	_ =	swait.ge @!p0 [sflag:s8], $0x0  }
0x24: {  	s3 =	sadd.s32 $0x88, s3;
	s6 =	simm.s32 @!p1 $0x1082;
	[sflag:s4] =	ssyncset.s32 $0xFFFFF086  }
0x25: {  	[simem:s6], [sflag:s4] =	dma.local [hbm:s3], $0xF7A  }
0x26: {  	[smem:$0x3F8B] =	sst s1;
	(tag) =	ssettag s2;
	_ =	strace s9  }
0x27: {  	s1 =	sld [smem:$0x3F9B]  }
0x28: {  	s2 =	sld [smem:$0x3F9C]  }
0x29: {  	s4 =	sld [smem:$0x3F9E]  }
0x2a: {  	p0 =	seq.s32 s5, $0x0;
	s5 =	sld [smem:$0x3F9F]  }
0x2b: {  	s6 =	sld [smem:$0x3FA0]  }
0x2c: {  	s7 =	sld [smem:$0x3FA1]  }
0x2d: {  	s3 =	simm.s32 $0x108;
	s8 =	sld [smem:$0x3FA2]  }
0x2e: {  	s3 =	simm.s32 @!p0 $0x1082;
	s9 =	sld [smem:$0x3FA3]  }
0x2f: {  	lr =	sadd.s32 s0, s3;
	s0 =	sld [smem:$0x3F9A]  }
0x30: {  	s3 =	sld [smem:$0x3F9D]  }
0x31: {  	[smem:$0x3FA6] =	sst s10  }
0x32: {  	s10 =	sld [smem:$0x3FA4];
	_ =	sdelay $0x3  }
0x33: {  	p0 =	seq.s32 s10, $0x1;
	s10 =	sld [smem:$0x3FA6];
	_ =	sdelay $0x3  }
0x34: {  	[smem:$0x3FA6] =	sst s10  }
0x35: {  	s10 =	sld [smem:$0x3FA5];
	_ =	sdelay $0x3  }
0x36: {  	p1 =	seq.s32 s10, $0x1;
	s10 =	sld [smem:$0x3FA6];
	_ =	sdelay $0x3  }
0x37: {  	[smem:$0x3FA6] =	sst s10  }
0x38: {  	s10 =	sld [smem:$0x3FA7]  }
0x39: {  	_ = 	snop;
	(pc) =	sbr.ind lr, $3  }
0x3a: {  	_ = 	snop  }
0x3b: {  	_ = 	snop  }
0x3c: {  	p2 =	seq.s32 s10, $0x1;
	s10 =	sld [smem:$0x3FA6]  }
0x3d: {  	_ =	shalt  }
0x3e: {  	_ =	shalt  }
0x3f: {  	_ =	shalt  }
0x40: {  	_ =	shalt  }
0x41: {  	_ =	shalt  }
0x42: {  	_ =	shalt  }
0x43: {  	_ =	shalt  }
0x44: {  	_ =	shalt  }
0x45: {  	_ =	shalt  }
0x46: {  	_ =	shalt  }
0x47: {  	_ =	shalt  }
0x48: {  	_ =	shalt  }
0x49: {  	_ =	shalt  }
0x4a: {  	_ =	shalt  }
0x4b: {  	_ =	shalt  }
0x4c: {  	_ =	shalt  }
0x4d: {  	_ =	shalt  }
0x4e: {  	_ =	shalt  }
0x4f: {  	_ =	shalt  }
0x50: {  	_ =	shalt  }
0x51: {  	_ =	shalt  }
0x52: {  	_ =	shalt  }
0x53: {  	_ =	shalt  }
0x54: {  	_ =	shalt  }
0x55: {  	_ =	shalt  }
0x56: {  	_ =	shalt  }
0x57: {  	_ =	shalt  }
0x58: {  	_ =	shalt  }
0x59: {  	_ =	shalt  }
0x5a: {  	_ =	shalt  }
0x5b: {  	_ =	shalt  }
0x5c: {  	_ =	shalt  }
0x5d: {  	_ =	shalt  }
0x5e: {  	_ =	shalt  }
0x5f: {  	_ =	shalt  }
0x60: {  	_ =	shalt  }
0x61: {  	_ =	shalt  }
0x62: {  	_ =	shalt  }
0x63: {  	_ =	shalt  }
0x64: {  	_ =	shalt  }
0x65: {  	_ =	shalt  }
0x66: {  	_ =	shalt  }
0x67: {  	_ =	shalt  }
0x68: {  	_ =	shalt  }
0x69: {  	_ =	shalt  }
0x6a: {  	_ =	shalt  }
0x6b: {  	_ =	shalt  }
0x6c: {  	_ =	shalt  }
0x6d: {  	_ =	shalt  }
0x6e: {  	_ =	shalt  }
0x6f: {  	_ =	shalt  }
0x70: {  	_ =	shalt  }
0x71: {  	_ =	shalt  }
0x72: {  	_ =	shalt  }
0x73: {  	_ =	shalt  }
0x74: {  	_ =	shalt  }
0x75: {  	_ =	shalt  }
0x76: {  	_ =	shalt  }
0x77: {  	_ =	shalt  }
0x78: {  	_ =	shalt  }
0x79: {  	_ =	shalt  }
0x7a: {  	_ =	shalt  }
0x7b: {  	_ =	shalt  }
0x7c: {  	_ =	shalt  }
0x7d: {  	_ =	shalt  }
0x7e: {  	_ =	shalt  }
0x7f: {  	_ =	shalt  }
0x80: {  	_ =	shalt  }
0x81: {  	_ =	shalt  }
0x82: {  	_ =	shalt  }
0x83: {  	_ =	shalt  }
0x84: {  	_ =	shalt  }
0x85: {  	_ =	shalt  }
0x86: {  	_ =	shalt  }
0x87: {  	_ =	shalt  }
.Lfunc_end0:
.L_simem_size_0:
called_computation.5_lowered:
.L_overlay_start_0:
0x88: {  	s2 =	sld [smem:$0x3FD9]  }
0x89: {  	s3 =	sld [smem:$0x3FFE];
	_ =	sdelay $0x1  }
0x8a: {  	s1 =	srdreg.scid  }
0x8b: {  	s0 =	sand.u32 $0x1, s1  }
0x8c: {  	s17 =	sshll.u32 s0, $0xA;
	s2 =	sadd.s32 s3, s2  }
0x8d: {  	s2 =	sadd.s32 s2, s17  }
0x8e: {  	[smem:$0x3FB2] =	sst s2  }
0x8f: {  	_ = 	snop  }
0x90: {  	(tm) =	ssettm $0x1  }
0x91: {  	s18 =	sld [smem:$0x3FFB];
	_ =	sdelay $0x3  }
0x92: {  	_ =	strace s18  }
0x93: {  	s2 =	sld [smem:$0x3FFC];
	_ =	sdelay $0x3  }
0x94: {  	_ =	strace s2  }
0x95: {  	s2 =	sld [smem:$0x3FFD];
	_ =	sdelay $0x3  }
0x96: {  	_ =	strace s2  }
0x97: {  	_ =	strace $0x8FFFFFFF  }
0x98: {  	s19 =	sld [smem:$0x3FDB];
	_ =	sdelay $0x1  }
0x99: {  	s20 =	simm.s32 $_scs_section_size  }
0x9a: {  	s4 =	simm.s32 $_size__tile_overlayer_lowered;
	s5 =	simm.s32 $_tile_overlayer_lowered  }
0x9b: {  	s6 =	simm.s32 $0x1BFF;
	s21 =	sshll.u32 s5, $0x1;
	s3 =	sadd.s32 s20, s19  }
0x9c: {  	s22 =	simm.s32 $0x0;
	s4 =	sshll.u32 s4, $0x1;
	s5 =	sadd.s32 s21, s3  }
0x9d: {  	[timem:s22], [sflag:s6] =	dma.local [hbm:s5], s4  }
0x9e: {  	_ =	swait.ge [sflag:s6], s4  }
0x9f: {  	s4 =	ssub.s32 $0x0, s4;
	[sflag:s6] =	ssyncset.done $0x0  }
0xa0: {  	[sflag:s6] =	ssyncadd.s32 s4;
	_ =	sdelay $0x1  }
0xa1: {  	s23 =	simm.s32 $0x1B8B  }
0xa2: {  	_ =	swait.ge [sflag:s23], $0x1  }
0xa3: {  	[sflag:s23] =	ssyncset.done $0x0  }
0xa4: {  	[sflag:s23] =	ssyncadd.s32 $0xFFFFFFFF  }
0xa5: {  	s4 =	sld [smem:$0x0]  }
0xa6: {  	s5 =	sand.u32 $0xFFFFFFFE, s1  }
0xa7: {  	p0 =	sne.s32 s1, s5  }
0xa8: {  	s5 =	sshll.u32 @p0 s5, $0xE  }
0xa9: {  	s5 =	sadd.s32 @p0 $0x11B8D, s5;
	s6 =	sshll.u32 @p0 s4, $0x11  }
0xaa: {  	s5 =	sor.u32 @p0 s6, s5  }
0xab: {  	[sflag:s5] =	ssyncadd.remote.s32 @p0 $0x1;
	_ =	sdelay $0x1  }
0xac: {  	s5 =	simm.s32 @p0 $0x1B8D  }
0xad: {  	_ =	swait.eq @p0 [sflag:s5], $0x1  }
0xae: {  	[sflag:s5] =	ssyncadd.s32 @p0 $0xFFFFFFFF  }
0xaf: {  	s6 =	sshll.u32 @!p0 s1, $0xE  }
0xb0: {  	s6 =	sor.u32 @!p0 $0x4000, s6;
	s5 =	simm.s32 @!p0 $0x1B8D  }
0xb1: {  	s4 =	sshll.u32 @!p0 s4, $0x11;
	s6 =	sadd.s32 @!p0 $0x11B8D, s6;
	_ =	swait.eq @!p0 [sflag:s5], $0x1  }
0xb2: {  	s4 =	sor.u32 @!p0 s4, s6;
	[sflag:s5] =	ssyncadd.s32 @!p0 $0xFFFFFFFF  }
0xb3: {  	s25 =	simm.s32 $0x1B8E;
	s24 =	sld [smem:$0x3FFE];
	[sflag:s4] =	ssyncadd.remote.s32 @!p0 $0x1  }
0xb4: {  	s26 =	simm.s32 $execute0_lowered;
	[smem:$0x3FD2] =	sst s25  }
0xb5: {  	s5 =	sshll.u32 s26, $0x1;
	_ =	strace $0x80000058;
	[dreg:$0x1] =	wrdreg $0xFFFFFFFF  }
0xb6: {  	s28 =	simm.s32 $_size_execute0_lowered;
	s3 =	sadd.s32 s3, s5;
	[dreg:$0x0] =	wrdreg $0x0  }
0xb7: {  	s5 =	sshll.u32 s28, $0x1;
	[dreg:$0x2] =	wrdreg s3  }
0xb8: {  	[dreg:$0x3] =	wrdreg s5  }
0xb9: {  	[dreg:$0x4] =	wrdreg $0xC0  }
0xba: {  	_ =	task [dreg:s22], $0x5FFFF  }
0xbb: {  	[dreg:$0x1] =	wrdreg $0xFFFFFFFF  }
0xbc: {  	[dreg:$0x0] =	wrdreg $0x60  }
0xbd: {  	[dreg:$0x2] =	wrdreg s24  }
0xbe: {  	[dreg:$0x3] =	wrdreg $0x41000  }
0xbf: {  	[dreg:$0x4] =	wrdreg $0xC  }
0xc0: {  	_ =	task.clear_ibuf [dreg:s22], $0x5FFFF;
	_ =	strace $0x90000058  }
0xc1: {  	s29 =	simm.s32 $0xC;
	_ =	strace $0x8000005A  }
0xc2: {  	_ =	swait.ge [sflag:s29], $0x1  }
0xc3: {  	[sflag:s29] =	ssyncadd.s32 $0xFFFFFFFF  }
0xc4: {  	_ =	strace $0x9000005A  }
0xc5: {  	_ =	sfence  }
0xc6: {  	s30 =	sld [smem:$0x0];
	_ =	sdelay $0x2  }
0xc7: {  	s31 =	sshll.u32 s1, $0xD;
	s1 =	sshrl.u32 s1, $0x2  }
0xc8: {  	s4 =	sand.u32 $0x4000, s31;
	s1 =	sadd.s32 s1, s30  }
0xc9: {  	s0 =	sor.u32 s4, s0;
	s1 =	sshll.u32 s1, $0x11  }
0xca: {  	s0 =	sor.u32 s1, s0  }
0xcb: {  	s0 =	sadd.s32 $0x8F2B, s0  }
0xcc: {  	[sflag:s0] =	ssyncadd.remote.s32 $0x1  }
0xcd: {  	_ =	sfence.sel $0xFFFF  }
0xce: {  	[dreg:$0x0] =	wrdreg $0xFFFFFFFF;
	(pc) =	sbr.abs _section_cstart, $3  }
0xcf: {  	[dreg:$0x1] =	wrdreg $0xFFFFFFFF  }
0xd0: {  	_ =	task.clear_ibuf [dreg:s22], $0x2FFFF;
	_ =	strace $0x9FFFFFFF  }
0xd1: {  	(tm) =	ssettm $0x7FFFFFFF  }
tec
execute0_lowered:
.L_overlay_start_1:
0x0: {  	(tag) =	ssettag $0x1  }
0x1: {  	s5 =	rddreg [dreg:$0x0];
	s0 =	srdreg.scid  }
0x2: {  	s2 =	rddreg [dreg:$0x1];
	s1 =	stileid.u32  }
0x3: {  	s3 =	simm.s32 $0x0;
	s13 =	simm.s32 $0x80;
	s14 =	simm.s32 $0x100  }
0x4: {  	s15 =	simm.s32 $0x1;
	s16 =	simm.s32 $0x0;
	s7 =	smul.u32 $0x14000, s1  }
0x5: {  	s4 =	sand.u32 $0x1, s0;
	s0 =	rddreg [dreg:$0x2];
	s10 =	smul.u32 $0x50000, s1  }
0x6: {  	[smem:$0x7FF] =	sst s3;
	s30 =	smul.u32 $0x510, s1;
	s31 =	sshll.u32 s1, $0x6  }
0x7: {  	s6 =	smul.u32 $0x5100, s4;
	_ =	strace $0x80000059;
	s26 =	ssub.s32 $0x2, s4  }
0x8: {  	p0 =	seq.s32 s4, $0x1;
	s4 =	sadd.s32 $0x19800, s5;
	s28 =	sshrl.u32 s26, $0x1  }
0x9: {  	s29 =	sshrl.u32 s10, $0x2;
	s8 =	sadd.s32 s6, s5;
	s6 =	sshrl.u32 s7, $0x3  }
0xa: {  	s12 =	sadd.s32 s29, s2;
	s7 =	sadd.s32 s6, s5;
	s9 =	sadd.s32 $0x28000, s6  }
0xb: {  	s10 =	sadd.s32 s30, s8;
	s6 =	smov.u32 @p0 s9;
	s9 =	ssub.s32 s26, s28  }
0xc: {  	s11 =	sadd.s32 s6, s5;
	s5 =	sadd.s32 $0x42000, s7;
	s6 =	sor.u32 $0x1C02, s31  }
0xd: {  	s7 =	smax.u32 s9, $0x1;
	s9 =	sadd.s32 $0x12EC00, s10;
	s10 =	sadd.s32 $0xF600, s10  }
0xe: {  	s8 =	sadd.s32 $0x6A800, s11;
	s11 =	sshrl.u32 s12, $0x3;
	s12 =	simm.s32 $0x2  }
.LBB2_1:
0xf: {  	[spmem:s11], [sflag:s6] =	dma.local [hbm:s5], $0x2800  }
0x10: {  	_ =	swait.ge [sflag:s12], $0x2800  }
0x11: {  	[sflag:s12] =	ssyncset.done $0x0  }
0x12: {  	[sflag:s12] =	ssyncadd.s32 $0xFFFFD800  }
0x13: {  	s17 =	sadd.s32 $0x0, s10;
	[bflag:$0x0] =	sbarrier.arrive $0xFFFF  }
0x14: {  	[tilespmem:s3], [sflag:$0x2] =	stream.linear.gather [hbm4b:s17+s3], $0x80, $0x38;
	[tilespmem:$0x18100] =	vst v63  }
0x15: {  	_ =	swait.ge [sflag:s12], $0x80  }
0x16: {  	[sflag:s12] =	ssyncset.done $0x0  }
0x17: {  	s31 =	sadd.s32 $0x0, s9;
	[sflag:s12] =	ssyncadd.s32 $0xFFFFFF80  }
0x18: {  	[tilespmem:s13], [sflag:$0x2] =	stream.linear.gather [hbm4b:s31+s3], $0x80, $0x38;
	[tilespmem:$0x18100] =	vst v63  }
0x19: {  	_ =	swait.ge [sflag:s12], $0x80  }
0x1a: {  	[sflag:s12] =	ssyncset.done $0x0  }
0x1b: {  	[sflag:s12] =	ssyncadd.s32 $0xFFFFFF80  }
0x1c: {  	[tilespmem:s14], [sflag:$0x1] =	stream.indirect.gather [hbm4b:s4+s13], $0x80, s3, s13, $0xb8;
	[tilespmem:$0x18100] =	vst v63  }
0x1d: {  	_ =	swait.ge [sflag:s15], $0x4000  }
0x1e: {  	[sflag:s15] =	ssyncset.done $0x0  }
0x1f: {  	[sflag:s15] =	ssyncadd.s32 $0xFFFFC000  }
0x20: {  	[spmem:s2] =	stream.indirect.scatter.add.f32 [tilespmem:s14], [sflag:$0x2], $0x80, s13, s13, $0xb8;
	[tilespmem:$0x18100] =	vst v63  }
0x21: {  	_ =	swait.ge [sflag:s12], $0x4000  }
0x22: {  	s18 =	simm.s32 $0x20;
	s17 =	simm.s32 $0x10;
	[sflag:s12] =	ssyncset.done $0x0  }
.LBB2_2:
0x23: {  	s19 =	sadd.s32 s17, s10  }
0x24: {  	[sflag:s12] =	ssyncadd.s32 $0xFFFFC000;
	s20 =	smov.u32 s18;
	s21 =	sadd.s32 $0x10, s18  }
0x25: {  	[tilespmem:s3], [sflag:$0x2] =	stream.linear.gather [hbm4b:s19+s3], $0x80, $0x38;
	[tilespmem:$0x18100] =	vst v63  }
0x26: {  	p0 =	sne.s32 s18, $0x500;
	_ =	swait.ge [sflag:s12], $0x80  }
0x27: {  	[sflag:s12] =	ssyncset.done $0x0  }
0x28: {  	s18 =	sadd.s32 s17, s9;
	s17 =	smov.u32 s20;
	[sflag:s12] =	ssyncadd.s32 $0xFFFFFF80  }
0x29: {  	[tilespmem:s13], [sflag:$0x2] =	stream.linear.gather [hbm4b:s18+s3], $0x80, $0x38;
	[tilespmem:$0x18100] =	vst v63  }
0x2a: {  	_ =	swait.ge [sflag:s12], $0x80  }
0x2b: {  	[sflag:s12] =	ssyncset.done $0x0  }
0x2c: {  	[sflag:s12] =	ssyncadd.s32 $0xFFFFFF80  }
0x2d: {  	[tilespmem:s14], [sflag:$0x1] =	stream.indirect.gather [hbm4b:s4+s13], $0x80, s3, s13, $0xb8;
	[tilespmem:$0x18100] =	vst v63  }
0x2e: {  	_ =	swait.ge [sflag:s15], $0x4000  }
.Ltmp0:
0x2f: {  	[sflag:s15] =	ssyncset.done $0x0;
	(pc) =	sbr.rel @p0 .LBB2_2-.Ltmp0, $4  }
0x30: {  	[sflag:s15] =	ssyncadd.s32 $0xFFFFC000  }
0x31: {  	[spmem:s2] =	stream.indirect.scatter.add.f32 [tilespmem:s14], [sflag:$0x2], $0x80, s13, s13, $0xb8;
	[tilespmem:$0x18100] =	vst v63  }
0x32: {  	_ =	swait.ge [sflag:s12], $0x4000  }
0x33: {  	s18 =	smov.u32 s21;
	[sflag:s12] =	ssyncset.done $0x0  }
0x34: {  	s18 =	sadd.s32 s17, s10;
	[sflag:s12] =	ssyncadd.s32 $0xFFFFC000  }
0x35: {  	[tilespmem:s3], [sflag:$0x2] =	stream.linear.gather [hbm4b:s18+s3], $0x80, $0x38;
	[tilespmem:$0x18100] =	vst v63  }
0x36: {  	_ =	swait.ge [sflag:s12], $0x80  }
0x37: {  	[sflag:s12] =	ssyncset.done $0x0  }
0x38: {  	s31 =	sadd.s32 s17, s9;
	[sflag:s12] =	ssyncadd.s32 $0xFFFFFF80  }
0x39: {  	[tilespmem:s13], [sflag:$0x2] =	stream.linear.gather [hbm4b:s31+s3], $0x80, $0x38;
	[tilespmem:$0x18100] =	vst v63  }
0x3a: {  	_ =	swait.ge [sflag:s12], $0x80  }
0x3b: {  	[sflag:s12] =	ssyncset.done $0x0  }
0x3c: {  	[sflag:s12] =	ssyncadd.s32 $0xFFFFFF80  }
0x3d: {  	[tilespmem:s14], [sflag:$0x1] =	stream.indirect.gather [hbm4b:s4+s13], $0x80, s3, s13, $0xb8;
	[tilespmem:$0x18100] =	vst v63  }
0x3e: {  	_ =	swait.ge [sflag:s15], $0x4000  }
0x3f: {  	[sflag:s15] =	ssyncset.done $0x0  }
0x40: {  	[sflag:s15] =	ssyncadd.s32 $0xFFFFC000  }
0x41: {  	[spmem:s2] =	stream.indirect.scatter.add.f32 [tilespmem:s14], [sflag:$0x2], $0x80, s13, s13, $0xb8;
	[tilespmem:$0x18100] =	vst v63  }
0x42: {  	_ =	swait.ge [sflag:s12], $0x4000  }
0x43: {  	s16 =	sadd.s32 $0x1, s16;
	[sflag:s12] =	ssyncset.done $0x0  }
0x44: {  	p0 =	sne.s32 s16, s7;
	[sflag:s12] =	ssyncadd.s32 $0xFFFFC000  }
.Ltmp1:
0x45: {  	[bflag:$0x0] =	sbarrier.arrive $0xFFFF;
	(pc) =	sbr.rel @p0 .LBB2_1-.Ltmp1, $4  }
0x46: {  	[hbm:s8], [sflag:s6] =	dma.local [spmem:s11], $0x2800  }
0x47: {  	_ =	swait.ge [sflag:s12], $0x2800  }
0x48: {  	[sflag:s12] =	ssyncset.done $0x0  }
0x49: {  	[sflag:s12] =	ssyncadd.s32 $0xFFFFD800  }
0x4a: {  	_ =	sfence.sel $0x180000  }
0x4b: {  	[bflag:$0x0] =	sbarrier.arrive $0xFFFF  }
0x4c: {  	p0 =	sne.s32 s1, $0x0;
	_ =	strace $0x90000059  }
0x4d: {  	s0 =	sadd.s32 @!p0 $0x100000, s0;
	[bflag:$0x2] =	sbarrier.arrive $0xFFFF  }
0x4e: {  	[sflag:s0] =	ssyncadd.tile.s32 @!p0 $0x1;
	_ =	shalt  }
.Lfunc_end2:
_tile_overlayer_lowered:
.L_overlay_start_2:
0x4f: {  	(tag) =	ssettag $0x2  }
0x50: {  	s0 =	rddreg [dreg:$0x0];
	s2 =	stileid.u32  }
0x51: {  	s1 =	rddreg [dreg:$0x1];
	p0 =	sne.s32 s2, $0x0  }
0x52: {  	s3 =	rddreg [dreg:$0x2];
	[bflag:$0x3] =	sbarrier.arrive $0xFFFF;
	s2 =	simm.s32 @!p0 $0x1C02  }
0x53: {  	[timem:s3], [sflag:s2] =	dma.local @!p0 [hbm:s0], s1  }
0x54: {  	s0 =	simm.s32 @!p0 $0x2  }
0x55: {  	_ =	swait.ge @!p0 [sflag:s0], s1  }
0x56: {  	s1 =	ssub.s32 @!p0 $0x0, s1;
	[sflag:s0] =	ssyncset.done @!p0 $0x0  }
0x57: {  	[sflag:s0] =	ssyncadd.s32 @!p0 s1  }
0x58: {  	[bflag:$0x3] =	sbarrier.arrive $0xFFFF  }
0x59: {  	_ =	shalt  }

// kernel: kernel.27.cloned.1.call-start
scs
__scs_entry_jumppad:
0x0: {  	(pc) =	sbr.rel $0x88, $3  }
0x1: {  	(tag) =	ssettag $0x0;
	lr =	simm.s32 $0x1  }
0x2: {  	[smem:$0x3F8B] =	sst lr;
	_ =	strace $0xD0000000  }
0x3: {  	_ = 	snop  }
0x4: {  	_ = 	snop  }
0x5: {  	_ = 	snop  }
0x6: {  	_ = 	snop  }
0x7: {  	_ = 	snop  }
__scs_overlays_trampoline_lowered:
0x8: {  	[smem:$0x3F9A] =	sst s0  }
0x9: {  	[smem:$0x3F9B] =	sst s1  }
0xa: {  	[smem:$0x3F9C] =	sst s2  }
0xb: {  	[smem:$0x3F9D] =	sst s3  }
0xc: {  	[smem:$0x3F9E] =	sst s4  }
0xd: {  	[smem:$0x3F9F] =	sst s5  }
0xe: {  	[smem:$0x3FA0] =	sst s6  }
0xf: {  	[smem:$0x3FA1] =	sst s7  }
0x10: {  	[smem:$0x3FA2] =	sst s8  }
0x11: {  	[smem:$0x3FA3] =	sst s9;
	s0 =	simm.s32 @!p0 $0x0  }
0x12: {  	s1 =	sld [smem:$0x3F89];
	s0 =	simm.s32 @p0 $0x1  }
0x13: {  	[smem:$0x3FA4] =	sst s0;
	s0 =	simm.s32 @!p1 $0x0  }
0x14: {  	s2 =	sld [smem:$0x3F88];
	s0 =	simm.s32 @p1 $0x1  }
0x15: {  	[smem:$0x3FA5] =	sst s0;
	s0 =	simm.s32 @!p2 $0x0  }
0x16: {  	s3 =	sld [smem:$0x3FDB];
	s0 =	simm.s32 @p2 $0x1  }
0x17: {  	s4 =	simm.s32 $0x1BF5;
	[smem:$0x3FA7] =	sst s0  }
0x18: {  	s0 =	sld [smem:$0x3F8A];
	_ =	swait.ge [sflag:s4], $0x0  }
0x19: {  	s7 =	sld [smem:$0x3F8B]  }
0x1a: {  	s8 =	sadd.s32 $0xFFFFE003, lr  }
0x1b: {  	s9 =	sadd.s32 $0xFFFFFEF7, lr;
	s5 =	simm.s32 $0xFFFFFFFF;
	p2 =	slt.u32 s8, $0xFFFFF086  }
0x1c: {  	p1 =	slt.u32 s9, $0xF7A;
	s5 =	simm.s32 @!p2 $0x0  }
0x1d: {  	s5 =	simm.s32 @p1 $0x1;
	p0 =	seq.s32 s7, s2  }
0x1e: {  	s7 =	smul.u32 @!p0 $0xF7A, s2;
	p2 =	seq.s32 @!p0 s5, $0x0  }
0x1f: {  	s9 =	smul.u32 $0xF7A, s1;
	s8 =	simm.s32 @!p0 $0x1BF5;
	p2 =	por !p2, p0  }
0x20: {  	[sflag:s8] =	ssyncset.s32 @!p0 $0xFFFFF086;
	s6 =	sadd.s32 @!p0 s3, s7;
	s7 =	simm.s32 @!p0 $0x108  }
0x21: {  	s3 =	sadd.s32 s3, s9;
	s6 =	sadd.s32 @!p0 $0x88, s6;
	s7 =	simm.s32 @p2 $0x1082  }
0x22: {  	[simem:s7], [sflag:s8] =	dma.local @!p0 [hbm:s6], $0xF7A  }
0x23: {  	s9 =	sor.u32 $0xD0000000, s2;
	s6 =	simm.s32 $0x108;
	_ =	swait.ge @!p0 [sflag:s8], $0x0  }
0x24: {  	s3 =	sadd.s32 $0x88, s3;
	s6 =	simm.s32 @!p1 $0x1082;
	[sflag:s4] =	ssyncset.s32 $0xFFFFF086  }
0x25: {  	[simem:s6], [sflag:s4] =	dma.local [hbm:s3], $0xF7A  }
0x26: {  	[smem:$0x3F8B] =	sst s1;
	(tag) =	ssettag s2;
	_ =	strace s9  }
0x27: {  	s1 =	sld [smem:$0x3F9B]  }
0x28: {  	s2 =	sld [smem:$0x3F9C]  }
0x29: {  	s4 =	sld [smem:$0x3F9E]  }
0x2a: {  	p0 =	seq.s32 s5, $0x0;
	s5 =	sld [smem:$0x3F9F]  }
0x2b: {  	s6 =	sld [smem:$0x3FA0]  }
0x2c: {  	s7 =	sld [smem:$0x3FA1]  }
0x2d: {  	s3 =	simm.s32 $0x108;
	s8 =	sld [smem:$0x3FA2]  }
0x2e: {  	s3 =	simm.s32 @!p0 $0x1082;
	s9 =	sld [smem:$0x3FA3]  }
0x2f: {  	lr =	sadd.s32 s0, s3;
	s0 =	sld [smem:$0x3F9A]  }
0x30: {  	s3 =	sld [smem:$0x3F9D]  }
0x31: {  	[smem:$0x3FA6] =	sst s10  }
0x32: {  	s10 =	sld [smem:$0x3FA4];
	_ =	sdelay $0x3  }
0x33: {  	p0 =	seq.s32 s10, $0x1;
	s10 =	sld [smem:$0x3FA6];
	_ =	sdelay $0x3  }
0x34: {  	[smem:$0x3FA6] =	sst s10  }
0x35: {  	s10 =	sld [smem:$0x3FA5];
	_ =	sdelay $0x3  }
0x36: {  	p1 =	seq.s32 s10, $0x1;
	s10 =	sld [smem:$0x3FA6];
	_ =	sdelay $0x3  }
0x37: {  	[smem:$0x3FA6] =	sst s10  }
0x38: {  	s10 =	sld [smem:$0x3FA7]  }
0x39: {  	_ = 	snop;
	(pc) =	sbr.ind lr, $3  }
0x3a: {  	_ = 	snop  }
0x3b: {  	_ = 	snop  }
0x3c: {  	p2 =	seq.s32 s10, $0x1;
	s10 =	sld [smem:$0x3FA6]  }
0x3d: {  	_ =	shalt  }
0x3e: {  	_ =	shalt  }
0x3f: {  	_ =	shalt  }
0x40: {  	_ =	shalt  }
0x41: {  	_ =	shalt  }
0x42: {  	_ =	shalt  }
0x43: {  	_ =	shalt  }
0x44: {  	_ =	shalt  }
0x45: {  	_ =	shalt  }
0x46: {  	_ =	shalt  }
0x47: {  	_ =	shalt  }
0x48: {  	_ =	shalt  }
0x49: {  	_ =	shalt  }
0x4a: {  	_ =	shalt  }
0x4b: {  	_ =	shalt  }
0x4c: {  	_ =	shalt  }
0x4d: {  	_ =	shalt  }
0x4e: {  	_ =	shalt  }
0x4f: {  	_ =	shalt  }
0x50: {  	_ =	shalt  }
0x51: {  	_ =	shalt  }
0x52: {  	_ =	shalt  }
0x53: {  	_ =	shalt  }
0x54: {  	_ =	shalt  }
0x55: {  	_ =	shalt  }
0x56: {  	_ =	shalt  }
0x57: {  	_ =	shalt  }
0x58: {  	_ =	shalt  }
0x59: {  	_ =	shalt  }
0x5a: {  	_ =	shalt  }
0x5b: {  	_ =	shalt  }
0x5c: {  	_ =	shalt  }
0x5d: {  	_ =	shalt  }
0x5e: {  	_ =	shalt  }
0x5f: {  	_ =	shalt  }
0x60: {  	_ =	shalt  }
0x61: {  	_ =	shalt  }
0x62: {  	_ =	shalt  }
0x63: {  	_ =	shalt  }
0x64: {  	_ =	shalt  }
0x65: {  	_ =	shalt  }
0x66: {  	_ =	shalt  }
0x67: {  	_ =	shalt  }
0x68: {  	_ =	shalt  }
0x69: {  	_ =	shalt  }
0x6a: {  	_ =	shalt  }
0x6b: {  	_ =	shalt  }
0x6c: {  	_ =	shalt  }
0x6d: {  	_ =	shalt  }
0x6e: {  	_ =	shalt  }
0x6f: {  	_ =	shalt  }
0x70: {  	_ =	shalt  }
0x71: {  	_ =	shalt  }
0x72: {  	_ =	shalt  }
0x73: {  	_ =	shalt  }
0x74: {  	_ =	shalt  }
0x75: {  	_ =	shalt  }
0x76: {  	_ =	shalt  }
0x77: {  	_ =	shalt  }
0x78: {  	_ =	shalt  }
0x79: {  	_ =	shalt  }
0x7a: {  	_ =	shalt  }
0x7b: {  	_ =	shalt  }
0x7c: {  	_ =	shalt  }
0x7d: {  	_ =	shalt  }
0x7e: {  	_ =	shalt  }
0x7f: {  	_ =	shalt  }
0x80: {  	_ =	shalt  }
0x81: {  	_ =	shalt  }
0x82: {  	_ =	shalt  }
0x83: {  	_ =	shalt  }
0x84: {  	_ =	shalt  }
0x85: {  	_ =	shalt  }
0x86: {  	_ =	shalt  }
0x87: {  	_ =	shalt  }
.Lfunc_end0:
.L_simem_size_0:
called_computation.6_lowered:
.L_overlay_start_0:
0x88: {  	s2 =	sld [smem:$0x3FD9]  }
0x89: {  	s3 =	sld [smem:$0x3FFE];
	_ =	sdelay $0x1  }
0x8a: {  	s1 =	srdreg.scid  }
0x8b: {  	s0 =	sand.u32 $0x1, s1  }
0x8c: {  	s17 =	sshll.u32 s0, $0xA;
	s2 =	sadd.s32 s3, s2  }
0x8d: {  	s2 =	sadd.s32 s2, s17  }
0x8e: {  	[smem:$0x3FB2] =	sst s2  }
0x8f: {  	_ = 	snop  }
0x90: {  	(tm) =	ssettm $0x1  }
0x91: {  	s18 =	sld [smem:$0x3FFB];
	_ =	sdelay $0x3  }
0x92: {  	_ =	strace s18  }
0x93: {  	s2 =	sld [smem:$0x3FFC];
	_ =	sdelay $0x3  }
0x94: {  	_ =	strace s2  }
0x95: {  	s2 =	sld [smem:$0x3FFD];
	_ =	sdelay $0x3  }
0x96: {  	_ =	strace s2  }
0x97: {  	_ =	strace $0x8FFFFFFF  }
0x98: {  	s19 =	sld [smem:$0x3FDB];
	_ =	sdelay $0x1  }
0x99: {  	s20 =	simm.s32 $_scs_section_size  }
0x9a: {  	s4 =	simm.s32 $_size__tile_overlayer_lowered;
	s5 =	simm.s32 $_tile_overlayer_lowered  }
0x9b: {  	s6 =	simm.s32 $0x1BFF;
	s21 =	sshll.u32 s5, $0x1;
	s3 =	sadd.s32 s20, s19  }
0x9c: {  	s22 =	simm.s32 $0x0;
	s4 =	sshll.u32 s4, $0x1;
	s5 =	sadd.s32 s21, s3  }
0x9d: {  	[timem:s22], [sflag:s6] =	dma.local [hbm:s5], s4  }
0x9e: {  	_ =	swait.ge [sflag:s6], s4  }
0x9f: {  	s4 =	ssub.s32 $0x0, s4;
	[sflag:s6] =	ssyncset.done $0x0  }
0xa0: {  	[sflag:s6] =	ssyncadd.s32 s4;
	_ =	sdelay $0x1  }
0xa1: {  	s23 =	simm.s32 $0x1B8B  }
0xa2: {  	_ =	swait.ge [sflag:s23], $0x1  }
0xa3: {  	[sflag:s23] =	ssyncset.done $0x0  }
0xa4: {  	[sflag:s23] =	ssyncadd.s32 $0xFFFFFFFF  }
0xa5: {  	s4 =	sld [smem:$0x0]  }
0xa6: {  	s5 =	sand.u32 $0xFFFFFFFE, s1  }
0xa7: {  	p0 =	sne.s32 s1, s5  }
0xa8: {  	s5 =	sshll.u32 @p0 s5, $0xE  }
0xa9: {  	s5 =	sadd.s32 @p0 $0x11B8D, s5;
	s6 =	sshll.u32 @p0 s4, $0x11  }
0xaa: {  	s5 =	sor.u32 @p0 s6, s5  }
0xab: {  	[sflag:s5] =	ssyncadd.remote.s32 @p0 $0x1;
	_ =	sdelay $0x1  }
0xac: {  	s5 =	simm.s32 @p0 $0x1B8D  }
0xad: {  	_ =	swait.eq @p0 [sflag:s5], $0x1  }
0xae: {  	[sflag:s5] =	ssyncadd.s32 @p0 $0xFFFFFFFF  }
0xaf: {  	s6 =	sshll.u32 @!p0 s1, $0xE  }
0xb0: {  	s6 =	sor.u32 @!p0 $0x4000, s6;
	s5 =	simm.s32 @!p0 $0x1B8D  }
0xb1: {  	s4 =	sshll.u32 @!p0 s4, $0x11;
	s6 =	sadd.s32 @!p0 $0x11B8D, s6;
	_ =	swait.eq @!p0 [sflag:s5], $0x1  }
0xb2: {  	s4 =	sor.u32 @!p0 s4, s6;
	[sflag:s5] =	ssyncadd.s32 @!p0 $0xFFFFFFFF  }
0xb3: {  	s25 =	simm.s32 $0x1B8E;
	s24 =	sld [smem:$0x3FFE];
	[sflag:s4] =	ssyncadd.remote.s32 @!p0 $0x1  }
0xb4: {  	s26 =	simm.s32 $execute0_lowered;
	[smem:$0x3FD2] =	sst s25  }
0xb5: {  	s5 =	sshll.u32 s26, $0x1;
	_ =	strace $0x8000005E;
	[dreg:$0x1] =	wrdreg $0xFFFFFFFF  }
0xb6: {  	s28 =	simm.s32 $_size_execute0_lowered;
	s3 =	sadd.s32 s3, s5;
	[dreg:$0x0] =	wrdreg $0x0  }
0xb7: {  	s5 =	sshll.u32 s28, $0x1;
	[dreg:$0x2] =	wrdreg s3  }
0xb8: {  	[dreg:$0x3] =	wrdreg s5  }
0xb9: {  	[dreg:$0x4] =	wrdreg $0xC0  }
0xba: {  	_ =	task [dreg:s22], $0x5FFFF  }
0xbb: {  	[dreg:$0x1] =	wrdreg $0xFFFFFFFF  }
0xbc: {  	[dreg:$0x0] =	wrdreg $0x60  }
0xbd: {  	[dreg:$0x2] =	wrdreg s24  }
0xbe: {  	[dreg:$0x3] =	wrdreg $0x41000  }
0xbf: {  	[dreg:$0x4] =	wrdreg $0x9  }
0xc0: {  	_ =	task.clear_ibuf [dreg:s22], $0x5FFFF;
	_ =	strace $0x9000005E  }
0xc1: {  	s29 =	simm.s32 $0x9;
	_ =	strace $0x80000060  }
0xc2: {  	_ =	swait.ge [sflag:s29], $0x1  }
0xc3: {  	[sflag:s29] =	ssyncadd.s32 $0xFFFFFFFF  }
0xc4: {  	_ =	strace $0x90000060  }
0xc5: {  	_ =	sfence  }
0xc6: {  	s30 =	sld [smem:$0x0];
	_ =	sdelay $0x2  }
0xc7: {  	s31 =	sshll.u32 s1, $0xD;
	s1 =	sshrl.u32 s1, $0x2  }
0xc8: {  	s4 =	sand.u32 $0x4000, s31;
	s1 =	sadd.s32 s1, s30  }
0xc9: {  	s0 =	sor.u32 s4, s0;
	s1 =	sshll.u32 s1, $0x11  }
0xca: {  	s0 =	sor.u32 s1, s0  }
0xcb: {  	s0 =	sadd.s32 $0x8F2B, s0  }
0xcc: {  	[sflag:s0] =	ssyncadd.remote.s32 $0x1  }
0xcd: {  	_ =	sfence.sel $0xFFFF  }
0xce: {  	[dreg:$0x0] =	wrdreg $0xFFFFFFFF;
	(pc) =	sbr.abs _section_cstart, $3  }
0xcf: {  	[dreg:$0x1] =	wrdreg $0xFFFFFFFF  }
0xd0: {  	_ =	task.clear_ibuf [dreg:s22], $0x2FFFF;
	_ =	strace $0x9FFFFFFF  }
0xd1: {  	(tm) =	ssettm $0x7FFFFFFF  }
tec
execute0_lowered:
.L_overlay_start_1:
0x0: {  	(tag) =	ssettag $0x1  }
0x1: {  	s5 =	rddreg [dreg:$0x0];
	s0 =	srdreg.scid  }
0x2: {  	s2 =	rddreg [dreg:$0x1];
	s1 =	stileid.u32  }
0x3: {  	s3 =	simm.s32 $0x0;
	s13 =	simm.s32 $0x80;
	s14 =	simm.s32 $0x100  }
0x4: {  	s15 =	simm.s32 $0x1;
	s16 =	simm.s32 $0x0;
	s7 =	smul.u32 $0x14000, s1  }
0x5: {  	s4 =	sand.u32 $0x1, s0;
	s0 =	rddreg [dreg:$0x2];
	s10 =	smul.u32 $0x50000, s1  }
0x6: {  	[smem:$0x7FF] =	sst s3;
	s30 =	smul.u32 $0x510, s1;
	s31 =	sshll.u32 s1, $0x6  }
0x7: {  	s6 =	smul.u32 $0x5100, s4;
	_ =	strace $0x8000005F;
	s26 =	ssub.s32 $0x2, s4  }
0x8: {  	p0 =	seq.s32 s4, $0x1;
	s4 =	sadd.s32 $0x19800, s5;
	s28 =	sshrl.u32 s26, $0x1  }
0x9: {  	s29 =	sshrl.u32 s10, $0x2;
	s8 =	sadd.s32 s6, s5;
	s6 =	sshrl.u32 s7, $0x3  }
0xa: {  	s12 =	sadd.s32 s29, s2;
	s7 =	sadd.s32 s6, s5;
	s9 =	sadd.s32 $0x28000, s6  }
0xb: {  	s10 =	sadd.s32 s30, s8;
	s6 =	smov.u32 @p0 s9;
	s9 =	ssub.s32 s26, s28  }
0xc: {  	s11 =	sadd.s32 s6, s5;
	s5 =	sadd.s32 $0x42000, s7;
	s6 =	sor.u32 $0x1C02, s31  }
0xd: {  	s7 =	smax.u32 s9, $0x1;
	s9 =	sadd.s32 $0x12EC00, s10;
	s10 =	sadd.s32 $0xF600, s10  }
0xe: {  	s8 =	sadd.s32 $0x6A000, s11;
	s11 =	sshrl.u32 s12, $0x3;
	s12 =	simm.s32 $0x2  }
.LBB2_1:
0xf: {  	[spmem:s11], [sflag:s6] =	dma.local [hbm:s5], $0x2800  }
0x10: {  	_ =	swait.ge [sflag:s12], $0x2800  }
0x11: {  	[sflag:s12] =	ssyncset.done $0x0  }
0x12: {  	[sflag:s12] =	ssyncadd.s32 $0xFFFFD800  }
0x13: {  	s17 =	sadd.s32 $0x0, s10;
	[bflag:$0x0] =	sbarrier.arrive $0xFFFF  }
0x14: {  	[tilespmem:s3], [sflag:$0x2] =	stream.linear.gather [hbm4b:s17+s3], $0x80, $0x38;
	[tilespmem:$0x18100] =	vst v63  }
0x15: {  	_ =	swait.ge [sflag:s12], $0x80  }
0x16: {  	[sflag:s12] =	ssyncset.done $0x0  }
0x17: {  	s31 =	sadd.s32 $0x0, s9;
	[sflag:s12] =	ssyncadd.s32 $0xFFFFFF80  }
0x18: {  	[tilespmem:s13], [sflag:$0x2] =	stream.linear.gather [hbm4b:s31+s3], $0x80, $0x38;
	[tilespmem:$0x18100] =	vst v63  }
0x19: {  	_ =	swait.ge [sflag:s12], $0x80  }
0x1a: {  	[sflag:s12] =	ssyncset.done $0x0  }
0x1b: {  	[sflag:s12] =	ssyncadd.s32 $0xFFFFFF80  }
0x1c: {  	[tilespmem:s14], [sflag:$0x1] =	stream.indirect.gather [hbm4b:s4+s13], $0x80, s3, s13, $0xb8;
	[tilespmem:$0x18100] =	vst v63  }
0x1d: {  	_ =	swait.ge [sflag:s15], $0x4000  }
0x1e: {  	[sflag:s15] =	ssyncset.done $0x0  }
0x1f: {  	[sflag:s15] =	ssyncadd.s32 $0xFFFFC000  }
0x20: {  	[spmem:s2] =	stream.indirect.scatter.add.f32 [tilespmem:s14], [sflag:$0x2], $0x80, s13, s13, $0xb8;
	[tilespmem:$0x18100] =	vst v63  }
0x21: {  	_ =	swait.ge [sflag:s12], $0x4000  }
0x22: {  	s18 =	simm.s32 $0x20;
	s17 =	simm.s32 $0x10;
	[sflag:s12] =	ssyncset.done $0x0  }
.LBB2_2:
0x23: {  	s19 =	sadd.s32 s17, s10  }
0x24: {  	[sflag:s12] =	ssyncadd.s32 $0xFFFFC000;
	s20 =	smov.u32 s18;
	s21 =	sadd.s32 $0x10, s18  }
0x25: {  	[tilespmem:s3], [sflag:$0x2] =	stream.linear.gather [hbm4b:s19+s3], $0x80, $0x38;
	[tilespmem:$0x18100] =	vst v63  }
0x26: {  	p0 =	sne.s32 s18, $0x500;
	_ =	swait.ge [sflag:s12], $0x80  }
0x27: {  	[sflag:s12] =	ssyncset.done $0x0  }
0x28: {  	s18 =	sadd.s32 s17, s9;
	s17 =	smov.u32 s20;
	[sflag:s12] =	ssyncadd.s32 $0xFFFFFF80  }
0x29: {  	[tilespmem:s13], [sflag:$0x2] =	stream.linear.gather [hbm4b:s18+s3], $0x80, $0x38;
	[tilespmem:$0x18100] =	vst v63  }
0x2a: {  	_ =	swait.ge [sflag:s12], $0x80  }
0x2b: {  	[sflag:s12] =	ssyncset.done $0x0  }
0x2c: {  	[sflag:s12] =	ssyncadd.s32 $0xFFFFFF80  }
0x2d: {  	[tilespmem:s14], [sflag:$0x1] =	stream.indirect.gather [hbm4b:s4+s13], $0x80, s3, s13, $0xb8;
	[tilespmem:$0x18100] =	vst v63  }
0x2e: {  	_ =	swait.ge [sflag:s15], $0x4000  }
.Ltmp0:
0x2f: {  	[sflag:s15] =	ssyncset.done $0x0;
	(pc) =	sbr.rel @p0 .LBB2_2-.Ltmp0, $4  }
0x30: {  	[sflag:s15] =	ssyncadd.s32 $0xFFFFC000  }
0x31: {  	[spmem:s2] =	stream.indirect.scatter.add.f32 [tilespmem:s14], [sflag:$0x2], $0x80, s13, s13, $0xb8;
	[tilespmem:$0x18100] =	vst v63  }
0x32: {  	_ =	swait.ge [sflag:s12], $0x4000  }
0x33: {  	s18 =	smov.u32 s21;
	[sflag:s12] =	ssyncset.done $0x0  }
0x34: {  	s18 =	sadd.s32 s17, s10;
	[sflag:s12] =	ssyncadd.s32 $0xFFFFC000  }
0x35: {  	[tilespmem:s3], [sflag:$0x2] =	stream.linear.gather [hbm4b:s18+s3], $0x80, $0x38;
	[tilespmem:$0x18100] =	vst v63  }
0x36: {  	_ =	swait.ge [sflag:s12], $0x80  }
0x37: {  	[sflag:s12] =	ssyncset.done $0x0  }
0x38: {  	s31 =	sadd.s32 s17, s9;
	[sflag:s12] =	ssyncadd.s32 $0xFFFFFF80  }
0x39: {  	[tilespmem:s13], [sflag:$0x2] =	stream.linear.gather [hbm4b:s31+s3], $0x80, $0x38;
	[tilespmem:$0x18100] =	vst v63  }
0x3a: {  	_ =	swait.ge [sflag:s12], $0x80  }
0x3b: {  	[sflag:s12] =	ssyncset.done $0x0  }
0x3c: {  	[sflag:s12] =	ssyncadd.s32 $0xFFFFFF80  }
0x3d: {  	[tilespmem:s14], [sflag:$0x1] =	stream.indirect.gather [hbm4b:s4+s13], $0x80, s3, s13, $0xb8;
	[tilespmem:$0x18100] =	vst v63  }
0x3e: {  	_ =	swait.ge [sflag:s15], $0x4000  }
0x3f: {  	[sflag:s15] =	ssyncset.done $0x0  }
0x40: {  	[sflag:s15] =	ssyncadd.s32 $0xFFFFC000  }
0x41: {  	[spmem:s2] =	stream.indirect.scatter.add.f32 [tilespmem:s14], [sflag:$0x2], $0x80, s13, s13, $0xb8;
	[tilespmem:$0x18100] =	vst v63  }
0x42: {  	_ =	swait.ge [sflag:s12], $0x4000  }
0x43: {  	s16 =	sadd.s32 $0x1, s16;
	[sflag:s12] =	ssyncset.done $0x0  }
0x44: {  	p0 =	sne.s32 s16, s7;
	[sflag:s12] =	ssyncadd.s32 $0xFFFFC000  }
.Ltmp1:
0x45: {  	[bflag:$0x0] =	sbarrier.arrive $0xFFFF;
	(pc) =	sbr.rel @p0 .LBB2_1-.Ltmp1, $4  }
0x46: {  	[hbm:s8], [sflag:s6] =	dma.local [spmem:s11], $0x2800  }
0x47: {  	_ =	swait.ge [sflag:s12], $0x2800  }
0x48: {  	[sflag:s12] =	ssyncset.done $0x0  }
0x49: {  	[sflag:s12] =	ssyncadd.s32 $0xFFFFD800  }
0x4a: {  	_ =	sfence.sel $0x180000  }
0x4b: {  	[bflag:$0x0] =	sbarrier.arrive $0xFFFF  }
0x4c: {  	p0 =	sne.s32 s1, $0x0;
	_ =	strace $0x9000005F  }
0x4d: {  	s0 =	sadd.s32 @!p0 $0x100000, s0;
	[bflag:$0x2] =	sbarrier.arrive $0xFFFF  }
0x4e: {  	[sflag:s0] =	ssyncadd.tile.s32 @!p0 $0x1;
	_ =	shalt  }
.Lfunc_end2:
_tile_overlayer_lowered:
.L_overlay_start_2:
0x4f: {  	(tag) =	ssettag $0x2  }
0x50: {  	s0 =	rddreg [dreg:$0x0];
	s2 =	stileid.u32  }
0x51: {  	s1 =	rddreg [dreg:$0x1];
	p0 =	sne.s32 s2, $0x0  }
0x52: {  	s3 =	rddreg [dreg:$0x2];
	[bflag:$0x3] =	sbarrier.arrive $0xFFFF;
	s2 =	simm.s32 @!p0 $0x1C02  }
0x53: {  	[timem:s3], [sflag:s2] =	dma.local @!p0 [hbm:s0], s1  }
0x54: {  	s0 =	simm.s32 @!p0 $0x2  }
0x55: {  	_ =	swait.ge @!p0 [sflag:s0], s1  }
0x56: {  	s1 =	ssub.s32 @!p0 $0x0, s1;
	[sflag:s0] =	ssyncset.done @!p0 $0x0  }
0x57: {  	[sflag:s0] =	ssyncadd.s32 @!p0 s1  }
0x58: {  	[bflag:$0x3] =	sbarrier.arrive $0xFFFF  }
0x59: {  	_ =	shalt  }

// kernel: kernel.30.cloned.1.call-start
scs
__scs_entry_jumppad:
0x0: {  	(pc) =	sbr.rel $0x88, $3  }
0x1: {  	(tag) =	ssettag $0x0;
	lr =	simm.s32 $0x1  }
0x2: {  	[smem:$0x3F8B] =	sst lr;
	_ =	strace $0xD0000000  }
0x3: {  	_ = 	snop  }
0x4: {  	_ = 	snop  }
0x5: {  	_ = 	snop  }
0x6: {  	_ = 	snop  }
0x7: {  	_ = 	snop  }
__scs_overlays_trampoline_lowered:
0x8: {  	[smem:$0x3F9A] =	sst s0  }
0x9: {  	[smem:$0x3F9B] =	sst s1  }
0xa: {  	[smem:$0x3F9C] =	sst s2  }
0xb: {  	[smem:$0x3F9D] =	sst s3  }
0xc: {  	[smem:$0x3F9E] =	sst s4  }
0xd: {  	[smem:$0x3F9F] =	sst s5  }
0xe: {  	[smem:$0x3FA0] =	sst s6  }
0xf: {  	[smem:$0x3FA1] =	sst s7  }
0x10: {  	[smem:$0x3FA2] =	sst s8  }
0x11: {  	[smem:$0x3FA3] =	sst s9;
	s0 =	simm.s32 @!p0 $0x0  }
0x12: {  	s1 =	sld [smem:$0x3F89];
	s0 =	simm.s32 @p0 $0x1  }
0x13: {  	[smem:$0x3FA4] =	sst s0;
	s0 =	simm.s32 @!p1 $0x0  }
0x14: {  	s2 =	sld [smem:$0x3F88];
	s0 =	simm.s32 @p1 $0x1  }
0x15: {  	[smem:$0x3FA5] =	sst s0;
	s0 =	simm.s32 @!p2 $0x0  }
0x16: {  	s3 =	sld [smem:$0x3FDB];
	s0 =	simm.s32 @p2 $0x1  }
0x17: {  	s4 =	simm.s32 $0x1BF5;
	[smem:$0x3FA7] =	sst s0  }
0x18: {  	s0 =	sld [smem:$0x3F8A];
	_ =	swait.ge [sflag:s4], $0x0  }
0x19: {  	s7 =	sld [smem:$0x3F8B]  }
0x1a: {  	s8 =	sadd.s32 $0xFFFFE003, lr  }
0x1b: {  	s9 =	sadd.s32 $0xFFFFFEF7, lr;
	s5 =	simm.s32 $0xFFFFFFFF;
	p2 =	slt.u32 s8, $0xFFFFF086  }
0x1c: {  	p1 =	slt.u32 s9, $0xF7A;
	s5 =	simm.s32 @!p2 $0x0  }
0x1d: {  	s5 =	simm.s32 @p1 $0x1;
	p0 =	seq.s32 s7, s2  }
0x1e: {  	s7 =	smul.u32 @!p0 $0xF7A, s2;
	p2 =	seq.s32 @!p0 s5, $0x0  }
0x1f: {  	s9 =	smul.u32 $0xF7A, s1;
	s8 =	simm.s32 @!p0 $0x1BF5;
	p2 =	por !p2, p0  }
0x20: {  	[sflag:s8] =	ssyncset.s32 @!p0 $0xFFFFF086;
	s6 =	sadd.s32 @!p0 s3, s7;
	s7 =	simm.s32 @!p0 $0x108  }
0x21: {  	s3 =	sadd.s32 s3, s9;
	s6 =	sadd.s32 @!p0 $0x88, s6;
	s7 =	simm.s32 @p2 $0x1082  }
0x22: {  	[simem:s7], [sflag:s8] =	dma.local @!p0 [hbm:s6], $0xF7A  }
0x23: {  	s9 =	sor.u32 $0xD0000000, s2;
	s6 =	simm.s32 $0x108;
	_ =	swait.ge @!p0 [sflag:s8], $0x0  }
0x24: {  	s3 =	sadd.s32 $0x88, s3;
	s6 =	simm.s32 @!p1 $0x1082;
	[sflag:s4] =	ssyncset.s32 $0xFFFFF086  }
0x25: {  	[simem:s6], [sflag:s4] =	dma.local [hbm:s3], $0xF7A  }
0x26: {  	[smem:$0x3F8B] =	sst s1;
	(tag) =	ssettag s2;
	_ =	strace s9  }
0x27: {  	s1 =	sld [smem:$0x3F9B]  }
0x28: {  	s2 =	sld [smem:$0x3F9C]  }
0x29: {  	s4 =	sld [smem:$0x3F9E]  }
0x2a: {  	p0 =	seq.s32 s5, $0x0;
	s5 =	sld [smem:$0x3F9F]  }
0x2b: {  	s6 =	sld [smem:$0x3FA0]  }
0x2c: {  	s7 =	sld [smem:$0x3FA1]  }
0x2d: {  	s3 =	simm.s32 $0x108;
	s8 =	sld [smem:$0x3FA2]  }
0x2e: {  	s3 =	simm.s32 @!p0 $0x1082;
	s9 =	sld [smem:$0x3FA3]  }
0x2f: {  	lr =	sadd.s32 s0, s3;
	s0 =	sld [smem:$0x3F9A]  }
0x30: {  	s3 =	sld [smem:$0x3F9D]  }
0x31: {  	[smem:$0x3FA6] =	sst s10  }
0x32: {  	s10 =	sld [smem:$0x3FA4];
	_ =	sdelay $0x3  }
0x33: {  	p0 =	seq.s32 s10, $0x1;
	s10 =	sld [smem:$0x3FA6];
	_ =	sdelay $0x3  }
0x34: {  	[smem:$0x3FA6] =	sst s10  }
0x35: {  	s10 =	sld [smem:$0x3FA5];
	_ =	sdelay $0x3  }
0x36: {  	p1 =	seq.s32 s10, $0x1;
	s10 =	sld [smem:$0x3FA6];
	_ =	sdelay $0x3  }
0x37: {  	[smem:$0x3FA6] =	sst s10  }
0x38: {  	s10 =	sld [smem:$0x3FA7]  }
0x39: {  	_ = 	snop;
	(pc) =	sbr.ind lr, $3  }
0x3a: {  	_ = 	snop  }
0x3b: {  	_ = 	snop  }
0x3c: {  	p2 =	seq.s32 s10, $0x1;
	s10 =	sld [smem:$0x3FA6]  }
0x3d: {  	_ =	shalt  }
0x3e: {  	_ =	shalt  }
0x3f: {  	_ =	shalt  }
0x40: {  	_ =	shalt  }
0x41: {  	_ =	shalt  }
0x42: {  	_ =	shalt  }
0x43: {  	_ =	shalt  }
0x44: {  	_ =	shalt  }
0x45: {  	_ =	shalt  }
0x46: {  	_ =	shalt  }
0x47: {  	_ =	shalt  }
0x48: {  	_ =	shalt  }
0x49: {  	_ =	shalt  }
0x4a: {  	_ =	shalt  }
0x4b: {  	_ =	shalt  }
0x4c: {  	_ =	shalt  }
0x4d: {  	_ =	shalt  }
0x4e: {  	_ =	shalt  }
0x4f: {  	_ =	shalt  }
0x50: {  	_ =	shalt  }
0x51: {  	_ =	shalt  }
0x52: {  	_ =	shalt  }
0x53: {  	_ =	shalt  }
0x54: {  	_ =	shalt  }
0x55: {  	_ =	shalt  }
0x56: {  	_ =	shalt  }
0x57: {  	_ =	shalt  }
0x58: {  	_ =	shalt  }
0x59: {  	_ =	shalt  }
0x5a: {  	_ =	shalt  }
0x5b: {  	_ =	shalt  }
0x5c: {  	_ =	shalt  }
0x5d: {  	_ =	shalt  }
0x5e: {  	_ =	shalt  }
0x5f: {  	_ =	shalt  }
0x60: {  	_ =	shalt  }
0x61: {  	_ =	shalt  }
0x62: {  	_ =	shalt  }
0x63: {  	_ =	shalt  }
0x64: {  	_ =	shalt  }
0x65: {  	_ =	shalt  }
0x66: {  	_ =	shalt  }
0x67: {  	_ =	shalt  }
0x68: {  	_ =	shalt  }
0x69: {  	_ =	shalt  }
0x6a: {  	_ =	shalt  }
0x6b: {  	_ =	shalt  }
0x6c: {  	_ =	shalt  }
0x6d: {  	_ =	shalt  }
0x6e: {  	_ =	shalt  }
0x6f: {  	_ =	shalt  }
0x70: {  	_ =	shalt  }
0x71: {  	_ =	shalt  }
0x72: {  	_ =	shalt  }
0x73: {  	_ =	shalt  }
0x74: {  	_ =	shalt  }
0x75: {  	_ =	shalt  }
0x76: {  	_ =	shalt  }
0x77: {  	_ =	shalt  }
0x78: {  	_ =	shalt  }
0x79: {  	_ =	shalt  }
0x7a: {  	_ =	shalt  }
0x7b: {  	_ =	shalt  }
0x7c: {  	_ =	shalt  }
0x7d: {  	_ =	shalt  }
0x7e: {  	_ =	shalt  }
0x7f: {  	_ =	shalt  }
0x80: {  	_ =	shalt  }
0x81: {  	_ =	shalt  }
0x82: {  	_ =	shalt  }
0x83: {  	_ =	shalt  }
0x84: {  	_ =	shalt  }
0x85: {  	_ =	shalt  }
0x86: {  	_ =	shalt  }
0x87: {  	_ =	shalt  }
.Lfunc_end0:
.L_simem_size_0:
called_computation.7_lowered:
.L_overlay_start_0:
0x88: {  	s2 =	sld [smem:$0x3FD9]  }
0x89: {  	s3 =	sld [smem:$0x3FFE];
	_ =	sdelay $0x1  }
0x8a: {  	s1 =	srdreg.scid  }
0x8b: {  	s0 =	sand.u32 $0x1, s1  }
0x8c: {  	s17 =	sshll.u32 s0, $0xA;
	s2 =	sadd.s32 s3, s2  }
0x8d: {  	s2 =	sadd.s32 s2, s17  }
0x8e: {  	[smem:$0x3FB2] =	sst s2  }
0x8f: {  	_ = 	snop  }
0x90: {  	(tm) =	ssettm $0x1  }
0x91: {  	s18 =	sld [smem:$0x3FFB];
	_ =	sdelay $0x3  }
0x92: {  	_ =	strace s18  }
0x93: {  	s2 =	sld [smem:$0x3FFC];
	_ =	sdelay $0x3  }
0x94: {  	_ =	strace s2  }
0x95: {  	s2 =	sld [smem:$0x3FFD];
	_ =	sdelay $0x3  }
0x96: {  	_ =	strace s2  }
0x97: {  	_ =	strace $0x8FFFFFFF  }
0x98: {  	s19 =	sld [smem:$0x3FDB];
	_ =	sdelay $0x1  }
0x99: {  	s20 =	simm.s32 $_scs_section_size  }
0x9a: {  	s4 =	simm.s32 $_size__tile_overlayer_lowered;
	s5 =	simm.s32 $_tile_overlayer_lowered  }
0x9b: {  	s6 =	simm.s32 $0x1BFF;
	s21 =	sshll.u32 s5, $0x1;
	s3 =	sadd.s32 s20, s19  }
0x9c: {  	s22 =	simm.s32 $0x0;
	s4 =	sshll.u32 s4, $0x1;
	s5 =	sadd.s32 s21, s3  }
0x9d: {  	[timem:s22], [sflag:s6] =	dma.local [hbm:s5], s4  }
0x9e: {  	_ =	swait.ge [sflag:s6], s4  }
0x9f: {  	s4 =	ssub.s32 $0x0, s4;
	[sflag:s6] =	ssyncset.done $0x0  }
0xa0: {  	[sflag:s6] =	ssyncadd.s32 s4;
	_ =	sdelay $0x1  }
0xa1: {  	s23 =	simm.s32 $0x1B8B  }
0xa2: {  	_ =	swait.ge [sflag:s23], $0x1  }
0xa3: {  	[sflag:s23] =	ssyncset.done $0x0  }
0xa4: {  	[sflag:s23] =	ssyncadd.s32 $0xFFFFFFFF  }
0xa5: {  	s4 =	sld [smem:$0x0]  }
0xa6: {  	s5 =	sand.u32 $0xFFFFFFFE, s1  }
0xa7: {  	p0 =	sne.s32 s1, s5  }
0xa8: {  	s5 =	sshll.u32 @p0 s5, $0xE  }
0xa9: {  	s5 =	sadd.s32 @p0 $0x11B8D, s5;
	s6 =	sshll.u32 @p0 s4, $0x11  }
0xaa: {  	s5 =	sor.u32 @p0 s6, s5  }
0xab: {  	[sflag:s5] =	ssyncadd.remote.s32 @p0 $0x1;
	_ =	sdelay $0x1  }
0xac: {  	s5 =	simm.s32 @p0 $0x1B8D  }
0xad: {  	_ =	swait.eq @p0 [sflag:s5], $0x1  }
0xae: {  	[sflag:s5] =	ssyncadd.s32 @p0 $0xFFFFFFFF  }
0xaf: {  	s6 =	sshll.u32 @!p0 s1, $0xE  }
0xb0: {  	s6 =	sor.u32 @!p0 $0x4000, s6;
	s5 =	simm.s32 @!p0 $0x1B8D  }
0xb1: {  	s4 =	sshll.u32 @!p0 s4, $0x11;
	s6 =	sadd.s32 @!p0 $0x11B8D, s6;
	_ =	swait.eq @!p0 [sflag:s5], $0x1  }
0xb2: {  	s4 =	sor.u32 @!p0 s4, s6;
	[sflag:s5] =	ssyncadd.s32 @!p0 $0xFFFFFFFF  }
0xb3: {  	s25 =	simm.s32 $0x1B8E;
	s24 =	sld [smem:$0x3FFE];
	[sflag:s4] =	ssyncadd.remote.s32 @!p0 $0x1  }
0xb4: {  	s26 =	simm.s32 $execute0_lowered;
	[smem:$0x3FD2] =	sst s25  }
0xb5: {  	s5 =	sshll.u32 s26, $0x1;
	_ =	strace $0x80000064;
	[dreg:$0x1] =	wrdreg $0xFFFFFFFF  }
0xb6: {  	s28 =	simm.s32 $_size_execute0_lowered;
	s3 =	sadd.s32 s3, s5;
	[dreg:$0x0] =	wrdreg $0x0  }
0xb7: {  	s5 =	sshll.u32 s28, $0x1;
	[dreg:$0x2] =	wrdreg s3  }
0xb8: {  	[dreg:$0x3] =	wrdreg s5  }
0xb9: {  	[dreg:$0x4] =	wrdreg $0xC0  }
0xba: {  	_ =	task [dreg:s22], $0x5FFFF  }
0xbb: {  	[dreg:$0x1] =	wrdreg $0xFFFFFFFF  }
0xbc: {  	[dreg:$0x0] =	wrdreg $0x60  }
0xbd: {  	[dreg:$0x2] =	wrdreg s24  }
0xbe: {  	[dreg:$0x3] =	wrdreg $0x41000  }
0xbf: {  	[dreg:$0x4] =	wrdreg $0x9  }
0xc0: {  	_ =	task.clear_ibuf [dreg:s22], $0x5FFFF;
	_ =	strace $0x90000064  }
0xc1: {  	s29 =	simm.s32 $0x9;
	_ =	strace $0x80000066  }
0xc2: {  	_ =	swait.ge [sflag:s29], $0x1  }
0xc3: {  	[sflag:s29] =	ssyncadd.s32 $0xFFFFFFFF  }
0xc4: {  	_ =	strace $0x90000066  }
0xc5: {  	_ =	sfence  }
0xc6: {  	s30 =	sld [smem:$0x0];
	_ =	sdelay $0x2  }
0xc7: {  	s31 =	sshll.u32 s1, $0xD;
	s1 =	sshrl.u32 s1, $0x2  }
0xc8: {  	s4 =	sand.u32 $0x4000, s31;
	s1 =	sadd.s32 s1, s30  }
0xc9: {  	s0 =	sor.u32 s4, s0;
	s1 =	sshll.u32 s1, $0x11  }
0xca: {  	s0 =	sor.u32 s1, s0  }
0xcb: {  	s0 =	sadd.s32 $0x8F2B, s0  }
0xcc: {  	[sflag:s0] =	ssyncadd.remote.s32 $0x1  }
0xcd: {  	_ =	sfence.sel $0xFFFF  }
0xce: {  	[dreg:$0x0] =	wrdreg $0xFFFFFFFF;
	(pc) =	sbr.abs _section_cstart, $3  }
0xcf: {  	[dreg:$0x1] =	wrdreg $0xFFFFFFFF  }
0xd0: {  	_ =	task.clear_ibuf [dreg:s22], $0x2FFFF;
	_ =	strace $0x9FFFFFFF  }
0xd1: {  	(tm) =	ssettm $0x7FFFFFFF  }
tec
execute0_lowered:
.L_overlay_start_1:
0x0: {  	(tag) =	ssettag $0x1  }
0x1: {  	s5 =	rddreg [dreg:$0x0];
	s0 =	srdreg.scid  }
0x2: {  	s2 =	rddreg [dreg:$0x1];
	s1 =	stileid.u32  }
0x3: {  	s3 =	simm.s32 $0x0;
	s13 =	simm.s32 $0x80;
	s14 =	simm.s32 $0x100  }
0x4: {  	s15 =	simm.s32 $0x1;
	s16 =	simm.s32 $0x0;
	s7 =	smul.u32 $0x14000, s1  }
0x5: {  	s4 =	sand.u32 $0x1, s0;
	s0 =	rddreg [dreg:$0x2];
	s10 =	smul.u32 $0x50000, s1  }
0x6: {  	[smem:$0x7FF] =	sst s3;
	s30 =	smul.u32 $0x510, s1;
	s31 =	sshll.u32 s1, $0x6  }
0x7: {  	s6 =	smul.u32 $0x5100, s4;
	_ =	strace $0x80000065;
	s26 =	ssub.s32 $0x2, s4  }
0x8: {  	p0 =	seq.s32 s4, $0x1;
	s4 =	sadd.s32 $0x19800, s5;
	s28 =	sshrl.u32 s26, $0x1  }
0x9: {  	s29 =	sshrl.u32 s10, $0x2;
	s8 =	sadd.s32 s6, s5;
	s6 =	sshrl.u32 s7, $0x3  }
0xa: {  	s12 =	sadd.s32 s29, s2;
	s7 =	sadd.s32 s6, s5;
	s9 =	sadd.s32 $0x28000, s6  }
0xb: {  	s10 =	sadd.s32 s30, s8;
	s6 =	smov.u32 @p0 s9;
	s9 =	ssub.s32 s26, s28  }
0xc: {  	s11 =	sadd.s32 s6, s5;
	s5 =	sadd.s32 $0x42000, s7;
	s6 =	sor.u32 $0x1C02, s31  }
0xd: {  	s7 =	smax.u32 s9, $0x1;
	s9 =	sadd.s32 $0x12EC00, s10;
	s10 =	sadd.s32 $0xF600, s10  }
0xe: {  	s8 =	sadd.s32 $0x6A000, s11;
	s11 =	sshrl.u32 s12, $0x3;
	s12 =	simm.s32 $0x2  }
.LBB2_1:
0xf: {  	[spmem:s11], [sflag:s6] =	dma.local [hbm:s5], $0x2800  }
0x10: {  	_ =	swait.ge [sflag:s12], $0x2800  }
0x11: {  	[sflag:s12] =	ssyncset.done $0x0  }
0x12: {  	[sflag:s12] =	ssyncadd.s32 $0xFFFFD800  }
0x13: {  	s17 =	sadd.s32 $0x0, s10;
	[bflag:$0x0] =	sbarrier.arrive $0xFFFF  }
0x14: {  	[tilespmem:s3], [sflag:$0x2] =	stream.linear.gather [hbm4b:s17+s3], $0x80, $0x38;
	[tilespmem:$0x18100] =	vst v63  }
0x15: {  	_ =	swait.ge [sflag:s12], $0x80  }
0x16: {  	[sflag:s12] =	ssyncset.done $0x0  }
0x17: {  	s31 =	sadd.s32 $0x0, s9;
	[sflag:s12] =	ssyncadd.s32 $0xFFFFFF80  }
0x18: {  	[tilespmem:s13], [sflag:$0x2] =	stream.linear.gather [hbm4b:s31+s3], $0x80, $0x38;
	[tilespmem:$0x18100] =	vst v63  }
0x19: {  	_ =	swait.ge [sflag:s12], $0x80  }
0x1a: {  	[sflag:s12] =	ssyncset.done $0x0  }
0x1b: {  	[sflag:s12] =	ssyncadd.s32 $0xFFFFFF80  }
0x1c: {  	[tilespmem:s14], [sflag:$0x1] =	stream.indirect.gather [hbm4b:s4+s13], $0x80, s3, s13, $0xb8;
	[tilespmem:$0x18100] =	vst v63  }
0x1d: {  	_ =	swait.ge [sflag:s15], $0x4000  }
0x1e: {  	[sflag:s15] =	ssyncset.done $0x0  }
0x1f: {  	[sflag:s15] =	ssyncadd.s32 $0xFFFFC000  }
0x20: {  	[spmem:s2] =	stream.indirect.scatter.add.f32 [tilespmem:s14], [sflag:$0x2], $0x80, s13, s13, $0xb8;
	[tilespmem:$0x18100] =	vst v63  }
0x21: {  	_ =	swait.ge [sflag:s12], $0x4000  }
0x22: {  	s18 =	simm.s32 $0x20;
	s17 =	simm.s32 $0x10;
	[sflag:s12] =	ssyncset.done $0x0  }
.LBB2_2:
0x23: {  	s19 =	sadd.s32 s17, s10  }
0x24: {  	[sflag:s12] =	ssyncadd.s32 $0xFFFFC000;
	s20 =	smov.u32 s18;
	s21 =	sadd.s32 $0x10, s18  }
0x25: {  	[tilespmem:s3], [sflag:$0x2] =	stream.linear.gather [hbm4b:s19+s3], $0x80, $0x38;
	[tilespmem:$0x18100] =	vst v63  }
0x26: {  	p0 =	sne.s32 s18, $0x500;
	_ =	swait.ge [sflag:s12], $0x80  }
0x27: {  	[sflag:s12] =	ssyncset.done $0x0  }
0x28: {  	s18 =	sadd.s32 s17, s9;
	s17 =	smov.u32 s20;
	[sflag:s12] =	ssyncadd.s32 $0xFFFFFF80  }
0x29: {  	[tilespmem:s13], [sflag:$0x2] =	stream.linear.gather [hbm4b:s18+s3], $0x80, $0x38;
	[tilespmem:$0x18100] =	vst v63  }
0x2a: {  	_ =	swait.ge [sflag:s12], $0x80  }
0x2b: {  	[sflag:s12] =	ssyncset.done $0x0  }
0x2c: {  	[sflag:s12] =	ssyncadd.s32 $0xFFFFFF80  }
0x2d: {  	[tilespmem:s14], [sflag:$0x1] =	stream.indirect.gather [hbm4b:s4+s13], $0x80, s3, s13, $0xb8;
	[tilespmem:$0x18100] =	vst v63  }
0x2e: {  	_ =	swait.ge [sflag:s15], $0x4000  }
.Ltmp0:
0x2f: {  	[sflag:s15] =	ssyncset.done $0x0;
	(pc) =	sbr.rel @p0 .LBB2_2-.Ltmp0, $4  }
0x30: {  	[sflag:s15] =	ssyncadd.s32 $0xFFFFC000  }
0x31: {  	[spmem:s2] =	stream.indirect.scatter.add.f32 [tilespmem:s14], [sflag:$0x2], $0x80, s13, s13, $0xb8;
	[tilespmem:$0x18100] =	vst v63  }
0x32: {  	_ =	swait.ge [sflag:s12], $0x4000  }
0x33: {  	s18 =	smov.u32 s21;
	[sflag:s12] =	ssyncset.done $0x0  }
0x34: {  	s18 =	sadd.s32 s17, s10;
	[sflag:s12] =	ssyncadd.s32 $0xFFFFC000  }
0x35: {  	[tilespmem:s3], [sflag:$0x2] =	stream.linear.gather [hbm4b:s18+s3], $0x80, $0x38;
	[tilespmem:$0x18100] =	vst v63  }
0x36: {  	_ =	swait.ge [sflag:s12], $0x80  }
0x37: {  	[sflag:s12] =	ssyncset.done $0x0  }
0x38: {  	s31 =	sadd.s32 s17, s9;
	[sflag:s12] =	ssyncadd.s32 $0xFFFFFF80  }
0x39: {  	[tilespmem:s13], [sflag:$0x2] =	stream.linear.gather [hbm4b:s31+s3], $0x80, $0x38;
	[tilespmem:$0x18100] =	vst v63  }
0x3a: {  	_ =	swait.ge [sflag:s12], $0x80  }
0x3b: {  	[sflag:s12] =	ssyncset.done $0x0  }
0x3c: {  	[sflag:s12] =	ssyncadd.s32 $0xFFFFFF80  }
0x3d: {  	[tilespmem:s14], [sflag:$0x1] =	stream.indirect.gather [hbm4b:s4+s13], $0x80, s3, s13, $0xb8;
	[tilespmem:$0x18100] =	vst v63  }
0x3e: {  	_ =	swait.ge [sflag:s15], $0x4000  }
0x3f: {  	[sflag:s15] =	ssyncset.done $0x0  }
0x40: {  	[sflag:s15] =	ssyncadd.s32 $0xFFFFC000  }
0x41: {  	[spmem:s2] =	stream.indirect.scatter.add.f32 [tilespmem:s14], [sflag:$0x2], $0x80, s13, s13, $0xb8;
	[tilespmem:$0x18100] =	vst v63  }
0x42: {  	_ =	swait.ge [sflag:s12], $0x4000  }
0x43: {  	s16 =	sadd.s32 $0x1, s16;
	[sflag:s12] =	ssyncset.done $0x0  }
0x44: {  	p0 =	sne.s32 s16, s7;
	[sflag:s12] =	ssyncadd.s32 $0xFFFFC000  }
.Ltmp1:
0x45: {  	[bflag:$0x0] =	sbarrier.arrive $0xFFFF;
	(pc) =	sbr.rel @p0 .LBB2_1-.Ltmp1, $4  }
0x46: {  	[hbm:s8], [sflag:s6] =	dma.local [spmem:s11], $0x2800  }
0x47: {  	_ =	swait.ge [sflag:s12], $0x2800  }
0x48: {  	[sflag:s12] =	ssyncset.done $0x0  }
0x49: {  	[sflag:s12] =	ssyncadd.s32 $0xFFFFD800  }
0x4a: {  	_ =	sfence.sel $0x180000  }
0x4b: {  	[bflag:$0x0] =	sbarrier.arrive $0xFFFF  }
0x4c: {  	p0 =	sne.s32 s1, $0x0;
	_ =	strace $0x90000065  }
0x4d: {  	s0 =	sadd.s32 @!p0 $0x100000, s0;
	[bflag:$0x2] =	sbarrier.arrive $0xFFFF  }
0x4e: {  	[sflag:s0] =	ssyncadd.tile.s32 @!p0 $0x1;
	_ =	shalt  }
.Lfunc_end2:
_tile_overlayer_lowered:
.L_overlay_start_2:
0x4f: {  	(tag) =	ssettag $0x2  }
0x50: {  	s0 =	rddreg [dreg:$0x0];
	s2 =	stileid.u32  }
0x51: {  	s1 =	rddreg [dreg:$0x1];
	p0 =	sne.s32 s2, $0x0  }
0x52: {  	s3 =	rddreg [dreg:$0x2];
	[bflag:$0x3] =	sbarrier.arrive $0xFFFF;
	s2 =	simm.s32 @!p0 $0x1C02  }
0x53: {  	[timem:s3], [sflag:s2] =	dma.local @!p0 [hbm:s0], s1  }
0x54: {  	s0 =	simm.s32 @!p0 $0x2  }
0x55: {  	_ =	swait.ge @!p0 [sflag:s0], s1  }
0x56: {  	s1 =	ssub.s32 @!p0 $0x0, s1;
	[sflag:s0] =	ssyncset.done @!p0 $0x0  }
0x57: {  	[sflag:s0] =	ssyncadd.s32 @!p0 s1  }
0x58: {  	[bflag:$0x3] =	sbarrier.arrive $0xFFFF  }
0x59: {  	_ =	shalt  }

// kernel: kernel.33.cloned.1.call-start
scs
__scs_entry_jumppad:
0x0: {  	(pc) =	sbr.rel $0x88, $3  }
0x1: {  	(tag) =	ssettag $0x0;
	lr =	simm.s32 $0x1  }
0x2: {  	[smem:$0x3F8B] =	sst lr;
	_ =	strace $0xD0000000  }
0x3: {  	_ = 	snop  }
0x4: {  	_ = 	snop  }
0x5: {  	_ = 	snop  }
0x6: {  	_ = 	snop  }
0x7: {  	_ = 	snop  }
__scs_overlays_trampoline_lowered:
0x8: {  	[smem:$0x3F9A] =	sst s0  }
0x9: {  	[smem:$0x3F9B] =	sst s1  }
0xa: {  	[smem:$0x3F9C] =	sst s2  }
0xb: {  	[smem:$0x3F9D] =	sst s3  }
0xc: {  	[smem:$0x3F9E] =	sst s4  }
0xd: {  	[smem:$0x3F9F] =	sst s5  }
0xe: {  	[smem:$0x3FA0] =	sst s6  }
0xf: {  	[smem:$0x3FA1] =	sst s7  }
0x10: {  	[smem:$0x3FA2] =	sst s8  }
0x11: {  	[smem:$0x3FA3] =	sst s9;
	s0 =	simm.s32 @!p0 $0x0  }
0x12: {  	s1 =	sld [smem:$0x3F89];
	s0 =	simm.s32 @p0 $0x1  }
0x13: {  	[smem:$0x3FA4] =	sst s0;
	s0 =	simm.s32 @!p1 $0x0  }
0x14: {  	s2 =	sld [smem:$0x3F88];
	s0 =	simm.s32 @p1 $0x1  }
0x15: {  	[smem:$0x3FA5] =	sst s0;
	s0 =	simm.s32 @!p2 $0x0  }
0x16: {  	s3 =	sld [smem:$0x3FDB];
	s0 =	simm.s32 @p2 $0x1  }
0x17: {  	s4 =	simm.s32 $0x1BF5;
	[smem:$0x3FA7] =	sst s0  }
0x18: {  	s0 =	sld [smem:$0x3F8A];
	_ =	swait.ge [sflag:s4], $0x0  }
0x19: {  	s7 =	sld [smem:$0x3F8B]  }
0x1a: {  	s8 =	sadd.s32 $0xFFFFE003, lr  }
0x1b: {  	s9 =	sadd.s32 $0xFFFFFEF7, lr;
	s5 =	simm.s32 $0xFFFFFFFF;
	p2 =	slt.u32 s8, $0xFFFFF086  }
0x1c: {  	p1 =	slt.u32 s9, $0xF7A;
	s5 =	simm.s32 @!p2 $0x0  }
0x1d: {  	s5 =	simm.s32 @p1 $0x1;
	p0 =	seq.s32 s7, s2  }
0x1e: {  	s7 =	smul.u32 @!p0 $0xF7A, s2;
	p2 =	seq.s32 @!p0 s5, $0x0  }
0x1f: {  	s9 =	smul.u32 $0xF7A, s1;
	s8 =	simm.s32 @!p0 $0x1BF5;
	p2 =	por !p2, p0  }
0x20: {  	[sflag:s8] =	ssyncset.s32 @!p0 $0xFFFFF086;
	s6 =	sadd.s32 @!p0 s3, s7;
	s7 =	simm.s32 @!p0 $0x108  }
0x21: {  	s3 =	sadd.s32 s3, s9;
	s6 =	sadd.s32 @!p0 $0x88, s6;
	s7 =	simm.s32 @p2 $0x1082  }
0x22: {  	[simem:s7], [sflag:s8] =	dma.local @!p0 [hbm:s6], $0xF7A  }
0x23: {  	s9 =	sor.u32 $0xD0000000, s2;
	s6 =	simm.s32 $0x108;
	_ =	swait.ge @!p0 [sflag:s8], $0x0  }
0x24: {  	s3 =	sadd.s32 $0x88, s3;
	s6 =	simm.s32 @!p1 $0x1082;
	[sflag:s4] =	ssyncset.s32 $0xFFFFF086  }
0x25: {  	[simem:s6], [sflag:s4] =	dma.local [hbm:s3], $0xF7A  }
0x26: {  	[smem:$0x3F8B] =	sst s1;
	(tag) =	ssettag s2;
	_ =	strace s9  }
0x27: {  	s1 =	sld [smem:$0x3F9B]  }
0x28: {  	s2 =	sld [smem:$0x3F9C]  }
0x29: {  	s4 =	sld [smem:$0x3F9E]  }
0x2a: {  	p0 =	seq.s32 s5, $0x0;
	s5 =	sld [smem:$0x3F9F]  }
0x2b: {  	s6 =	sld [smem:$0x3FA0]  }
0x2c: {  	s7 =	sld [smem:$0x3FA1]  }
0x2d: {  	s3 =	simm.s32 $0x108;
	s8 =	sld [smem:$0x3FA2]  }
0x2e: {  	s3 =	simm.s32 @!p0 $0x1082;
	s9 =	sld [smem:$0x3FA3]  }
0x2f: {  	lr =	sadd.s32 s0, s3;
	s0 =	sld [smem:$0x3F9A]  }
0x30: {  	s3 =	sld [smem:$0x3F9D]  }
0x31: {  	[smem:$0x3FA6] =	sst s10  }
0x32: {  	s10 =	sld [smem:$0x3FA4];
	_ =	sdelay $0x3  }
0x33: {  	p0 =	seq.s32 s10, $0x1;
	s10 =	sld [smem:$0x3FA6];
	_ =	sdelay $0x3  }
0x34: {  	[smem:$0x3FA6] =	sst s10  }
0x35: {  	s10 =	sld [smem:$0x3FA5];
	_ =	sdelay $0x3  }
0x36: {  	p1 =	seq.s32 s10, $0x1;
	s10 =	sld [smem:$0x3FA6];
	_ =	sdelay $0x3  }
0x37: {  	[smem:$0x3FA6] =	sst s10  }
0x38: {  	s10 =	sld [smem:$0x3FA7]  }
0x39: {  	_ = 	snop;
	(pc) =	sbr.ind lr, $3  }
0x3a: {  	_ = 	snop  }
0x3b: {  	_ = 	snop  }
0x3c: {  	p2 =	seq.s32 s10, $0x1;
	s10 =	sld [smem:$0x3FA6]  }
0x3d: {  	_ =	shalt  }
0x3e: {  	_ =	shalt  }
0x3f: {  	_ =	shalt  }
0x40: {  	_ =	shalt  }
0x41: {  	_ =	shalt  }
0x42: {  	_ =	shalt  }
0x43: {  	_ =	shalt  }
0x44: {  	_ =	shalt  }
0x45: {  	_ =	shalt  }
0x46: {  	_ =	shalt  }
0x47: {  	_ =	shalt  }
0x48: {  	_ =	shalt  }
0x49: {  	_ =	shalt  }
0x4a: {  	_ =	shalt  }
0x4b: {  	_ =	shalt  }
0x4c: {  	_ =	shalt  }
0x4d: {  	_ =	shalt  }
0x4e: {  	_ =	shalt  }
0x4f: {  	_ =	shalt  }
0x50: {  	_ =	shalt  }
0x51: {  	_ =	shalt  }
0x52: {  	_ =	shalt  }
0x53: {  	_ =	shalt  }
0x54: {  	_ =	shalt  }
0x55: {  	_ =	shalt  }
0x56: {  	_ =	shalt  }
0x57: {  	_ =	shalt  }
0x58: {  	_ =	shalt  }
0x59: {  	_ =	shalt  }
0x5a: {  	_ =	shalt  }
0x5b: {  	_ =	shalt  }
0x5c: {  	_ =	shalt  }
0x5d: {  	_ =	shalt  }
0x5e: {  	_ =	shalt  }
0x5f: {  	_ =	shalt  }
0x60: {  	_ =	shalt  }
0x61: {  	_ =	shalt  }
0x62: {  	_ =	shalt  }
0x63: {  	_ =	shalt  }
0x64: {  	_ =	shalt  }
0x65: {  	_ =	shalt  }
0x66: {  	_ =	shalt  }
0x67: {  	_ =	shalt  }
0x68: {  	_ =	shalt  }
0x69: {  	_ =	shalt  }
0x6a: {  	_ =	shalt  }
0x6b: {  	_ =	shalt  }
0x6c: {  	_ =	shalt  }
0x6d: {  	_ =	shalt  }
0x6e: {  	_ =	shalt  }
0x6f: {  	_ =	shalt  }
0x70: {  	_ =	shalt  }
0x71: {  	_ =	shalt  }
0x72: {  	_ =	shalt  }
0x73: {  	_ =	shalt  }
0x74: {  	_ =	shalt  }
0x75: {  	_ =	shalt  }
0x76: {  	_ =	shalt  }
0x77: {  	_ =	shalt  }
0x78: {  	_ =	shalt  }
0x79: {  	_ =	shalt  }
0x7a: {  	_ =	shalt  }
0x7b: {  	_ =	shalt  }
0x7c: {  	_ =	shalt  }
0x7d: {  	_ =	shalt  }
0x7e: {  	_ =	shalt  }
0x7f: {  	_ =	shalt  }
0x80: {  	_ =	shalt  }
0x81: {  	_ =	shalt  }
0x82: {  	_ =	shalt  }
0x83: {  	_ =	shalt  }
0x84: {  	_ =	shalt  }
0x85: {  	_ =	shalt  }
0x86: {  	_ =	shalt  }
0x87: {  	_ =	shalt  }
.Lfunc_end0:
.L_simem_size_0:
called_computation.8_lowered:
.L_overlay_start_0:
0x88: {  	s2 =	sld [smem:$0x3FD9]  }
0x89: {  	s3 =	sld [smem:$0x3FFE];
	_ =	sdelay $0x1  }
0x8a: {  	s1 =	srdreg.scid  }
0x8b: {  	s0 =	sand.u32 $0x1, s1  }
0x8c: {  	s17 =	sshll.u32 s0, $0xA;
	s2 =	sadd.s32 s3, s2  }
0x8d: {  	s2 =	sadd.s32 s2, s17  }
0x8e: {  	[smem:$0x3FB2] =	sst s2  }
0x8f: {  	_ = 	snop  }
0x90: {  	(tm) =	ssettm $0x1  }
0x91: {  	s18 =	sld [smem:$0x3FFB];
	_ =	sdelay $0x3  }
0x92: {  	_ =	strace s18  }
0x93: {  	s2 =	sld [smem:$0x3FFC];
	_ =	sdelay $0x3  }
0x94: {  	_ =	strace s2  }
0x95: {  	s2 =	sld [smem:$0x3FFD];
	_ =	sdelay $0x3  }
0x96: {  	_ =	strace s2  }
0x97: {  	_ =	strace $0x8FFFFFFF  }
0x98: {  	s19 =	sld [smem:$0x3FDB];
	_ =	sdelay $0x1  }
0x99: {  	s20 =	simm.s32 $_scs_section_size  }
0x9a: {  	s4 =	simm.s32 $_size__tile_overlayer_lowered;
	s5 =	simm.s32 $_tile_overlayer_lowered  }
0x9b: {  	s6 =	simm.s32 $0x1BFF;
	s21 =	sshll.u32 s5, $0x1;
	s3 =	sadd.s32 s20, s19  }
0x9c: {  	s22 =	simm.s32 $0x0;
	s4 =	sshll.u32 s4, $0x1;
	s5 =	sadd.s32 s21, s3  }
0x9d: {  	[timem:s22], [sflag:s6] =	dma.local [hbm:s5], s4  }
0x9e: {  	_ =	swait.ge [sflag:s6], s4  }
0x9f: {  	s4 =	ssub.s32 $0x0, s4;
	[sflag:s6] =	ssyncset.done $0x0  }
0xa0: {  	[sflag:s6] =	ssyncadd.s32 s4;
	_ =	sdelay $0x1  }
0xa1: {  	s23 =	simm.s32 $0x1B8B  }
0xa2: {  	_ =	swait.ge [sflag:s23], $0x1  }
0xa3: {  	[sflag:s23] =	ssyncset.done $0x0  }
0xa4: {  	[sflag:s23] =	ssyncadd.s32 $0xFFFFFFFF  }
0xa5: {  	s4 =	sld [smem:$0x0]  }
0xa6: {  	s5 =	sand.u32 $0xFFFFFFFE, s1  }
0xa7: {  	p0 =	sne.s32 s1, s5  }
0xa8: {  	s5 =	sshll.u32 @p0 s5, $0xE  }
0xa9: {  	s5 =	sadd.s32 @p0 $0x11B8D, s5;
	s6 =	sshll.u32 @p0 s4, $0x11  }
0xaa: {  	s5 =	sor.u32 @p0 s6, s5  }
0xab: {  	[sflag:s5] =	ssyncadd.remote.s32 @p0 $0x1;
	_ =	sdelay $0x1  }
0xac: {  	s5 =	simm.s32 @p0 $0x1B8D  }
0xad: {  	_ =	swait.eq @p0 [sflag:s5], $0x1  }
0xae: {  	[sflag:s5] =	ssyncadd.s32 @p0 $0xFFFFFFFF  }
0xaf: {  	s6 =	sshll.u32 @!p0 s1, $0xE  }
0xb0: {  	s6 =	sor.u32 @!p0 $0x4000, s6;
	s5 =	simm.s32 @!p0 $0x1B8D  }
0xb1: {  	s4 =	sshll.u32 @!p0 s4, $0x11;
	s6 =	sadd.s32 @!p0 $0x11B8D, s6;
	_ =	swait.eq @!p0 [sflag:s5], $0x1  }
0xb2: {  	s4 =	sor.u32 @!p0 s4, s6;
	[sflag:s5] =	ssyncadd.s32 @!p0 $0xFFFFFFFF  }
0xb3: {  	s25 =	simm.s32 $0x1B8E;
	s24 =	sld [smem:$0x3FFE];
	[sflag:s4] =	ssyncadd.remote.s32 @!p0 $0x1  }
0xb4: {  	s26 =	simm.s32 $execute0_lowered;
	[smem:$0x3FD2] =	sst s25  }
0xb5: {  	s5 =	sshll.u32 s26, $0x1;
	_ =	strace $0x80000055;
	[dreg:$0x1] =	wrdreg $0xFFFFFFFF  }
0xb6: {  	s28 =	simm.s32 $_size_execute0_lowered;
	s3 =	sadd.s32 s3, s5;
	[dreg:$0x0] =	wrdreg $0x0  }
0xb7: {  	s5 =	sshll.u32 s28, $0x1;
	[dreg:$0x2] =	wrdreg s3  }
0xb8: {  	[dreg:$0x3] =	wrdreg s5  }
0xb9: {  	[dreg:$0x4] =	wrdreg $0xC0  }
0xba: {  	_ =	task [dreg:s22], $0x5FFFF  }
0xbb: {  	[dreg:$0x1] =	wrdreg $0xFFFFFFFF  }
0xbc: {  	[dreg:$0x0] =	wrdreg $0x60  }
0xbd: {  	[dreg:$0x2] =	wrdreg s24  }
0xbe: {  	[dreg:$0x3] =	wrdreg $0x40800  }
0xbf: {  	[dreg:$0x4] =	wrdreg $0xB  }
0xc0: {  	_ =	task.clear_ibuf [dreg:s22], $0x5FFFF;
	_ =	strace $0x90000055  }
0xc1: {  	s29 =	simm.s32 $0xB;
	_ =	strace $0x80000057  }
0xc2: {  	_ =	swait.ge [sflag:s29], $0x1  }
0xc3: {  	[sflag:s29] =	ssyncadd.s32 $0xFFFFFFFF  }
0xc4: {  	_ =	strace $0x90000057  }
0xc5: {  	_ =	sfence  }
0xc6: {  	s30 =	sld [smem:$0x0];
	_ =	sdelay $0x2  }
0xc7: {  	s31 =	sshll.u32 s1, $0xD;
	s1 =	sshrl.u32 s1, $0x2  }
0xc8: {  	s4 =	sand.u32 $0x4000, s31;
	s1 =	sadd.s32 s1, s30  }
0xc9: {  	s0 =	sor.u32 s4, s0;
	s1 =	sshll.u32 s1, $0x11  }
0xca: {  	s0 =	sor.u32 s1, s0  }
0xcb: {  	s0 =	sadd.s32 $0x8F2B, s0  }
0xcc: {  	[sflag:s0] =	ssyncadd.remote.s32 $0x1  }
0xcd: {  	_ =	sfence.sel $0xFFFF  }
0xce: {  	[dreg:$0x0] =	wrdreg $0xFFFFFFFF;
	(pc) =	sbr.abs _section_cstart, $3  }
0xcf: {  	[dreg:$0x1] =	wrdreg $0xFFFFFFFF  }
0xd0: {  	_ =	task.clear_ibuf [dreg:s22], $0x2FFFF;
	_ =	strace $0x9FFFFFFF  }
0xd1: {  	(tm) =	ssettm $0x7FFFFFFF  }
tec
execute0_lowered:
.L_overlay_start_1:
0x0: {  	(tag) =	ssettag $0x1  }
0x1: {  	s5 =	rddreg [dreg:$0x0];
	s0 =	srdreg.scid  }
0x2: {  	s2 =	rddreg [dreg:$0x1];
	s1 =	stileid.u32  }
0x3: {  	s3 =	simm.s32 $0x0;
	s13 =	simm.s32 $0x0;
	s7 =	smul.u32 $0x14000, s1  }
0x4: {  	s4 =	sand.u32 $0x1, s0;
	s0 =	rddreg [dreg:$0x2];
	s10 =	smul.u32 $0x50000, s1  }
0x5: {  	[smem:$0x7FF] =	sst s3;
	s29 =	smul.u32 $0x280, s1;
	s30 =	sshll.u32 s1, $0x6  }
0x6: {  	s6 =	smul.u32 $0x2800, s4;
	_ =	strace $0x80000056;
	s25 =	ssub.s32 $0x2, s4  }
0x7: {  	p0 =	seq.s32 s4, $0x1;
	s4 =	sadd.s32 $0x6A000, s5;
	s26 =	sshrl.u32 s25, $0x1  }
0x8: {  	s28 =	sshrl.u32 s10, $0x2;
	s8 =	sadd.s32 s6, s5;
	s6 =	sshrl.u32 s7, $0x3  }
0x9: {  	s12 =	sadd.s32 s28, s2;
	s7 =	sadd.s32 s6, s5;
	s9 =	sadd.s32 $0x28000, s6  }
0xa: {  	s31 =	sadd.s32 s29, s8;
	s10 =	sshrl.u32 s12, $0x3;
	s6 =	smov.u32 @p0 s9  }
0xb: {  	s12 =	simm.s32 $0x80;
	s9 =	ssub.s32 s25, s26;
	s11 =	sadd.s32 s6, s5  }
0xc: {  	s5 =	sadd.s32 $0x42000, s7;
	s6 =	sor.u32 $0x1C01, s30;
	s7 =	smax.u32 s9, $0x1  }
0xd: {  	s9 =	sadd.s32 $0xD9C00, s31;
	s8 =	sadd.s32 $0xDEC00, s11;
	s11 =	simm.s32 $0x1  }
.LBB2_1:
0xe: {  	[spmem:s10], [sflag:s6] =	dma.local [hbm:s5], $0x2800  }
0xf: {  	_ =	swait.ge [sflag:s11], $0x2800  }
0x10: {  	[sflag:s11] =	ssyncset.done $0x0  }
0x11: {  	[sflag:s11] =	ssyncadd.s32 $0xFFFFD800  }
0x12: {  	[tilespmem:s12], [sflag:$0x1] =	stream.linear.gather [hbm4b:s4+s3], $0x4000, $0x38;
	[tilespmem:$0x18080] =	vst v63  }
0x13: {  	_ =	swait.ge [sflag:s11], $0x4000  }
0x14: {  	[sflag:s11] =	ssyncset.done $0x0  }
0x15: {  	[sflag:s11] =	ssyncadd.s32 $0xFFFFC000  }
0x16: {  	s14 =	sadd.s32 $0x0, s9;
	[bflag:$0x0] =	sbarrier.arrive $0xFFFF  }
0x17: {  	[tilespmem:s3], [sflag:$0x1] =	stream.linear.gather [hbm4b:s14+s3], $0x80, $0x38;
	[tilespmem:$0x18080] =	vst v63  }
0x18: {  	_ =	swait.ge [sflag:s11], $0x80  }
0x19: {  	[sflag:s11] =	ssyncset.done $0x0  }
0x1a: {  	[sflag:s11] =	ssyncadd.s32 $0xFFFFFF80  }
0x1b: {  	[spmem:s2] =	stream.indirect.scatter.add.f32 [tilespmem:s12], [sflag:$0x1], $0x80, s3, s12, $0xb8;
	[tilespmem:$0x18080] =	vst v63  }
0x1c: {  	_ =	swait.ge [sflag:s11], $0x4000  }
0x1d: {  	s15 =	simm.s32 $0x20;
	s14 =	simm.s32 $0x10;
	[sflag:s11] =	ssyncset.done $0x0  }
.LBB2_2:
0x1e: {  	s16 =	sadd.s32 s14, s9  }
0x1f: {  	[sflag:s11] =	ssyncadd.s32 $0xFFFFC000;
	s14 =	smov.u32 s15;
	s17 =	sadd.s32 $0x10, s15  }
0x20: {  	[tilespmem:s3], [sflag:$0x1] =	stream.linear.gather [hbm4b:s16+s3], $0x80, $0x38;
	[tilespmem:$0x18080] =	vst v63  }
0x21: {  	p0 =	sne.s32 s15, $0x270;
	_ =	swait.ge [sflag:s11], $0x80  }
.Ltmp0:
0x22: {  	[sflag:s11] =	ssyncset.done $0x0;
	(pc) =	sbr.rel @p0 .LBB2_2-.Ltmp0, $4  }
0x23: {  	[sflag:s11] =	ssyncadd.s32 $0xFFFFFF80  }
0x24: {  	[spmem:s2] =	stream.indirect.scatter.add.f32 [tilespmem:s12], [sflag:$0x1], $0x80, s3, s12, $0xb8;
	[tilespmem:$0x18080] =	vst v63  }
0x25: {  	_ =	swait.ge [sflag:s11], $0x4000  }
0x26: {  	s15 =	smov.u32 s17;
	[sflag:s11] =	ssyncset.done $0x0  }
0x27: {  	s14 =	sadd.s32 s14, s9;
	[sflag:s11] =	ssyncadd.s32 $0xFFFFC000  }
0x28: {  	[tilespmem:s3], [sflag:$0x1] =	stream.linear.gather [hbm4b:s14+s3], $0x80, $0x38;
	[tilespmem:$0x18080] =	vst v63  }
0x29: {  	_ =	swait.ge [sflag:s11], $0x80  }
0x2a: {  	[sflag:s11] =	ssyncset.done $0x0  }
0x2b: {  	[sflag:s11] =	ssyncadd.s32 $0xFFFFFF80  }
0x2c: {  	[spmem:s2] =	stream.indirect.scatter.add.f32 [tilespmem:s12], [sflag:$0x1], $0x80, s3, s12, $0xb8;
	[tilespmem:$0x18080] =	vst v63  }
0x2d: {  	_ =	swait.ge [sflag:s11], $0x4000  }
0x2e: {  	s13 =	sadd.s32 $0x1, s13;
	[sflag:s11] =	ssyncset.done $0x0  }
0x2f: {  	p0 =	sne.s32 s13, s7;
	[sflag:s11] =	ssyncadd.s32 $0xFFFFC000  }
.Ltmp1:
0x30: {  	[bflag:$0x0] =	sbarrier.arrive $0xFFFF;
	(pc) =	sbr.rel @p0 .LBB2_1-.Ltmp1, $4  }
0x31: {  	[hbm:s8], [sflag:s6] =	dma.local [spmem:s10], $0x2800  }
0x32: {  	_ =	swait.ge [sflag:s11], $0x2800  }
0x33: {  	[sflag:s11] =	ssyncset.done $0x0  }
0x34: {  	[sflag:s11] =	ssyncadd.s32 $0xFFFFD800  }
0x35: {  	_ =	sfence.sel $0x180000  }
0x36: {  	[bflag:$0x0] =	sbarrier.arrive $0xFFFF  }
0x37: {  	p0 =	sne.s32 s1, $0x0;
	_ =	strace $0x90000056  }
0x38: {  	s0 =	sadd.s32 @!p0 $0x100000, s0;
	[bflag:$0x2] =	sbarrier.arrive $0xFFFF  }
0x39: {  	[sflag:s0] =	ssyncadd.tile.s32 @!p0 $0x1;
	_ =	shalt  }
.Lfunc_end2:
_tile_overlayer_lowered:
.L_overlay_start_2:
0x3a: {  	(tag) =	ssettag $0x2  }
0x3b: {  	s0 =	rddreg [dreg:$0x0];
	s2 =	stileid.u32  }
0x3c: {  	s1 =	rddreg [dreg:$0x1];
	p0 =	sne.s32 s2, $0x0  }
0x3d: {  	s3 =	rddreg [dreg:$0x2];
	[bflag:$0x3] =	sbarrier.arrive $0xFFFF;
	s2 =	simm.s32 @!p0 $0x1C01  }
0x3e: {  	[timem:s3], [sflag:s2] =	dma.local @!p0 [hbm:s0], s1  }
0x3f: {  	s0 =	simm.s32 @!p0 $0x1  }
0x40: {  	_ =	swait.ge @!p0 [sflag:s0], s1  }
0x41: {  	s1 =	ssub.s32 @!p0 $0x0, s1;
	[sflag:s0] =	ssyncset.done @!p0 $0x0  }
0x42: {  	[sflag:s0] =	ssyncadd.s32 @!p0 s1  }
0x43: {  	[bflag:$0x3] =	sbarrier.arrive $0xFFFF  }
0x44: {  	_ =	shalt  }

// kernel: kernel.36.cloned.1.call-start
scs
__scs_entry_jumppad:
0x0: {  	(pc) =	sbr.rel $0x88, $3  }
0x1: {  	(tag) =	ssettag $0x0;
	lr =	simm.s32 $0x1  }
0x2: {  	[smem:$0x3F8B] =	sst lr;
	_ =	strace $0xD0000000  }
0x3: {  	_ = 	snop  }
0x4: {  	_ = 	snop  }
0x5: {  	_ = 	snop  }
0x6: {  	_ = 	snop  }
0x7: {  	_ = 	snop  }
__scs_overlays_trampoline_lowered:
0x8: {  	[smem:$0x3F9A] =	sst s0  }
0x9: {  	[smem:$0x3F9B] =	sst s1  }
0xa: {  	[smem:$0x3F9C] =	sst s2  }
0xb: {  	[smem:$0x3F9D] =	sst s3  }
0xc: {  	[smem:$0x3F9E] =	sst s4  }
0xd: {  	[smem:$0x3F9F] =	sst s5  }
0xe: {  	[smem:$0x3FA0] =	sst s6  }
0xf: {  	[smem:$0x3FA1] =	sst s7  }
0x10: {  	[smem:$0x3FA2] =	sst s8  }
0x11: {  	[smem:$0x3FA3] =	sst s9;
	s0 =	simm.s32 @!p0 $0x0  }
0x12: {  	s1 =	sld [smem:$0x3F89];
	s0 =	simm.s32 @p0 $0x1  }
0x13: {  	[smem:$0x3FA4] =	sst s0;
	s0 =	simm.s32 @!p1 $0x0  }
0x14: {  	s2 =	sld [smem:$0x3F88];
	s0 =	simm.s32 @p1 $0x1  }
0x15: {  	[smem:$0x3FA5] =	sst s0;
	s0 =	simm.s32 @!p2 $0x0  }
0x16: {  	s3 =	sld [smem:$0x3FDB];
	s0 =	simm.s32 @p2 $0x1  }
0x17: {  	s4 =	simm.s32 $0x1BF5;
	[smem:$0x3FA7] =	sst s0  }
0x18: {  	s0 =	sld [smem:$0x3F8A];
	_ =	swait.ge [sflag:s4], $0x0  }
0x19: {  	s7 =	sld [smem:$0x3F8B]  }
0x1a: {  	s8 =	sadd.s32 $0xFFFFE003, lr  }
0x1b: {  	s9 =	sadd.s32 $0xFFFFFEF7, lr;
	s5 =	simm.s32 $0xFFFFFFFF;
	p2 =	slt.u32 s8, $0xFFFFF086  }
0x1c: {  	p1 =	slt.u32 s9, $0xF7A;
	s5 =	simm.s32 @!p2 $0x0  }
0x1d: {  	s5 =	simm.s32 @p1 $0x1;
	p0 =	seq.s32 s7, s2  }
0x1e: {  	s7 =	smul.u32 @!p0 $0xF7A, s2;
	p2 =	seq.s32 @!p0 s5, $0x0  }
0x1f: {  	s9 =	smul.u32 $0xF7A, s1;
	s8 =	simm.s32 @!p0 $0x1BF5;
	p2 =	por !p2, p0  }
0x20: {  	[sflag:s8] =	ssyncset.s32 @!p0 $0xFFFFF086;
	s6 =	sadd.s32 @!p0 s3, s7;
	s7 =	simm.s32 @!p0 $0x108  }
0x21: {  	s3 =	sadd.s32 s3, s9;
	s6 =	sadd.s32 @!p0 $0x88, s6;
	s7 =	simm.s32 @p2 $0x1082  }
0x22: {  	[simem:s7], [sflag:s8] =	dma.local @!p0 [hbm:s6], $0xF7A  }
0x23: {  	s9 =	sor.u32 $0xD0000000, s2;
	s6 =	simm.s32 $0x108;
	_ =	swait.ge @!p0 [sflag:s8], $0x0  }
0x24: {  	s3 =	sadd.s32 $0x88, s3;
	s6 =	simm.s32 @!p1 $0x1082;
	[sflag:s4] =	ssyncset.s32 $0xFFFFF086  }
0x25: {  	[simem:s6], [sflag:s4] =	dma.local [hbm:s3], $0xF7A  }
0x26: {  	[smem:$0x3F8B] =	sst s1;
	(tag) =	ssettag s2;
	_ =	strace s9  }
0x27: {  	s1 =	sld [smem:$0x3F9B]  }
0x28: {  	s2 =	sld [smem:$0x3F9C]  }
0x29: {  	s4 =	sld [smem:$0x3F9E]  }
0x2a: {  	p0 =	seq.s32 s5, $0x0;
	s5 =	sld [smem:$0x3F9F]  }
0x2b: {  	s6 =	sld [smem:$0x3FA0]  }
0x2c: {  	s7 =	sld [smem:$0x3FA1]  }
0x2d: {  	s3 =	simm.s32 $0x108;
	s8 =	sld [smem:$0x3FA2]  }
0x2e: {  	s3 =	simm.s32 @!p0 $0x1082;
	s9 =	sld [smem:$0x3FA3]  }
0x2f: {  	lr =	sadd.s32 s0, s3;
	s0 =	sld [smem:$0x3F9A]  }
0x30: {  	s3 =	sld [smem:$0x3F9D]  }
0x31: {  	[smem:$0x3FA6] =	sst s10  }
0x32: {  	s10 =	sld [smem:$0x3FA4];
	_ =	sdelay $0x3  }
0x33: {  	p0 =	seq.s32 s10, $0x1;
	s10 =	sld [smem:$0x3FA6];
	_ =	sdelay $0x3  }
0x34: {  	[smem:$0x3FA6] =	sst s10  }
0x35: {  	s10 =	sld [smem:$0x3FA5];
	_ =	sdelay $0x3  }
0x36: {  	p1 =	seq.s32 s10, $0x1;
	s10 =	sld [smem:$0x3FA6];
	_ =	sdelay $0x3  }
0x37: {  	[smem:$0x3FA6] =	sst s10  }
0x38: {  	s10 =	sld [smem:$0x3FA7]  }
0x39: {  	_ = 	snop;
	(pc) =	sbr.ind lr, $3  }
0x3a: {  	_ = 	snop  }
0x3b: {  	_ = 	snop  }
0x3c: {  	p2 =	seq.s32 s10, $0x1;
	s10 =	sld [smem:$0x3FA6]  }
0x3d: {  	_ =	shalt  }
0x3e: {  	_ =	shalt  }
0x3f: {  	_ =	shalt  }
0x40: {  	_ =	shalt  }
0x41: {  	_ =	shalt  }
0x42: {  	_ =	shalt  }
0x43: {  	_ =	shalt  }
0x44: {  	_ =	shalt  }
0x45: {  	_ =	shalt  }
0x46: {  	_ =	shalt  }
0x47: {  	_ =	shalt  }
0x48: {  	_ =	shalt  }
0x49: {  	_ =	shalt  }
0x4a: {  	_ =	shalt  }
0x4b: {  	_ =	shalt  }
0x4c: {  	_ =	shalt  }
0x4d: {  	_ =	shalt  }
0x4e: {  	_ =	shalt  }
0x4f: {  	_ =	shalt  }
0x50: {  	_ =	shalt  }
0x51: {  	_ =	shalt  }
0x52: {  	_ =	shalt  }
0x53: {  	_ =	shalt  }
0x54: {  	_ =	shalt  }
0x55: {  	_ =	shalt  }
0x56: {  	_ =	shalt  }
0x57: {  	_ =	shalt  }
0x58: {  	_ =	shalt  }
0x59: {  	_ =	shalt  }
0x5a: {  	_ =	shalt  }
0x5b: {  	_ =	shalt  }
0x5c: {  	_ =	shalt  }
0x5d: {  	_ =	shalt  }
0x5e: {  	_ =	shalt  }
0x5f: {  	_ =	shalt  }
0x60: {  	_ =	shalt  }
0x61: {  	_ =	shalt  }
0x62: {  	_ =	shalt  }
0x63: {  	_ =	shalt  }
0x64: {  	_ =	shalt  }
0x65: {  	_ =	shalt  }
0x66: {  	_ =	shalt  }
0x67: {  	_ =	shalt  }
0x68: {  	_ =	shalt  }
0x69: {  	_ =	shalt  }
0x6a: {  	_ =	shalt  }
0x6b: {  	_ =	shalt  }
0x6c: {  	_ =	shalt  }
0x6d: {  	_ =	shalt  }
0x6e: {  	_ =	shalt  }
0x6f: {  	_ =	shalt  }
0x70: {  	_ =	shalt  }
0x71: {  	_ =	shalt  }
0x72: {  	_ =	shalt  }
0x73: {  	_ =	shalt  }
0x74: {  	_ =	shalt  }
0x75: {  	_ =	shalt  }
0x76: {  	_ =	shalt  }
0x77: {  	_ =	shalt  }
0x78: {  	_ =	shalt  }
0x79: {  	_ =	shalt  }
0x7a: {  	_ =	shalt  }
0x7b: {  	_ =	shalt  }
0x7c: {  	_ =	shalt  }
0x7d: {  	_ =	shalt  }
0x7e: {  	_ =	shalt  }
0x7f: {  	_ =	shalt  }
0x80: {  	_ =	shalt  }
0x81: {  	_ =	shalt  }
0x82: {  	_ =	shalt  }
0x83: {  	_ =	shalt  }
0x84: {  	_ =	shalt  }
0x85: {  	_ =	shalt  }
0x86: {  	_ =	shalt  }
0x87: {  	_ =	shalt  }
.Lfunc_end0:
.L_simem_size_0:
called_computation.9_lowered:
.L_overlay_start_0:
0x88: {  	s2 =	sld [smem:$0x3FD9]  }
0x89: {  	s3 =	sld [smem:$0x3FFE];
	_ =	sdelay $0x1  }
0x8a: {  	s1 =	srdreg.scid  }
0x8b: {  	s0 =	sand.u32 $0x1, s1  }
0x8c: {  	s17 =	sshll.u32 s0, $0xA;
	s2 =	sadd.s32 s3, s2  }
0x8d: {  	s2 =	sadd.s32 s2, s17  }
0x8e: {  	[smem:$0x3FB2] =	sst s2  }
0x8f: {  	_ = 	snop  }
0x90: {  	(tm) =	ssettm $0x1  }
0x91: {  	s18 =	sld [smem:$0x3FFB];
	_ =	sdelay $0x3  }
0x92: {  	_ =	strace s18  }
0x93: {  	s2 =	sld [smem:$0x3FFC];
	_ =	sdelay $0x3  }
0x94: {  	_ =	strace s2  }
0x95: {  	s2 =	sld [smem:$0x3FFD];
	_ =	sdelay $0x3  }
0x96: {  	_ =	strace s2  }
0x97: {  	_ =	strace $0x8FFFFFFF  }
0x98: {  	s19 =	sld [smem:$0x3FDB];
	_ =	sdelay $0x1  }
0x99: {  	s20 =	simm.s32 $_scs_section_size  }
0x9a: {  	s4 =	simm.s32 $_size__tile_overlayer_lowered;
	s5 =	simm.s32 $_tile_overlayer_lowered  }
0x9b: {  	s6 =	simm.s32 $0x1BFF;
	s21 =	sshll.u32 s5, $0x1;
	s3 =	sadd.s32 s20, s19  }
0x9c: {  	s22 =	simm.s32 $0x0;
	s4 =	sshll.u32 s4, $0x1;
	s5 =	sadd.s32 s21, s3  }
0x9d: {  	[timem:s22], [sflag:s6] =	dma.local [hbm:s5], s4  }
0x9e: {  	_ =	swait.ge [sflag:s6], s4  }
0x9f: {  	s4 =	ssub.s32 $0x0, s4;
	[sflag:s6] =	ssyncset.done $0x0  }
0xa0: {  	[sflag:s6] =	ssyncadd.s32 s4;
	_ =	sdelay $0x1  }
0xa1: {  	s23 =	simm.s32 $0x1B8B  }
0xa2: {  	_ =	swait.ge [sflag:s23], $0x1  }
0xa3: {  	[sflag:s23] =	ssyncset.done $0x0  }
0xa4: {  	[sflag:s23] =	ssyncadd.s32 $0xFFFFFFFF  }
0xa5: {  	s4 =	sld [smem:$0x0]  }
0xa6: {  	s5 =	sand.u32 $0xFFFFFFFE, s1  }
0xa7: {  	p0 =	sne.s32 s1, s5  }
0xa8: {  	s5 =	sshll.u32 @p0 s5, $0xE  }
0xa9: {  	s5 =	sadd.s32 @p0 $0x11B8D, s5;
	s6 =	sshll.u32 @p0 s4, $0x11  }
0xaa: {  	s5 =	sor.u32 @p0 s6, s5  }
0xab: {  	[sflag:s5] =	ssyncadd.remote.s32 @p0 $0x1;
	_ =	sdelay $0x1  }
0xac: {  	s5 =	simm.s32 @p0 $0x1B8D  }
0xad: {  	_ =	swait.eq @p0 [sflag:s5], $0x1  }
0xae: {  	[sflag:s5] =	ssyncadd.s32 @p0 $0xFFFFFFFF  }
0xaf: {  	s6 =	sshll.u32 @!p0 s1, $0xE  }
0xb0: {  	s6 =	sor.u32 @!p0 $0x4000, s6;
	s5 =	simm.s32 @!p0 $0x1B8D  }
0xb1: {  	s4 =	sshll.u32 @!p0 s4, $0x11;
	s6 =	sadd.s32 @!p0 $0x11B8D, s6;
	_ =	swait.eq @!p0 [sflag:s5], $0x1  }
0xb2: {  	s4 =	sor.u32 @!p0 s4, s6;
	[sflag:s5] =	ssyncadd.s32 @!p0 $0xFFFFFFFF  }
0xb3: {  	s25 =	simm.s32 $0x1B8E;
	s24 =	sld [smem:$0x3FFE];
	[sflag:s4] =	ssyncadd.remote.s32 @!p0 $0x1  }
0xb4: {  	s26 =	simm.s32 $execute0_lowered;
	[smem:$0x3FD2] =	sst s25  }
0xb5: {  	s5 =	sshll.u32 s26, $0x1;
	_ =	strace $0x8000005B;
	[dreg:$0x1] =	wrdreg $0xFFFFFFFF  }
0xb6: {  	s28 =	simm.s32 $_size_execute0_lowered;
	s3 =	sadd.s32 s3, s5;
	[dreg:$0x0] =	wrdreg $0x0  }
0xb7: {  	s5 =	sshll.u32 s28, $0x1;
	[dreg:$0x2] =	wrdreg s3  }
0xb8: {  	[dreg:$0x3] =	wrdreg s5  }
0xb9: {  	[dreg:$0x4] =	wrdreg $0xC0  }
0xba: {  	_ =	task [dreg:s22], $0x5FFFF  }
0xbb: {  	[dreg:$0x1] =	wrdreg $0xFFFFFFFF  }
0xbc: {  	[dreg:$0x0] =	wrdreg $0x60  }
0xbd: {  	[dreg:$0x2] =	wrdreg s24  }
0xbe: {  	[dreg:$0x3] =	wrdreg $0x41000  }
0xbf: {  	[dreg:$0x4] =	wrdreg $0xA  }
0xc0: {  	_ =	task.clear_ibuf [dreg:s22], $0x5FFFF;
	_ =	strace $0x9000005B  }
0xc1: {  	s29 =	simm.s32 $0xA;
	_ =	strace $0x8000005D  }
0xc2: {  	_ =	swait.ge [sflag:s29], $0x1  }
0xc3: {  	[sflag:s29] =	ssyncadd.s32 $0xFFFFFFFF  }
0xc4: {  	_ =	strace $0x9000005D  }
0xc5: {  	_ =	sfence  }
0xc6: {  	s30 =	sld [smem:$0x0];
	_ =	sdelay $0x2  }
0xc7: {  	s31 =	sshll.u32 s1, $0xD;
	s1 =	sshrl.u32 s1, $0x2  }
0xc8: {  	s4 =	sand.u32 $0x4000, s31;
	s1 =	sadd.s32 s1, s30  }
0xc9: {  	s0 =	sor.u32 s4, s0;
	s1 =	sshll.u32 s1, $0x11  }
0xca: {  	s0 =	sor.u32 s1, s0  }
0xcb: {  	s0 =	sadd.s32 $0x8F2B, s0  }
0xcc: {  	[sflag:s0] =	ssyncadd.remote.s32 $0x1  }
0xcd: {  	_ =	sfence.sel $0xFFFF  }
0xce: {  	[dreg:$0x0] =	wrdreg $0xFFFFFFFF;
	(pc) =	sbr.abs _section_cstart, $3  }
0xcf: {  	[dreg:$0x1] =	wrdreg $0xFFFFFFFF  }
0xd0: {  	_ =	task.clear_ibuf [dreg:s22], $0x2FFFF;
	_ =	strace $0x9FFFFFFF  }
0xd1: {  	(tm) =	ssettm $0x7FFFFFFF  }
tec
execute0_lowered:
.L_overlay_start_1:
0x0: {  	(tag) =	ssettag $0x1  }
0x1: {  	s5 =	rddreg [dreg:$0x0];
	s0 =	srdreg.scid  }
0x2: {  	s2 =	rddreg [dreg:$0x1];
	s1 =	stileid.u32  }
0x3: {  	s3 =	simm.s32 $0x0;
	s13 =	simm.s32 $0x80;
	s14 =	simm.s32 $0x100  }
0x4: {  	s15 =	simm.s32 $0x1;
	s16 =	simm.s32 $0x0;
	s7 =	smul.u32 $0x14000, s1  }
0x5: {  	s4 =	sand.u32 $0x1, s0;
	s0 =	rddreg [dreg:$0x2];
	s10 =	smul.u32 $0x50000, s1  }
0x6: {  	[smem:$0x7FF] =	sst s3;
	s30 =	smul.u32 $0x2A0, s1;
	s31 =	sshll.u32 s1, $0x6  }
0x7: {  	s6 =	smul.u32 $0x2A00, s4;
	_ =	strace $0x8000005C;
	s26 =	ssub.s32 $0x2, s4  }
0x8: {  	p0 =	seq.s32 s4, $0x1;
	s4 =	sadd.s32 $0xBFC00, s5;
	s28 =	sshrl.u32 s26, $0x1  }
0x9: {  	s29 =	sshrl.u32 s10, $0x2;
	s8 =	sadd.s32 s6, s5;
	s6 =	sshrl.u32 s7, $0x3  }
0xa: {  	s12 =	sadd.s32 s29, s2;
	s7 =	sadd.s32 s6, s5;
	s9 =	sadd.s32 $0x28000, s6  }
0xb: {  	s10 =	sadd.s32 s30, s8;
	s6 =	smov.u32 @p0 s9;
	s9 =	ssub.s32 s26, s28  }
0xc: {  	s11 =	sadd.s32 s6, s5;
	s5 =	sadd.s32 $0x42000, s7;
	s6 =	sor.u32 $0x1C02, s31  }
0xd: {  	s7 =	smax.u32 s9, $0x1;
	s9 =	sadd.s32 $0x5800, s10;
	s10 =	sadd.s32 $0xBA800, s10  }
0xe: {  	s8 =	sadd.s32 $0x138E00, s11;
	s11 =	sshrl.u32 s12, $0x3;
	s12 =	simm.s32 $0x2  }
.LBB2_1:
0xf: {  	[spmem:s11], [sflag:s6] =	dma.local [hbm:s5], $0x2800  }
0x10: {  	_ =	swait.ge [sflag:s12], $0x2800  }
0x11: {  	[sflag:s12] =	ssyncset.done $0x0  }
0x12: {  	[sflag:s12] =	ssyncadd.s32 $0xFFFFD800  }
0x13: {  	s17 =	sadd.s32 $0x0, s10;
	[bflag:$0x0] =	sbarrier.arrive $0xFFFF  }
0x14: {  	[tilespmem:s3], [sflag:$0x2] =	stream.linear.gather [hbm4b:s17+s3], $0x80, $0x38;
	[tilespmem:$0x18100] =	vst v63  }
0x15: {  	_ =	swait.ge [sflag:s12], $0x80  }
0x16: {  	[sflag:s12] =	ssyncset.done $0x0  }
0x17: {  	s31 =	sadd.s32 $0x0, s9;
	[sflag:s12] =	ssyncadd.s32 $0xFFFFFF80  }
0x18: {  	[tilespmem:s13], [sflag:$0x2] =	stream.linear.gather [hbm4b:s31+s3], $0x80, $0x38;
	[tilespmem:$0x18100] =	vst v63  }
0x19: {  	_ =	swait.ge [sflag:s12], $0x80  }
0x1a: {  	[sflag:s12] =	ssyncset.done $0x0  }
0x1b: {  	[sflag:s12] =	ssyncadd.s32 $0xFFFFFF80  }
0x1c: {  	[tilespmem:s14], [sflag:$0x1] =	stream.indirect.gather [hbm4b:s4+s13], $0x80, s3, s13, $0xb8;
	[tilespmem:$0x18100] =	vst v63  }
0x1d: {  	_ =	swait.ge [sflag:s15], $0x4000  }
0x1e: {  	[sflag:s15] =	ssyncset.done $0x0  }
0x1f: {  	[sflag:s15] =	ssyncadd.s32 $0xFFFFC000  }
0x20: {  	[spmem:s2] =	stream.indirect.scatter.add.f32 [tilespmem:s14], [sflag:$0x2], $0x80, s13, s13, $0xb8;
	[tilespmem:$0x18100] =	vst v63  }
0x21: {  	_ =	swait.ge [sflag:s12], $0x4000  }
0x22: {  	s18 =	simm.s32 $0x20;
	s17 =	simm.s32 $0x10;
	[sflag:s12] =	ssyncset.done $0x0  }
.LBB2_2:
0x23: {  	s19 =	sadd.s32 s17, s10  }
0x24: {  	[sflag:s12] =	ssyncadd.s32 $0xFFFFC000;
	s20 =	smov.u32 s18;
	s21 =	sadd.s32 $0x10, s18  }
0x25: {  	[tilespmem:s3], [sflag:$0x2] =	stream.linear.gather [hbm4b:s19+s3], $0x80, $0x38;
	[tilespmem:$0x18100] =	vst v63  }
0x26: {  	p0 =	sne.s32 s18, $0x290;
	_ =	swait.ge [sflag:s12], $0x80  }
0x27: {  	[sflag:s12] =	ssyncset.done $0x0  }
0x28: {  	s18 =	sadd.s32 s17, s9;
	s17 =	smov.u32 s20;
	[sflag:s12] =	ssyncadd.s32 $0xFFFFFF80  }
0x29: {  	[tilespmem:s13], [sflag:$0x2] =	stream.linear.gather [hbm4b:s18+s3], $0x80, $0x38;
	[tilespmem:$0x18100] =	vst v63  }
0x2a: {  	_ =	swait.ge [sflag:s12], $0x80  }
0x2b: {  	[sflag:s12] =	ssyncset.done $0x0  }
0x2c: {  	[sflag:s12] =	ssyncadd.s32 $0xFFFFFF80  }
0x2d: {  	[tilespmem:s14], [sflag:$0x1] =	stream.indirect.gather [hbm4b:s4+s13], $0x80, s3, s13, $0xb8;
	[tilespmem:$0x18100] =	vst v63  }
0x2e: {  	_ =	swait.ge [sflag:s15], $0x4000  }
.Ltmp0:
0x2f: {  	[sflag:s15] =	ssyncset.done $0x0;
	(pc) =	sbr.rel @p0 .LBB2_2-.Ltmp0, $4  }
0x30: {  	[sflag:s15] =	ssyncadd.s32 $0xFFFFC000  }
0x31: {  	[spmem:s2] =	stream.indirect.scatter.add.f32 [tilespmem:s14], [sflag:$0x2], $0x80, s13, s13, $0xb8;
	[tilespmem:$0x18100] =	vst v63  }
0x32: {  	_ =	swait.ge [sflag:s12], $0x4000  }
0x33: {  	s18 =	smov.u32 s21;
	[sflag:s12] =	ssyncset.done $0x0  }
0x34: {  	s18 =	sadd.s32 s17, s10;
	[sflag:s12] =	ssyncadd.s32 $0xFFFFC000  }
0x35: {  	[tilespmem:s3], [sflag:$0x2] =	stream.linear.gather [hbm4b:s18+s3], $0x80, $0x38;
	[tilespmem:$0x18100] =	vst v63  }
0x36: {  	_ =	swait.ge [sflag:s12], $0x80  }
0x37: {  	[sflag:s12] =	ssyncset.done $0x0  }
0x38: {  	s31 =	sadd.s32 s17, s9;
	[sflag:s12] =	ssyncadd.s32 $0xFFFFFF80  }
0x39: {  	[tilespmem:s13], [sflag:$0x2] =	stream.linear.gather [hbm4b:s31+s3], $0x80, $0x38;
	[tilespmem:$0x18100] =	vst v63  }
0x3a: {  	_ =	swait.ge [sflag:s12], $0x80  }
0x3b: {  	[sflag:s12] =	ssyncset.done $0x0  }
0x3c: {  	[sflag:s12] =	ssyncadd.s32 $0xFFFFFF80  }
0x3d: {  	[tilespmem:s14], [sflag:$0x1] =	stream.indirect.gather [hbm4b:s4+s13], $0x80, s3, s13, $0xb8;
	[tilespmem:$0x18100] =	vst v63  }
0x3e: {  	_ =	swait.ge [sflag:s15], $0x4000  }
0x3f: {  	[sflag:s15] =	ssyncset.done $0x0  }
0x40: {  	[sflag:s15] =	ssyncadd.s32 $0xFFFFC000  }
0x41: {  	[spmem:s2] =	stream.indirect.scatter.add.f32 [tilespmem:s14], [sflag:$0x2], $0x80, s13, s13, $0xb8;
	[tilespmem:$0x18100] =	vst v63  }
0x42: {  	_ =	swait.ge [sflag:s12], $0x4000  }
0x43: {  	s16 =	sadd.s32 $0x1, s16;
	[sflag:s12] =	ssyncset.done $0x0  }
0x44: {  	p0 =	sne.s32 s16, s7;
	[sflag:s12] =	ssyncadd.s32 $0xFFFFC000  }
.Ltmp1:
0x45: {  	[bflag:$0x0] =	sbarrier.arrive $0xFFFF;
	(pc) =	sbr.rel @p0 .LBB2_1-.Ltmp1, $4  }
0x46: {  	[hbm:s8], [sflag:s6] =	dma.local [spmem:s11], $0x2800  }
0x47: {  	_ =	swait.ge [sflag:s12], $0x2800  }
0x48: {  	[sflag:s12] =	ssyncset.done $0x0  }
0x49: {  	[sflag:s12] =	ssyncadd.s32 $0xFFFFD800  }
0x4a: {  	_ =	sfence.sel $0x180000  }
0x4b: {  	[bflag:$0x0] =	sbarrier.arrive $0xFFFF  }
0x4c: {  	p0 =	sne.s32 s1, $0x0;
	_ =	strace $0x9000005C  }
0x4d: {  	s0 =	sadd.s32 @!p0 $0x100000, s0;
	[bflag:$0x2] =	sbarrier.arrive $0xFFFF  }
0x4e: {  	[sflag:s0] =	ssyncadd.tile.s32 @!p0 $0x1;
	_ =	shalt  }
.Lfunc_end2:
_tile_overlayer_lowered:
.L_overlay_start_2:
0x4f: {  	(tag) =	ssettag $0x2  }
0x50: {  	s0 =	rddreg [dreg:$0x0];
	s2 =	stileid.u32  }
0x51: {  	s1 =	rddreg [dreg:$0x1];
	p0 =	sne.s32 s2, $0x0  }
0x52: {  	s3 =	rddreg [dreg:$0x2];
	[bflag:$0x3] =	sbarrier.arrive $0xFFFF;
	s2 =	simm.s32 @!p0 $0x1C02  }
0x53: {  	[timem:s3], [sflag:s2] =	dma.local @!p0 [hbm:s0], s1  }
0x54: {  	s0 =	simm.s32 @!p0 $0x2  }
0x55: {  	_ =	swait.ge @!p0 [sflag:s0], s1  }
0x56: {  	s1 =	ssub.s32 @!p0 $0x0, s1;
	[sflag:s0] =	ssyncset.done @!p0 $0x0  }
0x57: {  	[sflag:s0] =	ssyncadd.s32 @!p0 s1  }
0x58: {  	[bflag:$0x3] =	sbarrier.arrive $0xFFFF  }
0x59: {  	_ =	shalt  }

// kernel: kernel.39.cloned.1.call-start
scs
__scs_entry_jumppad:
0x0: {  	(pc) =	sbr.rel $0x88, $3  }
0x1: {  	(tag) =	ssettag $0x0;
	lr =	simm.s32 $0x1  }
0x2: {  	[smem:$0x3F8B] =	sst lr;
	_ =	strace $0xD0000000  }
0x3: {  	_ = 	snop  }
0x4: {  	_ = 	snop  }
0x5: {  	_ = 	snop  }
0x6: {  	_ = 	snop  }
0x7: {  	_ = 	snop  }
__scs_overlays_trampoline_lowered:
0x8: {  	[smem:$0x3F9A] =	sst s0  }
0x9: {  	[smem:$0x3F9B] =	sst s1  }
0xa: {  	[smem:$0x3F9C] =	sst s2  }
0xb: {  	[smem:$0x3F9D] =	sst s3  }
0xc: {  	[smem:$0x3F9E] =	sst s4  }
0xd: {  	[smem:$0x3F9F] =	sst s5  }
0xe: {  	[smem:$0x3FA0] =	sst s6  }
0xf: {  	[smem:$0x3FA1] =	sst s7  }
0x10: {  	[smem:$0x3FA2] =	sst s8  }
0x11: {  	[smem:$0x3FA3] =	sst s9;
	s0 =	simm.s32 @!p0 $0x0  }
0x12: {  	s1 =	sld [smem:$0x3F89];
	s0 =	simm.s32 @p0 $0x1  }
0x13: {  	[smem:$0x3FA4] =	sst s0;
	s0 =	simm.s32 @!p1 $0x0  }
0x14: {  	s2 =	sld [smem:$0x3F88];
	s0 =	simm.s32 @p1 $0x1  }
0x15: {  	[smem:$0x3FA5] =	sst s0;
	s0 =	simm.s32 @!p2 $0x0  }
0x16: {  	s3 =	sld [smem:$0x3FDB];
	s0 =	simm.s32 @p2 $0x1  }
0x17: {  	s4 =	simm.s32 $0x1BF5;
	[smem:$0x3FA7] =	sst s0  }
0x18: {  	s0 =	sld [smem:$0x3F8A];
	_ =	swait.ge [sflag:s4], $0x0  }
0x19: {  	s7 =	sld [smem:$0x3F8B]  }
0x1a: {  	s8 =	sadd.s32 $0xFFFFE003, lr  }
0x1b: {  	s9 =	sadd.s32 $0xFFFFFEF7, lr;
	s5 =	simm.s32 $0xFFFFFFFF;
	p2 =	slt.u32 s8, $0xFFFFF086  }
0x1c: {  	p1 =	slt.u32 s9, $0xF7A;
	s5 =	simm.s32 @!p2 $0x0  }
0x1d: {  	s5 =	simm.s32 @p1 $0x1;
	p0 =	seq.s32 s7, s2  }
0x1e: {  	s7 =	smul.u32 @!p0 $0xF7A, s2;
	p2 =	seq.s32 @!p0 s5, $0x0  }
0x1f: {  	s9 =	smul.u32 $0xF7A, s1;
	s8 =	simm.s32 @!p0 $0x1BF5;
	p2 =	por !p2, p0  }
0x20: {  	[sflag:s8] =	ssyncset.s32 @!p0 $0xFFFFF086;
	s6 =	sadd.s32 @!p0 s3, s7;
	s7 =	simm.s32 @!p0 $0x108  }
0x21: {  	s3 =	sadd.s32 s3, s9;
	s6 =	sadd.s32 @!p0 $0x88, s6;
	s7 =	simm.s32 @p2 $0x1082  }
0x22: {  	[simem:s7], [sflag:s8] =	dma.local @!p0 [hbm:s6], $0xF7A  }
0x23: {  	s9 =	sor.u32 $0xD0000000, s2;
	s6 =	simm.s32 $0x108;
	_ =	swait.ge @!p0 [sflag:s8], $0x0  }
0x24: {  	s3 =	sadd.s32 $0x88, s3;
	s6 =	simm.s32 @!p1 $0x1082;
	[sflag:s4] =	ssyncset.s32 $0xFFFFF086  }
0x25: {  	[simem:s6], [sflag:s4] =	dma.local [hbm:s3], $0xF7A  }
0x26: {  	[smem:$0x3F8B] =	sst s1;
	(tag) =	ssettag s2;
	_ =	strace s9  }
0x27: {  	s1 =	sld [smem:$0x3F9B]  }
0x28: {  	s2 =	sld [smem:$0x3F9C]  }
0x29: {  	s4 =	sld [smem:$0x3F9E]  }
0x2a: {  	p0 =	seq.s32 s5, $0x0;
	s5 =	sld [smem:$0x3F9F]  }
0x2b: {  	s6 =	sld [smem:$0x3FA0]  }
0x2c: {  	s7 =	sld [smem:$0x3FA1]  }
0x2d: {  	s3 =	simm.s32 $0x108;
	s8 =	sld [smem:$0x3FA2]  }
0x2e: {  	s3 =	simm.s32 @!p0 $0x1082;
	s9 =	sld [smem:$0x3FA3]  }
0x2f: {  	lr =	sadd.s32 s0, s3;
	s0 =	sld [smem:$0x3F9A]  }
0x30: {  	s3 =	sld [smem:$0x3F9D]  }
0x31: {  	[smem:$0x3FA6] =	sst s10  }
0x32: {  	s10 =	sld [smem:$0x3FA4];
	_ =	sdelay $0x3  }
0x33: {  	p0 =	seq.s32 s10, $0x1;
	s10 =	sld [smem:$0x3FA6];
	_ =	sdelay $0x3  }
0x34: {  	[smem:$0x3FA6] =	sst s10  }
0x35: {  	s10 =	sld [smem:$0x3FA5];
	_ =	sdelay $0x3  }
0x36: {  	p1 =	seq.s32 s10, $0x1;
	s10 =	sld [smem:$0x3FA6];
	_ =	sdelay $0x3  }
0x37: {  	[smem:$0x3FA6] =	sst s10  }
0x38: {  	s10 =	sld [smem:$0x3FA7]  }
0x39: {  	_ = 	snop;
	(pc) =	sbr.ind lr, $3  }
0x3a: {  	_ = 	snop  }
0x3b: {  	_ = 	snop  }
0x3c: {  	p2 =	seq.s32 s10, $0x1;
	s10 =	sld [smem:$0x3FA6]  }
0x3d: {  	_ =	shalt  }
0x3e: {  	_ =	shalt  }
0x3f: {  	_ =	shalt  }
0x40: {  	_ =	shalt  }
0x41: {  	_ =	shalt  }
0x42: {  	_ =	shalt  }
0x43: {  	_ =	shalt  }
0x44: {  	_ =	shalt  }
0x45: {  	_ =	shalt  }
0x46: {  	_ =	shalt  }
0x47: {  	_ =	shalt  }
0x48: {  	_ =	shalt  }
0x49: {  	_ =	shalt  }
0x4a: {  	_ =	shalt  }
0x4b: {  	_ =	shalt  }
0x4c: {  	_ =	shalt  }
0x4d: {  	_ =	shalt  }
0x4e: {  	_ =	shalt  }
0x4f: {  	_ =	shalt  }
0x50: {  	_ =	shalt  }
0x51: {  	_ =	shalt  }
0x52: {  	_ =	shalt  }
0x53: {  	_ =	shalt  }
0x54: {  	_ =	shalt  }
0x55: {  	_ =	shalt  }
0x56: {  	_ =	shalt  }
0x57: {  	_ =	shalt  }
0x58: {  	_ =	shalt  }
0x59: {  	_ =	shalt  }
0x5a: {  	_ =	shalt  }
0x5b: {  	_ =	shalt  }
0x5c: {  	_ =	shalt  }
0x5d: {  	_ =	shalt  }
0x5e: {  	_ =	shalt  }
0x5f: {  	_ =	shalt  }
0x60: {  	_ =	shalt  }
0x61: {  	_ =	shalt  }
0x62: {  	_ =	shalt  }
0x63: {  	_ =	shalt  }
0x64: {  	_ =	shalt  }
0x65: {  	_ =	shalt  }
0x66: {  	_ =	shalt  }
0x67: {  	_ =	shalt  }
0x68: {  	_ =	shalt  }
0x69: {  	_ =	shalt  }
0x6a: {  	_ =	shalt  }
0x6b: {  	_ =	shalt  }
0x6c: {  	_ =	shalt  }
0x6d: {  	_ =	shalt  }
0x6e: {  	_ =	shalt  }
0x6f: {  	_ =	shalt  }
0x70: {  	_ =	shalt  }
0x71: {  	_ =	shalt  }
0x72: {  	_ =	shalt  }
0x73: {  	_ =	shalt  }
0x74: {  	_ =	shalt  }
0x75: {  	_ =	shalt  }
0x76: {  	_ =	shalt  }
0x77: {  	_ =	shalt  }
0x78: {  	_ =	shalt  }
0x79: {  	_ =	shalt  }
0x7a: {  	_ =	shalt  }
0x7b: {  	_ =	shalt  }
0x7c: {  	_ =	shalt  }
0x7d: {  	_ =	shalt  }
0x7e: {  	_ =	shalt  }
0x7f: {  	_ =	shalt  }
0x80: {  	_ =	shalt  }
0x81: {  	_ =	shalt  }
0x82: {  	_ =	shalt  }
0x83: {  	_ =	shalt  }
0x84: {  	_ =	shalt  }
0x85: {  	_ =	shalt  }
0x86: {  	_ =	shalt  }
0x87: {  	_ =	shalt  }
.Lfunc_end0:
.L_simem_size_0:
called_computation.10_lowered:
.L_overlay_start_0:
0x88: {  	s2 =	sld [smem:$0x3FD9]  }
0x89: {  	s3 =	sld [smem:$0x3FFE];
	_ =	sdelay $0x1  }
0x8a: {  	s1 =	srdreg.scid  }
0x8b: {  	s0 =	sand.u32 $0x1, s1  }
0x8c: {  	s17 =	sshll.u32 s0, $0xA;
	s2 =	sadd.s32 s3, s2  }
0x8d: {  	s2 =	sadd.s32 s2, s17  }
0x8e: {  	[smem:$0x3FB2] =	sst s2  }
0x8f: {  	_ = 	snop  }
0x90: {  	(tm) =	ssettm $0x1  }
0x91: {  	s18 =	sld [smem:$0x3FFB];
	_ =	sdelay $0x3  }
0x92: {  	_ =	strace s18  }
0x93: {  	s2 =	sld [smem:$0x3FFC];
	_ =	sdelay $0x3  }
0x94: {  	_ =	strace s2  }
0x95: {  	s2 =	sld [smem:$0x3FFD];
	_ =	sdelay $0x3  }
0x96: {  	_ =	strace s2  }
0x97: {  	_ =	strace $0x8FFFFFFF  }
0x98: {  	s19 =	sld [smem:$0x3FDB];
	_ =	sdelay $0x1  }
0x99: {  	s20 =	simm.s32 $_scs_section_size  }
0x9a: {  	s4 =	simm.s32 $_size__tile_overlayer_lowered;
	s5 =	simm.s32 $_tile_overlayer_lowered  }
0x9b: {  	s6 =	simm.s32 $0x1BFF;
	s21 =	sshll.u32 s5, $0x1;
	s3 =	sadd.s32 s20, s19  }
0x9c: {  	s22 =	simm.s32 $0x0;
	s4 =	sshll.u32 s4, $0x1;
	s5 =	sadd.s32 s21, s3  }
0x9d: {  	[timem:s22], [sflag:s6] =	dma.local [hbm:s5], s4  }
0x9e: {  	_ =	swait.ge [sflag:s6], s4  }
0x9f: {  	s4 =	ssub.s32 $0x0, s4;
	[sflag:s6] =	ssyncset.done $0x0  }
0xa0: {  	[sflag:s6] =	ssyncadd.s32 s4;
	_ =	sdelay $0x1  }
0xa1: {  	s23 =	simm.s32 $0x1B8B  }
0xa2: {  	_ =	swait.ge [sflag:s23], $0x1  }
0xa3: {  	[sflag:s23] =	ssyncset.done $0x0  }
0xa4: {  	[sflag:s23] =	ssyncadd.s32 $0xFFFFFFFF  }
0xa5: {  	s4 =	sld [smem:$0x0]  }
0xa6: {  	s5 =	sand.u32 $0xFFFFFFFE, s1  }
0xa7: {  	p0 =	sne.s32 s1, s5  }
0xa8: {  	s5 =	sshll.u32 @p0 s5, $0xE  }
0xa9: {  	s5 =	sadd.s32 @p0 $0x11B8D, s5;
	s6 =	sshll.u32 @p0 s4, $0x11  }
0xaa: {  	s5 =	sor.u32 @p0 s6, s5  }
0xab: {  	[sflag:s5] =	ssyncadd.remote.s32 @p0 $0x1;
	_ =	sdelay $0x1  }
0xac: {  	s5 =	simm.s32 @p0 $0x1B8D  }
0xad: {  	_ =	swait.eq @p0 [sflag:s5], $0x1  }
0xae: {  	[sflag:s5] =	ssyncadd.s32 @p0 $0xFFFFFFFF  }
0xaf: {  	s6 =	sshll.u32 @!p0 s1, $0xE  }
0xb0: {  	s6 =	sor.u32 @!p0 $0x4000, s6;
	s5 =	simm.s32 @!p0 $0x1B8D  }
0xb1: {  	s4 =	sshll.u32 @!p0 s4, $0x11;
	s6 =	sadd.s32 @!p0 $0x11B8D, s6;
	_ =	swait.eq @!p0 [sflag:s5], $0x1  }
0xb2: {  	s4 =	sor.u32 @!p0 s4, s6;
	[sflag:s5] =	ssyncadd.s32 @!p0 $0xFFFFFFFF  }
0xb3: {  	s25 =	simm.s32 $0x1B8E;
	s24 =	sld [smem:$0x3FFE];
	[sflag:s4] =	ssyncadd.remote.s32 @!p0 $0x1  }
0xb4: {  	s26 =	simm.s32 $execute0_lowered;
	[smem:$0x3FD2] =	sst s25  }
0xb5: {  	s5 =	sshll.u32 s26, $0x1;
	_ =	strace $0x80000061;
	[dreg:$0x1] =	wrdreg $0xFFFFFFFF  }
0xb6: {  	s28 =	simm.s32 $_size_execute0_lowered;
	s3 =	sadd.s32 s3, s5;
	[dreg:$0x0] =	wrdreg $0x0  }
0xb7: {  	s5 =	sshll.u32 s28, $0x1;
	[dreg:$0x2] =	wrdreg s3  }
0xb8: {  	[dreg:$0x3] =	wrdreg s5  }
0xb9: {  	[dreg:$0x4] =	wrdreg $0xC0  }
0xba: {  	_ =	task [dreg:s22], $0x5FFFF  }
0xbb: {  	[dreg:$0x1] =	wrdreg $0xFFFFFFFF  }
0xbc: {  	[dreg:$0x0] =	wrdreg $0x60  }
0xbd: {  	[dreg:$0x2] =	wrdreg s24  }
0xbe: {  	[dreg:$0x3] =	wrdreg $0x41000  }
0xbf: {  	[dreg:$0x4] =	wrdreg $0xA  }
0xc0: {  	_ =	task.clear_ibuf [dreg:s22], $0x5FFFF;
	_ =	strace $0x90000061  }
0xc1: {  	s29 =	simm.s32 $0xA;
	_ =	strace $0x80000063  }
0xc2: {  	_ =	swait.ge [sflag:s29], $0x1  }
0xc3: {  	[sflag:s29] =	ssyncadd.s32 $0xFFFFFFFF  }
0xc4: {  	_ =	strace $0x90000063  }
0xc5: {  	_ =	sfence  }
0xc6: {  	s30 =	sld [smem:$0x0];
	_ =	sdelay $0x2  }
0xc7: {  	s31 =	sshll.u32 s1, $0xD;
	s1 =	sshrl.u32 s1, $0x2  }
0xc8: {  	s4 =	sand.u32 $0x4000, s31;
	s1 =	sadd.s32 s1, s30  }
0xc9: {  	s0 =	sor.u32 s4, s0;
	s1 =	sshll.u32 s1, $0x11  }
0xca: {  	s0 =	sor.u32 s1, s0  }
0xcb: {  	s0 =	sadd.s32 $0x8F2B, s0  }
0xcc: {  	[sflag:s0] =	ssyncadd.remote.s32 $0x1  }
0xcd: {  	_ =	sfence.sel $0xFFFF  }
0xce: {  	[dreg:$0x0] =	wrdreg $0xFFFFFFFF;
	(pc) =	sbr.abs _section_cstart, $3  }
0xcf: {  	[dreg:$0x1] =	wrdreg $0xFFFFFFFF  }
0xd0: {  	_ =	task.clear_ibuf [dreg:s22], $0x2FFFF;
	_ =	strace $0x9FFFFFFF  }
0xd1: {  	(tm) =	ssettm $0x7FFFFFFF  }
tec
execute0_lowered:
.L_overlay_start_1:
0x0: {  	(tag) =	ssettag $0x1  }
0x1: {  	s5 =	rddreg [dreg:$0x0];
	s0 =	srdreg.scid  }
0x2: {  	s2 =	rddreg [dreg:$0x1];
	s1 =	stileid.u32  }
0x3: {  	s3 =	simm.s32 $0x0;
	s13 =	simm.s32 $0x80;
	s14 =	simm.s32 $0x100  }
0x4: {  	s15 =	simm.s32 $0x1;
	s16 =	simm.s32 $0x0;
	s7 =	smul.u32 $0x14000, s1  }
0x5: {  	s4 =	sand.u32 $0x1, s0;
	s0 =	rddreg [dreg:$0x2];
	s10 =	smul.u32 $0x50000, s1  }
0x6: {  	[smem:$0x7FF] =	sst s3;
	s30 =	smul.u32 $0x2A0, s1;
	s31 =	sshll.u32 s1, $0x6  }
0x7: {  	s6 =	smul.u32 $0x2A00, s4;
	_ =	strace $0x80000062;
	s26 =	ssub.s32 $0x2, s4  }
0x8: {  	p0 =	seq.s32 s4, $0x1;
	s4 =	sadd.s32 $0xBFC00, s5;
	s28 =	sshrl.u32 s26, $0x1  }
0x9: {  	s29 =	sshrl.u32 s10, $0x2;
	s8 =	sadd.s32 s6, s5;
	s6 =	sshrl.u32 s7, $0x3  }
0xa: {  	s12 =	sadd.s32 s29, s2;
	s7 =	sadd.s32 s6, s5;
	s9 =	sadd.s32 $0x28000, s6  }
0xb: {  	s10 =	sadd.s32 s30, s8;
	s6 =	smov.u32 @p0 s9;
	s9 =	ssub.s32 s26, s28  }
0xc: {  	s11 =	sadd.s32 s6, s5;
	s5 =	sadd.s32 $0x42000, s7;
	s6 =	sor.u32 $0x1C02, s31  }
0xd: {  	s7 =	smax.u32 s9, $0x1;
	s9 =	sadd.s32 $0x5800, s10;
	s10 =	sadd.s32 $0xBA800, s10  }
0xe: {  	s8 =	sadd.s32 $0x138E00, s11;
	s11 =	sshrl.u32 s12, $0x3;
	s12 =	simm.s32 $0x2  }
.LBB2_1:
0xf: {  	[spmem:s11], [sflag:s6] =	dma.local [hbm:s5], $0x2800  }
0x10: {  	_ =	swait.ge [sflag:s12], $0x2800  }
0x11: {  	[sflag:s12] =	ssyncset.done $0x0  }
0x12: {  	[sflag:s12] =	ssyncadd.s32 $0xFFFFD800  }
0x13: {  	s17 =	sadd.s32 $0x0, s10;
	[bflag:$0x0] =	sbarrier.arrive $0xFFFF  }
0x14: {  	[tilespmem:s3], [sflag:$0x2] =	stream.linear.gather [hbm4b:s17+s3], $0x80, $0x38;
	[tilespmem:$0x18100] =	vst v63  }
0x15: {  	_ =	swait.ge [sflag:s12], $0x80  }
0x16: {  	[sflag:s12] =	ssyncset.done $0x0  }
0x17: {  	s31 =	sadd.s32 $0x0, s9;
	[sflag:s12] =	ssyncadd.s32 $0xFFFFFF80  }
0x18: {  	[tilespmem:s13], [sflag:$0x2] =	stream.linear.gather [hbm4b:s31+s3], $0x80, $0x38;
	[tilespmem:$0x18100] =	vst v63  }
0x19: {  	_ =	swait.ge [sflag:s12], $0x80  }
0x1a: {  	[sflag:s12] =	ssyncset.done $0x0  }
0x1b: {  	[sflag:s12] =	ssyncadd.s32 $0xFFFFFF80  }
0x1c: {  	[tilespmem:s14], [sflag:$0x1] =	stream.indirect.gather [hbm4b:s4+s13], $0x80, s3, s13, $0xb8;
	[tilespmem:$0x18100] =	vst v63  }
0x1d: {  	_ =	swait.ge [sflag:s15], $0x4000  }
0x1e: {  	[sflag:s15] =	ssyncset.done $0x0  }
0x1f: {  	[sflag:s15] =	ssyncadd.s32 $0xFFFFC000  }
0x20: {  	[spmem:s2] =	stream.indirect.scatter.add.f32 [tilespmem:s14], [sflag:$0x2], $0x80, s13, s13, $0xb8;
	[tilespmem:$0x18100] =	vst v63  }
0x21: {  	_ =	swait.ge [sflag:s12], $0x4000  }
0x22: {  	s18 =	simm.s32 $0x20;
	s17 =	simm.s32 $0x10;
	[sflag:s12] =	ssyncset.done $0x0  }
.LBB2_2:
0x23: {  	s19 =	sadd.s32 s17, s10  }
0x24: {  	[sflag:s12] =	ssyncadd.s32 $0xFFFFC000;
	s20 =	smov.u32 s18;
	s21 =	sadd.s32 $0x10, s18  }
0x25: {  	[tilespmem:s3], [sflag:$0x2] =	stream.linear.gather [hbm4b:s19+s3], $0x80, $0x38;
	[tilespmem:$0x18100] =	vst v63  }
0x26: {  	p0 =	sne.s32 s18, $0x290;
	_ =	swait.ge [sflag:s12], $0x80  }
0x27: {  	[sflag:s12] =	ssyncset.done $0x0  }
0x28: {  	s18 =	sadd.s32 s17, s9;
	s17 =	smov.u32 s20;
	[sflag:s12] =	ssyncadd.s32 $0xFFFFFF80  }
0x29: {  	[tilespmem:s13], [sflag:$0x2] =	stream.linear.gather [hbm4b:s18+s3], $0x80, $0x38;
	[tilespmem:$0x18100] =	vst v63  }
0x2a: {  	_ =	swait.ge [sflag:s12], $0x80  }
0x2b: {  	[sflag:s12] =	ssyncset.done $0x0  }
0x2c: {  	[sflag:s12] =	ssyncadd.s32 $0xFFFFFF80  }
0x2d: {  	[tilespmem:s14], [sflag:$0x1] =	stream.indirect.gather [hbm4b:s4+s13], $0x80, s3, s13, $0xb8;
	[tilespmem:$0x18100] =	vst v63  }
0x2e: {  	_ =	swait.ge [sflag:s15], $0x4000  }
.Ltmp0:
0x2f: {  	[sflag:s15] =	ssyncset.done $0x0;
	(pc) =	sbr.rel @p0 .LBB2_2-.Ltmp0, $4  }
0x30: {  	[sflag:s15] =	ssyncadd.s32 $0xFFFFC000  }
0x31: {  	[spmem:s2] =	stream.indirect.scatter.add.f32 [tilespmem:s14], [sflag:$0x2], $0x80, s13, s13, $0xb8;
	[tilespmem:$0x18100] =	vst v63  }
0x32: {  	_ =	swait.ge [sflag:s12], $0x4000  }
0x33: {  	s18 =	smov.u32 s21;
	[sflag:s12] =	ssyncset.done $0x0  }
0x34: {  	s18 =	sadd.s32 s17, s10;
	[sflag:s12] =	ssyncadd.s32 $0xFFFFC000  }
0x35: {  	[tilespmem:s3], [sflag:$0x2] =	stream.linear.gather [hbm4b:s18+s3], $0x80, $0x38;
	[tilespmem:$0x18100] =	vst v63  }
0x36: {  	_ =	swait.ge [sflag:s12], $0x80  }
0x37: {  	[sflag:s12] =	ssyncset.done $0x0  }
0x38: {  	s31 =	sadd.s32 s17, s9;
	[sflag:s12] =	ssyncadd.s32 $0xFFFFFF80  }
0x39: {  	[tilespmem:s13], [sflag:$0x2] =	stream.linear.gather [hbm4b:s31+s3], $0x80, $0x38;
	[tilespmem:$0x18100] =	vst v63  }
0x3a: {  	_ =	swait.ge [sflag:s12], $0x80  }
0x3b: {  	[sflag:s12] =	ssyncset.done $0x0  }
0x3c: {  	[sflag:s12] =	ssyncadd.s32 $0xFFFFFF80  }
0x3d: {  	[tilespmem:s14], [sflag:$0x1] =	stream.indirect.gather [hbm4b:s4+s13], $0x80, s3, s13, $0xb8;
	[tilespmem:$0x18100] =	vst v63  }
0x3e: {  	_ =	swait.ge [sflag:s15], $0x4000  }
0x3f: {  	[sflag:s15] =	ssyncset.done $0x0  }
0x40: {  	[sflag:s15] =	ssyncadd.s32 $0xFFFFC000  }
0x41: {  	[spmem:s2] =	stream.indirect.scatter.add.f32 [tilespmem:s14], [sflag:$0x2], $0x80, s13, s13, $0xb8;
	[tilespmem:$0x18100] =	vst v63  }
0x42: {  	_ =	swait.ge [sflag:s12], $0x4000  }
0x43: {  	s16 =	sadd.s32 $0x1, s16;
	[sflag:s12] =	ssyncset.done $0x0  }
0x44: {  	p0 =	sne.s32 s16, s7;
	[sflag:s12] =	ssyncadd.s32 $0xFFFFC000  }
.Ltmp1:
0x45: {  	[bflag:$0x0] =	sbarrier.arrive $0xFFFF;
	(pc) =	sbr.rel @p0 .LBB2_1-.Ltmp1, $4  }
0x46: {  	[hbm:s8], [sflag:s6] =	dma.local [spmem:s11], $0x2800  }
0x47: {  	_ =	swait.ge [sflag:s12], $0x2800  }
0x48: {  	[sflag:s12] =	ssyncset.done $0x0  }
0x49: {  	[sflag:s12] =	ssyncadd.s32 $0xFFFFD800  }
0x4a: {  	_ =	sfence.sel $0x180000  }
0x4b: {  	[bflag:$0x0] =	sbarrier.arrive $0xFFFF  }
0x4c: {  	p0 =	sne.s32 s1, $0x0;
	_ =	strace $0x90000062  }
0x4d: {  	s0 =	sadd.s32 @!p0 $0x100000, s0;
	[bflag:$0x2] =	sbarrier.arrive $0xFFFF  }
0x4e: {  	[sflag:s0] =	ssyncadd.tile.s32 @!p0 $0x1;
	_ =	shalt  }
.Lfunc_end2:
_tile_overlayer_lowered:
.L_overlay_start_2:
0x4f: {  	(tag) =	ssettag $0x2  }
0x50: {  	s0 =	rddreg [dreg:$0x0];
	s2 =	stileid.u32  }
0x51: {  	s1 =	rddreg [dreg:$0x1];
	p0 =	sne.s32 s2, $0x0  }
0x52: {  	s3 =	rddreg [dreg:$0x2];
	[bflag:$0x3] =	sbarrier.arrive $0xFFFF;
	s2 =	simm.s32 @!p0 $0x1C02  }
0x53: {  	[timem:s3], [sflag:s2] =	dma.local @!p0 [hbm:s0], s1  }
0x54: {  	s0 =	simm.s32 @!p0 $0x2  }
0x55: {  	_ =	swait.ge @!p0 [sflag:s0], s1  }
0x56: {  	s1 =	ssub.s32 @!p0 $0x0, s1;
	[sflag:s0] =	ssyncset.done @!p0 $0x0  }
0x57: {  	[sflag:s0] =	ssyncadd.s32 @!p0 s1  }
0x58: {  	[bflag:$0x3] =	sbarrier.arrive $0xFFFF  }
0x59: {  	_ =	shalt  }

// kernel: kernel.42.cloned.1.call-start
scs
__scs_entry_jumppad:
0x0: {  	(pc) =	sbr.rel $0x88, $3  }
0x1: {  	(tag) =	ssettag $0x0;
	lr =	simm.s32 $0x1  }
0x2: {  	[smem:$0x3F8B] =	sst lr;
	_ =	strace $0xD0000000  }
0x3: {  	_ = 	snop  }
0x4: {  	_ = 	snop  }
0x5: {  	_ = 	snop  }
0x6: {  	_ = 	snop  }
0x7: {  	_ = 	snop  }
__scs_overlays_trampoline_lowered:
0x8: {  	[smem:$0x3F9A] =	sst s0  }
0x9: {  	[smem:$0x3F9B] =	sst s1  }
0xa: {  	[smem:$0x3F9C] =	sst s2  }
0xb: {  	[smem:$0x3F9D] =	sst s3  }
0xc: {  	[smem:$0x3F9E] =	sst s4  }
0xd: {  	[smem:$0x3F9F] =	sst s5  }
0xe: {  	[smem:$0x3FA0] =	sst s6  }
0xf: {  	[smem:$0x3FA1] =	sst s7  }
0x10: {  	[smem:$0x3FA2] =	sst s8  }
0x11: {  	[smem:$0x3FA3] =	sst s9;
	s0 =	simm.s32 @!p0 $0x0  }
0x12: {  	s1 =	sld [smem:$0x3F89];
	s0 =	simm.s32 @p0 $0x1  }
0x13: {  	[smem:$0x3FA4] =	sst s0;
	s0 =	simm.s32 @!p1 $0x0  }
0x14: {  	s2 =	sld [smem:$0x3F88];
	s0 =	simm.s32 @p1 $0x1  }
0x15: {  	[smem:$0x3FA5] =	sst s0;
	s0 =	simm.s32 @!p2 $0x0  }
0x16: {  	s3 =	sld [smem:$0x3FDB];
	s0 =	simm.s32 @p2 $0x1  }
0x17: {  	s4 =	simm.s32 $0x1BF5;
	[smem:$0x3FA7] =	sst s0  }
0x18: {  	s0 =	sld [smem:$0x3F8A];
	_ =	swait.ge [sflag:s4], $0x0  }
0x19: {  	s7 =	sld [smem:$0x3F8B]  }
0x1a: {  	s8 =	sadd.s32 $0xFFFFE003, lr  }
0x1b: {  	s9 =	sadd.s32 $0xFFFFFEF7, lr;
	s5 =	simm.s32 $0xFFFFFFFF;
	p2 =	slt.u32 s8, $0xFFFFF086  }
0x1c: {  	p1 =	slt.u32 s9, $0xF7A;
	s5 =	simm.s32 @!p2 $0x0  }
0x1d: {  	s5 =	simm.s32 @p1 $0x1;
	p0 =	seq.s32 s7, s2  }
0x1e: {  	s7 =	smul.u32 @!p0 $0xF7A, s2;
	p2 =	seq.s32 @!p0 s5, $0x0  }
0x1f: {  	s9 =	smul.u32 $0xF7A, s1;
	s8 =	simm.s32 @!p0 $0x1BF5;
	p2 =	por !p2, p0  }
0x20: {  	[sflag:s8] =	ssyncset.s32 @!p0 $0xFFFFF086;
	s6 =	sadd.s32 @!p0 s3, s7;
	s7 =	simm.s32 @!p0 $0x108  }
0x21: {  	s3 =	sadd.s32 s3, s9;
	s6 =	sadd.s32 @!p0 $0x88, s6;
	s7 =	simm.s32 @p2 $0x1082  }
0x22: {  	[simem:s7], [sflag:s8] =	dma.local @!p0 [hbm:s6], $0xF7A  }
0x23: {  	s9 =	sor.u32 $0xD0000000, s2;
	s6 =	simm.s32 $0x108;
	_ =	swait.ge @!p0 [sflag:s8], $0x0  }
0x24: {  	s3 =	sadd.s32 $0x88, s3;
	s6 =	simm.s32 @!p1 $0x1082;
	[sflag:s4] =	ssyncset.s32 $0xFFFFF086  }
0x25: {  	[simem:s6], [sflag:s4] =	dma.local [hbm:s3], $0xF7A  }
0x26: {  	[smem:$0x3F8B] =	sst s1;
	(tag) =	ssettag s2;
	_ =	strace s9  }
0x27: {  	s1 =	sld [smem:$0x3F9B]  }
0x28: {  	s2 =	sld [smem:$0x3F9C]  }
0x29: {  	s4 =	sld [smem:$0x3F9E]  }
0x2a: {  	p0 =	seq.s32 s5, $0x0;
	s5 =	sld [smem:$0x3F9F]  }
0x2b: {  	s6 =	sld [smem:$0x3FA0]  }
0x2c: {  	s7 =	sld [smem:$0x3FA1]  }
0x2d: {  	s3 =	simm.s32 $0x108;
	s8 =	sld [smem:$0x3FA2]  }
0x2e: {  	s3 =	simm.s32 @!p0 $0x1082;
	s9 =	sld [smem:$0x3FA3]  }
0x2f: {  	lr =	sadd.s32 s0, s3;
	s0 =	sld [smem:$0x3F9A]  }
0x30: {  	s3 =	sld [smem:$0x3F9D]  }
0x31: {  	[smem:$0x3FA6] =	sst s10  }
0x32: {  	s10 =	sld [smem:$0x3FA4];
	_ =	sdelay $0x3  }
0x33: {  	p0 =	seq.s32 s10, $0x1;
	s10 =	sld [smem:$0x3FA6];
	_ =	sdelay $0x3  }
0x34: {  	[smem:$0x3FA6] =	sst s10  }
0x35: {  	s10 =	sld [smem:$0x3FA5];
	_ =	sdelay $0x3  }
0x36: {  	p1 =	seq.s32 s10, $0x1;
	s10 =	sld [smem:$0x3FA6];
	_ =	sdelay $0x3  }
0x37: {  	[smem:$0x3FA6] =	sst s10  }
0x38: {  	s10 =	sld [smem:$0x3FA7]  }
0x39: {  	_ = 	snop;
	(pc) =	sbr.ind lr, $3  }
0x3a: {  	_ = 	snop  }
0x3b: {  	_ = 	snop  }
0x3c: {  	p2 =	seq.s32 s10, $0x1;
	s10 =	sld [smem:$0x3FA6]  }
0x3d: {  	_ =	shalt  }
0x3e: {  	_ =	shalt  }
0x3f: {  	_ =	shalt  }
0x40: {  	_ =	shalt  }
0x41: {  	_ =	shalt  }
0x42: {  	_ =	shalt  }
0x43: {  	_ =	shalt  }
0x44: {  	_ =	shalt  }
0x45: {  	_ =	shalt  }
0x46: {  	_ =	shalt  }
0x47: {  	_ =	shalt  }
0x48: {  	_ =	shalt  }
0x49: {  	_ =	shalt  }
0x4a: {  	_ =	shalt  }
0x4b: {  	_ =	shalt  }
0x4c: {  	_ =	shalt  }
0x4d: {  	_ =	shalt  }
0x4e: {  	_ =	shalt  }
0x4f: {  	_ =	shalt  }
0x50: {  	_ =	shalt  }
0x51: {  	_ =	shalt  }
0x52: {  	_ =	shalt  }
0x53: {  	_ =	shalt  }
0x54: {  	_ =	shalt  }
0x55: {  	_ =	shalt  }
0x56: {  	_ =	shalt  }
0x57: {  	_ =	shalt  }
0x58: {  	_ =	shalt  }
0x59: {  	_ =	shalt  }
0x5a: {  	_ =	shalt  }
0x5b: {  	_ =	shalt  }
0x5c: {  	_ =	shalt  }
0x5d: {  	_ =	shalt  }
0x5e: {  	_ =	shalt  }
0x5f: {  	_ =	shalt  }
0x60: {  	_ =	shalt  }
0x61: {  	_ =	shalt  }
0x62: {  	_ =	shalt  }
0x63: {  	_ =	shalt  }
0x64: {  	_ =	shalt  }
0x65: {  	_ =	shalt  }
0x66: {  	_ =	shalt  }
0x67: {  	_ =	shalt  }
0x68: {  	_ =	shalt  }
0x69: {  	_ =	shalt  }
0x6a: {  	_ =	shalt  }
0x6b: {  	_ =	shalt  }
0x6c: {  	_ =	shalt  }
0x6d: {  	_ =	shalt  }
0x6e: {  	_ =	shalt  }
0x6f: {  	_ =	shalt  }
0x70: {  	_ =	shalt  }
0x71: {  	_ =	shalt  }
0x72: {  	_ =	shalt  }
0x73: {  	_ =	shalt  }
0x74: {  	_ =	shalt  }
0x75: {  	_ =	shalt  }
0x76: {  	_ =	shalt  }
0x77: {  	_ =	shalt  }
0x78: {  	_ =	shalt  }
0x79: {  	_ =	shalt  }
0x7a: {  	_ =	shalt  }
0x7b: {  	_ =	shalt  }
0x7c: {  	_ =	shalt  }
0x7d: {  	_ =	shalt  }
0x7e: {  	_ =	shalt  }
0x7f: {  	_ =	shalt  }
0x80: {  	_ =	shalt  }
0x81: {  	_ =	shalt  }
0x82: {  	_ =	shalt  }
0x83: {  	_ =	shalt  }
0x84: {  	_ =	shalt  }
0x85: {  	_ =	shalt  }
0x86: {  	_ =	shalt  }
0x87: {  	_ =	shalt  }
.Lfunc_end0:
.L_simem_size_0:
called_computation.11_lowered:
.L_overlay_start_0:
0x88: {  	s2 =	sld [smem:$0x3FD9]  }
0x89: {  	s3 =	sld [smem:$0x3FFE];
	_ =	sdelay $0x1  }
0x8a: {  	s1 =	srdreg.scid  }
0x8b: {  	s0 =	sand.u32 $0x1, s1  }
0x8c: {  	s17 =	sshll.u32 s0, $0xA;
	s2 =	sadd.s32 s3, s2  }
0x8d: {  	s2 =	sadd.s32 s2, s17  }
0x8e: {  	[smem:$0x3FB2] =	sst s2  }
0x8f: {  	_ = 	snop  }
0x90: {  	(tm) =	ssettm $0x1  }
0x91: {  	s18 =	sld [smem:$0x3FFB];
	_ =	sdelay $0x3  }
0x92: {  	_ =	strace s18  }
0x93: {  	s2 =	sld [smem:$0x3FFC];
	_ =	sdelay $0x3  }
0x94: {  	_ =	strace s2  }
0x95: {  	s2 =	sld [smem:$0x3FFD];
	_ =	sdelay $0x3  }
0x96: {  	_ =	strace s2  }
0x97: {  	_ =	strace $0x8FFFFFFF  }
0x98: {  	s19 =	sld [smem:$0x3FDB];
	_ =	sdelay $0x1  }
0x99: {  	s20 =	simm.s32 $_scs_section_size  }
0x9a: {  	s4 =	simm.s32 $_size__tile_overlayer_lowered;
	s5 =	simm.s32 $_tile_overlayer_lowered  }
0x9b: {  	s6 =	simm.s32 $0x1BFF;
	s21 =	sshll.u32 s5, $0x1;
	s3 =	sadd.s32 s20, s19  }
0x9c: {  	s22 =	simm.s32 $0x0;
	s4 =	sshll.u32 s4, $0x1;
	s5 =	sadd.s32 s21, s3  }
0x9d: {  	[timem:s22], [sflag:s6] =	dma.local [hbm:s5], s4  }
0x9e: {  	_ =	swait.ge [sflag:s6], s4  }
0x9f: {  	s4 =	ssub.s32 $0x0, s4;
	[sflag:s6] =	ssyncset.done $0x0  }
0xa0: {  	[sflag:s6] =	ssyncadd.s32 s4;
	_ =	sdelay $0x1  }
0xa1: {  	s23 =	simm.s32 $0x1B8B  }
0xa2: {  	_ =	swait.ge [sflag:s23], $0x1  }
0xa3: {  	[sflag:s23] =	ssyncset.done $0x0  }
0xa4: {  	[sflag:s23] =	ssyncadd.s32 $0xFFFFFFFF  }
0xa5: {  	s4 =	sld [smem:$0x0]  }
0xa6: {  	s5 =	sand.u32 $0xFFFFFFFE, s1  }
0xa7: {  	p0 =	sne.s32 s1, s5  }
0xa8: {  	s5 =	sshll.u32 @p0 s5, $0xE  }
0xa9: {  	s5 =	sadd.s32 @p0 $0x11B8D, s5;
	s6 =	sshll.u32 @p0 s4, $0x11  }
0xaa: {  	s5 =	sor.u32 @p0 s6, s5  }
0xab: {  	[sflag:s5] =	ssyncadd.remote.s32 @p0 $0x1;
	_ =	sdelay $0x1  }
0xac: {  	s5 =	simm.s32 @p0 $0x1B8D  }
0xad: {  	_ =	swait.eq @p0 [sflag:s5], $0x1  }
0xae: {  	[sflag:s5] =	ssyncadd.s32 @p0 $0xFFFFFFFF  }
0xaf: {  	s6 =	sshll.u32 @!p0 s1, $0xE  }
0xb0: {  	s6 =	sor.u32 @!p0 $0x4000, s6;
	s5 =	simm.s32 @!p0 $0x1B8D  }
0xb1: {  	s4 =	sshll.u32 @!p0 s4, $0x11;
	s6 =	sadd.s32 @!p0 $0x11B8D, s6;
	_ =	swait.eq @!p0 [sflag:s5], $0x1  }
0xb2: {  	s4 =	sor.u32 @!p0 s4, s6;
	[sflag:s5] =	ssyncadd.s32 @!p0 $0xFFFFFFFF  }
0xb3: {  	s25 =	simm.s32 $0x1B8E;
	s24 =	sld [smem:$0x3FFE];
	[sflag:s4] =	ssyncadd.remote.s32 @!p0 $0x1  }
0xb4: {  	s26 =	simm.s32 $execute0_lowered;
	[smem:$0x3FD2] =	sst s25  }
0xb5: {  	s5 =	sshll.u32 s26, $0x1;
	_ =	strace $0x80000067;
	[dreg:$0x1] =	wrdreg $0xFFFFFFFF  }
0xb6: {  	s28 =	simm.s32 $_size_execute0_lowered;
	s3 =	sadd.s32 s3, s5;
	[dreg:$0x0] =	wrdreg $0x0  }
0xb7: {  	s5 =	sshll.u32 s28, $0x1;
	[dreg:$0x2] =	wrdreg s3  }
0xb8: {  	[dreg:$0x3] =	wrdreg s5  }
0xb9: {  	[dreg:$0x4] =	wrdreg $0xC0  }
0xba: {  	_ =	task [dreg:s22], $0x5FFFF  }
0xbb: {  	[dreg:$0x1] =	wrdreg $0xFFFFFFFF  }
0xbc: {  	[dreg:$0x0] =	wrdreg $0x60  }
0xbd: {  	[dreg:$0x2] =	wrdreg s24  }
0xbe: {  	[dreg:$0x3] =	wrdreg $0x41000  }
0xbf: {  	[dreg:$0x4] =	wrdreg $0xA  }
0xc0: {  	_ =	task.clear_ibuf [dreg:s22], $0x5FFFF;
	_ =	strace $0x90000067  }
0xc1: {  	s29 =	simm.s32 $0xA;
	_ =	strace $0x80000069  }
0xc2: {  	_ =	swait.ge [sflag:s29], $0x1  }
0xc3: {  	[sflag:s29] =	ssyncadd.s32 $0xFFFFFFFF  }
0xc4: {  	_ =	strace $0x90000069  }
0xc5: {  	_ =	sfence  }
0xc6: {  	s30 =	sld [smem:$0x0];
	_ =	sdelay $0x2  }
0xc7: {  	s31 =	sshll.u32 s1, $0xD;
	s1 =	sshrl.u32 s1, $0x2  }
0xc8: {  	s4 =	sand.u32 $0x4000, s31;
	s1 =	sadd.s32 s1, s30  }
0xc9: {  	s0 =	sor.u32 s4, s0;
	s1 =	sshll.u32 s1, $0x11  }
0xca: {  	s0 =	sor.u32 s1, s0  }
0xcb: {  	s0 =	sadd.s32 $0x8F2B, s0  }
0xcc: {  	[sflag:s0] =	ssyncadd.remote.s32 $0x1  }
0xcd: {  	_ =	sfence.sel $0xFFFF  }
0xce: {  	[dreg:$0x0] =	wrdreg $0xFFFFFFFF;
	(pc) =	sbr.abs _section_cstart, $3  }
0xcf: {  	[dreg:$0x1] =	wrdreg $0xFFFFFFFF  }
0xd0: {  	_ =	task.clear_ibuf [dreg:s22], $0x2FFFF;
	_ =	strace $0x9FFFFFFF  }
0xd1: {  	(tm) =	ssettm $0x7FFFFFFF  }
tec
execute0_lowered:
.L_overlay_start_1:
0x0: {  	(tag) =	ssettag $0x1  }
0x1: {  	s5 =	rddreg [dreg:$0x0];
	s0 =	srdreg.scid  }
0x2: {  	s2 =	rddreg [dreg:$0x1];
	s1 =	stileid.u32  }
0x3: {  	s3 =	simm.s32 $0x0;
	s13 =	simm.s32 $0x80;
	s14 =	simm.s32 $0x100  }
0x4: {  	s15 =	simm.s32 $0x1;
	s16 =	simm.s32 $0x0;
	s7 =	smul.u32 $0x14000, s1  }
0x5: {  	s4 =	sand.u32 $0x1, s0;
	s0 =	rddreg [dreg:$0x2];
	s10 =	smul.u32 $0x50000, s1  }
0x6: {  	[smem:$0x7FF] =	sst s3;
	s30 =	smul.u32 $0x2A0, s1;
	s31 =	sshll.u32 s1, $0x6  }
0x7: {  	s6 =	smul.u32 $0x2A00, s4;
	_ =	strace $0x80000068;
	s26 =	ssub.s32 $0x2, s4  }
0x8: {  	p0 =	seq.s32 s4, $0x1;
	s4 =	sadd.s32 $0xBFC00, s5;
	s28 =	sshrl.u32 s26, $0x1  }
0x9: {  	s29 =	sshrl.u32 s10, $0x2;
	s8 =	sadd.s32 s6, s5;
	s6 =	sshrl.u32 s7, $0x3  }
0xa: {  	s12 =	sadd.s32 s29, s2;
	s7 =	sadd.s32 s6, s5;
	s9 =	sadd.s32 $0x28000, s6  }
0xb: {  	s10 =	sadd.s32 s30, s8;
	s6 =	smov.u32 @p0 s9;
	s9 =	ssub.s32 s26, s28  }
0xc: {  	s11 =	sadd.s32 s6, s5;
	s5 =	sadd.s32 $0x42000, s7;
	s6 =	sor.u32 $0x1C02, s31  }
0xd: {  	s7 =	smax.u32 s9, $0x1;
	s9 =	sadd.s32 $0x5800, s10;
	s10 =	sadd.s32 $0xBA800, s10  }
0xe: {  	s8 =	sadd.s32 $0x138E00, s11;
	s11 =	sshrl.u32 s12, $0x3;
	s12 =	simm.s32 $0x2  }
.LBB2_1:
0xf: {  	[spmem:s11], [sflag:s6] =	dma.local [hbm:s5], $0x2800  }
0x10: {  	_ =	swait.ge [sflag:s12], $0x2800  }
0x11: {  	[sflag:s12] =	ssyncset.done $0x0  }
0x12: {  	[sflag:s12] =	ssyncadd.s32 $0xFFFFD800  }
0x13: {  	s17 =	sadd.s32 $0x0, s10;
	[bflag:$0x0] =	sbarrier.arrive $0xFFFF  }
0x14: {  	[tilespmem:s3], [sflag:$0x2] =	stream.linear.gather [hbm4b:s17+s3], $0x80, $0x38;
	[tilespmem:$0x18100] =	vst v63  }
0x15: {  	_ =	swait.ge [sflag:s12], $0x80  }
0x16: {  	[sflag:s12] =	ssyncset.done $0x0  }
0x17: {  	s31 =	sadd.s32 $0x0, s9;
	[sflag:s12] =	ssyncadd.s32 $0xFFFFFF80  }
0x18: {  	[tilespmem:s13], [sflag:$0x2] =	stream.linear.gather [hbm4b:s31+s3], $0x80, $0x38;
	[tilespmem:$0x18100] =	vst v63  }
0x19: {  	_ =	swait.ge [sflag:s12], $0x80  }
0x1a: {  	[sflag:s12] =	ssyncset.done $0x0  }
0x1b: {  	[sflag:s12] =	ssyncadd.s32 $0xFFFFFF80  }
0x1c: {  	[tilespmem:s14], [sflag:$0x1] =	stream.indirect.gather [hbm4b:s4+s13], $0x80, s3, s13, $0xb8;
	[tilespmem:$0x18100] =	vst v63  }
0x1d: {  	_ =	swait.ge [sflag:s15], $0x4000  }
0x1e: {  	[sflag:s15] =	ssyncset.done $0x0  }
0x1f: {  	[sflag:s15] =	ssyncadd.s32 $0xFFFFC000  }
0x20: {  	[spmem:s2] =	stream.indirect.scatter.add.f32 [tilespmem:s14], [sflag:$0x2], $0x80, s13, s13, $0xb8;
	[tilespmem:$0x18100] =	vst v63  }
0x21: {  	_ =	swait.ge [sflag:s12], $0x4000  }
0x22: {  	s18 =	simm.s32 $0x20;
	s17 =	simm.s32 $0x10;
	[sflag:s12] =	ssyncset.done $0x0  }
.LBB2_2:
0x23: {  	s19 =	sadd.s32 s17, s10  }
0x24: {  	[sflag:s12] =	ssyncadd.s32 $0xFFFFC000;
	s20 =	smov.u32 s18;
	s21 =	sadd.s32 $0x10, s18  }
0x25: {  	[tilespmem:s3], [sflag:$0x2] =	stream.linear.gather [hbm4b:s19+s3], $0x80, $0x38;
	[tilespmem:$0x18100] =	vst v63  }
0x26: {  	p0 =	sne.s32 s18, $0x290;
	_ =	swait.ge [sflag:s12], $0x80  }
0x27: {  	[sflag:s12] =	ssyncset.done $0x0  }
0x28: {  	s18 =	sadd.s32 s17, s9;
	s17 =	smov.u32 s20;
	[sflag:s12] =	ssyncadd.s32 $0xFFFFFF80  }
0x29: {  	[tilespmem:s13], [sflag:$0x2] =	stream.linear.gather [hbm4b:s18+s3], $0x80, $0x38;
	[tilespmem:$0x18100] =	vst v63  }
0x2a: {  	_ =	swait.ge [sflag:s12], $0x80  }
0x2b: {  	[sflag:s12] =	ssyncset.done $0x0  }
0x2c: {  	[sflag:s12] =	ssyncadd.s32 $0xFFFFFF80  }
0x2d: {  	[tilespmem:s14], [sflag:$0x1] =	stream.indirect.gather [hbm4b:s4+s13], $0x80, s3, s13, $0xb8;
	[tilespmem:$0x18100] =	vst v63  }
0x2e: {  	_ =	swait.ge [sflag:s15], $0x4000  }
.Ltmp0:
0x2f: {  	[sflag:s15] =	ssyncset.done $0x0;
	(pc) =	sbr.rel @p0 .LBB2_2-.Ltmp0, $4  }
0x30: {  	[sflag:s15] =	ssyncadd.s32 $0xFFFFC000  }
0x31: {  	[spmem:s2] =	stream.indirect.scatter.add.f32 [tilespmem:s14], [sflag:$0x2], $0x80, s13, s13, $0xb8;
	[tilespmem:$0x18100] =	vst v63  }
0x32: {  	_ =	swait.ge [sflag:s12], $0x4000  }
0x33: {  	s18 =	smov.u32 s21;
	[sflag:s12] =	ssyncset.done $0x0  }
0x34: {  	s18 =	sadd.s32 s17, s10;
	[sflag:s12] =	ssyncadd.s32 $0xFFFFC000  }
0x35: {  	[tilespmem:s3], [sflag:$0x2] =	stream.linear.gather [hbm4b:s18+s3], $0x80, $0x38;
	[tilespmem:$0x18100] =	vst v63  }
0x36: {  	_ =	swait.ge [sflag:s12], $0x80  }
0x37: {  	[sflag:s12] =	ssyncset.done $0x0  }
0x38: {  	s31 =	sadd.s32 s17, s9;
	[sflag:s12] =	ssyncadd.s32 $0xFFFFFF80  }
0x39: {  	[tilespmem:s13], [sflag:$0x2] =	stream.linear.gather [hbm4b:s31+s3], $0x80, $0x38;
	[tilespmem:$0x18100] =	vst v63  }
0x3a: {  	_ =	swait.ge [sflag:s12], $0x80  }
0x3b: {  	[sflag:s12] =	ssyncset.done $0x0  }
0x3c: {  	[sflag:s12] =	ssyncadd.s32 $0xFFFFFF80  }
0x3d: {  	[tilespmem:s14], [sflag:$0x1] =	stream.indirect.gather [hbm4b:s4+s13], $0x80, s3, s13, $0xb8;
	[tilespmem:$0x18100] =	vst v63  }
0x3e: {  	_ =	swait.ge [sflag:s15], $0x4000  }
0x3f: {  	[sflag:s15] =	ssyncset.done $0x0  }
0x40: {  	[sflag:s15] =	ssyncadd.s32 $0xFFFFC000  }
0x41: {  	[spmem:s2] =	stream.indirect.scatter.add.f32 [tilespmem:s14], [sflag:$0x2], $0x80, s13, s13, $0xb8;
	[tilespmem:$0x18100] =	vst v63  }
0x42: {  	_ =	swait.ge [sflag:s12], $0x4000  }
0x43: {  	s16 =	sadd.s32 $0x1, s16;
	[sflag:s12] =	ssyncset.done $0x0  }
0x44: {  	p0 =	sne.s32 s16, s7;
	[sflag:s12] =	ssyncadd.s32 $0xFFFFC000  }
.Ltmp1:
0x45: {  	[bflag:$0x0] =	sbarrier.arrive $0xFFFF;
	(pc) =	sbr.rel @p0 .LBB2_1-.Ltmp1, $4  }
0x46: {  	[hbm:s8], [sflag:s6] =	dma.local [spmem:s11], $0x2800  }
0x47: {  	_ =	swait.ge [sflag:s12], $0x2800  }
0x48: {  	[sflag:s12] =	ssyncset.done $0x0  }
0x49: {  	[sflag:s12] =	ssyncadd.s32 $0xFFFFD800  }
0x4a: {  	_ =	sfence.sel $0x180000  }
0x4b: {  	[bflag:$0x0] =	sbarrier.arrive $0xFFFF  }
0x4c: {  	p0 =	sne.s32 s1, $0x0;
	_ =	strace $0x90000068  }
0x4d: {  	s0 =	sadd.s32 @!p0 $0x100000, s0;
	[bflag:$0x2] =	sbarrier.arrive $0xFFFF  }
0x4e: {  	[sflag:s0] =	ssyncadd.tile.s32 @!p0 $0x1;
	_ =	shalt  }
.Lfunc_end2:
_tile_overlayer_lowered:
.L_overlay_start_2:
0x4f: {  	(tag) =	ssettag $0x2  }
0x50: {  	s0 =	rddreg [dreg:$0x0];
	s2 =	stileid.u32  }
0x51: {  	s1 =	rddreg [dreg:$0x1];
	p0 =	sne.s32 s2, $0x0  }
0x52: {  	s3 =	rddreg [dreg:$0x2];
	[bflag:$0x3] =	sbarrier.arrive $0xFFFF;
	s2 =	simm.s32 @!p0 $0x1C02  }
0x53: {  	[timem:s3], [sflag:s2] =	dma.local @!p0 [hbm:s0], s1  }
0x54: {  	s0 =	simm.s32 @!p0 $0x2  }
0x55: {  	_ =	swait.ge @!p0 [sflag:s0], s1  }
0x56: {  	s1 =	ssub.s32 @!p0 $0x0, s1;
	[sflag:s0] =	ssyncset.done @!p0 $0x0  }
0x57: {  	[sflag:s0] =	ssyncadd.s32 @!p0 s1  }
0x58: {  	[bflag:$0x3] =	sbarrier.arrive $0xFFFF  }
0x59: {  	_ =	shalt  }

</sc_bundles>
